<compile_context>
chip_gen: v7x
topology: tpu7x:2x2x1
jax: 0.10.2.dev20260603
libtpu: 0.0.44.dev20260713+nightly
codegen_flags: <defaults>
</compile_context>

<pallas_src>
import functools

import jax
import jax.numpy as jnp
import numpy as np
from jax import lax
from jax.experimental import pallas as pl
from jax.experimental.pallas import tpu as pltpu
from jax.experimental.pallas import tpu_sc as plsc

N_NODES = 10000
N_EDGES = 320000
D = 128

NC = 2
NS = 16
NW = NC * NS

CHUNK = 128
CPT = -(-N_EDGES // (NW * CHUNK)) + 15 & ~15
QC = 16
NSEG = CPT // QC
E_PAD = NW * CPT * CHUNK
NPAD = 10112
ZR = NPAD // NS
ZB = 16

_pad_ids = np.arange(E_PAD - N_EDGES, dtype=np.int32)
_PAD_S = _pad_ids % N_NODES
_PAD_R = N_NODES + _pad_ids % (NPAD - N_NODES)


def _agg_kernel_body(x_hbm, s_hbm, r_hbm, out_hbm,
                     su, ru, rows, zbuf, agg, sem0, sem1, semk):
    c = lax.axis_index("c")
    s = lax.axis_index("s")
    wid = c * NS + s
    base = wid * CPT

    for r in range(ZB):
        for j in range(CHUNK // 16):
            zbuf[r, pl.ds(16 * j, 16)] = jnp.zeros((16,), jnp.float32)

    def zero_body(k, _):
        pltpu.sync_copy(zbuf, agg.at[pl.ds(s * ZR + ZB * k, ZB)])
        return _

    lax.fori_loop(0, ZR // ZB, zero_body, 0)
    pltpu.sync_copy(zbuf.at[pl.ds(0, ZR % ZB)],
                    agg.at[pl.ds(s * ZR + ZR - ZR % ZB, ZR % ZB)])

    pltpu.sync_copy(s_hbm.at[pl.ds(base, QC)], su.at[0])
    pltpu.sync_copy(r_hbm.at[pl.ds(base, QC)], ru.at[0])
    plsc.subcore_barrier()

    sems = (sem0, sem1)

    def start_gather(qb, i, b):
        pltpu.async_copy(x_hbm.at[su.at[qb, i]], rows.at[b], sems[b])

    def finish_chunk(qb, i, b):
        pltpu.make_async_copy(x_hbm.at[su.at[qb, i]], rows.at[b],
                              sems[b]).wait()
        pltpu.sync_copy(rows.at[b], agg.at[ru.at[qb, i]], add=True)

    for q in range(NSEG):
        qb = q % 2
        if q > 0:
            pltpu.make_async_copy(
                s_hbm.at[pl.ds(base + q * QC, QC)], su.at[qb], semk).wait()
            pltpu.make_async_copy(
                r_hbm.at[pl.ds(base + q * QC, QC)], ru.at[qb], semk).wait()
        if q < NSEG - 1:
            pltpu.async_copy(
                s_hbm.at[pl.ds(base + (q + 1) * QC, QC)], su.at[1 - qb], semk)
            pltpu.async_copy(
                r_hbm.at[pl.ds(base + (q + 1) * QC, QC)], ru.at[1 - qb], semk)

        def pair_body(k, _, qb=qb):
            i = 2 * k
            start_gather(qb, i + 1, 1)
            finish_chunk(qb, i, 0)
            start_gather(qb, i + 2, 0)
            finish_chunk(qb, i + 1, 1)
            return _

        start_gather(qb, 0, 0)
        lax.fori_loop(0, QC // 2 - 1, pair_body, 0)
        start_gather(qb, QC - 1, 1)
        finish_chunk(qb, QC - 2, 0)
        finish_chunk(qb, QC - 1, 1)

    plsc.subcore_barrier()

    pltpu.sync_copy(agg.at[pl.ds(s * ZR, ZR)], out_hbm.at[c, pl.ds(s * ZR, ZR)])


def _sc_aggregate(x, s2, r2):
    mesh = plsc.VectorSubcoreMesh(core_axis_name="c", subcore_axis_name="s")
    k = functools.partial(
        pl.kernel,
        mesh=mesh,
        out_type=jax.ShapeDtypeStruct((NC, NPAD, D), jnp.float32),
        scratch_types=[
            pltpu.VMEM((2, QC, CHUNK), jnp.int32),
            pltpu.VMEM((2, QC, CHUNK), jnp.int32),
            pltpu.VMEM((2, CHUNK, D), jnp.float32),
            pltpu.VMEM((ZB, CHUNK), jnp.float32),
            pltpu.VMEM_SHARED((NPAD, D), jnp.float32),
            pltpu.SemaphoreType.DMA,
            pltpu.SemaphoreType.DMA,
            pltpu.SemaphoreType.DMA,
        ],
    )(_agg_kernel_body)
    return k(x, s2, r2)


def _xa_body(x_ref, w1a_ref, b1_ref, o_ref):
    o_ref[...] = jnp.dot(x_ref[...], w1a_ref[...],
                         preferred_element_type=jnp.float32) + b1_ref[...]


def _mlp_body(x_ref, xa_ref, a0_ref, a1_ref, w1b_ref, w2_ref,
              b2_ref, g_ref, bt_ref, o_ref):
    x = x_ref[...]
    agg = a0_ref[0] + a1_ref[0]
    h = xa_ref[...] + jnp.dot(agg, w1b_ref[...],
                              preferred_element_type=jnp.float32)
    h = jnp.maximum(h, 0.0)
    h = jnp.dot(h, w2_ref[...], preferred_element_type=jnp.float32) + b2_ref[...]
    mu = jnp.mean(h, axis=-1, keepdims=True)
    var = jnp.mean((h - mu) ** 2, axis=-1, keepdims=True)
    o_ref[...] = x + (h - mu) * lax.rsqrt(var + 1e-5) * g_ref[...] + bt_ref[...]


def _tc_xa(x, W1a, b1):
    BN = 2000
    full = lambda shape: pl.BlockSpec(shape, lambda i: (0,) * len(shape))
    rows = pl.BlockSpec((BN, D), lambda i: (i, 0))
    return pl.pallas_call(
        _xa_body,
        grid=(N_NODES // BN,),
        in_specs=[rows, full((D, D)), full((1, D))],
        out_specs=rows,
        out_shape=jax.ShapeDtypeStruct((N_NODES, D), jnp.float32),
    )(x, W1a, b1)


def _tc_mlp(x, xa, agg2, W1b, W2, b2, gamma, beta):
    BN = 2000
    full = lambda shape: pl.BlockSpec(shape, lambda i: (0,) * len(shape))
    rows = pl.BlockSpec((BN, D), lambda i: (i, 0))
    return pl.pallas_call(
        _mlp_body,
        grid=(N_NODES // BN,),
        in_specs=[
            rows, rows,
            pl.BlockSpec((1, BN, D), lambda i: (0, i, 0)),
            pl.BlockSpec((1, BN, D), lambda i: (1, i, 0)),
            full((D, D)), full((D, D)), full((1, D)), full((1, D)),
            full((1, D)),
        ],
        out_specs=rows,
        out_shape=jax.ShapeDtypeStruct((N_NODES, D), jnp.float32),
    )(x, xa, agg2, agg2, W1b, W2, b2, gamma, beta)


def kernel(x, edge_index, W1, b1, W2, b2, gamma, beta):
    senders = edge_index[0].astype(jnp.int32)
    receivers = edge_index[1].astype(jnp.int32)
    s2 = jnp.concatenate([senders, jnp.asarray(_PAD_S)]).reshape(-1, CHUNK)
    r2 = jnp.concatenate([receivers, jnp.asarray(_PAD_R)]).reshape(-1, CHUNK)

    xa = _tc_xa(x, W1[:D], b1.reshape(1, D))
    agg2 = _sc_aggregate(x, s2, r2)

    return _tc_mlp(x, xa, agg2, W1[D:], W2, b2.reshape(1, D),
                   gamma.reshape(1, D), beta.reshape(1, D))

# --- scband reference (transcript-rebuilt; emitter-appended) ---
"""Pipeline reference for scband-processor-87608742903950 (READ-ONLY COPY).

The authoritative reference and input builder live on the scoring server;
editing this copy changes nothing except your own understanding.
"""

import jax, jax.numpy as jnp
import numpy as np

N_NODES = 10000
N_EDGES = 320000
D = 128

def setup_inputs(seed: int = 0) -> dict:
    key = jax.random.key(seed)
    ks = jax.random.split(key, 10)
    x = jax.random.normal(ks[0], (N_NODES, D), dtype=jnp.float32)
    edge_index = jax.random.randint(ks[1], (2, N_EDGES), 0, N_NODES, dtype=jnp.int64)
    # MLP: Linear(2D -> D), ReLU, Linear(D -> D), LayerNorm(D)
    W1 = jax.random.normal(ks[2], (2 * D, D), dtype=jnp.float32) * (1.0 / np.sqrt(2 * D))
    b1 = jnp.zeros((D,), dtype=jnp.float32)
    W2 = jax.random.normal(ks[3], (D, D), dtype=jnp.float32) * (1.0 / np.sqrt(D))
    b2 = jnp.zeros((D,), dtype=jnp.float32)
    gamma = jnp.ones((D,), dtype=jnp.float32)
    beta = jnp.zeros((D,), dtype=jnp.float32)
    return {"x": x, "edge_index": edge_index, "W1": W1, "b1": b1, "W2": W2, "b2": b2, "gamma": gamma, "beta": beta}

def reference(x, edge_index, W1, b1, W2, b2, gamma, beta):
    senders = edge_index[0]
    receivers = edge_index[1]
    num_nodes = x.shape[0]
    # gather messages from sender nodes
    messages = jnp.take(x, senders, axis=0)
    # scatter-add (sum aggregation) into receiver nodes
    agg = jax.ops.segment_sum(messages, receivers, num_segments=num_nodes)
    collected = jnp.concatenate([x, agg], axis=-1)
    # MLP
    h = jax.nn.relu(collected @ W1 + b1)
    h = h @ W2 + b2
    # LayerNorm (torch default eps=1e-5, biased variance)
    mu = jnp.mean(h, axis=-1, keepdims=True)
    var = jnp.mean((h - mu) ** 2, axis=-1, keepdims=True)
    h = (h - mu) / jnp.sqrt(var + 1e-5) * gamma + beta
    # residual connection from Processor.forward
    out = x + h
    return out

if __name__ == "__main__":
    import jax
    _d = setup_inputs()
    print(jax.jit(kernel)(*tuple(_d.values())))

</pallas_src>

<mosaic_0001>
#map = affine_map<(d0, d1) -> (0, 0)>
#map1 = affine_map<(d0, d1) -> (0, 0, 0)>
module attributes {stable_mosaic.version = 14 : i64} {
  func.func @_agg_kernel_body(%arg0: i32, %arg1: i32, %arg2: memref<10000x128xf32, #tpu.memory_space<hbm>>, %arg3: memref<2560x128xi32, #tpu.memory_space<hbm>>, %arg4: memref<2560x128xi32, #tpu.memory_space<hbm>>, %arg5: memref<2x10112x128xf32, #tpu.memory_space<hbm>>, %arg6: memref<2x16x128xi32, #tpu.memory_space<vmem>>, %arg7: memref<2x16x128xi32, #tpu.memory_space<vmem>>, %arg8: memref<2x128x128xf32, #tpu.memory_space<vmem>>, %arg9: memref<16x128xf32, #tpu.memory_space<vmem>>, %arg10: memref<10112x128xf32, #tpu.memory_space<vmem_shared>>, %arg11: memref<!tpu.dma_semaphore, #tpu.memory_space<semaphore_mem>>, %arg12: memref<!tpu.dma_semaphore, #tpu.memory_space<semaphore_mem>>, %arg13: memref<!tpu.dma_semaphore, #tpu.memory_space<semaphore_mem>>) attributes {dimension_semantics = [#tpu.dimension_semantics<core_parallel>, #tpu.dimension_semantics<subcore_parallel>], iteration_bounds = array<i64: 2, 16>, scalar_prefetch = 0 : i64, scratch_operands = 8 : i64, tpu.core_type = #tpu.core_type<sc_vector_subcore>, window_params = [{transform_indices = #map}, {transform_indices = #map}, {transform_indices = #map}, {transform_indices = #map1}]} {
    %mul3A = arith.constant 16 : i32
    %mul3A_0 = arith.muli %arg0, %mul3A : i32
    %add3A = arith.addi %mul3A_0, %arg1 : i32
    %mul3A_1 = arith.constant 80 : i32
    %mul3A_2 = arith.muli %add3A, %mul3A_1 : i32
    %broadcast_in_dim3A = arith.constant 0.000000e+00 : f32
    %broadcast_in_dim3A_3 = vector.broadcast %broadcast_in_dim3A : f32 to vector<16xf32>
    %swap3A = arith.constant 0 : i32
    %swap3A_4 = arith.index_cast %swap3A : i32 to index
    %swap3A_5 = arith.constant 0 : index
    %swap3A_6 = tpu.vector_load %arg9[%swap3A_4, %swap3A_5] {strides = array<i32>} : memref<16x128xf32, #tpu.memory_space<vmem>>, vector<1x16xf32>,
    %swap3A_7 = vector.shape_cast %swap3A_6 : vector<1x16xf32> to vector<16xf32>
    %swap3A_8 = vector.shape_cast %broadcast_in_dim3A_3 : vector<16xf32> to vector<1x16xf32>
    tpu.vector_store %arg9[%swap3A_4, %swap3A_5], %swap3A_8 {strides = array<i32>} : memref<16x128xf32, #tpu.memory_space<vmem>>, vector<1x16xf32>,
    %broadcast_in_dim3A_9 = arith.constant 0.000000e+00 : f32
    %broadcast_in_dim3A_10 = vector.broadcast %broadcast_in_dim3A_9 : f32 to vector<16xf32>
    %swap3A_11 = arith.constant 0 : i32
    %swap3A_12 = arith.index_cast %swap3A_11 : i32 to index
    %swap3A_13 = arith.constant 16 : index
    %swap3A_14 = tpu.vector_load %arg9[%swap3A_12, %swap3A_13] {strides = array<i32>} : memref<16x128xf32, #tpu.memory_space<vmem>>, vector<1x16xf32>,
    %swap3A_15 = vector.shape_cast %swap3A_14 : vector<1x16xf32> to vector<16xf32>
    %swap3A_16 = vector.shape_cast %broadcast_in_dim3A_10 : vector<16xf32> to vector<1x16xf32>
    tpu.vector_store %arg9[%swap3A_12, %swap3A_13], %swap3A_16 {strides = array<i32>} : memref<16x128xf32, #tpu.memory_space<vmem>>, vector<1x16xf32>,
    %broadcast_in_dim3A_17 = arith.constant 0.000000e+00 : f32
    %broadcast_in_dim3A_18 = vector.broadcast %broadcast_in_dim3A_17 : f32 to vector<16xf32>
    %swap3A_19 = arith.constant 0 : i32
    %swap3A_20 = arith.index_cast %swap3A_19 : i32 to index
    %swap3A_21 = arith.constant 32 : index
    %swap3A_22 = tpu.vector_load %arg9[%swap3A_20, %swap3A_21] {strides = array<i32>} : memref<16x128xf32, #tpu.memory_space<vmem>>, vector<1x16xf32>,
    %swap3A_23 = vector.shape_cast %swap3A_22 : vector<1x16xf32> to vector<16xf32>
    %swap3A_24 = vector.shape_cast %broadcast_in_dim3A_18 : vector<16xf32> to vector<1x16xf32>
    tpu.vector_store %arg9[%swap3A_20, %swap3A_21], %swap3A_24 {strides = array<i32>} : memref<16x128xf32, #tpu.memory_space<vmem>>, vector<1x16xf32>,
    %broadcast_in_dim3A_25 = arith.constant 0.000000e+00 : f32
    %broadcast_in_dim3A_26 = vector.broadcast %broadcast_in_dim3A_25 : f32 to vector<16xf32>
    %swap3A_27 = arith.constant 0 : i32
    %swap3A_28 = arith.index_cast %swap3A_27 : i32 to index
    %swap3A_29 = arith.constant 48 : index
    %swap3A_30 = tpu.vector_load %arg9[%swap3A_28, %swap3A_29] {strides = array<i32>} : memref<16x128xf32, #tpu.memory_space<vmem>>, vector<1x16xf32>,
    %swap3A_31 = vector.shape_cast %swap3A_30 : vector<1x16xf32> to vector<16xf32>
    %swap3A_32 = vector.shape_cast %broadcast_in_dim3A_26 : vector<16xf32> to vector<1x16xf32>
    tpu.vector_store %arg9[%swap3A_28, %swap3A_29], %swap3A_32 {strides = array<i32>} : memref<16x128xf32, #tpu.memory_space<vmem>>, vector<1x16xf32>,
    %broadcast_in_dim3A_33 = arith.constant 0.000000e+00 : f32
    %broadcast_in_dim3A_34 = vector.broadcast %broadcast_in_dim3A_33 : f32 to vector<16xf32>
    %swap3A_35 = arith.constant 0 : i32
    %swap3A_36 = arith.index_cast %swap3A_35 : i32 to index
    %swap3A_37 = arith.constant 64 : index
    %swap3A_38 = tpu.vector_load %arg9[%swap3A_36, %swap3A_37] {strides = array<i32>} : memref<16x128xf32, #tpu.memory_space<vmem>>, vector<1x16xf32>,
    %swap3A_39 = vector.shape_cast %swap3A_38 : vector<1x16xf32> to vector<16xf32>
    %swap3A_40 = vector.shape_cast %broadcast_in_dim3A_34 : vector<16xf32> to vector<1x16xf32>
    tpu.vector_store %arg9[%swap3A_36, %swap3A_37], %swap3A_40 {strides = array<i32>} : memref<16x128xf32, #tpu.memory_space<vmem>>, vector<1x16xf32>,
    %broadcast_in_dim3A_41 = arith.constant 0.000000e+00 : f32
    %broadcast_in_dim3A_42 = vector.broadcast %broadcast_in_dim3A_41 : f32 to vector<16xf32>
    %swap3A_43 = arith.constant 0 : i32
    %swap3A_44 = arith.index_cast %swap3A_43 : i32 to index
    %swap3A_45 = arith.constant 80 : index
    %swap3A_46 = tpu.vector_load %arg9[%swap3A_44, %swap3A_45] {strides = array<i32>} : memref<16x128xf32, #tpu.memory_space<vmem>>, vector<1x16xf32>,
    %swap3A_47 = vector.shape_cast %swap3A_46 : vector<1x16xf32> to vector<16xf32>
    %swap3A_48 = vector.shape_cast %broadcast_in_dim3A_42 : vector<16xf32> to vector<1x16xf32>
    tpu.vector_store %arg9[%swap3A_44, %swap3A_45], %swap3A_48 {strides = array<i32>} : memref<16x128xf32, #tpu.memory_space<vmem>>, vector<1x16xf32>,
    %broadcast_in_dim3A_49 = arith.constant 0.000000e+00 : f32
    %broadcast_in_dim3A_50 = vector.broadcast %broadcast_in_dim3A_49 : f32 to vector<16xf32>
    %swap3A_51 = arith.constant 0 : i32
    %swap3A_52 = arith.index_cast %swap3A_51 : i32 to index
    %swap3A_53 = arith.constant 96 : index
    %swap3A_54 = tpu.vector_load %arg9[%swap3A_52, %swap3A_53] {strides = array<i32>} : memref<16x128xf32, #tpu.memory_space<vmem>>, vector<1x16xf32>,
    %swap3A_55 = vector.shape_cast %swap3A_54 : vector<1x16xf32> to vector<16xf32>
    %swap3A_56 = vector.shape_cast %broadcast_in_dim3A_50 : vector<16xf32> to vector<1x16xf32>
    tpu.vector_store %arg9[%swap3A_52, %swap3A_53], %swap3A_56 {strides = array<i32>} : memref<16x128xf32, #tpu.memory_space<vmem>>, vector<1x16xf32>,
    %broadcast_in_dim3A_57 = arith.constant 0.000000e+00 : f32
    %broadcast_in_dim3A_58 = vector.broadcast %broadcast_in_dim3A_57 : f32 to vector<16xf32>
    %swap3A_59 = arith.constant 0 : i32
    %swap3A_60 = arith.index_cast %swap3A_59 : i32 to index
    %swap3A_61 = arith.constant 112 : index
    %swap3A_62 = tpu.vector_load %arg9[%swap3A_60, %swap3A_61] {strides = array<i32>} : memref<16x128xf32, #tpu.memory_space<vmem>>, vector<1x16xf32>,
    %swap3A_63 = vector.shape_cast %swap3A_62 : vector<1x16xf32> to vector<16xf32>
    %swap3A_64 = vector.shape_cast %broadcast_in_dim3A_58 : vector<16xf32> to vector<1x16xf32>
    tpu.vector_store %arg9[%swap3A_60, %swap3A_61], %swap3A_64 {strides = array<i32>} : memref<16x128xf32, #tpu.memory_space<vmem>>, vector<1x16xf32>,
    %broadcast_in_dim3A_65 = arith.constant 0.000000e+00 : f32
    %broadcast_in_dim3A_66 = vector.broadcast %broadcast_in_dim3A_65 : f32 to vector<16xf32>
    %swap3A_67 = arith.constant 1 : i32
    %swap3A_68 = arith.index_cast %swap3A_67 : i32 to index
    %swap3A_69 = arith.constant 0 : index
    %swap3A_70 = tpu.vector_load %arg9[%swap3A_68, %swap3A_69] {strides = array<i32>} : memref<16x128xf32, #tpu.memory_space<vmem>>, vector<1x16xf32>,
    %swap3A_71 = vector.shape_cast %swap3A_70 : vector<1x16xf32> to vector<16xf32>
    %swap3A_72 = vector.shape_cast %broadcast_in_dim3A_66 : vector<16xf32> to vector<1x16xf32>
    tpu.vector_store %arg9[%swap3A_68, %swap3A_69], %swap3A_72 {strides = array<i32>} : memref<16x128xf32, #tpu.memory_space<vmem>>, vector<1x16xf32>,
    %broadcast_in_dim3A_73 = arith.constant 0.000000e+00 : f32
    %broadcast_in_dim3A_74 = vector.broadcast %broadcast_in_dim3A_73 : f32 to vector<16xf32>
    %swap3A_75 = arith.constant 1 : i32
    %swap3A_76 = arith.index_cast %swap3A_75 : i32 to index
    %swap3A_77 = arith.constant 16 : index
    %swap3A_78 = tpu.vector_load %arg9[%swap3A_76, %swap3A_77] {strides = array<i32>} : memref<16x128xf32, #tpu.memory_space<vmem>>, vector<1x16xf32>,
    %swap3A_79 = vector.shape_cast %swap3A_78 : vector<1x16xf32> to vector<16xf32>
    %swap3A_80 = vector.shape_cast %broadcast_in_dim3A_74 : vector<16xf32> to vector<1x16xf32>
    tpu.vector_store %arg9[%swap3A_76, %swap3A_77], %swap3A_80 {strides = array<i32>} : memref<16x128xf32, #tpu.memory_space<vmem>>, vector<1x16xf32>,
    %broadcast_in_dim3A_81 = arith.constant 0.000000e+00 : f32
    %broadcast_in_dim3A_82 = vector.broadcast %broadcast_in_dim3A_81 : f32 to vector<16xf32>
    %swap3A_83 = arith.constant 1 : i32
    %swap3A_84 = arith.index_cast %swap3A_83 : i32 to index
    %swap3A_85 = arith.constant 32 : index
    %swap3A_86 = tpu.vector_load %arg9[%swap3A_84, %swap3A_85] {strides = array<i32>} : memref<16x128xf32, #tpu.memory_space<vmem>>, vector<1x16xf32>,
    %swap3A_87 = vector.shape_cast %swap3A_86 : vector<1x16xf32> to vector<16xf32>
    %swap3A_88 = vector.shape_cast %broadcast_in_dim3A_82 : vector<16xf32> to vector<1x16xf32>
    tpu.vector_store %arg9[%swap3A_84, %swap3A_85], %swap3A_88 {strides = array<i32>} : memref<16x128xf32, #tpu.memory_space<vmem>>, vector<1x16xf32>,
    %broadcast_in_dim3A_89 = arith.constant 0.000000e+00 : f32
    %broadcast_in_dim3A_90 = vector.broadcast %broadcast_in_dim3A_89 : f32 to vector<16xf32>
    %swap3A_91 = arith.constant 1 : i32
    %swap3A_92 = arith.index_cast %swap3A_91 : i32 to index
    %swap3A_93 = arith.constant 48 : index
    %swap3A_94 = tpu.vector_load %arg9[%swap3A_92, %swap3A_93] {strides = array<i32>} : memref<16x128xf32, #tpu.memory_space<vmem>>, vector<1x16xf32>,
    %swap3A_95 = vector.shape_cast %swap3A_94 : vector<1x16xf32> to vector<16xf32>
    %swap3A_96 = vector.shape_cast %broadcast_in_dim3A_90 : vector<16xf32> to vector<1x16xf32>
    tpu.vector_store %arg9[%swap3A_92, %swap3A_93], %swap3A_96 {strides = array<i32>} : memref<16x128xf32, #tpu.memory_space<vmem>>, vector<1x16xf32>,
    %broadcast_in_dim3A_97 = arith.constant 0.000000e+00 : f32
    %broadcast_in_dim3A_98 = vector.broadcast %broadcast_in_dim3A_97 : f32 to vector<16xf32>
    %swap3A_99 = arith.constant 1 : i32
    %swap3A_100 = arith.index_cast %swap3A_99 : i32 to index
    %swap3A_101 = arith.constant 64 : index
    %swap3A_102 = tpu.vector_load %arg9[%swap3A_100, %swap3A_101] {strides = array<i32>} : memref<16x128xf32, #tpu.memory_space<vmem>>, vector<1x16xf32>,
    %swap3A_103 = vector.shape_cast %swap3A_102 : vector<1x16xf32> to vector<16xf32>
    %swap3A_104 = vector.shape_cast %broadcast_in_dim3A_98 : vector<16xf32> to vector<1x16xf32>
    tpu.vector_store %arg9[%swap3A_100, %swap3A_101], %swap3A_104 {strides = array<i32>} : memref<16x128xf32, #tpu.memory_space<vmem>>, vector<1x16xf32>,
    %broadcast_in_dim3A_105 = arith.constant 0.000000e+00 : f32
    %broadcast_in_dim3A_106 = vector.broadcast %broadcast_in_dim3A_105 : f32 to vector<16xf32>
    %swap3A_107 = arith.constant 1 : i32
    %swap3A_108 = arith.index_cast %swap3A_107 : i32 to index
    %swap3A_109 = arith.constant 80 : index
    %swap3A_110 = tpu.vector_load %arg9[%swap3A_108, %swap3A_109] {strides = array<i32>} : memref<16x128xf32, #tpu.memory_space<vmem>>, vector<1x16xf32>,
    %swap3A_111 = vector.shape_cast %swap3A_110 : vector<1x16xf32> to vector<16xf32>
    %swap3A_112 = vector.shape_cast %broadcast_in_dim3A_106 : vector<16xf32> to vector<1x16xf32>
    tpu.vector_store %arg9[%swap3A_108, %swap3A_109], %swap3A_112 {strides = array<i32>} : memref<16x128xf32, #tpu.memory_space<vmem>>, vector<1x16xf32>,
    %broadcast_in_dim3A_113 = arith.constant 0.000000e+00 : f32
    %broadcast_in_dim3A_114 = vector.broadcast %broadcast_in_dim3A_113 : f32 to vector<16xf32>
    %swap3A_115 = arith.constant 1 : i32
    %swap3A_116 = arith.index_cast %swap3A_115 : i32 to index
    %swap3A_117 = arith.constant 96 : index
    %swap3A_118 = tpu.vector_load %arg9[%swap3A_116, %swap3A_117] {strides = array<i32>} : memref<16x128xf32, #tpu.memory_space<vmem>>, vector<1x16xf32>,
    %swap3A_119 = vector.shape_cast %swap3A_118 : vector<1x16xf32> to vector<16xf32>
    %swap3A_120 = vector.shape_cast %broadcast_in_dim3A_114 : vector<16xf32> to vector<1x16xf32>
    tpu.vector_store %arg9[%swap3A_116, %swap3A_117], %swap3A_120 {strides = array<i32>} : memref<16x128xf32, #tpu.memory_space<vmem>>, vector<1x16xf32>,
    %broadcast_in_dim3A_121 = arith.constant 0.000000e+00 : f32
    %broadcast_in_dim3A_122 = vector.broadcast %broadcast_in_dim3A_121 : f32 to vector<16xf32>
    %swap3A_123 = arith.constant 1 : i32
    %swap3A_124 = arith.index_cast %swap3A_123 : i32 to index
    %swap3A_125 = arith.constant 112 : index
    %swap3A_126 = tpu.vector_load %arg9[%swap3A_124, %swap3A_125] {strides = array<i32>} : memref<16x128xf32, #tpu.memory_space<vmem>>, vector<1x16xf32>,
    %swap3A_127 = vector.shape_cast %swap3A_126 : vector<1x16xf32> to vector<16xf32>
    %swap3A_128 = vector.shape_cast %broadcast_in_dim3A_122 : vector<16xf32> to vector<1x16xf32>
    tpu.vector_store %arg9[%swap3A_124, %swap3A_125], %swap3A_128 {strides = array<i32>} : memref<16x128xf32, #tpu.memory_space<vmem>>, vector<1x16xf32>,
    %broadcast_in_dim3A_129 = arith.constant 0.000000e+00 : f32
    %broadcast_in_dim3A_130 = vector.broadcast %broadcast_in_dim3A_129 : f32 to vector<16xf32>
    %swap3A_131 = arith.constant 2 : i32
    %swap3A_132 = arith.index_cast %swap3A_131 : i32 to index
    %swap3A_133 = arith.constant 0 : index
    %swap3A_134 = tpu.vector_load %arg9[%swap3A_132, %swap3A_133] {strides = array<i32>} : memref<16x128xf32, #tpu.memory_space<vmem>>, vector<1x16xf32>,
    %swap3A_135 = vector.shape_cast %swap3A_134 : vector<1x16xf32> to vector<16xf32>
    %swap3A_136 = vector.shape_cast %broadcast_in_dim3A_130 : vector<16xf32> to vector<1x16xf32>
    tpu.vector_store %arg9[%swap3A_132, %swap3A_133], %swap3A_136 {strides = array<i32>} : memref<16x128xf32, #tpu.memory_space<vmem>>, vector<1x16xf32>,
    %broadcast_in_dim3A_137 = arith.constant 0.000000e+00 : f32
    %broadcast_in_dim3A_138 = vector.broadcast %broadcast_in_dim3A_137 : f32 to vector<16xf32>
    %swap3A_139 = arith.constant 2 : i32
    %swap3A_140 = arith.index_cast %swap3A_139 : i32 to index
    %swap3A_141 = arith.constant 16 : index
    %swap3A_142 = tpu.vector_load %arg9[%swap3A_140, %swap3A_141] {strides = array<i32>} : memref<16x128xf32, #tpu.memory_space<vmem>>, vector<1x16xf32>,
    %swap3A_143 = vector.shape_cast %swap3A_142 : vector<1x16xf32> to vector<16xf32>
    %swap3A_144 = vector.shape_cast %broadcast_in_dim3A_138 : vector<16xf32> to vector<1x16xf32>
    tpu.vector_store %arg9[%swap3A_140, %swap3A_141], %swap3A_144 {strides = array<i32>} : memref<16x128xf32, #tpu.memory_space<vmem>>, vector<1x16xf32>,
    %broadcast_in_dim3A_145 = arith.constant 0.000000e+00 : f32
    %broadcast_in_dim3A_146 = vector.broadcast %broadcast_in_dim3A_145 : f32 to vector<16xf32>
    %swap3A_147 = arith.constant 2 : i32
    %swap3A_148 = arith.index_cast %swap3A_147 : i32 to index
    %swap3A_149 = arith.constant 32 : index
    %swap3A_150 = tpu.vector_load %arg9[%swap3A_148, %swap3A_149] {strides = array<i32>} : memref<16x128xf32, #tpu.memory_space<vmem>>, vector<1x16xf32>,
    %swap3A_151 = vector.shape_cast %swap3A_150 : vector<1x16xf32> to vector<16xf32>
    %swap3A_152 = vector.shape_cast %broadcast_in_dim3A_146 : vector<16xf32> to vector<1x16xf32>
    tpu.vector_store %arg9[%swap3A_148, %swap3A_149], %swap3A_152 {strides = array<i32>} : memref<16x128xf32, #tpu.memory_space<vmem>>, vector<1x16xf32>,
    %broadcast_in_dim3A_153 = arith.constant 0.000000e+00 : f32
    %broadcast_in_dim3A_154 = vector.broadcast %broadcast_in_dim3A_153 : f32 to vector<16xf32>
    %swap3A_155 = arith.constant 2 : i32
    %swap3A_156 = arith.index_cast %swap3A_155 : i32 to index
    %swap3A_157 = arith.constant 48 : index
    %swap3A_158 = tpu.vector_load %arg9[%swap3A_156, %swap3A_157] {strides = array<i32>} : memref<16x128xf32, #tpu.memory_space<vmem>>, vector<1x16xf32>,
    %swap3A_159 = vector.shape_cast %swap3A_158 : vector<1x16xf32> to vector<16xf32>
    %swap3A_160 = vector.shape_cast %broadcast_in_dim3A_154 : vector<16xf32> to vector<1x16xf32>
    tpu.vector_store %arg9[%swap3A_156, %swap3A_157], %swap3A_160 {strides = array<i32>} : memref<16x128xf32, #tpu.memory_space<vmem>>, vector<1x16xf32>,
    %broadcast_in_dim3A_161 = arith.constant 0.000000e+00 : f32
    %broadcast_in_dim3A_162 = vector.broadcast %broadcast_in_dim3A_161 : f32 to vector<16xf32>
    %swap3A_163 = arith.constant 2 : i32
    %swap3A_164 = arith.index_cast %swap3A_163 : i32 to index
    %swap3A_165 = arith.constant 64 : index
    %swap3A_166 = tpu.vector_load %arg9[%swap3A_164, %swap3A_165] {strides = array<i32>} : memref<16x128xf32, #tpu.memory_space<vmem>>, vector<1x16xf32>,
    %swap3A_167 = vector.shape_cast %swap3A_166 : vector<1x16xf32> to vector<16xf32>
    %swap3A_168 = vector.shape_cast %broadcast_in_dim3A_162 : vector<16xf32> to vector<1x16xf32>
    tpu.vector_store %arg9[%swap3A_164, %swap3A_165], %swap3A_168 {strides = array<i32>} : memref<16x128xf32, #tpu.memory_space<vmem>>, vector<1x16xf32>,
    %broadcast_in_dim3A_169 = arith.constant 0.000000e+00 : f32
    %broadcast_in_dim3A_170 = vector.broadcast %broadcast_in_dim3A_169 : f32 to vector<16xf32>
    %swap3A_171 = arith.constant 2 : i32
    %swap3A_172 = arith.index_cast %swap3A_171 : i32 to index
    %swap3A_173 = arith.constant 80 : index
    %swap3A_174 = tpu.vector_load %arg9[%swap3A_172, %swap3A_173] {strides = array<i32>} : memref<16x128xf32, #tpu.memory_space<vmem>>, vector<1x16xf32>,
    %swap3A_175 = vector.shape_cast %swap3A_174 : vector<1x16xf32> to vector<16xf32>
    %swap3A_176 = vector.shape_cast %broadcast_in_dim3A_170 : vector<16xf32> to vector<1x16xf32>
    tpu.vector_store %arg9[%swap3A_172, %swap3A_173], %swap3A_176 {strides = array<i32>} : memref<16x128xf32, #tpu.memory_space<vmem>>, vector<1x16xf32>,
    %broadcast_in_dim3A_177 = arith.constant 0.000000e+00 : f32
    %broadcast_in_dim3A_178 = vector.broadcast %broadcast_in_dim3A_177 : f32 to vector<16xf32>
    %swap3A_179 = arith.constant 2 : i32
    %swap3A_180 = arith.index_cast %swap3A_179 : i32 to index
    %swap3A_181 = arith.constant 96 : index
    %swap3A_182 = tpu.vector_load %arg9[%swap3A_180, %swap3A_181] {strides = array<i32>} : memref<16x128xf32, #tpu.memory_space<vmem>>, vector<1x16xf32>,
    %swap3A_183 = vector.shape_cast %swap3A_182 : vector<1x16xf32> to vector<16xf32>
    %swap3A_184 = vector.shape_cast %broadcast_in_dim3A_178 : vector<16xf32> to vector<1x16xf32>
    tpu.vector_store %arg9[%swap3A_180, %swap3A_181], %swap3A_184 {strides = array<i32>} : memref<16x128xf32, #tpu.memory_space<vmem>>, vector<1x16xf32>,
    %broadcast_in_dim3A_185 = arith.constant 0.000000e+00 : f32
    %broadcast_in_dim3A_186 = vector.broadcast %broadcast_in_dim3A_185 : f32 to vector<16xf32>
    %swap3A_187 = arith.constant 2 : i32
    %swap3A_188 = arith.index_cast %swap3A_187 : i32 to index
    %swap3A_189 = arith.constant 112 : index
    %swap3A_190 = tpu.vector_load %arg9[%swap3A_188, %swap3A_189] {strides = array<i32>} : memref<16x128xf32, #tpu.memory_space<vmem>>, vector<1x16xf32>,
    %swap3A_191 = vector.shape_cast %swap3A_190 : vector<1x16xf32> to vector<16xf32>
    %swap3A_192 = vector.shape_cast %broadcast_in_dim3A_186 : vector<16xf32> to vector<1x16xf32>
    tpu.vector_store %arg9[%swap3A_188, %swap3A_189], %swap3A_192 {strides = array<i32>} : memref<16x128xf32, #tpu.memory_space<vmem>>, vector<1x16xf32>,
    %broadcast_in_dim3A_193 = arith.constant 0.000000e+00 : f32
    %broadcast_in_dim3A_194 = vector.broadcast %broadcast_in_dim3A_193 : f32 to vector<16xf32>
    %swap3A_195 = arith.constant 3 : i32
    %swap3A_196 = arith.index_cast %swap3A_195 : i32 to index
    %swap3A_197 = arith.constant 0 : index
    %swap3A_198 = tpu.vector_load %arg9[%swap3A_196, %swap3A_197] {strides = array<i32>} : memref<16x128xf32, #tpu.memory_space<vmem>>, vector<1x16xf32>,
    %swap3A_199 = vector.shape_cast %swap3A_198 : vector<1x16xf32> to vector<16xf32>
    %swap3A_200 = vector.shape_cast %broadcast_in_dim3A_194 : vector<16xf32> to vector<1x16xf32>
    tpu.vector_store %arg9[%swap3A_196, %swap3A_197], %swap3A_200 {strides = array<i32>} : memref<16x128xf32, #tpu.memory_space<vmem>>, vector<1x16xf32>,
    %broadcast_in_dim3A_201 = arith.constant 0.000000e+00 : f32
    %broadcast_in_dim3A_202 = vector.broadcast %broadcast_in_dim3A_201 : f32 to vector<16xf32>
    %swap3A_203 = arith.constant 3 : i32
    %swap3A_204 = arith.index_cast %swap3A_203 : i32 to index
    %swap3A_205 = arith.constant 16 : index
    %swap3A_206 = tpu.vector_load %arg9[%swap3A_204, %swap3A_205] {strides = array<i32>} : memref<16x128xf32, #tpu.memory_space<vmem>>, vector<1x16xf32>,
    %swap3A_207 = vector.shape_cast %swap3A_206 : vector<1x16xf32> to vector<16xf32>
    %swap3A_208 = vector.shape_cast %broadcast_in_dim3A_202 : vector<16xf32> to vector<1x16xf32>
    tpu.vector_store %arg9[%swap3A_204, %swap3A_205], %swap3A_208 {strides = array<i32>} : memref<16x128xf32, #tpu.memory_space<vmem>>, vector<1x16xf32>,
    %broadcast_in_dim3A_209 = arith.constant 0.000000e+00 : f32
    %broadcast_in_dim3A_210 = vector.broadcast %broadcast_in_dim3A_209 : f32 to vector<16xf32>
    %swap3A_211 = arith.constant 3 : i32
    %swap3A_212 = arith.index_cast %swap3A_211 : i32 to index
    %swap3A_213 = arith.constant 32 : index
    %swap3A_214 = tpu.vector_load %arg9[%swap3A_212, %swap3A_213] {strides = array<i32>} : memref<16x128xf32, #tpu.memory_space<vmem>>, vector<1x16xf32>,
    %swap3A_215 = vector.shape_cast %swap3A_214 : vector<1x16xf32> to vector<16xf32>
    %swap3A_216 = vector.shape_cast %broadcast_in_dim3A_210 : vector<16xf32> to vector<1x16xf32>
    tpu.vector_store %arg9[%swap3A_212, %swap3A_213], %swap3A_216 {strides = array<i32>} : memref<16x128xf32, #tpu.memory_space<vmem>>, vector<1x16xf32>,
    %broadcast_in_dim3A_217 = arith.constant 0.000000e+00 : f32
    %broadcast_in_dim3A_218 = vector.broadcast %broadcast_in_dim3A_217 : f32 to vector<16xf32>
    %swap3A_219 = arith.constant 3 : i32
    %swap3A_220 = arith.index_cast %swap3A_219 : i32 to index
    %swap3A_221 = arith.constant 48 : index
    %swap3A_222 = tpu.vector_load %arg9[%swap3A_220, %swap3A_221] {strides = array<i32>} : memref<16x128xf32, #tpu.memory_space<vmem>>, vector<1x16xf32>,
    %swap3A_223 = vector.shape_cast %swap3A_222 : vector<1x16xf32> to vector<16xf32>
    %swap3A_224 = vector.shape_cast %broadcast_in_dim3A_218 : vector<16xf32> to vector<1x16xf32>
    tpu.vector_store %arg9[%swap3A_220, %swap3A_221], %swap3A_224 {strides = array<i32>} : memref<16x128xf32, #tpu.memory_space<vmem>>, vector<1x16xf32>,
    %broadcast_in_dim3A_225 = arith.constant 0.000000e+00 : f32
    %broadcast_in_dim3A_226 = vector.broadcast %broadcast_in_dim3A_225 : f32 to vector<16xf32>
    %swap3A_227 = arith.constant 3 : i32
    %swap3A_228 = arith.index_cast %swap3A_227 : i32 to index
    %swap3A_229 = arith.constant 64 : index
    %swap3A_230 = tpu.vector_load %arg9[%swap3A_228, %swap3A_229] {strides = array<i32>} : memref<16x128xf32, #tpu.memory_space<vmem>>, vector<1x16xf32>,
    %swap3A_231 = vector.shape_cast %swap3A_230 : vector<1x16xf32> to vector<16xf32>
    %swap3A_232 = vector.shape_cast %broadcast_in_dim3A_226 : vector<16xf32> to vector<1x16xf32>
    tpu.vector_store %arg9[%swap3A_228, %swap3A_229], %swap3A_232 {strides = array<i32>} : memref<16x128xf32, #tpu.memory_space<vmem>>, vector<1x16xf32>,
    %broadcast_in_dim3A_233 = arith.constant 0.000000e+00 : f32
    %broadcast_in_dim3A_234 = vector.broadcast %broadcast_in_dim3A_233 : f32 to vector<16xf32>
    %swap3A_235 = arith.constant 3 : i32
    %swap3A_236 = arith.index_cast %swap3A_235 : i32 to index
    %swap3A_237 = arith.constant 80 : index
    %swap3A_238 = tpu.vector_load %arg9[%swap3A_236, %swap3A_237] {strides = array<i32>} : memref<16x128xf32, #tpu.memory_space<vmem>>, vector<1x16xf32>,
    %swap3A_239 = vector.shape_cast %swap3A_238 : vector<1x16xf32> to vector<16xf32>
    %swap3A_240 = vector.shape_cast %broadcast_in_dim3A_234 : vector<16xf32> to vector<1x16xf32>
    tpu.vector_store %arg9[%swap3A_236, %swap3A_237], %swap3A_240 {strides = array<i32>} : memref<16x128xf32, #tpu.memory_space<vmem>>, vector<1x16xf32>,
    %broadcast_in_dim3A_241 = arith.constant 0.000000e+00 : f32
    %broadcast_in_dim3A_242 = vector.broadcast %broadcast_in_dim3A_241 : f32 to vector<16xf32>
    %swap3A_243 = arith.constant 3 : i32
    %swap3A_244 = arith.index_cast %swap3A_243 : i32 to index
    %swap3A_245 = arith.constant 96 : index
    %swap3A_246 = tpu.vector_load %arg9[%swap3A_244, %swap3A_245] {strides = array<i32>} : memref<16x128xf32, #tpu.memory_space<vmem>>, vector<1x16xf32>,
    %swap3A_247 = vector.shape_cast %swap3A_246 : vector<1x16xf32> to vector<16xf32>
    %swap3A_248 = vector.shape_cast %broadcast_in_dim3A_242 : vector<16xf32> to vector<1x16xf32>
    tpu.vector_store %arg9[%swap3A_244, %swap3A_245], %swap3A_248 {strides = array<i32>} : memref<16x128xf32, #tpu.memory_space<vmem>>, vector<1x16xf32>,
    %broadcast_in_dim3A_249 = arith.constant 0.000000e+00 : f32
    %broadcast_in_dim3A_250 = vector.broadcast %broadcast_in_dim3A_249 : f32 to vector<16xf32>
    %swap3A_251 = arith.constant 3 : i32
    %swap3A_252 = arith.index_cast %swap3A_251 : i32 to index
    %swap3A_253 = arith.constant 112 : index
    %swap3A_254 = tpu.vector_load %arg9[%swap3A_252, %swap3A_253] {strides = array<i32>} : memref<16x128xf32, #tpu.memory_space<vmem>>, vector<1x16xf32>,
    %swap3A_255 = vector.shape_cast %swap3A_254 : vector<1x16xf32> to vector<16xf32>
    %swap3A_256 = vector.shape_cast %broadcast_in_dim3A_250 : vector<16xf32> to vector<1x16xf32>
    tpu.vector_store %arg9[%swap3A_252, %swap3A_253], %swap3A_256 {strides = array<i32>} : memref<16x128xf32, #tpu.memory_space<vmem>>, vector<1x16xf32>,
    %broadcast_in_dim3A_257 = arith.constant 0.000000e+00 : f32
    %broadcast_in_dim3A_258 = vector.broadcast %broadcast_in_dim3A_257 : f32 to vector<16xf32>
    %swap3A_259 = arith.constant 4 : i32
    %swap3A_260 = arith.index_cast %swap3A_259 : i32 to index
    %swap3A_261 = arith.constant 0 : index
    %swap3A_262 = tpu.vector_load %arg9[%swap3A_260, %swap3A_261] {strides = array<i32>} : memref<16x128xf32, #tpu.memory_space<vmem>>, vector<1x16xf32>,
    %swap3A_263 = vector.shape_cast %swap3A_262 : vector<1x16xf32> to vector<16xf32>
    %swap3A_264 = vector.shape_cast %broadcast_in_dim3A_258 : vector<16xf32> to vector<1x16xf32>
    tpu.vector_store %arg9[%swap3A_260, %swap3A_261], %swap3A_264 {strides = array<i32>} : memref<16x128xf32, #tpu.memory_space<vmem>>, vector<1x16xf32>,
    %broadcast_in_dim3A_265 = arith.constant 0.000000e+00 : f32
    %broadcast_in_dim3A_266 = vector.broadcast %broadcast_in_dim3A_265 : f32 to vector<16xf32>
    %swap3A_267 = arith.constant 4 : i32
    %swap3A_268 = arith.index_cast %swap3A_267 : i32 to index
    %swap3A_269 = arith.constant 16 : index
    %swap3A_270 = tpu.vector_load %arg9[%swap3A_268, %swap3A_269] {strides = array<i32>} : memref<16x128xf32, #tpu.memory_space<vmem>>, vector<1x16xf32>,
    %swap3A_271 = vector.shape_cast %swap3A_270 : vector<1x16xf32> to vector<16xf32>
    %swap3A_272 = vector.shape_cast %broadcast_in_dim3A_266 : vector<16xf32> to vector<1x16xf32>
    tpu.vector_store %arg9[%swap3A_268, %swap3A_269], %swap3A_272 {strides = array<i32>} : memref<16x128xf32, #tpu.memory_space<vmem>>, vector<1x16xf32>,
    %broadcast_in_dim3A_273 = arith.constant 0.000000e+00 : f32
    %broadcast_in_dim3A_274 = vector.broadcast %broadcast_in_dim3A_273 : f32 to vector<16xf32>
    %swap3A_275 = arith.constant 4 : i32
    %swap3A_276 = arith.index_cast %swap3A_275 : i32 to index
    %swap3A_277 = arith.constant 32 : index
    %swap3A_278 = tpu.vector_load %arg9[%swap3A_276, %swap3A_277] {strides = array<i32>} : memref<16x128xf32, #tpu.memory_space<vmem>>, vector<1x16xf32>,
    %swap3A_279 = vector.shape_cast %swap3A_278 : vector<1x16xf32> to vector<16xf32>
    %swap3A_280 = vector.shape_cast %broadcast_in_dim3A_274 : vector<16xf32> to vector<1x16xf32>
    tpu.vector_store %arg9[%swap3A_276, %swap3A_277], %swap3A_280 {strides = array<i32>} : memref<16x128xf32, #tpu.memory_space<vmem>>, vector<1x16xf32>,
    %broadcast_in_dim3A_281 = arith.constant 0.000000e+00 : f32
    %broadcast_in_dim3A_282 = vector.broadcast %broadcast_in_dim3A_281 : f32 to vector<16xf32>
    %swap3A_283 = arith.constant 4 : i32
    %swap3A_284 = arith.index_cast %swap3A_283 : i32 to index
    %swap3A_285 = arith.constant 48 : index
    %swap3A_286 = tpu.vector_load %arg9[%swap3A_284, %swap3A_285] {strides = array<i32>} : memref<16x128xf32, #tpu.memory_space<vmem>>, vector<1x16xf32>,
    %swap3A_287 = vector.shape_cast %swap3A_286 : vector<1x16xf32> to vector<16xf32>
    %swap3A_288 = vector.shape_cast %broadcast_in_dim3A_282 : vector<16xf32> to vector<1x16xf32>
    tpu.vector_store %arg9[%swap3A_284, %swap3A_285], %swap3A_288 {strides = array<i32>} : memref<16x128xf32, #tpu.memory_space<vmem>>, vector<1x16xf32>,
    %broadcast_in_dim3A_289 = arith.constant 0.000000e+00 : f32
    %broadcast_in_dim3A_290 = vector.broadcast %broadcast_in_dim3A_289 : f32 to vector<16xf32>
    %swap3A_291 = arith.constant 4 : i32
    %swap3A_292 = arith.index_cast %swap3A_291 : i32 to index
    %swap3A_293 = arith.constant 64 : index
    %swap3A_294 = tpu.vector_load %arg9[%swap3A_292, %swap3A_293] {strides = array<i32>} : memref<16x128xf32, #tpu.memory_space<vmem>>, vector<1x16xf32>,
    %swap3A_295 = vector.shape_cast %swap3A_294 : vector<1x16xf32> to vector<16xf32>
    %swap3A_296 = vector.shape_cast %broadcast_in_dim3A_290 : vector<16xf32> to vector<1x16xf32>
    tpu.vector_store %arg9[%swap3A_292, %swap3A_293], %swap3A_296 {strides = array<i32>} : memref<16x128xf32, #tpu.memory_space<vmem>>, vector<1x16xf32>,
    %broadcast_in_dim3A_297 = arith.constant 0.000000e+00 : f32
    %broadcast_in_dim3A_298 = vector.broadcast %broadcast_in_dim3A_297 : f32 to vector<16xf32>
    %swap3A_299 = arith.constant 4 : i32
    %swap3A_300 = arith.index_cast %swap3A_299 : i32 to index
    %swap3A_301 = arith.constant 80 : index
    %swap3A_302 = tpu.vector_load %arg9[%swap3A_300, %swap3A_301] {strides = array<i32>} : memref<16x128xf32, #tpu.memory_space<vmem>>, vector<1x16xf32>,
    %swap3A_303 = vector.shape_cast %swap3A_302 : vector<1x16xf32> to vector<16xf32>
    %swap3A_304 = vector.shape_cast %broadcast_in_dim3A_298 : vector<16xf32> to vector<1x16xf32>
    tpu.vector_store %arg9[%swap3A_300, %swap3A_301], %swap3A_304 {strides = array<i32>} : memref<16x128xf32, #tpu.memory_space<vmem>>, vector<1x16xf32>,
    %broadcast_in_dim3A_305 = arith.constant 0.000000e+00 : f32
    %broadcast_in_dim3A_306 = vector.broadcast %broadcast_in_dim3A_305 : f32 to vector<16xf32>
    %swap3A_307 = arith.constant 4 : i32
    %swap3A_308 = arith.index_cast %swap3A_307 : i32 to index
    %swap3A_309 = arith.constant 96 : index
    %swap3A_310 = tpu.vector_load %arg9[%swap3A_308, %swap3A_309] {strides = array<i32>} : memref<16x128xf32, #tpu.memory_space<vmem>>, vector<1x16xf32>,
    %swap3A_311 = vector.shape_cast %swap3A_310 : vector<1x16xf32> to vector<16xf32>
    %swap3A_312 = vector.shape_cast %broadcast_in_dim3A_306 : vector<16xf32> to vector<1x16xf32>
    tpu.vector_store %arg9[%swap3A_308, %swap3A_309], %swap3A_312 {strides = array<i32>} : memref<16x128xf32, #tpu.memory_space<vmem>>, vector<1x16xf32>,
    %broadcast_in_dim3A_313 = arith.constant 0.000000e+00 : f32
    %broadcast_in_dim3A_314 = vector.broadcast %broadcast_in_dim3A_313 : f32 to vector<16xf32>
    %swap3A_315 = arith.constant 4 : i32
    %swap3A_316 = arith.index_cast %swap3A_315 : i32 to index
    %swap3A_317 = arith.constant 112 : index
    %swap3A_318 = tpu.vector_load %arg9[%swap3A_316, %swap3A_317] {strides = array<i32>} : memref<16x128xf32, #tpu.memory_space<vmem>>, vector<1x16xf32>,
    %swap3A_319 = vector.shape_cast %swap3A_318 : vector<1x16xf32> to vector<16xf32>
    %swap3A_320 = vector.shape_cast %broadcast_in_dim3A_314 : vector<16xf32> to vector<1x16xf32>
    tpu.vector_store %arg9[%swap3A_316, %swap3A_317], %swap3A_320 {strides = array<i32>} : memref<16x128xf32, #tpu.memory_space<vmem>>, vector<1x16xf32>,
    %broadcast_in_dim3A_321 = arith.constant 0.000000e+00 : f32
    %broadcast_in_dim3A_322 = vector.broadcast %broadcast_in_dim3A_321 : f32 to vector<16xf32>
    %swap3A_323 = arith.constant 5 : i32
    %swap3A_324 = arith.index_cast %swap3A_323 : i32 to index
    %swap3A_325 = arith.constant 0 : index
    %swap3A_326 = tpu.vector_load %arg9[%swap3A_324, %swap3A_325] {strides = array<i32>} : memref<16x128xf32, #tpu.memory_space<vmem>>, vector<1x16xf32>,
    %swap3A_327 = vector.shape_cast %swap3A_326 : vector<1x16xf32> to vector<16xf32>
    %swap3A_328 = vector.shape_cast %broadcast_in_dim3A_322 : vector<16xf32> to vector<1x16xf32>
    tpu.vector_store %arg9[%swap3A_324, %swap3A_325], %swap3A_328 {strides = array<i32>} : memref<16x128xf32, #tpu.memory_space<vmem>>, vector<1x16xf32>,
    %broadcast_in_dim3A_329 = arith.constant 0.000000e+00 : f32
    %broadcast_in_dim3A_330 = vector.broadcast %broadcast_in_dim3A_329 : f32 to vector<16xf32>
    %swap3A_331 = arith.constant 5 : i32
    %swap3A_332 = arith.index_cast %swap3A_331 : i32 to index
    %swap3A_333 = arith.constant 16 : index
    %swap3A_334 = tpu.vector_load %arg9[%swap3A_332, %swap3A_333] {strides = array<i32>} : memref<16x128xf32, #tpu.memory_space<vmem>>, vector<1x16xf32>,
    %swap3A_335 = vector.shape_cast %swap3A_334 : vector<1x16xf32> to vector<16xf32>
    %swap3A_336 = vector.shape_cast %broadcast_in_dim3A_330 : vector<16xf32> to vector<1x16xf32>
    tpu.vector_store %arg9[%swap3A_332, %swap3A_333], %swap3A_336 {strides = array<i32>} : memref<16x128xf32, #tpu.memory_space<vmem>>, vector<1x16xf32>,
    %broadcast_in_dim3A_337 = arith.constant 0.000000e+00 : f32
    %broadcast_in_dim3A_338 = vector.broadcast %broadcast_in_dim3A_337 : f32 to vector<16xf32>
    %swap3A_339 = arith.constant 5 : i32
    %swap3A_340 = arith.index_cast %swap3A_339 : i32 to index
    %swap3A_341 = arith.constant 32 : index
    %swap3A_342 = tpu.vector_load %arg9[%swap3A_340, %swap3A_341] {strides = array<i32>} : memref<16x128xf32, #tpu.memory_space<vmem>>, vector<1x16xf32>,
    %swap3A_343 = vector.shape_cast %swap3A_342 : vector<1x16xf32> to vector<16xf32>
    %swap3A_344 = vector.shape_cast %broadcast_in_dim3A_338 : vector<16xf32> to vector<1x16xf32>
    tpu.vector_store %arg9[%swap3A_340, %swap3A_341], %swap3A_344 {strides = array<i32>} : memref<16x128xf32, #tpu.memory_space<vmem>>, vector<1x16xf32>,
    %broadcast_in_dim3A_345 = arith.constant 0.000000e+00 : f32
    %broadcast_in_dim3A_346 = vector.broadcast %broadcast_in_dim3A_345 : f32 to vector<16xf32>
    %swap3A_347 = arith.constant 5 : i32
    %swap3A_348 = arith.index_cast %swap3A_347 : i32 to index
    %swap3A_349 = arith.constant 48 : index
    %swap3A_350 = tpu.vector_load %arg9[%swap3A_348, %swap3A_349] {strides = array<i32>} : memref<16x128xf32, #tpu.memory_space<vmem>>, vector<1x16xf32>,
    %swap3A_351 = vector.shape_cast %swap3A_350 : vector<1x16xf32> to vector<16xf32>
    %swap3A_352 = vector.shape_cast %broadcast_in_dim3A_346 : vector<16xf32> to vector<1x16xf32>
    tpu.vector_store %arg9[%swap3A_348, %swap3A_349], %swap3A_352 {strides = array<i32>} : memref<16x128xf32, #tpu.memory_space<vmem>>, vector<1x16xf32>,
    %broadcast_in_dim3A_353 = arith.constant 0.000000e+00 : f32
    %broadcast_in_dim3A_354 = vector.broadcast %broadcast_in_dim3A_353 : f32 to vector<16xf32>
    %swap3A_355 = arith.constant 5 : i32
    %swap3A_356 = arith.index_cast %swap3A_355 : i32 to index
    %swap3A_357 = arith.constant 64 : index
    %swap3A_358 = tpu.vector_load %arg9[%swap3A_356, %swap3A_357] {strides = array<i32>} : memref<16x128xf32, #tpu.memory_space<vmem>>, vector<1x16xf32>,
    %swap3A_359 = vector.shape_cast %swap3A_358 : vector<1x16xf32> to vector<16xf32>
    %swap3A_360 = vector.shape_cast %broadcast_in_dim3A_354 : vector<16xf32> to vector<1x16xf32>
    tpu.vector_store %arg9[%swap3A_356, %swap3A_357], %swap3A_360 {strides = array<i32>} : memref<16x128xf32, #tpu.memory_space<vmem>>, vector<1x16xf32>,
    %broadcast_in_dim3A_361 = arith.constant 0.000000e+00 : f32
    %broadcast_in_dim3A_362 = vector.broadcast %broadcast_in_dim3A_361 : f32 to vector<16xf32>
    %swap3A_363 = arith.constant 5 : i32
    %swap3A_364 = arith.index_cast %swap3A_363 : i32 to index
    %swap3A_365 = arith.constant 80 : index
    %swap3A_366 = tpu.vector_load %arg9[%swap3A_364, %swap3A_365] {strides = array<i32>} : memref<16x128xf32, #tpu.memory_space<vmem>>, vector<1x16xf32>,
    %swap3A_367 = vector.shape_cast %swap3A_366 : vector<1x16xf32> to vector<16xf32>
    %swap3A_368 = vector.shape_cast %broadcast_in_dim3A_362 : vector<16xf32> to vector<1x16xf32>
    tpu.vector_store %arg9[%swap3A_364, %swap3A_365], %swap3A_368 {strides = array<i32>} : memref<16x128xf32, #tpu.memory_space<vmem>>, vector<1x16xf32>,
    %broadcast_in_dim3A_369 = arith.constant 0.000000e+00 : f32
    %broadcast_in_dim3A_370 = vector.broadcast %broadcast_in_dim3A_369 : f32 to vector<16xf32>
    %swap3A_371 = arith.constant 5 : i32
    %swap3A_372 = arith.index_cast %swap3A_371 : i32 to index
    %swap3A_373 = arith.constant 96 : index
    %swap3A_374 = tpu.vector_load %arg9[%swap3A_372, %swap3A_373] {strides = array<i32>} : memref<16x128xf32, #tpu.memory_space<vmem>>, vector<1x16xf32>,
    %swap3A_375 = vector.shape_cast %swap3A_374 : vector<1x16xf32> to vector<16xf32>
    %swap3A_376 = vector.shape_cast %broadcast_in_dim3A_370 : vector<16xf32> to vector<1x16xf32>
    tpu.vector_store %arg9[%swap3A_372, %swap3A_373], %swap3A_376 {strides = array<i32>} : memref<16x128xf32, #tpu.memory_space<vmem>>, vector<1x16xf32>,
    %broadcast_in_dim3A_377 = arith.constant 0.000000e+00 : f32
    %broadcast_in_dim3A_378 = vector.broadcast %broadcast_in_dim3A_377 : f32 to vector<16xf32>
    %swap3A_379 = arith.constant 5 : i32
    %swap3A_380 = arith.index_cast %swap3A_379 : i32 to index
    %swap3A_381 = arith.constant 112 : index
    %swap3A_382 = tpu.vector_load %arg9[%swap3A_380, %swap3A_381] {strides = array<i32>} : memref<16x128xf32, #tpu.memory_space<vmem>>, vector<1x16xf32>,
    %swap3A_383 = vector.shape_cast %swap3A_382 : vector<1x16xf32> to vector<16xf32>
    %swap3A_384 = vector.shape_cast %broadcast_in_dim3A_378 : vector<16xf32> to vector<1x16xf32>
    tpu.vector_store %arg9[%swap3A_380, %swap3A_381], %swap3A_384 {strides = array<i32>} : memref<16x128xf32, #tpu.memory_space<vmem>>, vector<1x16xf32>,
    %broadcast_in_dim3A_385 = arith.constant 0.000000e+00 : f32
    %broadcast_in_dim3A_386 = vector.broadcast %broadcast_in_dim3A_385 : f32 to vector<16xf32>
    %swap3A_387 = arith.constant 6 : i32
    %swap3A_388 = arith.index_cast %swap3A_387 : i32 to index
    %swap3A_389 = arith.constant 0 : index
    %swap3A_390 = tpu.vector_load %arg9[%swap3A_388, %swap3A_389] {strides = array<i32>} : memref<16x128xf32, #tpu.memory_space<vmem>>, vector<1x16xf32>,
    %swap3A_391 = vector.shape_cast %swap3A_390 : vector<1x16xf32> to vector<16xf32>
    %swap3A_392 = vector.shape_cast %broadcast_in_dim3A_386 : vector<16xf32> to vector<1x16xf32>
    tpu.vector_store %arg9[%swap3A_388, %swap3A_389], %swap3A_392 {strides = array<i32>} : memref<16x128xf32, #tpu.memory_space<vmem>>, vector<1x16xf32>,
    %broadcast_in_dim3A_393 = arith.constant 0.000000e+00 : f32
    %broadcast_in_dim3A_394 = vector.broadcast %broadcast_in_dim3A_393 : f32 to vector<16xf32>
    %swap3A_395 = arith.constant 6 : i32
    %swap3A_396 = arith.index_cast %swap3A_395 : i32 to index
    %swap3A_397 = arith.constant 16 : index
    %swap3A_398 = tpu.vector_load %arg9[%swap3A_396, %swap3A_397] {strides = array<i32>} : memref<16x128xf32, #tpu.memory_space<vmem>>, vector<1x16xf32>,
    %swap3A_399 = vector.shape_cast %swap3A_398 : vector<1x16xf32> to vector<16xf32>
    %swap3A_400 = vector.shape_cast %broadcast_in_dim3A_394 : vector<16xf32> to vector<1x16xf32>
    tpu.vector_store %arg9[%swap3A_396, %swap3A_397], %swap3A_400 {strides = array<i32>} : memref<16x128xf32, #tpu.memory_space<vmem>>, vector<1x16xf32>,
    %broadcast_in_dim3A_401 = arith.constant 0.000000e+00 : f32
    %broadcast_in_dim3A_402 = vector.broadcast %broadcast_in_dim3A_401 : f32 to vector<16xf32>
    %swap3A_403 = arith.constant 6 : i32
    %swap3A_404 = arith.index_cast %swap3A_403 : i32 to index
    %swap3A_405 = arith.constant 32 : index
    %swap3A_406 = tpu.vector_load %arg9[%swap3A_404, %swap3A_405] {strides = array<i32>} : memref<16x128xf32, #tpu.memory_space<vmem>>, vector<1x16xf32>,
    %swap3A_407 = vector.shape_cast %swap3A_406 : vector<1x16xf32> to vector<16xf32>
    %swap3A_408 = vector.shape_cast %broadcast_in_dim3A_402 : vector<16xf32> to vector<1x16xf32>
    tpu.vector_store %arg9[%swap3A_404, %swap3A_405], %swap3A_408 {strides = array<i32>} : memref<16x128xf32, #tpu.memory_space<vmem>>, vector<1x16xf32>,
    %broadcast_in_dim3A_409 = arith.constant 0.000000e+00 : f32
    %broadcast_in_dim3A_410 = vector.broadcast %broadcast_in_dim3A_409 : f32 to vector<16xf32>
    %swap3A_411 = arith.constant 6 : i32
    %swap3A_412 = arith.index_cast %swap3A_411 : i32 to index
    %swap3A_413 = arith.constant 48 : index
    %swap3A_414 = tpu.vector_load %arg9[%swap3A_412, %swap3A_413] {strides = array<i32>} : memref<16x128xf32, #tpu.memory_space<vmem>>, vector<1x16xf32>,
    %swap3A_415 = vector.shape_cast %swap3A_414 : vector<1x16xf32> to vector<16xf32>
    %swap3A_416 = vector.shape_cast %broadcast_in_dim3A_410 : vector<16xf32> to vector<1x16xf32>
    tpu.vector_store %arg9[%swap3A_412, %swap3A_413], %swap3A_416 {strides = array<i32>} : memref<16x128xf32, #tpu.memory_space<vmem>>, vector<1x16xf32>,
    %broadcast_in_dim3A_417 = arith.constant 0.000000e+00 : f32
    %broadcast_in_dim3A_418 = vector.broadcast %broadcast_in_dim3A_417 : f32 to vector<16xf32>
    %swap3A_419 = arith.constant 6 : i32
    %swap3A_420 = arith.index_cast %swap3A_419 : i32 to index
    %swap3A_421 = arith.constant 64 : index
    %swap3A_422 = tpu.vector_load %arg9[%swap3A_420, %swap3A_421] {strides = array<i32>} : memref<16x128xf32, #tpu.memory_space<vmem>>, vector<1x16xf32>,
    %swap3A_423 = vector.shape_cast %swap3A_422 : vector<1x16xf32> to vector<16xf32>
    %swap3A_424 = vector.shape_cast %broadcast_in_dim3A_418 : vector<16xf32> to vector<1x16xf32>
    tpu.vector_store %arg9[%swap3A_420, %swap3A_421], %swap3A_424 {strides = array<i32>} : memref<16x128xf32, #tpu.memory_space<vmem>>, vector<1x16xf32>,
    %broadcast_in_dim3A_425 = arith.constant 0.000000e+00 : f32
    %broadcast_in_dim3A_426 = vector.broadcast %broadcast_in_dim3A_425 : f32 to vector<16xf32>
    %swap3A_427 = arith.constant 6 : i32
    %swap3A_428 = arith.index_cast %swap3A_427 : i32 to index
    %swap3A_429 = arith.constant 80 : index
    %swap3A_430 = tpu.vector_load %arg9[%swap3A_428, %swap3A_429] {strides = array<i32>} : memref<16x128xf32, #tpu.memory_space<vmem>>, vector<1x16xf32>,
    %swap3A_431 = vector.shape_cast %swap3A_430 : vector<1x16xf32> to vector<16xf32>
    %swap3A_432 = vector.shape_cast %broadcast_in_dim3A_426 : vector<16xf32> to vector<1x16xf32>
    tpu.vector_store %arg9[%swap3A_428, %swap3A_429], %swap3A_432 {strides = array<i32>} : memref<16x128xf32, #tpu.memory_space<vmem>>, vector<1x16xf32>,
    %broadcast_in_dim3A_433 = arith.constant 0.000000e+00 : f32
    %broadcast_in_dim3A_434 = vector.broadcast %broadcast_in_dim3A_433 : f32 to vector<16xf32>
    %swap3A_435 = arith.constant 6 : i32
    %swap3A_436 = arith.index_cast %swap3A_435 : i32 to index
    %swap3A_437 = arith.constant 96 : index
    %swap3A_438 = tpu.vector_load %arg9[%swap3A_436, %swap3A_437] {strides = array<i32>} : memref<16x128xf32, #tpu.memory_space<vmem>>, vector<1x16xf32>,
    %swap3A_439 = vector.shape_cast %swap3A_438 : vector<1x16xf32> to vector<16xf32>
    %swap3A_440 = vector.shape_cast %broadcast_in_dim3A_434 : vector<16xf32> to vector<1x16xf32>
    tpu.vector_store %arg9[%swap3A_436, %swap3A_437], %swap3A_440 {strides = array<i32>} : memref<16x128xf32, #tpu.memory_space<vmem>>, vector<1x16xf32>,
    %broadcast_in_dim3A_441 = arith.constant 0.000000e+00 : f32
    %broadcast_in_dim3A_442 = vector.broadcast %broadcast_in_dim3A_441 : f32 to vector<16xf32>
    %swap3A_443 = arith.constant 6 : i32
    %swap3A_444 = arith.index_cast %swap3A_443 : i32 to index
    %swap3A_445 = arith.constant 112 : index
    %swap3A_446 = tpu.vector_load %arg9[%swap3A_444, %swap3A_445] {strides = array<i32>} : memref<16x128xf32, #tpu.memory_space<vmem>>, vector<1x16xf32>,
    %swap3A_447 = vector.shape_cast %swap3A_446 : vector<1x16xf32> to vector<16xf32>
    %swap3A_448 = vector.shape_cast %broadcast_in_dim3A_442 : vector<16xf32> to vector<1x16xf32>
    tpu.vector_store %arg9[%swap3A_444, %swap3A_445], %swap3A_448 {strides = array<i32>} : memref<16x128xf32, #tpu.memory_space<vmem>>, vector<1x16xf32>,
    %broadcast_in_dim3A_449 = arith.constant 0.000000e+00 : f32
    %broadcast_in_dim3A_450 = vector.broadcast %broadcast_in_dim3A_449 : f32 to vector<16xf32>
    %swap3A_451 = arith.constant 7 : i32
    %swap3A_452 = arith.index_cast %swap3A_451 : i32 to index
    %swap3A_453 = arith.constant 0 : index
    %swap3A_454 = tpu.vector_load %arg9[%swap3A_452, %swap3A_453] {strides = array<i32>} : memref<16x128xf32, #tpu.memory_space<vmem>>, vector<1x16xf32>,
    %swap3A_455 = vector.shape_cast %swap3A_454 : vector<1x16xf32> to vector<16xf32>
    %swap3A_456 = vector.shape_cast %broadcast_in_dim3A_450 : vector<16xf32> to vector<1x16xf32>
    tpu.vector_store %arg9[%swap3A_452, %swap3A_453], %swap3A_456 {strides = array<i32>} : memref<16x128xf32, #tpu.memory_space<vmem>>, vector<1x16xf32>,
    %broadcast_in_dim3A_457 = arith.constant 0.000000e+00 : f32
    %broadcast_in_dim3A_458 = vector.broadcast %broadcast_in_dim3A_457 : f32 to vector<16xf32>
    %swap3A_459 = arith.constant 7 : i32
    %swap3A_460 = arith.index_cast %swap3A_459 : i32 to index
    %swap3A_461 = arith.constant 16 : index
    %swap3A_462 = tpu.vector_load %arg9[%swap3A_460, %swap3A_461] {strides = array<i32>} : memref<16x128xf32, #tpu.memory_space<vmem>>, vector<1x16xf32>,
    %swap3A_463 = vector.shape_cast %swap3A_462 : vector<1x16xf32> to vector<16xf32>
    %swap3A_464 = vector.shape_cast %broadcast_in_dim3A_458 : vector<16xf32> to vector<1x16xf32>
    tpu.vector_store %arg9[%swap3A_460, %swap3A_461], %swap3A_464 {strides = array<i32>} : memref<16x128xf32, #tpu.memory_space<vmem>>, vector<1x16xf32>,
    %broadcast_in_dim3A_465 = arith.constant 0.000000e+00 : f32
    %broadcast_in_dim3A_466 = vector.broadcast %broadcast_in_dim3A_465 : f32 to vector<16xf32>
    %swap3A_467 = arith.constant 7 : i32
    %swap3A_468 = arith.index_cast %swap3A_467 : i32 to index
    %swap3A_469 = arith.constant 32 : index
    %swap3A_470 = tpu.vector_load %arg9[%swap3A_468, %swap3A_469] {strides = array<i32>} : memref<16x128xf32, #tpu.memory_space<vmem>>, vector<1x16xf32>,
    %swap3A_471 = vector.shape_cast %swap3A_470 : vector<1x16xf32> to vector<16xf32>
    %swap3A_472 = vector.shape_cast %broadcast_in_dim3A_466 : vector<16xf32> to vector<1x16xf32>
    tpu.vector_store %arg9[%swap3A_468, %swap3A_469], %swap3A_472 {strides = array<i32>} : memref<16x128xf32, #tpu.memory_space<vmem>>, vector<1x16xf32>,
    %broadcast_in_dim3A_473 = arith.constant 0.000000e+00 : f32
    %broadcast_in_dim3A_474 = vector.broadcast %broadcast_in_dim3A_473 : f32 to vector<16xf32>
    %swap3A_475 = arith.constant 7 : i32
    %swap3A_476 = arith.index_cast %swap3A_475 : i32 to index
    %swap3A_477 = arith.constant 48 : index
    %swap3A_478 = tpu.vector_load %arg9[%swap3A_476, %swap3A_477] {strides = array<i32>} : memref<16x128xf32, #tpu.memory_space<vmem>>, vector<1x16xf32>,
    %swap3A_479 = vector.shape_cast %swap3A_478 : vector<1x16xf32> to vector<16xf32>
    %swap3A_480 = vector.shape_cast %broadcast_in_dim3A_474 : vector<16xf32> to vector<1x16xf32>
    tpu.vector_store %arg9[%swap3A_476, %swap3A_477], %swap3A_480 {strides = array<i32>} : memref<16x128xf32, #tpu.memory_space<vmem>>, vector<1x16xf32>,
    %broadcast_in_dim3A_481 = arith.constant 0.000000e+00 : f32
    %broadcast_in_dim3A_482 = vector.broadcast %broadcast_in_dim3A_481 : f32 to vector<16xf32>
    %swap3A_483 = arith.constant 7 : i32
    %swap3A_484 = arith.index_cast %swap3A_483 : i32 to index
    %swap3A_485 = arith.constant 64 : index
    %swap3A_486 = tpu.vector_load %arg9[%swap3A_484, %swap3A_485] {strides = array<i32>} : memref<16x128xf32, #tpu.memory_space<vmem>>, vector<1x16xf32>,
    %swap3A_487 = vector.shape_cast %swap3A_486 : vector<1x16xf32> to vector<16xf32>
    %swap3A_488 = vector.shape_cast %broadcast_in_dim3A_482 : vector<16xf32> to vector<1x16xf32>
    tpu.vector_store %arg9[%swap3A_484, %swap3A_485], %swap3A_488 {strides = array<i32>} : memref<16x128xf32, #tpu.memory_space<vmem>>, vector<1x16xf32>,
    %broadcast_in_dim3A_489 = arith.constant 0.000000e+00 : f32
    %broadcast_in_dim3A_490 = vector.broadcast %broadcast_in_dim3A_489 : f32 to vector<16xf32>
    %swap3A_491 = arith.constant 7 : i32
    %swap3A_492 = arith.index_cast %swap3A_491 : i32 to index
    %swap3A_493 = arith.constant 80 : index
    %swap3A_494 = tpu.vector_load %arg9[%swap3A_492, %swap3A_493] {strides = array<i32>} : memref<16x128xf32, #tpu.memory_space<vmem>>, vector<1x16xf32>,
    %swap3A_495 = vector.shape_cast %swap3A_494 : vector<1x16xf32> to vector<16xf32>
    %swap3A_496 = vector.shape_cast %broadcast_in_dim3A_490 : vector<16xf32> to vector<1x16xf32>
    tpu.vector_store %arg9[%swap3A_492, %swap3A_493], %swap3A_496 {strides = array<i32>} : memref<16x128xf32, #tpu.memory_space<vmem>>, vector<1x16xf32>,
    %broadcast_in_dim3A_497 = arith.constant 0.000000e+00 : f32
    %broadcast_in_dim3A_498 = vector.broadcast %broadcast_in_dim3A_497 : f32 to vector<16xf32>
    %swap3A_499 = arith.constant 7 : i32
    %swap3A_500 = arith.index_cast %swap3A_499 : i32 to index
    %swap3A_501 = arith.constant 96 : index
    %swap3A_502 = tpu.vector_load %arg9[%swap3A_500, %swap3A_501] {strides = array<i32>} : memref<16x128xf32, #tpu.memory_space<vmem>>, vector<1x16xf32>,
    %swap3A_503 = vector.shape_cast %swap3A_502 : vector<1x16xf32> to vector<16xf32>
    %swap3A_504 = vector.shape_cast %broadcast_in_dim3A_498 : vector<16xf32> to vector<1x16xf32>
    tpu.vector_store %arg9[%swap3A_500, %swap3A_501], %swap3A_504 {strides = array<i32>} : memref<16x128xf32, #tpu.memory_space<vmem>>, vector<1x16xf32>,
    %broadcast_in_dim3A_505 = arith.constant 0.000000e+00 : f32
    %broadcast_in_dim3A_506 = vector.broadcast %broadcast_in_dim3A_505 : f32 to vector<16xf32>
    %swap3A_507 = arith.constant 7 : i32
    %swap3A_508 = arith.index_cast %swap3A_507 : i32 to index
    %swap3A_509 = arith.constant 112 : index
    %swap3A_510 = tpu.vector_load %arg9[%swap3A_508, %swap3A_509] {strides = array<i32>} : memref<16x128xf32, #tpu.memory_space<vmem>>, vector<1x16xf32>,
    %swap3A_511 = vector.shape_cast %swap3A_510 : vector<1x16xf32> to vector<16xf32>
    %swap3A_512 = vector.shape_cast %broadcast_in_dim3A_506 : vector<16xf32> to vector<1x16xf32>
    tpu.vector_store %arg9[%swap3A_508, %swap3A_509], %swap3A_512 {strides = array<i32>} : memref<16x128xf32, #tpu.memory_space<vmem>>, vector<1x16xf32>,
    %broadcast_in_dim3A_513 = arith.constant 0.000000e+00 : f32
    %broadcast_in_dim3A_514 = vector.broadcast %broadcast_in_dim3A_513 : f32 to vector<16xf32>
    %swap3A_515 = arith.constant 8 : i32
    %swap3A_516 = arith.index_cast %swap3A_515 : i32 to index
    %swap3A_517 = arith.constant 0 : index
    %swap3A_518 = tpu.vector_load %arg9[%swap3A_516, %swap3A_517] {strides = array<i32>} : memref<16x128xf32, #tpu.memory_space<vmem>>, vector<1x16xf32>,
    %swap3A_519 = vector.shape_cast %swap3A_518 : vector<1x16xf32> to vector<16xf32>
    %swap3A_520 = vector.shape_cast %broadcast_in_dim3A_514 : vector<16xf32> to vector<1x16xf32>
    tpu.vector_store %arg9[%swap3A_516, %swap3A_517], %swap3A_520 {strides = array<i32>} : memref<16x128xf32, #tpu.memory_space<vmem>>, vector<1x16xf32>,
    %broadcast_in_dim3A_521 = arith.constant 0.000000e+00 : f32
    %broadcast_in_dim3A_522 = vector.broadcast %broadcast_in_dim3A_521 : f32 to vector<16xf32>
    %swap3A_523 = arith.constant 8 : i32
    %swap3A_524 = arith.index_cast %swap3A_523 : i32 to index
    %swap3A_525 = arith.constant 16 : index
    %swap3A_526 = tpu.vector_load %arg9[%swap3A_524, %swap3A_525] {strides = array<i32>} : memref<16x128xf32, #tpu.memory_space<vmem>>, vector<1x16xf32>,
    %swap3A_527 = vector.shape_cast %swap3A_526 : vector<1x16xf32> to vector<16xf32>
    %swap3A_528 = vector.shape_cast %broadcast_in_dim3A_522 : vector<16xf32> to vector<1x16xf32>
    tpu.vector_store %arg9[%swap3A_524, %swap3A_525], %swap3A_528 {strides = array<i32>} : memref<16x128xf32, #tpu.memory_space<vmem>>, vector<1x16xf32>,
    %broadcast_in_dim3A_529 = arith.constant 0.000000e+00 : f32
    %broadcast_in_dim3A_530 = vector.broadcast %broadcast_in_dim3A_529 : f32 to vector<16xf32>
    %swap3A_531 = arith.constant 8 : i32
    %swap3A_532 = arith.index_cast %swap3A_531 : i32 to index
    %swap3A_533 = arith.constant 32 : index
    %swap3A_534 = tpu.vector_load %arg9[%swap3A_532, %swap3A_533] {strides = array<i32>} : memref<16x128xf32, #tpu.memory_space<vmem>>, vector<1x16xf32>,
    %swap3A_535 = vector.shape_cast %swap3A_534 : vector<1x16xf32> to vector<16xf32>
    %swap3A_536 = vector.shape_cast %broadcast_in_dim3A_530 : vector<16xf32> to vector<1x16xf32>
    tpu.vector_store %arg9[%swap3A_532, %swap3A_533], %swap3A_536 {strides = array<i32>} : memref<16x128xf32, #tpu.memory_space<vmem>>, vector<1x16xf32>,
    %broadcast_in_dim3A_537 = arith.constant 0.000000e+00 : f32
    %broadcast_in_dim3A_538 = vector.broadcast %broadcast_in_dim3A_537 : f32 to vector<16xf32>
    %swap3A_539 = arith.constant 8 : i32
    %swap3A_540 = arith.index_cast %swap3A_539 : i32 to index
    %swap3A_541 = arith.constant 48 : index
    %swap3A_542 = tpu.vector_load %arg9[%swap3A_540, %swap3A_541] {strides = array<i32>} : memref<16x128xf32, #tpu.memory_space<vmem>>, vector<1x16xf32>,
    %swap3A_543 = vector.shape_cast %swap3A_542 : vector<1x16xf32> to vector<16xf32>
    %swap3A_544 = vector.shape_cast %broadcast_in_dim3A_538 : vector<16xf32> to vector<1x16xf32>
    tpu.vector_store %arg9[%swap3A_540, %swap3A_541], %swap3A_544 {strides = array<i32>} : memref<16x128xf32, #tpu.memory_space<vmem>>, vector<1x16xf32>,
    %broadcast_in_dim3A_545 = arith.constant 0.000000e+00 : f32
    %broadcast_in_dim3A_546 = vector.broadcast %broadcast_in_dim3A_545 : f32 to vector<16xf32>
    %swap3A_547 = arith.constant 8 : i32
    %swap3A_548 = arith.index_cast %swap3A_547 : i32 to index
    %swap3A_549 = arith.constant 64 : index
    %swap3A_550 = tpu.vector_load %arg9[%swap3A_548, %swap3A_549] {strides = array<i32>} : memref<16x128xf32, #tpu.memory_space<vmem>>, vector<1x16xf32>,
    %swap3A_551 = vector.shape_cast %swap3A_550 : vector<1x16xf32> to vector<16xf32>
    %swap3A_552 = vector.shape_cast %broadcast_in_dim3A_546 : vector<16xf32> to vector<1x16xf32>
    tpu.vector_store %arg9[%swap3A_548, %swap3A_549], %swap3A_552 {strides = array<i32>} : memref<16x128xf32, #tpu.memory_space<vmem>>, vector<1x16xf32>,
    %broadcast_in_dim3A_553 = arith.constant 0.000000e+00 : f32
    %broadcast_in_dim3A_554 = vector.broadcast %broadcast_in_dim3A_553 : f32 to vector<16xf32>
    %swap3A_555 = arith.constant 8 : i32
    %swap3A_556 = arith.index_cast %swap3A_555 : i32 to index
    %swap3A_557 = arith.constant 80 : index
    %swap3A_558 = tpu.vector_load %arg9[%swap3A_556, %swap3A_557] {strides = array<i32>} : memref<16x128xf32, #tpu.memory_space<vmem>>, vector<1x16xf32>,
    %swap3A_559 = vector.shape_cast %swap3A_558 : vector<1x16xf32> to vector<16xf32>
    %swap3A_560 = vector.shape_cast %broadcast_in_dim3A_554 : vector<16xf32> to vector<1x16xf32>
    tpu.vector_store %arg9[%swap3A_556, %swap3A_557], %swap3A_560 {strides = array<i32>} : memref<16x128xf32, #tpu.memory_space<vmem>>, vector<1x16xf32>,
    %broadcast_in_dim3A_561 = arith.constant 0.000000e+00 : f32
    %broadcast_in_dim3A_562 = vector.broadcast %broadcast_in_dim3A_561 : f32 to vector<16xf32>
    %swap3A_563 = arith.constant 8 : i32
    %swap3A_564 = arith.index_cast %swap3A_563 : i32 to index
    %swap3A_565 = arith.constant 96 : index
    %swap3A_566 = tpu.vector_load %arg9[%swap3A_564, %swap3A_565] {strides = array<i32>} : memref<16x128xf32, #tpu.memory_space<vmem>>, vector<1x16xf32>,
    %swap3A_567 = vector.shape_cast %swap3A_566 : vector<1x16xf32> to vector<16xf32>
    %swap3A_568 = vector.shape_cast %broadcast_in_dim3A_562 : vector<16xf32> to vector<1x16xf32>
    tpu.vector_store %arg9[%swap3A_564, %swap3A_565], %swap3A_568 {strides = array<i32>} : memref<16x128xf32, #tpu.memory_space<vmem>>, vector<1x16xf32>,
    %broadcast_in_dim3A_569 = arith.constant 0.000000e+00 : f32
    %broadcast_in_dim3A_570 = vector.broadcast %broadcast_in_dim3A_569 : f32 to vector<16xf32>
    %swap3A_571 = arith.constant 8 : i32
    %swap3A_572 = arith.index_cast %swap3A_571 : i32 to index
    %swap3A_573 = arith.constant 112 : index
    %swap3A_574 = tpu.vector_load %arg9[%swap3A_572, %swap3A_573] {strides = array<i32>} : memref<16x128xf32, #tpu.memory_space<vmem>>, vector<1x16xf32>,
    %swap3A_575 = vector.shape_cast %swap3A_574 : vector<1x16xf32> to vector<16xf32>
    %swap3A_576 = vector.shape_cast %broadcast_in_dim3A_570 : vector<16xf32> to vector<1x16xf32>
    tpu.vector_store %arg9[%swap3A_572, %swap3A_573], %swap3A_576 {strides = array<i32>} : memref<16x128xf32, #tpu.memory_space<vmem>>, vector<1x16xf32>,
    %broadcast_in_dim3A_577 = arith.constant 0.000000e+00 : f32
    %broadcast_in_dim3A_578 = vector.broadcast %broadcast_in_dim3A_577 : f32 to vector<16xf32>
    %swap3A_579 = arith.constant 9 : i32
    %swap3A_580 = arith.index_cast %swap3A_579 : i32 to index
    %swap3A_581 = arith.constant 0 : index
    %swap3A_582 = tpu.vector_load %arg9[%swap3A_580, %swap3A_581] {strides = array<i32>} : memref<16x128xf32, #tpu.memory_space<vmem>>, vector<1x16xf32>,
    %swap3A_583 = vector.shape_cast %swap3A_582 : vector<1x16xf32> to vector<16xf32>
    %swap3A_584 = vector.shape_cast %broadcast_in_dim3A_578 : vector<16xf32> to vector<1x16xf32>
    tpu.vector_store %arg9[%swap3A_580, %swap3A_581], %swap3A_584 {strides = array<i32>} : memref<16x128xf32, #tpu.memory_space<vmem>>, vector<1x16xf32>,
    %broadcast_in_dim3A_585 = arith.constant 0.000000e+00 : f32
    %broadcast_in_dim3A_586 = vector.broadcast %broadcast_in_dim3A_585 : f32 to vector<16xf32>
    %swap3A_587 = arith.constant 9 : i32
    %swap3A_588 = arith.index_cast %swap3A_587 : i32 to index
    %swap3A_589 = arith.constant 16 : index
    %swap3A_590 = tpu.vector_load %arg9[%swap3A_588, %swap3A_589] {strides = array<i32>} : memref<16x128xf32, #tpu.memory_space<vmem>>, vector<1x16xf32>,
    %swap3A_591 = vector.shape_cast %swap3A_590 : vector<1x16xf32> to vector<16xf32>
    %swap3A_592 = vector.shape_cast %broadcast_in_dim3A_586 : vector<16xf32> to vector<1x16xf32>
    tpu.vector_store %arg9[%swap3A_588, %swap3A_589], %swap3A_592 {strides = array<i32>} : memref<16x128xf32, #tpu.memory_space<vmem>>, vector<1x16xf32>,
    %broadcast_in_dim3A_593 = arith.constant 0.000000e+00 : f32
    %broadcast_in_dim3A_594 = vector.broadcast %broadcast_in_dim3A_593 : f32 to vector<16xf32>
    %swap3A_595 = arith.constant 9 : i32
    %swap3A_596 = arith.index_cast %swap3A_595 : i32 to index
    %swap3A_597 = arith.constant 32 : index
    %swap3A_598 = tpu.vector_load %arg9[%swap3A_596, %swap3A_597] {strides = array<i32>} : memref<16x128xf32, #tpu.memory_space<vmem>>, vector<1x16xf32>,
    %swap3A_599 = vector.shape_cast %swap3A_598 : vector<1x16xf32> to vector<16xf32>
    %swap3A_600 = vector.shape_cast %broadcast_in_dim3A_594 : vector<16xf32> to vector<1x16xf32>
    tpu.vector_store %arg9[%swap3A_596, %swap3A_597], %swap3A_600 {strides = array<i32>} : memref<16x128xf32, #tpu.memory_space<vmem>>, vector<1x16xf32>,
    %broadcast_in_dim3A_601 = arith.constant 0.000000e+00 : f32
    %broadcast_in_dim3A_602 = vector.broadcast %broadcast_in_dim3A_601 : f32 to vector<16xf32>
    %swap3A_603 = arith.constant 9 : i32
    %swap3A_604 = arith.index_cast %swap3A_603 : i32 to index
    %swap3A_605 = arith.constant 48 : index
    %swap3A_606 = tpu.vector_load %arg9[%swap3A_604, %swap3A_605] {strides = array<i32>} : memref<16x128xf32, #tpu.memory_space<vmem>>, vector<1x16xf32>,
    %swap3A_607 = vector.shape_cast %swap3A_606 : vector<1x16xf32> to vector<16xf32>
    %swap3A_608 = vector.shape_cast %broadcast_in_dim3A_602 : vector<16xf32> to vector<1x16xf32>
    tpu.vector_store %arg9[%swap3A_604, %swap3A_605], %swap3A_608 {strides = array<i32>} : memref<16x128xf32, #tpu.memory_space<vmem>>, vector<1x16xf32>,
    %broadcast_in_dim3A_609 = arith.constant 0.000000e+00 : f32
    %broadcast_in_dim3A_610 = vector.broadcast %broadcast_in_dim3A_609 : f32 to vector<16xf32>
    %swap3A_611 = arith.constant 9 : i32
    %swap3A_612 = arith.index_cast %swap3A_611 : i32 to index
    %swap3A_613 = arith.constant 64 : index
    %swap3A_614 = tpu.vector_load %arg9[%swap3A_612, %swap3A_613] {strides = array<i32>} : memref<16x128xf32, #tpu.memory_space<vmem>>, vector<1x16xf32>,
    %swap3A_615 = vector.shape_cast %swap3A_614 : vector<1x16xf32> to vector<16xf32>
    %swap3A_616 = vector.shape_cast %broadcast_in_dim3A_610 : vector<16xf32> to vector<1x16xf32>
    tpu.vector_store %arg9[%swap3A_612, %swap3A_613], %swap3A_616 {strides = array<i32>} : memref<16x128xf32, #tpu.memory_space<vmem>>, vector<1x16xf32>,
    %broadcast_in_dim3A_617 = arith.constant 0.000000e+00 : f32
    %broadcast_in_dim3A_618 = vector.broadcast %broadcast_in_dim3A_617 : f32 to vector<16xf32>
    %swap3A_619 = arith.constant 9 : i32
    %swap3A_620 = arith.index_cast %swap3A_619 : i32 to index
    %swap3A_621 = arith.constant 80 : index
    %swap3A_622 = tpu.vector_load %arg9[%swap3A_620, %swap3A_621] {strides = array<i32>} : memref<16x128xf32, #tpu.memory_space<vmem>>, vector<1x16xf32>,
    %swap3A_623 = vector.shape_cast %swap3A_622 : vector<1x16xf32> to vector<16xf32>
    %swap3A_624 = vector.shape_cast %broadcast_in_dim3A_618 : vector<16xf32> to vector<1x16xf32>
    tpu.vector_store %arg9[%swap3A_620, %swap3A_621], %swap3A_624 {strides = array<i32>} : memref<16x128xf32, #tpu.memory_space<vmem>>, vector<1x16xf32>,
    %broadcast_in_dim3A_625 = arith.constant 0.000000e+00 : f32
    %broadcast_in_dim3A_626 = vector.broadcast %broadcast_in_dim3A_625 : f32 to vector<16xf32>
    %swap3A_627 = arith.constant 9 : i32
    %swap3A_628 = arith.index_cast %swap3A_627 : i32 to index
    %swap3A_629 = arith.constant 96 : index
    %swap3A_630 = tpu.vector_load %arg9[%swap3A_628, %swap3A_629] {strides = array<i32>} : memref<16x128xf32, #tpu.memory_space<vmem>>, vector<1x16xf32>,
    %swap3A_631 = vector.shape_cast %swap3A_630 : vector<1x16xf32> to vector<16xf32>
    %swap3A_632 = vector.shape_cast %broadcast_in_dim3A_626 : vector<16xf32> to vector<1x16xf32>
    tpu.vector_store %arg9[%swap3A_628, %swap3A_629], %swap3A_632 {strides = array<i32>} : memref<16x128xf32, #tpu.memory_space<vmem>>, vector<1x16xf32>,
    %broadcast_in_dim3A_633 = arith.constant 0.000000e+00 : f32
    %broadcast_in_dim3A_634 = vector.broadcast %broadcast_in_dim3A_633 : f32 to vector<16xf32>
    %swap3A_635 = arith.constant 9 : i32
    %swap3A_636 = arith.index_cast %swap3A_635 : i32 to index
    %swap3A_637 = arith.constant 112 : index
    %swap3A_638 = tpu.vector_load %arg9[%swap3A_636, %swap3A_637] {strides = array<i32>} : memref<16x128xf32, #tpu.memory_space<vmem>>, vector<1x16xf32>,
    %swap3A_639 = vector.shape_cast %swap3A_638 : vector<1x16xf32> to vector<16xf32>
    %swap3A_640 = vector.shape_cast %broadcast_in_dim3A_634 : vector<16xf32> to vector<1x16xf32>
    tpu.vector_store %arg9[%swap3A_636, %swap3A_637], %swap3A_640 {strides = array<i32>} : memref<16x128xf32, #tpu.memory_space<vmem>>, vector<1x16xf32>,
    %broadcast_in_dim3A_641 = arith.constant 0.000000e+00 : f32
    %broadcast_in_dim3A_642 = vector.broadcast %broadcast_in_dim3A_641 : f32 to vector<16xf32>
    %swap3A_643 = arith.constant 10 : i32
    %swap3A_644 = arith.index_cast %swap3A_643 : i32 to index
    %swap3A_645 = arith.constant 0 : index
    %swap3A_646 = tpu.vector_load %arg9[%swap3A_644, %swap3A_645] {strides = array<i32>} : memref<16x128xf32, #tpu.memory_space<vmem>>, vector<1x16xf32>,
    %swap3A_647 = vector.shape_cast %swap3A_646 : vector<1x16xf32> to vector<16xf32>
    %swap3A_648 = vector.shape_cast %broadcast_in_dim3A_642 : vector<16xf32> to vector<1x16xf32>
    tpu.vector_store %arg9[%swap3A_644, %swap3A_645], %swap3A_648 {strides = array<i32>} : memref<16x128xf32, #tpu.memory_space<vmem>>, vector<1x16xf32>,
    %broadcast_in_dim3A_649 = arith.constant 0.000000e+00 : f32
    %broadcast_in_dim3A_650 = vector.broadcast %broadcast_in_dim3A_649 : f32 to vector<16xf32>
    %swap3A_651 = arith.constant 10 : i32
    %swap3A_652 = arith.index_cast %swap3A_651 : i32 to index
    %swap3A_653 = arith.constant 16 : index
    %swap3A_654 = tpu.vector_load %arg9[%swap3A_652, %swap3A_653] {strides = array<i32>} : memref<16x128xf32, #tpu.memory_space<vmem>>, vector<1x16xf32>,
    %swap3A_655 = vector.shape_cast %swap3A_654 : vector<1x16xf32> to vector<16xf32>
    %swap3A_656 = vector.shape_cast %broadcast_in_dim3A_650 : vector<16xf32> to vector<1x16xf32>
    tpu.vector_store %arg9[%swap3A_652, %swap3A_653], %swap3A_656 {strides = array<i32>} : memref<16x128xf32, #tpu.memory_space<vmem>>, vector<1x16xf32>,
    %broadcast_in_dim3A_657 = arith.constant 0.000000e+00 : f32
    %broadcast_in_dim3A_658 = vector.broadcast %broadcast_in_dim3A_657 : f32 to vector<16xf32>
    %swap3A_659 = arith.constant 10 : i32
    %swap3A_660 = arith.index_cast %swap3A_659 : i32 to index
    %swap3A_661 = arith.constant 32 : index
    %swap3A_662 = tpu.vector_load %arg9[%swap3A_660, %swap3A_661] {strides = array<i32>} : memref<16x128xf32, #tpu.memory_space<vmem>>, vector<1x16xf32>,
    %swap3A_663 = vector.shape_cast %swap3A_662 : vector<1x16xf32> to vector<16xf32>
    %swap3A_664 = vector.shape_cast %broadcast_in_dim3A_658 : vector<16xf32> to vector<1x16xf32>
    tpu.vector_store %arg9[%swap3A_660, %swap3A_661], %swap3A_664 {strides = array<i32>} : memref<16x128xf32, #tpu.memory_space<vmem>>, vector<1x16xf32>,
    %broadcast_in_dim3A_665 = arith.constant 0.000000e+00 : f32
    %broadcast_in_dim3A_666 = vector.broadcast %broadcast_in_dim3A_665 : f32 to vector<16xf32>
    %swap3A_667 = arith.constant 10 : i32
    %swap3A_668 = arith.index_cast %swap3A_667 : i32 to index
    %swap3A_669 = arith.constant 48 : index
    %swap3A_670 = tpu.vector_load %arg9[%swap3A_668, %swap3A_669] {strides = array<i32>} : memref<16x128xf32, #tpu.memory_space<vmem>>, vector<1x16xf32>,
    %swap3A_671 = vector.shape_cast %swap3A_670 : vector<1x16xf32> to vector<16xf32>
    %swap3A_672 = vector.shape_cast %broadcast_in_dim3A_666 : vector<16xf32> to vector<1x16xf32>
    tpu.vector_store %arg9[%swap3A_668, %swap3A_669], %swap3A_672 {strides = array<i32>} : memref<16x128xf32, #tpu.memory_space<vmem>>, vector<1x16xf32>,
    %broadcast_in_dim3A_673 = arith.constant 0.000000e+00 : f32
    %broadcast_in_dim3A_674 = vector.broadcast %broadcast_in_dim3A_673 : f32 to vector<16xf32>
    %swap3A_675 = arith.constant 10 : i32
    %swap3A_676 = arith.index_cast %swap3A_675 : i32 to index
    %swap3A_677 = arith.constant 64 : index
    %swap3A_678 = tpu.vector_load %arg9[%swap3A_676, %swap3A_677] {strides = array<i32>} : memref<16x128xf32, #tpu.memory_space<vmem>>, vector<1x16xf32>,
    %swap3A_679 = vector.shape_cast %swap3A_678 : vector<1x16xf32> to vector<16xf32>
    %swap3A_680 = vector.shape_cast %broadcast_in_dim3A_674 : vector<16xf32> to vector<1x16xf32>
    tpu.vector_store %arg9[%swap3A_676, %swap3A_677], %swap3A_680 {strides = array<i32>} : memref<16x128xf32, #tpu.memory_space<vmem>>, vector<1x16xf32>,
    %broadcast_in_dim3A_681 = arith.constant 0.000000e+00 : f32
    %broadcast_in_dim3A_682 = vector.broadcast %broadcast_in_dim3A_681 : f32 to vector<16xf32>
    %swap3A_683 = arith.constant 10 : i32
    %swap3A_684 = arith.index_cast %swap3A_683 : i32 to index
    %swap3A_685 = arith.constant 80 : index
    %swap3A_686 = tpu.vector_load %arg9[%swap3A_684, %swap3A_685] {strides = array<i32>} : memref<16x128xf32, #tpu.memory_space<vmem>>, vector<1x16xf32>,
    %swap3A_687 = vector.shape_cast %swap3A_686 : vector<1x16xf32> to vector<16xf32>
    %swap3A_688 = vector.shape_cast %broadcast_in_dim3A_682 : vector<16xf32> to vector<1x16xf32>
    tpu.vector_store %arg9[%swap3A_684, %swap3A_685], %swap3A_688 {strides = array<i32>} : memref<16x128xf32, #tpu.memory_space<vmem>>, vector<1x16xf32>,
    %broadcast_in_dim3A_689 = arith.constant 0.000000e+00 : f32
    %broadcast_in_dim3A_690 = vector.broadcast %broadcast_in_dim3A_689 : f32 to vector<16xf32>
    %swap3A_691 = arith.constant 10 : i32
    %swap3A_692 = arith.index_cast %swap3A_691 : i32 to index
    %swap3A_693 = arith.constant 96 : index
    %swap3A_694 = tpu.vector_load %arg9[%swap3A_692, %swap3A_693] {strides = array<i32>} : memref<16x128xf32, #tpu.memory_space<vmem>>, vector<1x16xf32>,
    %swap3A_695 = vector.shape_cast %swap3A_694 : vector<1x16xf32> to vector<16xf32>
    %swap3A_696 = vector.shape_cast %broadcast_in_dim3A_690 : vector<16xf32> to vector<1x16xf32>
    tpu.vector_store %arg9[%swap3A_692, %swap3A_693], %swap3A_696 {strides = array<i32>} : memref<16x128xf32, #tpu.memory_space<vmem>>, vector<1x16xf32>,
    %broadcast_in_dim3A_697 = arith.constant 0.000000e+00 : f32
    %broadcast_in_dim3A_698 = vector.broadcast %broadcast_in_dim3A_697 : f32 to vector<16xf32>
    %swap3A_699 = arith.constant 10 : i32
    %swap3A_700 = arith.index_cast %swap3A_699 : i32 to index
    %swap3A_701 = arith.constant 112 : index
    %swap3A_702 = tpu.vector_load %arg9[%swap3A_700, %swap3A_701] {strides = array<i32>} : memref<16x128xf32, #tpu.memory_space<vmem>>, vector<1x16xf32>,
    %swap3A_703 = vector.shape_cast %swap3A_702 : vector<1x16xf32> to vector<16xf32>
    %swap3A_704 = vector.shape_cast %broadcast_in_dim3A_698 : vector<16xf32> to vector<1x16xf32>
    tpu.vector_store %arg9[%swap3A_700, %swap3A_701], %swap3A_704 {strides = array<i32>} : memref<16x128xf32, #tpu.memory_space<vmem>>, vector<1x16xf32>,
    %broadcast_in_dim3A_705 = arith.constant 0.000000e+00 : f32
    %broadcast_in_dim3A_706 = vector.broadcast %broadcast_in_dim3A_705 : f32 to vector<16xf32>
    %swap3A_707 = arith.constant 11 : i32
    %swap3A_708 = arith.index_cast %swap3A_707 : i32 to index
    %swap3A_709 = arith.constant 0 : index
    %swap3A_710 = tpu.vector_load %arg9[%swap3A_708, %swap3A_709] {strides = array<i32>} : memref<16x128xf32, #tpu.memory_space<vmem>>, vector<1x16xf32>,
    %swap3A_711 = vector.shape_cast %swap3A_710 : vector<1x16xf32> to vector<16xf32>
    %swap3A_712 = vector.shape_cast %broadcast_in_dim3A_706 : vector<16xf32> to vector<1x16xf32>
    tpu.vector_store %arg9[%swap3A_708, %swap3A_709], %swap3A_712 {strides = array<i32>} : memref<16x128xf32, #tpu.memory_space<vmem>>, vector<1x16xf32>,
    %broadcast_in_dim3A_713 = arith.constant 0.000000e+00 : f32
    %broadcast_in_dim3A_714 = vector.broadcast %broadcast_in_dim3A_713 : f32 to vector<16xf32>
    %swap3A_715 = arith.constant 11 : i32
    %swap3A_716 = arith.index_cast %swap3A_715 : i32 to index
    %swap3A_717 = arith.constant 16 : index
    %swap3A_718 = tpu.vector_load %arg9[%swap3A_716, %swap3A_717] {strides = array<i32>} : memref<16x128xf32, #tpu.memory_space<vmem>>, vector<1x16xf32>,
    %swap3A_719 = vector.shape_cast %swap3A_718 : vector<1x16xf32> to vector<16xf32>
    %swap3A_720 = vector.shape_cast %broadcast_in_dim3A_714 : vector<16xf32> to vector<1x16xf32>
    tpu.vector_store %arg9[%swap3A_716, %swap3A_717], %swap3A_720 {strides = array<i32>} : memref<16x128xf32, #tpu.memory_space<vmem>>, vector<1x16xf32>,
    %broadcast_in_dim3A_721 = arith.constant 0.000000e+00 : f32
    %broadcast_in_dim3A_722 = vector.broadcast %broadcast_in_dim3A_721 : f32 to vector<16xf32>
    %swap3A_723 = arith.constant 11 : i32
    %swap3A_724 = arith.index_cast %swap3A_723 : i32 to index
    %swap3A_725 = arith.constant 32 : index
    %swap3A_726 = tpu.vector_load %arg9[%swap3A_724, %swap3A_725] {strides = array<i32>} : memref<16x128xf32, #tpu.memory_space<vmem>>, vector<1x16xf32>,
    %swap3A_727 = vector.shape_cast %swap3A_726 : vector<1x16xf32> to vector<16xf32>
    %swap3A_728 = vector.shape_cast %broadcast_in_dim3A_722 : vector<16xf32> to vector<1x16xf32>
    tpu.vector_store %arg9[%swap3A_724, %swap3A_725], %swap3A_728 {strides = array<i32>} : memref<16x128xf32, #tpu.memory_space<vmem>>, vector<1x16xf32>,
    %broadcast_in_dim3A_729 = arith.constant 0.000000e+00 : f32
    %broadcast_in_dim3A_730 = vector.broadcast %broadcast_in_dim3A_729 : f32 to vector<16xf32>
    %swap3A_731 = arith.constant 11 : i32
    %swap3A_732 = arith.index_cast %swap3A_731 : i32 to index
    %swap3A_733 = arith.constant 48 : index
    %swap3A_734 = tpu.vector_load %arg9[%swap3A_732, %swap3A_733] {strides = array<i32>} : memref<16x128xf32, #tpu.memory_space<vmem>>, vector<1x16xf32>,
    %swap3A_735 = vector.shape_cast %swap3A_734 : vector<1x16xf32> to vector<16xf32>
    %swap3A_736 = vector.shape_cast %broadcast_in_dim3A_730 : vector<16xf32> to vector<1x16xf32>
    tpu.vector_store %arg9[%swap3A_732, %swap3A_733], %swap3A_736 {strides = array<i32>} : memref<16x128xf32, #tpu.memory_space<vmem>>, vector<1x16xf32>,
    %broadcast_in_dim3A_737 = arith.constant 0.000000e+00 : f32
    %broadcast_in_dim3A_738 = vector.broadcast %broadcast_in_dim3A_737 : f32 to vector<16xf32>
    %swap3A_739 = arith.constant 11 : i32
    %swap3A_740 = arith.index_cast %swap3A_739 : i32 to index
    %swap3A_741 = arith.constant 64 : index
    %swap3A_742 = tpu.vector_load %arg9[%swap3A_740, %swap3A_741] {strides = array<i32>} : memref<16x128xf32, #tpu.memory_space<vmem>>, vector<1x16xf32>,
    %swap3A_743 = vector.shape_cast %swap3A_742 : vector<1x16xf32> to vector<16xf32>
    %swap3A_744 = vector.shape_cast %broadcast_in_dim3A_738 : vector<16xf32> to vector<1x16xf32>
    tpu.vector_store %arg9[%swap3A_740, %swap3A_741], %swap3A_744 {strides = array<i32>} : memref<16x128xf32, #tpu.memory_space<vmem>>, vector<1x16xf32>,
    %broadcast_in_dim3A_745 = arith.constant 0.000000e+00 : f32
    %broadcast_in_dim3A_746 = vector.broadcast %broadcast_in_dim3A_745 : f32 to vector<16xf32>
    %swap3A_747 = arith.constant 11 : i32
    %swap3A_748 = arith.index_cast %swap3A_747 : i32 to index
    %swap3A_749 = arith.constant 80 : index
    %swap3A_750 = tpu.vector_load %arg9[%swap3A_748, %swap3A_749] {strides = array<i32>} : memref<16x128xf32, #tpu.memory_space<vmem>>, vector<1x16xf32>,
    %swap3A_751 = vector.shape_cast %swap3A_750 : vector<1x16xf32> to vector<16xf32>
    %swap3A_752 = vector.shape_cast %broadcast_in_dim3A_746 : vector<16xf32> to vector<1x16xf32>
    tpu.vector_store %arg9[%swap3A_748, %swap3A_749], %swap3A_752 {strides = array<i32>} : memref<16x128xf32, #tpu.memory_space<vmem>>, vector<1x16xf32>,
    %broadcast_in_dim3A_753 = arith.constant 0.000000e+00 : f32
    %broadcast_in_dim3A_754 = vector.broadcast %broadcast_in_dim3A_753 : f32 to vector<16xf32>
    %swap3A_755 = arith.constant 11 : i32
    %swap3A_756 = arith.index_cast %swap3A_755 : i32 to index
    %swap3A_757 = arith.constant 96 : index
    %swap3A_758 = tpu.vector_load %arg9[%swap3A_756, %swap3A_757] {strides = array<i32>} : memref<16x128xf32, #tpu.memory_space<vmem>>, vector<1x16xf32>,
    %swap3A_759 = vector.shape_cast %swap3A_758 : vector<1x16xf32> to vector<16xf32>
    %swap3A_760 = vector.shape_cast %broadcast_in_dim3A_754 : vector<16xf32> to vector<1x16xf32>
    tpu.vector_store %arg9[%swap3A_756, %swap3A_757], %swap3A_760 {strides = array<i32>} : memref<16x128xf32, #tpu.memory_space<vmem>>, vector<1x16xf32>,
    %broadcast_in_dim3A_761 = arith.constant 0.000000e+00 : f32
    %broadcast_in_dim3A_762 = vector.broadcast %broadcast_in_dim3A_761 : f32 to vector<16xf32>
    %swap3A_763 = arith.constant 11 : i32
    %swap3A_764 = arith.index_cast %swap3A_763 : i32 to index
    %swap3A_765 = arith.constant 112 : index
    %swap3A_766 = tpu.vector_load %arg9[%swap3A_764, %swap3A_765] {strides = array<i32>} : memref<16x128xf32, #tpu.memory_space<vmem>>, vector<1x16xf32>,
    %swap3A_767 = vector.shape_cast %swap3A_766 : vector<1x16xf32> to vector<16xf32>
    %swap3A_768 = vector.shape_cast %broadcast_in_dim3A_762 : vector<16xf32> to vector<1x16xf32>
    tpu.vector_store %arg9[%swap3A_764, %swap3A_765], %swap3A_768 {strides = array<i32>} : memref<16x128xf32, #tpu.memory_space<vmem>>, vector<1x16xf32>,
    %broadcast_in_dim3A_769 = arith.constant 0.000000e+00 : f32
    %broadcast_in_dim3A_770 = vector.broadcast %broadcast_in_dim3A_769 : f32 to vector<16xf32>
    %swap3A_771 = arith.constant 12 : i32
    %swap3A_772 = arith.index_cast %swap3A_771 : i32 to index
    %swap3A_773 = arith.constant 0 : index
    %swap3A_774 = tpu.vector_load %arg9[%swap3A_772, %swap3A_773] {strides = array<i32>} : memref<16x128xf32, #tpu.memory_space<vmem>>, vector<1x16xf32>,
    %swap3A_775 = vector.shape_cast %swap3A_774 : vector<1x16xf32> to vector<16xf32>
    %swap3A_776 = vector.shape_cast %broadcast_in_dim3A_770 : vector<16xf32> to vector<1x16xf32>
    tpu.vector_store %arg9[%swap3A_772, %swap3A_773], %swap3A_776 {strides = array<i32>} : memref<16x128xf32, #tpu.memory_space<vmem>>, vector<1x16xf32>,
    %broadcast_in_dim3A_777 = arith.constant 0.000000e+00 : f32
    %broadcast_in_dim3A_778 = vector.broadcast %broadcast_in_dim3A_777 : f32 to vector<16xf32>
    %swap3A_779 = arith.constant 12 : i32
    %swap3A_780 = arith.index_cast %swap3A_779 : i32 to index
    %swap3A_781 = arith.constant 16 : index
    %swap3A_782 = tpu.vector_load %arg9[%swap3A_780, %swap3A_781] {strides = array<i32>} : memref<16x128xf32, #tpu.memory_space<vmem>>, vector<1x16xf32>,
    %swap3A_783 = vector.shape_cast %swap3A_782 : vector<1x16xf32> to vector<16xf32>
    %swap3A_784 = vector.shape_cast %broadcast_in_dim3A_778 : vector<16xf32> to vector<1x16xf32>
    tpu.vector_store %arg9[%swap3A_780, %swap3A_781], %swap3A_784 {strides = array<i32>} : memref<16x128xf32, #tpu.memory_space<vmem>>, vector<1x16xf32>,
    %broadcast_in_dim3A_785 = arith.constant 0.000000e+00 : f32
    %broadcast_in_dim3A_786 = vector.broadcast %broadcast_in_dim3A_785 : f32 to vector<16xf32>
    %swap3A_787 = arith.constant 12 : i32
    %swap3A_788 = arith.index_cast %swap3A_787 : i32 to index
    %swap3A_789 = arith.constant 32 : index
    %swap3A_790 = tpu.vector_load %arg9[%swap3A_788, %swap3A_789] {strides = array<i32>} : memref<16x128xf32, #tpu.memory_space<vmem>>, vector<1x16xf32>,
    %swap3A_791 = vector.shape_cast %swap3A_790 : vector<1x16xf32> to vector<16xf32>
    %swap3A_792 = vector.shape_cast %broadcast_in_dim3A_786 : vector<16xf32> to vector<1x16xf32>
    tpu.vector_store %arg9[%swap3A_788, %swap3A_789], %swap3A_792 {strides = array<i32>} : memref<16x128xf32, #tpu.memory_space<vmem>>, vector<1x16xf32>,
    %broadcast_in_dim3A_793 = arith.constant 0.000000e+00 : f32
    %broadcast_in_dim3A_794 = vector.broadcast %broadcast_in_dim3A_793 : f32 to vector<16xf32>
    %swap3A_795 = arith.constant 12 : i32
    %swap3A_796 = arith.index_cast %swap3A_795 : i32 to index
    %swap3A_797 = arith.constant 48 : index
    %swap3A_798 = tpu.vector_load %arg9[%swap3A_796, %swap3A_797] {strides = array<i32>} : memref<16x128xf32, #tpu.memory_space<vmem>>, vector<1x16xf32>,
    %swap3A_799 = vector.shape_cast %swap3A_798 : vector<1x16xf32> to vector<16xf32>
    %swap3A_800 = vector.shape_cast %broadcast_in_dim3A_794 : vector<16xf32> to vector<1x16xf32>
    tpu.vector_store %arg9[%swap3A_796, %swap3A_797], %swap3A_800 {strides = array<i32>} : memref<16x128xf32, #tpu.memory_space<vmem>>, vector<1x16xf32>,
    %broadcast_in_dim3A_801 = arith.constant 0.000000e+00 : f32
    %broadcast_in_dim3A_802 = vector.broadcast %broadcast_in_dim3A_801 : f32 to vector<16xf32>
    %swap3A_803 = arith.constant 12 : i32
    %swap3A_804 = arith.index_cast %swap3A_803 : i32 to index
    %swap3A_805 = arith.constant 64 : index
    %swap3A_806 = tpu.vector_load %arg9[%swap3A_804, %swap3A_805] {strides = array<i32>} : memref<16x128xf32, #tpu.memory_space<vmem>>, vector<1x16xf32>,
    %swap3A_807 = vector.shape_cast %swap3A_806 : vector<1x16xf32> to vector<16xf32>
    %swap3A_808 = vector.shape_cast %broadcast_in_dim3A_802 : vector<16xf32> to vector<1x16xf32>
    tpu.vector_store %arg9[%swap3A_804, %swap3A_805], %swap3A_808 {strides = array<i32>} : memref<16x128xf32, #tpu.memory_space<vmem>>, vector<1x16xf32>,
    %broadcast_in_dim3A_809 = arith.constant 0.000000e+00 : f32
    %broadcast_in_dim3A_810 = vector.broadcast %broadcast_in_dim3A_809 : f32 to vector<16xf32>
    %swap3A_811 = arith.constant 12 : i32
    %swap3A_812 = arith.index_cast %swap3A_811 : i32 to index
    %swap3A_813 = arith.constant 80 : index
    %swap3A_814 = tpu.vector_load %arg9[%swap3A_812, %swap3A_813] {strides = array<i32>} : memref<16x128xf32, #tpu.memory_space<vmem>>, vector<1x16xf32>,
    %swap3A_815 = vector.shape_cast %swap3A_814 : vector<1x16xf32> to vector<16xf32>
    %swap3A_816 = vector.shape_cast %broadcast_in_dim3A_810 : vector<16xf32> to vector<1x16xf32>
    tpu.vector_store %arg9[%swap3A_812, %swap3A_813], %swap3A_816 {strides = array<i32>} : memref<16x128xf32, #tpu.memory_space<vmem>>, vector<1x16xf32>,
    %broadcast_in_dim3A_817 = arith.constant 0.000000e+00 : f32
    %broadcast_in_dim3A_818 = vector.broadcast %broadcast_in_dim3A_817 : f32 to vector<16xf32>
    %swap3A_819 = arith.constant 12 : i32
    %swap3A_820 = arith.index_cast %swap3A_819 : i32 to index
    %swap3A_821 = arith.constant 96 : index
    %swap3A_822 = tpu.vector_load %arg9[%swap3A_820, %swap3A_821] {strides = array<i32>} : memref<16x128xf32, #tpu.memory_space<vmem>>, vector<1x16xf32>,
    %swap3A_823 = vector.shape_cast %swap3A_822 : vector<1x16xf32> to vector<16xf32>
    %swap3A_824 = vector.shape_cast %broadcast_in_dim3A_818 : vector<16xf32> to vector<1x16xf32>
    tpu.vector_store %arg9[%swap3A_820, %swap3A_821], %swap3A_824 {strides = array<i32>} : memref<16x128xf32, #tpu.memory_space<vmem>>, vector<1x16xf32>,
    %broadcast_in_dim3A_825 = arith.constant 0.000000e+00 : f32
    %broadcast_in_dim3A_826 = vector.broadcast %broadcast_in_dim3A_825 : f32 to vector<16xf32>
    %swap3A_827 = arith.constant 12 : i32
    %swap3A_828 = arith.index_cast %swap3A_827 : i32 to index
    %swap3A_829 = arith.constant 112 : index
    %swap3A_830 = tpu.vector_load %arg9[%swap3A_828, %swap3A_829] {strides = array<i32>} : memref<16x128xf32, #tpu.memory_space<vmem>>, vector<1x16xf32>,
    %swap3A_831 = vector.shape_cast %swap3A_830 : vector<1x16xf32> to vector<16xf32>
    %swap3A_832 = vector.shape_cast %broadcast_in_dim3A_826 : vector<16xf32> to vector<1x16xf32>
    tpu.vector_store %arg9[%swap3A_828, %swap3A_829], %swap3A_832 {strides = array<i32>} : memref<16x128xf32, #tpu.memory_space<vmem>>, vector<1x16xf32>,
    %broadcast_in_dim3A_833 = arith.constant 0.000000e+00 : f32
    %broadcast_in_dim3A_834 = vector.broadcast %broadcast_in_dim3A_833 : f32 to vector<16xf32>
    %swap3A_835 = arith.constant 13 : i32
    %swap3A_836 = arith.index_cast %swap3A_835 : i32 to index
    %swap3A_837 = arith.constant 0 : index
    %swap3A_838 = tpu.vector_load %arg9[%swap3A_836, %swap3A_837] {strides = array<i32>} : memref<16x128xf32, #tpu.memory_space<vmem>>, vector<1x16xf32>,
    %swap3A_839 = vector.shape_cast %swap3A_838 : vector<1x16xf32> to vector<16xf32>
    %swap3A_840 = vector.shape_cast %broadcast_in_dim3A_834 : vector<16xf32> to vector<1x16xf32>
    tpu.vector_store %arg9[%swap3A_836, %swap3A_837], %swap3A_840 {strides = array<i32>} : memref<16x128xf32, #tpu.memory_space<vmem>>, vector<1x16xf32>,
    %broadcast_in_dim3A_841 = arith.constant 0.000000e+00 : f32
    %broadcast_in_dim3A_842 = vector.broadcast %broadcast_in_dim3A_841 : f32 to vector<16xf32>
    %swap3A_843 = arith.constant 13 : i32
    %swap3A_844 = arith.index_cast %swap3A_843 : i32 to index
    %swap3A_845 = arith.constant 16 : index
    %swap3A_846 = tpu.vector_load %arg9[%swap3A_844, %swap3A_845] {strides = array<i32>} : memref<16x128xf32, #tpu.memory_space<vmem>>, vector<1x16xf32>,
    %swap3A_847 = vector.shape_cast %swap3A_846 : vector<1x16xf32> to vector<16xf32>
    %swap3A_848 = vector.shape_cast %broadcast_in_dim3A_842 : vector<16xf32> to vector<1x16xf32>
    tpu.vector_store %arg9[%swap3A_844, %swap3A_845], %swap3A_848 {strides = array<i32>} : memref<16x128xf32, #tpu.memory_space<vmem>>, vector<1x16xf32>,
    %broadcast_in_dim3A_849 = arith.constant 0.000000e+00 : f32
    %broadcast_in_dim3A_850 = vector.broadcast %broadcast_in_dim3A_849 : f32 to vector<16xf32>
    %swap3A_851 = arith.constant 13 : i32
    %swap3A_852 = arith.index_cast %swap3A_851 : i32 to index
    %swap3A_853 = arith.constant 32 : index
    %swap3A_854 = tpu.vector_load %arg9[%swap3A_852, %swap3A_853] {strides = array<i32>} : memref<16x128xf32, #tpu.memory_space<vmem>>, vector<1x16xf32>,
    %swap3A_855 = vector.shape_cast %swap3A_854 : vector<1x16xf32> to vector<16xf32>
    %swap3A_856 = vector.shape_cast %broadcast_in_dim3A_850 : vector<16xf32> to vector<1x16xf32>
    tpu.vector_store %arg9[%swap3A_852, %swap3A_853], %swap3A_856 {strides = array<i32>} : memref<16x128xf32, #tpu.memory_space<vmem>>, vector<1x16xf32>,
    %broadcast_in_dim3A_857 = arith.constant 0.000000e+00 : f32
    %broadcast_in_dim3A_858 = vector.broadcast %broadcast_in_dim3A_857 : f32 to vector<16xf32>
    %swap3A_859 = arith.constant 13 : i32
    %swap3A_860 = arith.index_cast %swap3A_859 : i32 to index
    %swap3A_861 = arith.constant 48 : index
    %swap3A_862 = tpu.vector_load %arg9[%swap3A_860, %swap3A_861] {strides = array<i32>} : memref<16x128xf32, #tpu.memory_space<vmem>>, vector<1x16xf32>,
    %swap3A_863 = vector.shape_cast %swap3A_862 : vector<1x16xf32> to vector<16xf32>
    %swap3A_864 = vector.shape_cast %broadcast_in_dim3A_858 : vector<16xf32> to vector<1x16xf32>
    tpu.vector_store %arg9[%swap3A_860, %swap3A_861], %swap3A_864 {strides = array<i32>} : memref<16x128xf32, #tpu.memory_space<vmem>>, vector<1x16xf32>,
    %broadcast_in_dim3A_865 = arith.constant 0.000000e+00 : f32
    %broadcast_in_dim3A_866 = vector.broadcast %broadcast_in_dim3A_865 : f32 to vector<16xf32>
    %swap3A_867 = arith.constant 13 : i32
    %swap3A_868 = arith.index_cast %swap3A_867 : i32 to index
    %swap3A_869 = arith.constant 64 : index
    %swap3A_870 = tpu.vector_load %arg9[%swap3A_868, %swap3A_869] {strides = array<i32>} : memref<16x128xf32, #tpu.memory_space<vmem>>, vector<1x16xf32>,
    %swap3A_871 = vector.shape_cast %swap3A_870 : vector<1x16xf32> to vector<16xf32>
    %swap3A_872 = vector.shape_cast %broadcast_in_dim3A_866 : vector<16xf32> to vector<1x16xf32>
    tpu.vector_store %arg9[%swap3A_868, %swap3A_869], %swap3A_872 {strides = array<i32>} : memref<16x128xf32, #tpu.memory_space<vmem>>, vector<1x16xf32>,
    %broadcast_in_dim3A_873 = arith.constant 0.000000e+00 : f32
    %broadcast_in_dim3A_874 = vector.broadcast %broadcast_in_dim3A_873 : f32 to vector<16xf32>
    %swap3A_875 = arith.constant 13 : i32
    %swap3A_876 = arith.index_cast %swap3A_875 : i32 to index
    %swap3A_877 = arith.constant 80 : index
    %swap3A_878 = tpu.vector_load %arg9[%swap3A_876, %swap3A_877] {strides = array<i32>} : memref<16x128xf32, #tpu.memory_space<vmem>>, vector<1x16xf32>,
    %swap3A_879 = vector.shape_cast %swap3A_878 : vector<1x16xf32> to vector<16xf32>
    %swap3A_880 = vector.shape_cast %broadcast_in_dim3A_874 : vector<16xf32> to vector<1x16xf32>
    tpu.vector_store %arg9[%swap3A_876, %swap3A_877], %swap3A_880 {strides = array<i32>} : memref<16x128xf32, #tpu.memory_space<vmem>>, vector<1x16xf32>,
    %broadcast_in_dim3A_881 = arith.constant 0.000000e+00 : f32
    %broadcast_in_dim3A_882 = vector.broadcast %broadcast_in_dim3A_881 : f32 to vector<16xf32>
    %swap3A_883 = arith.constant 13 : i32
    %swap3A_884 = arith.index_cast %swap3A_883 : i32 to index
    %swap3A_885 = arith.constant 96 : index
    %swap3A_886 = tpu.vector_load %arg9[%swap3A_884, %swap3A_885] {strides = array<i32>} : memref<16x128xf32, #tpu.memory_space<vmem>>, vector<1x16xf32>,
    %swap3A_887 = vector.shape_cast %swap3A_886 : vector<1x16xf32> to vector<16xf32>
    %swap3A_888 = vector.shape_cast %broadcast_in_dim3A_882 : vector<16xf32> to vector<1x16xf32>
    tpu.vector_store %arg9[%swap3A_884, %swap3A_885], %swap3A_888 {strides = array<i32>} : memref<16x128xf32, #tpu.memory_space<vmem>>, vector<1x16xf32>,
    %broadcast_in_dim3A_889 = arith.constant 0.000000e+00 : f32
    %broadcast_in_dim3A_890 = vector.broadcast %broadcast_in_dim3A_889 : f32 to vector<16xf32>
    %swap3A_891 = arith.constant 13 : i32
    %swap3A_892 = arith.index_cast %swap3A_891 : i32 to index
    %swap3A_893 = arith.constant 112 : index
    %swap3A_894 = tpu.vector_load %arg9[%swap3A_892, %swap3A_893] {strides = array<i32>} : memref<16x128xf32, #tpu.memory_space<vmem>>, vector<1x16xf32>,
    %swap3A_895 = vector.shape_cast %swap3A_894 : vector<1x16xf32> to vector<16xf32>
    %swap3A_896 = vector.shape_cast %broadcast_in_dim3A_890 : vector<16xf32> to vector<1x16xf32>
    tpu.vector_store %arg9[%swap3A_892, %swap3A_893], %swap3A_896 {strides = array<i32>} : memref<16x128xf32, #tpu.memory_space<vmem>>, vector<1x16xf32>,
    %broadcast_in_dim3A_897 = arith.constant 0.000000e+00 : f32
    %broadcast_in_dim3A_898 = vector.broadcast %broadcast_in_dim3A_897 : f32 to vector<16xf32>
    %swap3A_899 = arith.constant 14 : i32
    %swap3A_900 = arith.index_cast %swap3A_899 : i32 to index
    %swap3A_901 = arith.constant 0 : index
    %swap3A_902 = tpu.vector_load %arg9[%swap3A_900, %swap3A_901] {strides = array<i32>} : memref<16x128xf32, #tpu.memory_space<vmem>>, vector<1x16xf32>,
    %swap3A_903 = vector.shape_cast %swap3A_902 : vector<1x16xf32> to vector<16xf32>
    %swap3A_904 = vector.shape_cast %broadcast_in_dim3A_898 : vector<16xf32> to vector<1x16xf32>
    tpu.vector_store %arg9[%swap3A_900, %swap3A_901], %swap3A_904 {strides = array<i32>} : memref<16x128xf32, #tpu.memory_space<vmem>>, vector<1x16xf32>,
    %broadcast_in_dim3A_905 = arith.constant 0.000000e+00 : f32
    %broadcast_in_dim3A_906 = vector.broadcast %broadcast_in_dim3A_905 : f32 to vector<16xf32>
    %swap3A_907 = arith.constant 14 : i32
    %swap3A_908 = arith.index_cast %swap3A_907 : i32 to index
    %swap3A_909 = arith.constant 16 : index
    %swap3A_910 = tpu.vector_load %arg9[%swap3A_908, %swap3A_909] {strides = array<i32>} : memref<16x128xf32, #tpu.memory_space<vmem>>, vector<1x16xf32>,
    %swap3A_911 = vector.shape_cast %swap3A_910 : vector<1x16xf32> to vector<16xf32>
    %swap3A_912 = vector.shape_cast %broadcast_in_dim3A_906 : vector<16xf32> to vector<1x16xf32>
    tpu.vector_store %arg9[%swap3A_908, %swap3A_909], %swap3A_912 {strides = array<i32>} : memref<16x128xf32, #tpu.memory_space<vmem>>, vector<1x16xf32>,
    %broadcast_in_dim3A_913 = arith.constant 0.000000e+00 : f32
    %broadcast_in_dim3A_914 = vector.broadcast %broadcast_in_dim3A_913 : f32 to vector<16xf32>
    %swap3A_915 = arith.constant 14 : i32
    %swap3A_916 = arith.index_cast %swap3A_915 : i32 to index
    %swap3A_917 = arith.constant 32 : index
    %swap3A_918 = tpu.vector_load %arg9[%swap3A_916, %swap3A_917] {strides = array<i32>} : memref<16x128xf32, #tpu.memory_space<vmem>>, vector<1x16xf32>,
    %swap3A_919 = vector.shape_cast %swap3A_918 : vector<1x16xf32> to vector<16xf32>
    %swap3A_920 = vector.shape_cast %broadcast_in_dim3A_914 : vector<16xf32> to vector<1x16xf32>
    tpu.vector_store %arg9[%swap3A_916, %swap3A_917], %swap3A_920 {strides = array<i32>} : memref<16x128xf32, #tpu.memory_space<vmem>>, vector<1x16xf32>,
    %broadcast_in_dim3A_921 = arith.constant 0.000000e+00 : f32
    %broadcast_in_dim3A_922 = vector.broadcast %broadcast_in_dim3A_921 : f32 to vector<16xf32>
    %swap3A_923 = arith.constant 14 : i32
    %swap3A_924 = arith.index_cast %swap3A_923 : i32 to index
    %swap3A_925 = arith.constant 48 : index
    %swap3A_926 = tpu.vector_load %arg9[%swap3A_924, %swap3A_925] {strides = array<i32>} : memref<16x128xf32, #tpu.memory_space<vmem>>, vector<1x16xf32>,
    %swap3A_927 = vector.shape_cast %swap3A_926 : vector<1x16xf32> to vector<16xf32>
    %swap3A_928 = vector.shape_cast %broadcast_in_dim3A_922 : vector<16xf32> to vector<1x16xf32>
    tpu.vector_store %arg9[%swap3A_924, %swap3A_925], %swap3A_928 {strides = array<i32>} : memref<16x128xf32, #tpu.memory_space<vmem>>, vector<1x16xf32>,
    %broadcast_in_dim3A_929 = arith.constant 0.000000e+00 : f32
    %broadcast_in_dim3A_930 = vector.broadcast %broadcast_in_dim3A_929 : f32 to vector<16xf32>
    %swap3A_931 = arith.constant 14 : i32
    %swap3A_932 = arith.index_cast %swap3A_931 : i32 to index
    %swap3A_933 = arith.constant 64 : index
    %swap3A_934 = tpu.vector_load %arg9[%swap3A_932, %swap3A_933] {strides = array<i32>} : memref<16x128xf32, #tpu.memory_space<vmem>>, vector<1x16xf32>,
    %swap3A_935 = vector.shape_cast %swap3A_934 : vector<1x16xf32> to vector<16xf32>
    %swap3A_936 = vector.shape_cast %broadcast_in_dim3A_930 : vector<16xf32> to vector<1x16xf32>
    tpu.vector_store %arg9[%swap3A_932, %swap3A_933], %swap3A_936 {strides = array<i32>} : memref<16x128xf32, #tpu.memory_space<vmem>>, vector<1x16xf32>,
    %broadcast_in_dim3A_937 = arith.constant 0.000000e+00 : f32
    %broadcast_in_dim3A_938 = vector.broadcast %broadcast_in_dim3A_937 : f32 to vector<16xf32>
    %swap3A_939 = arith.constant 14 : i32
    %swap3A_940 = arith.index_cast %swap3A_939 : i32 to index
    %swap3A_941 = arith.constant 80 : index
    %swap3A_942 = tpu.vector_load %arg9[%swap3A_940, %swap3A_941] {strides = array<i32>} : memref<16x128xf32, #tpu.memory_space<vmem>>, vector<1x16xf32>,
    %swap3A_943 = vector.shape_cast %swap3A_942 : vector<1x16xf32> to vector<16xf32>
    %swap3A_944 = vector.shape_cast %broadcast_in_dim3A_938 : vector<16xf32> to vector<1x16xf32>
    tpu.vector_store %arg9[%swap3A_940, %swap3A_941], %swap3A_944 {strides = array<i32>} : memref<16x128xf32, #tpu.memory_space<vmem>>, vector<1x16xf32>,
    %broadcast_in_dim3A_945 = arith.constant 0.000000e+00 : f32
    %broadcast_in_dim3A_946 = vector.broadcast %broadcast_in_dim3A_945 : f32 to vector<16xf32>
    %swap3A_947 = arith.constant 14 : i32
    %swap3A_948 = arith.index_cast %swap3A_947 : i32 to index
    %swap3A_949 = arith.constant 96 : index
    %swap3A_950 = tpu.vector_load %arg9[%swap3A_948, %swap3A_949] {strides = array<i32>} : memref<16x128xf32, #tpu.memory_space<vmem>>, vector<1x16xf32>,
    %swap3A_951 = vector.shape_cast %swap3A_950 : vector<1x16xf32> to vector<16xf32>
    %swap3A_952 = vector.shape_cast %broadcast_in_dim3A_946 : vector<16xf32> to vector<1x16xf32>
    tpu.vector_store %arg9[%swap3A_948, %swap3A_949], %swap3A_952 {strides = array<i32>} : memref<16x128xf32, #tpu.memory_space<vmem>>, vector<1x16xf32>,
    %broadcast_in_dim3A_953 = arith.constant 0.000000e+00 : f32
    %broadcast_in_dim3A_954 = vector.broadcast %broadcast_in_dim3A_953 : f32 to vector<16xf32>
    %swap3A_955 = arith.constant 14 : i32
    %swap3A_956 = arith.index_cast %swap3A_955 : i32 to index
    %swap3A_957 = arith.constant 112 : index
    %swap3A_958 = tpu.vector_load %arg9[%swap3A_956, %swap3A_957] {strides = array<i32>} : memref<16x128xf32, #tpu.memory_space<vmem>>, vector<1x16xf32>,
    %swap3A_959 = vector.shape_cast %swap3A_958 : vector<1x16xf32> to vector<16xf32>
    %swap3A_960 = vector.shape_cast %broadcast_in_dim3A_954 : vector<16xf32> to vector<1x16xf32>
    tpu.vector_store %arg9[%swap3A_956, %swap3A_957], %swap3A_960 {strides = array<i32>} : memref<16x128xf32, #tpu.memory_space<vmem>>, vector<1x16xf32>,
    %broadcast_in_dim3A_961 = arith.constant 0.000000e+00 : f32
    %broadcast_in_dim3A_962 = vector.broadcast %broadcast_in_dim3A_961 : f32 to vector<16xf32>
    %swap3A_963 = arith.constant 15 : i32
    %swap3A_964 = arith.index_cast %swap3A_963 : i32 to index
    %swap3A_965 = arith.constant 0 : index
    %swap3A_966 = tpu.vector_load %arg9[%swap3A_964, %swap3A_965] {strides = array<i32>} : memref<16x128xf32, #tpu.memory_space<vmem>>, vector<1x16xf32>,
    %swap3A_967 = vector.shape_cast %swap3A_966 : vector<1x16xf32> to vector<16xf32>
    %swap3A_968 = vector.shape_cast %broadcast_in_dim3A_962 : vector<16xf32> to vector<1x16xf32>
    tpu.vector_store %arg9[%swap3A_964, %swap3A_965], %swap3A_968 {strides = array<i32>} : memref<16x128xf32, #tpu.memory_space<vmem>>, vector<1x16xf32>,
    %broadcast_in_dim3A_969 = arith.constant 0.000000e+00 : f32
    %broadcast_in_dim3A_970 = vector.broadcast %broadcast_in_dim3A_969 : f32 to vector<16xf32>
    %swap3A_971 = arith.constant 15 : i32
    %swap3A_972 = arith.index_cast %swap3A_971 : i32 to index
    %swap3A_973 = arith.constant 16 : index
    %swap3A_974 = tpu.vector_load %arg9[%swap3A_972, %swap3A_973] {strides = array<i32>} : memref<16x128xf32, #tpu.memory_space<vmem>>, vector<1x16xf32>,
    %swap3A_975 = vector.shape_cast %swap3A_974 : vector<1x16xf32> to vector<16xf32>
    %swap3A_976 = vector.shape_cast %broadcast_in_dim3A_970 : vector<16xf32> to vector<1x16xf32>
    tpu.vector_store %arg9[%swap3A_972, %swap3A_973], %swap3A_976 {strides = array<i32>} : memref<16x128xf32, #tpu.memory_space<vmem>>, vector<1x16xf32>,
    %broadcast_in_dim3A_977 = arith.constant 0.000000e+00 : f32
    %broadcast_in_dim3A_978 = vector.broadcast %broadcast_in_dim3A_977 : f32 to vector<16xf32>
    %swap3A_979 = arith.constant 15 : i32
    %swap3A_980 = arith.index_cast %swap3A_979 : i32 to index
    %swap3A_981 = arith.constant 32 : index
    %swap3A_982 = tpu.vector_load %arg9[%swap3A_980, %swap3A_981] {strides = array<i32>} : memref<16x128xf32, #tpu.memory_space<vmem>>, vector<1x16xf32>,
    %swap3A_983 = vector.shape_cast %swap3A_982 : vector<1x16xf32> to vector<16xf32>
    %swap3A_984 = vector.shape_cast %broadcast_in_dim3A_978 : vector<16xf32> to vector<1x16xf32>
    tpu.vector_store %arg9[%swap3A_980, %swap3A_981], %swap3A_984 {strides = array<i32>} : memref<16x128xf32, #tpu.memory_space<vmem>>, vector<1x16xf32>,
    %broadcast_in_dim3A_985 = arith.constant 0.000000e+00 : f32
    %broadcast_in_dim3A_986 = vector.broadcast %broadcast_in_dim3A_985 : f32 to vector<16xf32>
    %swap3A_987 = arith.constant 15 : i32
    %swap3A_988 = arith.index_cast %swap3A_987 : i32 to index
    %swap3A_989 = arith.constant 48 : index
    %swap3A_990 = tpu.vector_load %arg9[%swap3A_988, %swap3A_989] {strides = array<i32>} : memref<16x128xf32, #tpu.memory_space<vmem>>, vector<1x16xf32>,
    %swap3A_991 = vector.shape_cast %swap3A_990 : vector<1x16xf32> to vector<16xf32>
    %swap3A_992 = vector.shape_cast %broadcast_in_dim3A_986 : vector<16xf32> to vector<1x16xf32>
    tpu.vector_store %arg9[%swap3A_988, %swap3A_989], %swap3A_992 {strides = array<i32>} : memref<16x128xf32, #tpu.memory_space<vmem>>, vector<1x16xf32>,
    %broadcast_in_dim3A_993 = arith.constant 0.000000e+00 : f32
    %broadcast_in_dim3A_994 = vector.broadcast %broadcast_in_dim3A_993 : f32 to vector<16xf32>
    %swap3A_995 = arith.constant 15 : i32
    %swap3A_996 = arith.index_cast %swap3A_995 : i32 to index
    %swap3A_997 = arith.constant 64 : index
    %swap3A_998 = tpu.vector_load %arg9[%swap3A_996, %swap3A_997] {strides = array<i32>} : memref<16x128xf32, #tpu.memory_space<vmem>>, vector<1x16xf32>,
    %swap3A_999 = vector.shape_cast %swap3A_998 : vector<1x16xf32> to vector<16xf32>
    %swap3A_1000 = vector.shape_cast %broadcast_in_dim3A_994 : vector<16xf32> to vector<1x16xf32>
    tpu.vector_store %arg9[%swap3A_996, %swap3A_997], %swap3A_1000 {strides = array<i32>} : memref<16x128xf32, #tpu.memory_space<vmem>>, vector<1x16xf32>,
    %broadcast_in_dim3A_1001 = arith.constant 0.000000e+00 : f32
    %broadcast_in_dim3A_1002 = vector.broadcast %broadcast_in_dim3A_1001 : f32 to vector<16xf32>
    %swap3A_1003 = arith.constant 15 : i32
    %swap3A_1004 = arith.index_cast %swap3A_1003 : i32 to index
    %swap3A_1005 = arith.constant 80 : index
    %swap3A_1006 = tpu.vector_load %arg9[%swap3A_1004, %swap3A_1005] {strides = array<i32>} : memref<16x128xf32, #tpu.memory_space<vmem>>, vector<1x16xf32>,
    %swap3A_1007 = vector.shape_cast %swap3A_1006 : vector<1x16xf32> to vector<16xf32>
    %swap3A_1008 = vector.shape_cast %broadcast_in_dim3A_1002 : vector<16xf32> to vector<1x16xf32>
    tpu.vector_store %arg9[%swap3A_1004, %swap3A_1005], %swap3A_1008 {strides = array<i32>} : memref<16x128xf32, #tpu.memory_space<vmem>>, vector<1x16xf32>,
    %broadcast_in_dim3A_1009 = arith.constant 0.000000e+00 : f32
    %broadcast_in_dim3A_1010 = vector.broadcast %broadcast_in_dim3A_1009 : f32 to vector<16xf32>
    %swap3A_1011 = arith.constant 15 : i32
    %swap3A_1012 = arith.index_cast %swap3A_1011 : i32 to index
    %swap3A_1013 = arith.constant 96 : index
    %swap3A_1014 = tpu.vector_load %arg9[%swap3A_1012, %swap3A_1013] {strides = array<i32>} : memref<16x128xf32, #tpu.memory_space<vmem>>, vector<1x16xf32>,
    %swap3A_1015 = vector.shape_cast %swap3A_1014 : vector<1x16xf32> to vector<16xf32>
    %swap3A_1016 = vector.shape_cast %broadcast_in_dim3A_1010 : vector<16xf32> to vector<1x16xf32>
    tpu.vector_store %arg9[%swap3A_1012, %swap3A_1013], %swap3A_1016 {strides = array<i32>} : memref<16x128xf32, #tpu.memory_space<vmem>>, vector<1x16xf32>,
    %broadcast_in_dim3A_1017 = arith.constant 0.000000e+00 : f32
    %broadcast_in_dim3A_1018 = vector.broadcast %broadcast_in_dim3A_1017 : f32 to vector<16xf32>
    %swap3A_1019 = arith.constant 15 : i32
    %swap3A_1020 = arith.index_cast %swap3A_1019 : i32 to index
    %swap3A_1021 = arith.constant 112 : index
    %swap3A_1022 = tpu.vector_load %arg9[%swap3A_1020, %swap3A_1021] {strides = array<i32>} : memref<16x128xf32, #tpu.memory_space<vmem>>, vector<1x16xf32>,
    %swap3A_1023 = vector.shape_cast %swap3A_1022 : vector<1x16xf32> to vector<16xf32>
    %swap3A_1024 = vector.shape_cast %broadcast_in_dim3A_1018 : vector<16xf32> to vector<1x16xf32>
    tpu.vector_store %arg9[%swap3A_1020, %swap3A_1021], %swap3A_1024 {strides = array<i32>} : memref<16x128xf32, #tpu.memory_space<vmem>>, vector<1x16xf32>,
    %scan3A = arith.constant 0 : i32
    %scan3A_1025 = arith.constant 0 : i32
    %scan3A_1026 = arith.constant 39 : i32
    %scan3A_1027 = arith.addi %scan3A_1025, %scan3A_1026 : i32
    %scan3A_1028 = arith.constant 1 : i32
    scf.for %scan3A_1599 = %scan3A_1025 to %scan3A_1027 step %scan3A_1028  : i32 {
      %mul3A_1600 = arith.constant 632 : i32
      %mul3A_1601 = arith.muli %arg1, %mul3A_1600 : i32
      %mul3A_1602 = arith.constant 16 : i32
      %mul3A_1603 = arith.muli %mul3A_1602, %scan3A_1599 : i32
      %add3A_1604 = arith.addi %mul3A_1601, %mul3A_1603 : i32
      "tpu.region"() ({
        %run_scoped3A_1605 = tpu.sem_alloc : memref<!tpu.dma_semaphore, #tpu.memory_space<semaphore_mem>>
        %dma_start3A_1606 = arith.constant 0 : i32
        %dma_start3A_1607 = tpu.memref_slice %arg10[%add3A_1604, %dma_start3A_1606] : memref<10112x128xf32, #tpu.memory_space<vmem_shared>> -> memref<16x128xf32, #tpu.memory_space<vmem_shared>>
        %dma_start3A_1608 = arith.constant 0 : i32
        %dma_start3A_1609 = tpu.memref_slice %arg10[%add3A_1604, %dma_start3A_1608] : memref<10112x128xf32, #tpu.memory_space<vmem_shared>> -> memref<16x128xf32, #tpu.memory_space<vmem_shared>>
        tpu.enqueue_dma source(%arg9 : memref<16x128xf32, #tpu.memory_space<vmem>>) target(%dma_start3A_1609 : memref<16x128xf32, #tpu.memory_space<vmem_shared>>) target_semaphore(%run_scoped3A_1605 : memref<!tpu.dma_semaphore, #tpu.memory_space<semaphore_mem>>)
        %dma_wait3A_1610 = arith.constant 0 : i32
        %dma_wait3A_1611 = tpu.memref_slice %arg10[%add3A_1604, %dma_wait3A_1610] : memref<10112x128xf32, #tpu.memory_space<vmem_shared>> -> memref<16x128xf32, #tpu.memory_space<vmem_shared>>
        %dma_wait3A_1612 = arith.constant 0 : i32
        %dma_wait3A_1613 = tpu.memref_slice %arg10[%add3A_1604, %dma_wait3A_1612] : memref<10112x128xf32, #tpu.memory_space<vmem_shared>> -> memref<16x128xf32, #tpu.memory_space<vmem_shared>>
        tpu.wait_dma2 semaphore(%run_scoped3A_1605 : memref<!tpu.dma_semaphore, #tpu.memory_space<semaphore_mem>>) src(%arg9 : memref<16x128xf32, #tpu.memory_space<vmem>>) dst(%dma_wait3A_1613 : memref<16x128xf32, #tpu.memory_space<vmem_shared>>)
        tpu.yield
      }) : () -> ()
    }
    %scan3A_1029 = arith.constant 39 : i32
    %mul3A_1030 = arith.constant 632 : i32
    %mul3A_1031 = arith.muli %arg1, %mul3A_1030 : i32
    %add3A_1032 = arith.constant 632 : i32
    %add3A_1033 = arith.addi %mul3A_1031, %add3A_1032 : i32
    %sub3A = arith.constant 8 : i32
    %sub3A_1034 = arith.subi %add3A_1033, %sub3A : i32
    "tpu.region"() ({
      %run_scoped3A_1599 = tpu.sem_alloc : memref<!tpu.dma_semaphore, #tpu.memory_space<semaphore_mem>>
      %dma_start3A_1600 = arith.constant 0 : i32
      %dma_start3A_1601 = arith.constant 0 : i32
      %dma_start3A_1602 = tpu.memref_slice %arg9[%dma_start3A_1600, %dma_start3A_1601] : memref<16x128xf32, #tpu.memory_space<vmem>> -> memref<8x128xf32, #tpu.memory_space<vmem>>
      %dma_start3A_1603 = arith.constant 0 : i32
      %dma_start3A_1604 = tpu.memref_slice %arg10[%sub3A_1034, %dma_start3A_1603] : memref<10112x128xf32, #tpu.memory_space<vmem_shared>> -> memref<8x128xf32, #tpu.memory_space<vmem_shared>>
      %dma_start3A_1605 = arith.constant 0 : i32
      %dma_start3A_1606 = tpu.memref_slice %arg10[%sub3A_1034, %dma_start3A_1605] : memref<10112x128xf32, #tpu.memory_space<vmem_shared>> -> memref<8x128xf32, #tpu.memory_space<vmem_shared>>
      %dma_start3A_1607 = arith.constant 0 : i32
      %dma_start3A_1608 = arith.constant 0 : i32
      %dma_start3A_1609 = tpu.memref_slice %arg9[%dma_start3A_1607, %dma_start3A_1608] : memref<16x128xf32, #tpu.memory_space<vmem>> -> memref<8x128xf32, #tpu.memory_space<vmem>>
      tpu.enqueue_dma source(%dma_start3A_1609 : memref<8x128xf32, #tpu.memory_space<vmem>>) target(%dma_start3A_1606 : memref<8x128xf32, #tpu.memory_space<vmem_shared>>) target_semaphore(%run_scoped3A_1599 : memref<!tpu.dma_semaphore, #tpu.memory_space<semaphore_mem>>)
      %dma_wait3A_1610 = arith.constant 0 : i32
      %dma_wait3A_1611 = arith.constant 0 : i32
      %dma_wait3A_1612 = tpu.memref_slice %arg9[%dma_wait3A_1610, %dma_wait3A_1611] : memref<16x128xf32, #tpu.memory_space<vmem>> -> memref<8x128xf32, #tpu.memory_space<vmem>>
      %dma_wait3A_1613 = arith.constant 0 : i32
      %dma_wait3A_1614 = tpu.memref_slice %arg10[%sub3A_1034, %dma_wait3A_1613] : memref<10112x128xf32, #tpu.memory_space<vmem_shared>> -> memref<8x128xf32, #tpu.memory_space<vmem_shared>>
      %dma_wait3A_1615 = arith.constant 0 : i32
      %dma_wait3A_1616 = tpu.memref_slice %arg10[%sub3A_1034, %dma_wait3A_1615] : memref<10112x128xf32, #tpu.memory_space<vmem_shared>> -> memref<8x128xf32, #tpu.memory_space<vmem_shared>>
      %dma_wait3A_1617 = arith.constant 0 : i32
      %dma_wait3A_1618 = arith.constant 0 : i32
      %dma_wait3A_1619 = tpu.memref_slice %arg9[%dma_wait3A_1617, %dma_wait3A_1618] : memref<16x128xf32, #tpu.memory_space<vmem>> -> memref<8x128xf32, #tpu.memory_space<vmem>>
      tpu.wait_dma2 semaphore(%run_scoped3A_1599 : memref<!tpu.dma_semaphore, #tpu.memory_space<semaphore_mem>>) src(%dma_wait3A_1619 : memref<8x128xf32, #tpu.memory_space<vmem>>) dst(%dma_wait3A_1616 : memref<8x128xf32, #tpu.memory_space<vmem_shared>>)
      tpu.yield
    }) : () -> ()
    %run_scoped3A = arith.constant 0 : i32
    "tpu.region"() ({
      %run_scoped3A_1599 = tpu.sem_alloc : memref<!tpu.dma_semaphore, #tpu.memory_space<semaphore_mem>>
      %dma_start3A_1600 = arith.constant 0 : i32
      %dma_start3A_1601 = arith.constant 0 : i32
      %dma_start3A_1602 = tpu.memref_slice %arg6[%run_scoped3A, %dma_start3A_1600, %dma_start3A_1601] : memref<2x16x128xi32, #tpu.memory_space<vmem>> -> memref<1x16x128xi32, #tpu.memory_space<vmem>>
      %dma_start3A_1603 = tpu.memref_squeeze %dma_start3A_1602 : memref<1x16x128xi32, #tpu.memory_space<vmem>> -> memref<16x128xi32, #tpu.memory_space<vmem>>
      %dma_start3A_1604 = arith.constant 0 : i32
      %dma_start3A_1605 = tpu.memref_slice %arg3[%mul3A_2, %dma_start3A_1604] : memref<2560x128xi32, #tpu.memory_space<hbm>> -> memref<16x128xi32, #tpu.memory_space<hbm>>
      %dma_start3A_1606 = arith.constant 0 : i32
      %dma_start3A_1607 = arith.constant 0 : i32
      %dma_start3A_1608 = tpu.memref_slice %arg6[%run_scoped3A, %dma_start3A_1606, %dma_start3A_1607] : memref<2x16x128xi32, #tpu.memory_space<vmem>> -> memref<1x16x128xi32, #tpu.memory_space<vmem>>
      %dma_start3A_1609 = tpu.memref_squeeze %dma_start3A_1608 : memref<1x16x128xi32, #tpu.memory_space<vmem>> -> memref<16x128xi32, #tpu.memory_space<vmem>>
      %dma_start3A_1610 = arith.constant 0 : i32
      %dma_start3A_1611 = tpu.memref_slice %arg3[%mul3A_2, %dma_start3A_1610] : memref<2560x128xi32, #tpu.memory_space<hbm>> -> memref<16x128xi32, #tpu.memory_space<hbm>>
      tpu.enqueue_dma source(%dma_start3A_1611 : memref<16x128xi32, #tpu.memory_space<hbm>>) target(%dma_start3A_1609 : memref<16x128xi32, #tpu.memory_space<vmem>>) target_semaphore(%run_scoped3A_1599 : memref<!tpu.dma_semaphore, #tpu.memory_space<semaphore_mem>>)
      %dma_wait3A_1612 = arith.constant 0 : i32
      %dma_wait3A_1613 = arith.constant 0 : i32
      %dma_wait3A_1614 = tpu.memref_slice %arg6[%run_scoped3A, %dma_wait3A_1612, %dma_wait3A_1613] : memref<2x16x128xi32, #tpu.memory_space<vmem>> -> memref<1x16x128xi32, #tpu.memory_space<vmem>>
      %dma_wait3A_1615 = tpu.memref_squeeze %dma_wait3A_1614 : memref<1x16x128xi32, #tpu.memory_space<vmem>> -> memref<16x128xi32, #tpu.memory_space<vmem>>
      %dma_wait3A_1616 = arith.constant 0 : i32
      %dma_wait3A_1617 = tpu.memref_slice %arg3[%mul3A_2, %dma_wait3A_1616] : memref<2560x128xi32, #tpu.memory_space<hbm>> -> memref<16x128xi32, #tpu.memory_space<hbm>>
      %dma_wait3A_1618 = arith.constant 0 : i32
      %dma_wait3A_1619 = arith.constant 0 : i32
      %dma_wait3A_1620 = tpu.memref_slice %arg6[%run_scoped3A, %dma_wait3A_1618, %dma_wait3A_1619] : memref<2x16x128xi32, #tpu.memory_space<vmem>> -> memref<1x16x128xi32, #tpu.memory_space<vmem>>
      %dma_wait3A_1621 = tpu.memref_squeeze %dma_wait3A_1620 : memref<1x16x128xi32, #tpu.memory_space<vmem>> -> memref<16x128xi32, #tpu.memory_space<vmem>>
      %dma_wait3A_1622 = arith.constant 0 : i32
      %dma_wait3A_1623 = tpu.memref_slice %arg3[%mul3A_2, %dma_wait3A_1622] : memref<2560x128xi32, #tpu.memory_space<hbm>> -> memref<16x128xi32, #tpu.memory_space<hbm>>
      tpu.wait_dma2 semaphore(%run_scoped3A_1599 : memref<!tpu.dma_semaphore, #tpu.memory_space<semaphore_mem>>) src(%dma_wait3A_1623 : memref<16x128xi32, #tpu.memory_space<hbm>>) dst(%dma_wait3A_1621 : memref<16x128xi32, #tpu.memory_space<vmem>>)
      tpu.yield
    }) : () -> ()
    %run_scoped3A_1035 = arith.constant 0 : i32
    "tpu.region"() ({
      %run_scoped3A_1599 = tpu.sem_alloc : memref<!tpu.dma_semaphore, #tpu.memory_space<semaphore_mem>>
      %dma_start3A_1600 = arith.constant 0 : i32
      %dma_start3A_1601 = arith.constant 0 : i32
      %dma_start3A_1602 = tpu.memref_slice %arg7[%run_scoped3A_1035, %dma_start3A_1600, %dma_start3A_1601] : memref<2x16x128xi32, #tpu.memory_space<vmem>> -> memref<1x16x128xi32, #tpu.memory_space<vmem>>
      %dma_start3A_1603 = tpu.memref_squeeze %dma_start3A_1602 : memref<1x16x128xi32, #tpu.memory_space<vmem>> -> memref<16x128xi32, #tpu.memory_space<vmem>>
      %dma_start3A_1604 = arith.constant 0 : i32
      %dma_start3A_1605 = tpu.memref_slice %arg4[%mul3A_2, %dma_start3A_1604] : memref<2560x128xi32, #tpu.memory_space<hbm>> -> memref<16x128xi32, #tpu.memory_space<hbm>>
      %dma_start3A_1606 = arith.constant 0 : i32
      %dma_start3A_1607 = arith.constant 0 : i32
      %dma_start3A_1608 = tpu.memref_slice %arg7[%run_scoped3A_1035, %dma_start3A_1606, %dma_start3A_1607] : memref<2x16x128xi32, #tpu.memory_space<vmem>> -> memref<1x16x128xi32, #tpu.memory_space<vmem>>
      %dma_start3A_1609 = tpu.memref_squeeze %dma_start3A_1608 : memref<1x16x128xi32, #tpu.memory_space<vmem>> -> memref<16x128xi32, #tpu.memory_space<vmem>>
      %dma_start3A_1610 = arith.constant 0 : i32
      %dma_start3A_1611 = tpu.memref_slice %arg4[%mul3A_2, %dma_start3A_1610] : memref<2560x128xi32, #tpu.memory_space<hbm>> -> memref<16x128xi32, #tpu.memory_space<hbm>>
      tpu.enqueue_dma source(%dma_start3A_1611 : memref<16x128xi32, #tpu.memory_space<hbm>>) target(%dma_start3A_1609 : memref<16x128xi32, #tpu.memory_space<vmem>>) target_semaphore(%run_scoped3A_1599 : memref<!tpu.dma_semaphore, #tpu.memory_space<semaphore_mem>>)
      %dma_wait3A_1612 = arith.constant 0 : i32
      %dma_wait3A_1613 = arith.constant 0 : i32
      %dma_wait3A_1614 = tpu.memref_slice %arg7[%run_scoped3A_1035, %dma_wait3A_1612, %dma_wait3A_1613] : memref<2x16x128xi32, #tpu.memory_space<vmem>> -> memref<1x16x128xi32, #tpu.memory_space<vmem>>
      %dma_wait3A_1615 = tpu.memref_squeeze %dma_wait3A_1614 : memref<1x16x128xi32, #tpu.memory_space<vmem>> -> memref<16x128xi32, #tpu.memory_space<vmem>>
      %dma_wait3A_1616 = arith.constant 0 : i32
      %dma_wait3A_1617 = tpu.memref_slice %arg4[%mul3A_2, %dma_wait3A_1616] : memref<2560x128xi32, #tpu.memory_space<hbm>> -> memref<16x128xi32, #tpu.memory_space<hbm>>
      %dma_wait3A_1618 = arith.constant 0 : i32
      %dma_wait3A_1619 = arith.constant 0 : i32
      %dma_wait3A_1620 = tpu.memref_slice %arg7[%run_scoped3A_1035, %dma_wait3A_1618, %dma_wait3A_1619] : memref<2x16x128xi32, #tpu.memory_space<vmem>> -> memref<1x16x128xi32, #tpu.memory_space<vmem>>
      %dma_wait3A_1621 = tpu.memref_squeeze %dma_wait3A_1620 : memref<1x16x128xi32, #tpu.memory_space<vmem>> -> memref<16x128xi32, #tpu.memory_space<vmem>>
      %dma_wait3A_1622 = arith.constant 0 : i32
      %dma_wait3A_1623 = tpu.memref_slice %arg4[%mul3A_2, %dma_wait3A_1622] : memref<2560x128xi32, #tpu.memory_space<hbm>> -> memref<16x128xi32, #tpu.memory_space<hbm>>
      tpu.wait_dma2 semaphore(%run_scoped3A_1599 : memref<!tpu.dma_semaphore, #tpu.memory_space<semaphore_mem>>) src(%dma_wait3A_1623 : memref<16x128xi32, #tpu.memory_space<hbm>>) dst(%dma_wait3A_1621 : memref<16x128xi32, #tpu.memory_space<vmem>>)
      tpu.yield
    }) : () -> ()
    %barrier3A = arith.constant 0 : index
    tpu.barrier barrier_id(%barrier3A)
    %add3A_1036 = arith.constant 16 : i32
    %add3A_1037 = arith.addi %mul3A_2, %add3A_1036 : i32
    %dma_start3A = arith.constant 1 : i32
    %dma_start3A_1038 = arith.constant 0 : i32
    %dma_start3A_1039 = arith.constant 0 : i32
    %dma_start3A_1040 = tpu.memref_slice %arg6[%dma_start3A, %dma_start3A_1038, %dma_start3A_1039] : memref<2x16x128xi32, #tpu.memory_space<vmem>> -> memref<1x16x128xi32, #tpu.memory_space<vmem>>
    %dma_start3A_1041 = tpu.memref_squeeze %dma_start3A_1040 : memref<1x16x128xi32, #tpu.memory_space<vmem>> -> memref<16x128xi32, #tpu.memory_space<vmem>>
    %dma_start3A_1042 = arith.constant 0 : i32
    %dma_start3A_1043 = tpu.memref_slice %arg3[%add3A_1037, %dma_start3A_1042] : memref<2560x128xi32, #tpu.memory_space<hbm>> -> memref<16x128xi32, #tpu.memory_space<hbm>>
    %dma_start3A_1044 = arith.constant 0 : i32
    %dma_start3A_1045 = arith.constant 0 : i32
    %dma_start3A_1046 = tpu.memref_slice %arg6[%dma_start3A, %dma_start3A_1044, %dma_start3A_1045] : memref<2x16x128xi32, #tpu.memory_space<vmem>> -> memref<1x16x128xi32, #tpu.memory_space<vmem>>
    %dma_start3A_1047 = tpu.memref_squeeze %dma_start3A_1046 : memref<1x16x128xi32, #tpu.memory_space<vmem>> -> memref<16x128xi32, #tpu.memory_space<vmem>>
    %dma_start3A_1048 = arith.constant 0 : i32
    %dma_start3A_1049 = tpu.memref_slice %arg3[%add3A_1037, %dma_start3A_1048] : memref<2560x128xi32, #tpu.memory_space<hbm>> -> memref<16x128xi32, #tpu.memory_space<hbm>>
    tpu.enqueue_dma source(%dma_start3A_1049 : memref<16x128xi32, #tpu.memory_space<hbm>>) target(%dma_start3A_1047 : memref<16x128xi32, #tpu.memory_space<vmem>>) target_semaphore(%arg13 : memref<!tpu.dma_semaphore, #tpu.memory_space<semaphore_mem>>)
    %add3A_1050 = arith.constant 16 : i32
    %add3A_1051 = arith.addi %mul3A_2, %add3A_1050 : i32
    %dma_start3A_1052 = arith.constant 1 : i32
    %dma_start3A_1053 = arith.constant 0 : i32
    %dma_start3A_1054 = arith.constant 0 : i32
    %dma_start3A_1055 = tpu.memref_slice %arg7[%dma_start3A_1052, %dma_start3A_1053, %dma_start3A_1054] : memref<2x16x128xi32, #tpu.memory_space<vmem>> -> memref<1x16x128xi32, #tpu.memory_space<vmem>>
    %dma_start3A_1056 = tpu.memref_squeeze %dma_start3A_1055 : memref<1x16x128xi32, #tpu.memory_space<vmem>> -> memref<16x128xi32, #tpu.memory_space<vmem>>
    %dma_start3A_1057 = arith.constant 0 : i32
    %dma_start3A_1058 = tpu.memref_slice %arg4[%add3A_1051, %dma_start3A_1057] : memref<2560x128xi32, #tpu.memory_space<hbm>> -> memref<16x128xi32, #tpu.memory_space<hbm>>
    %dma_start3A_1059 = arith.constant 0 : i32
    %dma_start3A_1060 = arith.constant 0 : i32
    %dma_start3A_1061 = tpu.memref_slice %arg7[%dma_start3A_1052, %dma_start3A_1059, %dma_start3A_1060] : memref<2x16x128xi32, #tpu.memory_space<vmem>> -> memref<1x16x128xi32, #tpu.memory_space<vmem>>
    %dma_start3A_1062 = tpu.memref_squeeze %dma_start3A_1061 : memref<1x16x128xi32, #tpu.memory_space<vmem>> -> memref<16x128xi32, #tpu.memory_space<vmem>>
    %dma_start3A_1063 = arith.constant 0 : i32
    %dma_start3A_1064 = tpu.memref_slice %arg4[%add3A_1051, %dma_start3A_1063] : memref<2560x128xi32, #tpu.memory_space<hbm>> -> memref<16x128xi32, #tpu.memory_space<hbm>>
    tpu.enqueue_dma source(%dma_start3A_1064 : memref<16x128xi32, #tpu.memory_space<hbm>>) target(%dma_start3A_1062 : memref<16x128xi32, #tpu.memory_space<vmem>>) target_semaphore(%arg13 : memref<!tpu.dma_semaphore, #tpu.memory_space<semaphore_mem>>)
    %dma_start3A_1065 = arith.constant 0 : i32
    %dma_start3A_1066 = arith.constant 0 : i32
    %dma_start3A_1067 = arith.constant 0 : i32
    %dma_start3A_1068 = arith.constant 0 : i32
    %dma_start3A_1069 = arith.constant 0 : i32
    %dma_start3A_1070 = tpu.memref_slice %arg8[%dma_start3A_1067, %dma_start3A_1068, %dma_start3A_1069] : memref<2x128x128xf32, #tpu.memory_space<vmem>> -> memref<1x128x128xf32, #tpu.memory_space<vmem>>
    %dma_start3A_1071 = tpu.memref_squeeze %dma_start3A_1070 : memref<1x128x128xf32, #tpu.memory_space<vmem>> -> memref<128x128xf32, #tpu.memory_space<vmem>>
    %dma_start3A_1072 = arith.constant 0 : i32
    %dma_start3A_1073 = tpu.memref_slice %arg6[%dma_start3A_1065, %dma_start3A_1066, %dma_start3A_1072] : memref<2x16x128xi32, #tpu.memory_space<vmem>> -> memref<1x1x128xi32, #tpu.memory_space<vmem>>
    %dma_start3A_1074 = tpu.memref_squeeze %dma_start3A_1073 : memref<1x1x128xi32, #tpu.memory_space<vmem>> -> memref<128xi32, #tpu.memory_space<vmem>>
    %dma_start3A_1075 = arith.constant 0 : i32
    %dma_start3A_1076 = arith.constant 0 : i32
    %dma_start3A_1077 = tpu.memref_slice %arg2[%dma_start3A_1075, %dma_start3A_1076] : memref<10000x128xf32, #tpu.memory_space<hbm>> -> memref<10000x128xf32, #tpu.memory_space<hbm>>
    tpu.enqueue_indirect_dma source(%dma_start3A_1077 : memref<10000x128xf32, #tpu.memory_space<hbm>>) target(%dma_start3A_1071 : memref<128x128xf32, #tpu.memory_space<vmem>>) offsets(%dma_start3A_1074 : memref<128xi32, #tpu.memory_space<vmem>>) semaphore(%arg11 : memref<!tpu.dma_semaphore, #tpu.memory_space<semaphore_mem>>)
    %scan3A_1078 = arith.constant 0 : i32
    %scan3A_1079 = arith.constant 0 : i32
    %scan3A_1080 = arith.constant 7 : i32
    %scan3A_1081 = arith.addi %scan3A_1079, %scan3A_1080 : i32
    %scan3A_1082 = arith.constant 1 : i32
    scf.for %scan3A_1599 = %scan3A_1079 to %scan3A_1081 step %scan3A_1082  : i32 {
      %mul3A_1600 = arith.constant 2 : i32
      %mul3A_1601 = arith.muli %mul3A_1600, %scan3A_1599 : i32
      %add3A_1602 = arith.constant 1 : i32
      %add3A_1603 = arith.addi %mul3A_1601, %add3A_1602 : i32
      %dma_start3A_1604 = arith.constant 0 : i32
      %dma_start3A_1605 = arith.constant 1 : i32
      %dma_start3A_1606 = arith.constant 0 : i32
      %dma_start3A_1607 = arith.constant 0 : i32
      %dma_start3A_1608 = tpu.memref_slice %arg8[%dma_start3A_1605, %dma_start3A_1606, %dma_start3A_1607] : memref<2x128x128xf32, #tpu.memory_space<vmem>> -> memref<1x128x128xf32, #tpu.memory_space<vmem>>
      %dma_start3A_1609 = tpu.memref_squeeze %dma_start3A_1608 : memref<1x128x128xf32, #tpu.memory_space<vmem>> -> memref<128x128xf32, #tpu.memory_space<vmem>>
      %dma_start3A_1610 = arith.constant 0 : i32
      %dma_start3A_1611 = tpu.memref_slice %arg6[%dma_start3A_1604, %add3A_1603, %dma_start3A_1610] : memref<2x16x128xi32, #tpu.memory_space<vmem>> -> memref<1x1x128xi32, #tpu.memory_space<vmem>>
      %dma_start3A_1612 = tpu.memref_squeeze %dma_start3A_1611 : memref<1x1x128xi32, #tpu.memory_space<vmem>> -> memref<128xi32, #tpu.memory_space<vmem>>
      %dma_start3A_1613 = arith.constant 0 : i32
      %dma_start3A_1614 = arith.constant 0 : i32
      %dma_start3A_1615 = tpu.memref_slice %arg2[%dma_start3A_1613, %dma_start3A_1614] : memref<10000x128xf32, #tpu.memory_space<hbm>> -> memref<10000x128xf32, #tpu.memory_space<hbm>>
      tpu.enqueue_indirect_dma source(%dma_start3A_1615 : memref<10000x128xf32, #tpu.memory_space<hbm>>) target(%dma_start3A_1609 : memref<128x128xf32, #tpu.memory_space<vmem>>) offsets(%dma_start3A_1612 : memref<128xi32, #tpu.memory_space<vmem>>) semaphore(%arg12 : memref<!tpu.dma_semaphore, #tpu.memory_space<semaphore_mem>>)
      %dma_wait3A_1616 = arith.constant 0 : i32
      %dma_wait3A_1617 = arith.constant 0 : i32
      %dma_wait3A_1618 = arith.constant 0 : i32
      %dma_wait3A_1619 = arith.constant 0 : i32
      %dma_wait3A_1620 = tpu.memref_slice %arg8[%dma_wait3A_1617, %dma_wait3A_1618, %dma_wait3A_1619] : memref<2x128x128xf32, #tpu.memory_space<vmem>> -> memref<1x128x128xf32, #tpu.memory_space<vmem>>
      %dma_wait3A_1621 = tpu.memref_squeeze %dma_wait3A_1620 : memref<1x128x128xf32, #tpu.memory_space<vmem>> -> memref<128x128xf32, #tpu.memory_space<vmem>>
      %dma_wait3A_1622 = arith.constant 0 : i32
      %dma_wait3A_1623 = tpu.memref_slice %arg6[%dma_wait3A_1616, %mul3A_1601, %dma_wait3A_1622] : memref<2x16x128xi32, #tpu.memory_space<vmem>> -> memref<1x1x128xi32, #tpu.memory_space<vmem>>
      %dma_wait3A_1624 = tpu.memref_squeeze %dma_wait3A_1623 : memref<1x1x128xi32, #tpu.memory_space<vmem>> -> memref<128xi32, #tpu.memory_space<vmem>>
      %dma_wait3A_1625 = arith.constant 0 : i32
      %dma_wait3A_1626 = arith.constant 0 : i32
      %dma_wait3A_1627 = tpu.memref_slice %arg2[%dma_wait3A_1625, %dma_wait3A_1626] : memref<10000x128xf32, #tpu.memory_space<hbm>> -> memref<10000x128xf32, #tpu.memory_space<hbm>>
      tpu.wait_indirect_dma semaphore(%arg11 : memref<!tpu.dma_semaphore, #tpu.memory_space<semaphore_mem>>) src(%dma_wait3A_1627 : memref<10000x128xf32, #tpu.memory_space<hbm>>) dst(%dma_wait3A_1621 : memref<128x128xf32, #tpu.memory_space<vmem>>)
      %run_scoped3A_1628 = arith.constant 0 : i32
      %run_scoped3A_1629 = arith.constant 0 : i32
      "tpu.region"() ({
        %run_scoped3A_1660 = tpu.sem_alloc : memref<!tpu.dma_semaphore, #tpu.memory_space<semaphore_mem>>
        %dma_start3A_1661 = arith.constant 0 : i32
        %dma_start3A_1662 = arith.constant 0 : i32
        %dma_start3A_1663 = tpu.memref_slice %arg8[%run_scoped3A_1628, %dma_start3A_1661, %dma_start3A_1662] : memref<2x128x128xf32, #tpu.memory_space<vmem>> -> memref<1x128x128xf32, #tpu.memory_space<vmem>>
        %dma_start3A_1664 = tpu.memref_squeeze %dma_start3A_1663 : memref<1x128x128xf32, #tpu.memory_space<vmem>> -> memref<128x128xf32, #tpu.memory_space<vmem>>
        %dma_start3A_1665 = arith.constant 0 : i32
        %dma_start3A_1666 = tpu.memref_slice %arg7[%run_scoped3A_1629, %mul3A_1601, %dma_start3A_1665] : memref<2x16x128xi32, #tpu.memory_space<vmem>> -> memref<1x1x128xi32, #tpu.memory_space<vmem>>
        %dma_start3A_1667 = tpu.memref_squeeze %dma_start3A_1666 : memref<1x1x128xi32, #tpu.memory_space<vmem>> -> memref<128xi32, #tpu.memory_space<vmem>>
        %dma_start3A_1668 = arith.constant 0 : i32
        %dma_start3A_1669 = arith.constant 0 : i32
        %dma_start3A_1670 = tpu.memref_slice %arg10[%dma_start3A_1668, %dma_start3A_1669] : memref<10112x128xf32, #tpu.memory_space<vmem_shared>> -> memref<10112x128xf32, #tpu.memory_space<vmem_shared>>
        tpu.enqueue_indirect_dma source(%dma_start3A_1664 : memref<128x128xf32, #tpu.memory_space<vmem>>) target(%dma_start3A_1670 : memref<10112x128xf32, #tpu.memory_space<vmem_shared>>) offsets(%dma_start3A_1667 : memref<128xi32, #tpu.memory_space<vmem>>) semaphore(%run_scoped3A_1660 : memref<!tpu.dma_semaphore, #tpu.memory_space<semaphore_mem>>) {add = true}
        %dma_wait3A_1671 = arith.constant 0 : i32
        %dma_wait3A_1672 = arith.constant 0 : i32
        %dma_wait3A_1673 = tpu.memref_slice %arg8[%run_scoped3A_1628, %dma_wait3A_1671, %dma_wait3A_1672] : memref<2x128x128xf32, #tpu.memory_space<vmem>> -> memref<1x128x128xf32, #tpu.memory_space<vmem>>
        %dma_wait3A_1674 = tpu.memref_squeeze %dma_wait3A_1673 : memref<1x128x128xf32, #tpu.memory_space<vmem>> -> memref<128x128xf32, #tpu.memory_space<vmem>>
        %dma_wait3A_1675 = arith.constant 0 : i32
        %dma_wait3A_1676 = tpu.memref_slice %arg7[%run_scoped3A_1629, %mul3A_1601, %dma_wait3A_1675] : memref<2x16x128xi32, #tpu.memory_space<vmem>> -> memref<1x1x128xi32, #tpu.memory_space<vmem>>
        %dma_wait3A_1677 = tpu.memref_squeeze %dma_wait3A_1676 : memref<1x1x128xi32, #tpu.memory_space<vmem>> -> memref<128xi32, #tpu.memory_space<vmem>>
        %dma_wait3A_1678 = arith.constant 0 : i32
        %dma_wait3A_1679 = arith.constant 0 : i32
        %dma_wait3A_1680 = tpu.memref_slice %arg10[%dma_wait3A_1678, %dma_wait3A_1679] : memref<10112x128xf32, #tpu.memory_space<vmem_shared>> -> memref<10112x128xf32, #tpu.memory_space<vmem_shared>>
        tpu.wait_indirect_dma semaphore(%run_scoped3A_1660 : memref<!tpu.dma_semaphore, #tpu.memory_space<semaphore_mem>>) src(%dma_wait3A_1674 : memref<128x128xf32, #tpu.memory_space<vmem>>) dst(%dma_wait3A_1680 : memref<10112x128xf32, #tpu.memory_space<vmem_shared>>)
        tpu.yield
      }) : () -> ()
      %add3A_1630 = arith.constant 2 : i32
      %add3A_1631 = arith.addi %mul3A_1601, %add3A_1630 : i32
      %dma_start3A_1632 = arith.constant 0 : i32
      %dma_start3A_1633 = arith.constant 0 : i32
      %dma_start3A_1634 = arith.constant 0 : i32
      %dma_start3A_1635 = arith.constant 0 : i32
      %dma_start3A_1636 = tpu.memref_slice %arg8[%dma_start3A_1633, %dma_start3A_1634, %dma_start3A_1635] : memref<2x128x128xf32, #tpu.memory_space<vmem>> -> memref<1x128x128xf32, #tpu.memory_space<vmem>>
      %dma_start3A_1637 = tpu.memref_squeeze %dma_start3A_1636 : memref<1x128x128xf32, #tpu.memory_space<vmem>> -> memref<128x128xf32, #tpu.memory_space<vmem>>
      %dma_start3A_1638 = arith.constant 0 : i32
      %dma_start3A_1639 = tpu.memref_slice %arg6[%dma_start3A_1632, %add3A_1631, %dma_start3A_1638] : memref<2x16x128xi32, #tpu.memory_space<vmem>> -> memref<1x1x128xi32, #tpu.memory_space<vmem>>
      %dma_start3A_1640 = tpu.memref_squeeze %dma_start3A_1639 : memref<1x1x128xi32, #tpu.memory_space<vmem>> -> memref<128xi32, #tpu.memory_space<vmem>>
      %dma_start3A_1641 = arith.constant 0 : i32
      %dma_start3A_1642 = arith.constant 0 : i32
      %dma_start3A_1643 = tpu.memref_slice %arg2[%dma_start3A_1641, %dma_start3A_1642] : memref<10000x128xf32, #tpu.memory_space<hbm>> -> memref<10000x128xf32, #tpu.memory_space<hbm>>
      tpu.enqueue_indirect_dma source(%dma_start3A_1643 : memref<10000x128xf32, #tpu.memory_space<hbm>>) target(%dma_start3A_1637 : memref<128x128xf32, #tpu.memory_space<vmem>>) offsets(%dma_start3A_1640 : memref<128xi32, #tpu.memory_space<vmem>>) semaphore(%arg11 : memref<!tpu.dma_semaphore, #tpu.memory_space<semaphore_mem>>)
      %add3A_1644 = arith.constant 1 : i32
      %add3A_1645 = arith.addi %mul3A_1601, %add3A_1644 : i32
      %dma_wait3A_1646 = arith.constant 0 : i32
      %dma_wait3A_1647 = arith.constant 1 : i32
      %dma_wait3A_1648 = arith.constant 0 : i32
      %dma_wait3A_1649 = arith.constant 0 : i32
      %dma_wait3A_1650 = tpu.memref_slice %arg8[%dma_wait3A_1647, %dma_wait3A_1648, %dma_wait3A_1649] : memref<2x128x128xf32, #tpu.memory_space<vmem>> -> memref<1x128x128xf32, #tpu.memory_space<vmem>>
      %dma_wait3A_1651 = tpu.memref_squeeze %dma_wait3A_1650 : memref<1x128x128xf32, #tpu.memory_space<vmem>> -> memref<128x128xf32, #tpu.memory_space<vmem>>
      %dma_wait3A_1652 = arith.constant 0 : i32
      %dma_wait3A_1653 = tpu.memref_slice %arg6[%dma_wait3A_1646, %add3A_1645, %dma_wait3A_1652] : memref<2x16x128xi32, #tpu.memory_space<vmem>> -> memref<1x1x128xi32, #tpu.memory_space<vmem>>
      %dma_wait3A_1654 = tpu.memref_squeeze %dma_wait3A_1653 : memref<1x1x128xi32, #tpu.memory_space<vmem>> -> memref<128xi32, #tpu.memory_space<vmem>>
      %dma_wait3A_1655 = arith.constant 0 : i32
      %dma_wait3A_1656 = arith.constant 0 : i32
      %dma_wait3A_1657 = tpu.memref_slice %arg2[%dma_wait3A_1655, %dma_wait3A_1656] : memref<10000x128xf32, #tpu.memory_space<hbm>> -> memref<10000x128xf32, #tpu.memory_space<hbm>>
      tpu.wait_indirect_dma semaphore(%arg12 : memref<!tpu.dma_semaphore, #tpu.memory_space<semaphore_mem>>) src(%dma_wait3A_1657 : memref<10000x128xf32, #tpu.memory_space<hbm>>) dst(%dma_wait3A_1651 : memref<128x128xf32, #tpu.memory_space<vmem>>)
      %run_scoped3A_1658 = arith.constant 1 : i32
      %run_scoped3A_1659 = arith.constant 0 : i32
      "tpu.region"() ({
        %run_scoped3A_1660 = tpu.sem_alloc : memref<!tpu.dma_semaphore, #tpu.memory_space<semaphore_mem>>
        %dma_start3A_1661 = arith.constant 0 : i32
        %dma_start3A_1662 = arith.constant 0 : i32
        %dma_start3A_1663 = tpu.memref_slice %arg8[%run_scoped3A_1658, %dma_start3A_1661, %dma_start3A_1662] : memref<2x128x128xf32, #tpu.memory_space<vmem>> -> memref<1x128x128xf32, #tpu.memory_space<vmem>>
        %dma_start3A_1664 = tpu.memref_squeeze %dma_start3A_1663 : memref<1x128x128xf32, #tpu.memory_space<vmem>> -> memref<128x128xf32, #tpu.memory_space<vmem>>
        %dma_start3A_1665 = arith.constant 0 : i32
        %dma_start3A_1666 = tpu.memref_slice %arg7[%run_scoped3A_1659, %add3A_1645, %dma_start3A_1665] : memref<2x16x128xi32, #tpu.memory_space<vmem>> -> memref<1x1x128xi32, #tpu.memory_space<vmem>>
        %dma_start3A_1667 = tpu.memref_squeeze %dma_start3A_1666 : memref<1x1x128xi32, #tpu.memory_space<vmem>> -> memref<128xi32, #tpu.memory_space<vmem>>
        %dma_start3A_1668 = arith.constant 0 : i32
        %dma_start3A_1669 = arith.constant 0 : i32
        %dma_start3A_1670 = tpu.memref_slice %arg10[%dma_start3A_1668, %dma_start3A_1669] : memref<10112x128xf32, #tpu.memory_space<vmem_shared>> -> memref<10112x128xf32, #tpu.memory_space<vmem_shared>>
        tpu.enqueue_indirect_dma source(%dma_start3A_1664 : memref<128x128xf32, #tpu.memory_space<vmem>>) target(%dma_start3A_1670 : memref<10112x128xf32, #tpu.memory_space<vmem_shared>>) offsets(%dma_start3A_1667 : memref<128xi32, #tpu.memory_space<vmem>>) semaphore(%run_scoped3A_1660 : memref<!tpu.dma_semaphore, #tpu.memory_space<semaphore_mem>>) {add = true}
        %dma_wait3A_1671 = arith.constant 0 : i32
        %dma_wait3A_1672 = arith.constant 0 : i32
        %dma_wait3A_1673 = tpu.memref_slice %arg8[%run_scoped3A_1658, %dma_wait3A_1671, %dma_wait3A_1672] : memref<2x128x128xf32, #tpu.memory_space<vmem>> -> memref<1x128x128xf32, #tpu.memory_space<vmem>>
        %dma_wait3A_1674 = tpu.memref_squeeze %dma_wait3A_1673 : memref<1x128x128xf32, #tpu.memory_space<vmem>> -> memref<128x128xf32, #tpu.memory_space<vmem>>
        %dma_wait3A_1675 = arith.constant 0 : i32
        %dma_wait3A_1676 = tpu.memref_slice %arg7[%run_scoped3A_1659, %add3A_1645, %dma_wait3A_1675] : memref<2x16x128xi32, #tpu.memory_space<vmem>> -> memref<1x1x128xi32, #tpu.memory_space<vmem>>
        %dma_wait3A_1677 = tpu.memref_squeeze %dma_wait3A_1676 : memref<1x1x128xi32, #tpu.memory_space<vmem>> -> memref<128xi32, #tpu.memory_space<vmem>>
        %dma_wait3A_1678 = arith.constant 0 : i32
        %dma_wait3A_1679 = arith.constant 0 : i32
        %dma_wait3A_1680 = tpu.memref_slice %arg10[%dma_wait3A_1678, %dma_wait3A_1679] : memref<10112x128xf32, #tpu.memory_space<vmem_shared>> -> memref<10112x128xf32, #tpu.memory_space<vmem_shared>>
        tpu.wait_indirect_dma semaphore(%run_scoped3A_1660 : memref<!tpu.dma_semaphore, #tpu.memory_space<semaphore_mem>>) src(%dma_wait3A_1674 : memref<128x128xf32, #tpu.memory_space<vmem>>) dst(%dma_wait3A_1680 : memref<10112x128xf32, #tpu.memory_space<vmem_shared>>)
        tpu.yield
      }) : () -> ()
    }
    %scan3A_1083 = arith.constant 7 : i32
    %dma_start3A_1084 = arith.constant 0 : i32
    %dma_start3A_1085 = arith.constant 15 : i32
    %dma_start3A_1086 = arith.constant 1 : i32
    %dma_start3A_1087 = arith.constant 0 : i32
    %dma_start3A_1088 = arith.constant 0 : i32
    %dma_start3A_1089 = tpu.memref_slice %arg8[%dma_start3A_1086, %dma_start3A_1087, %dma_start3A_1088] : memref<2x128x128xf32, #tpu.memory_space<vmem>> -> memref<1x128x128xf32, #tpu.memory_space<vmem>>
    %dma_start3A_1090 = tpu.memref_squeeze %dma_start3A_1089 : memref<1x128x128xf32, #tpu.memory_space<vmem>> -> memref<128x128xf32, #tpu.memory_space<vmem>>
    %dma_start3A_1091 = arith.constant 0 : i32
    %dma_start3A_1092 = tpu.memref_slice %arg6[%dma_start3A_1084, %dma_start3A_1085, %dma_start3A_1091] : memref<2x16x128xi32, #tpu.memory_space<vmem>> -> memref<1x1x128xi32, #tpu.memory_space<vmem>>
    %dma_start3A_1093 = tpu.memref_squeeze %dma_start3A_1092 : memref<1x1x128xi32, #tpu.memory_space<vmem>> -> memref<128xi32, #tpu.memory_space<vmem>>
    %dma_start3A_1094 = arith.constant 0 : i32
    %dma_start3A_1095 = arith.constant 0 : i32
    %dma_start3A_1096 = tpu.memref_slice %arg2[%dma_start3A_1094, %dma_start3A_1095] : memref<10000x128xf32, #tpu.memory_space<hbm>> -> memref<10000x128xf32, #tpu.memory_space<hbm>>
    tpu.enqueue_indirect_dma source(%dma_start3A_1096 : memref<10000x128xf32, #tpu.memory_space<hbm>>) target(%dma_start3A_1090 : memref<128x128xf32, #tpu.memory_space<vmem>>) offsets(%dma_start3A_1093 : memref<128xi32, #tpu.memory_space<vmem>>) semaphore(%arg12 : memref<!tpu.dma_semaphore, #tpu.memory_space<semaphore_mem>>)
    %dma_wait3A = arith.constant 0 : i32
    %dma_wait3A_1097 = arith.constant 14 : i32
    %dma_wait3A_1098 = arith.constant 0 : i32
    %dma_wait3A_1099 = arith.constant 0 : i32
    %dma_wait3A_1100 = arith.constant 0 : i32
    %dma_wait3A_1101 = tpu.memref_slice %arg8[%dma_wait3A_1098, %dma_wait3A_1099, %dma_wait3A_1100] : memref<2x128x128xf32, #tpu.memory_space<vmem>> -> memref<1x128x128xf32, #tpu.memory_space<vmem>>
    %dma_wait3A_1102 = tpu.memref_squeeze %dma_wait3A_1101 : memref<1x128x128xf32, #tpu.memory_space<vmem>> -> memref<128x128xf32, #tpu.memory_space<vmem>>
    %dma_wait3A_1103 = arith.constant 0 : i32
    %dma_wait3A_1104 = tpu.memref_slice %arg6[%dma_wait3A, %dma_wait3A_1097, %dma_wait3A_1103] : memref<2x16x128xi32, #tpu.memory_space<vmem>> -> memref<1x1x128xi32, #tpu.memory_space<vmem>>
    %dma_wait3A_1105 = tpu.memref_squeeze %dma_wait3A_1104 : memref<1x1x128xi32, #tpu.memory_space<vmem>> -> memref<128xi32, #tpu.memory_space<vmem>>
    %dma_wait3A_1106 = arith.constant 0 : i32
    %dma_wait3A_1107 = arith.constant 0 : i32
    %dma_wait3A_1108 = tpu.memref_slice %arg2[%dma_wait3A_1106, %dma_wait3A_1107] : memref<10000x128xf32, #tpu.memory_space<hbm>> -> memref<10000x128xf32, #tpu.memory_space<hbm>>
    tpu.wait_indirect_dma semaphore(%arg11 : memref<!tpu.dma_semaphore, #tpu.memory_space<semaphore_mem>>) src(%dma_wait3A_1108 : memref<10000x128xf32, #tpu.memory_space<hbm>>) dst(%dma_wait3A_1102 : memref<128x128xf32, #tpu.memory_space<vmem>>)
    %run_scoped3A_1109 = arith.constant 0 : i32
    %run_scoped3A_1110 = arith.constant 0 : i32
    %run_scoped3A_1111 = arith.constant 14 : i32
    "tpu.region"() ({
      %run_scoped3A_1599 = tpu.sem_alloc : memref<!tpu.dma_semaphore, #tpu.memory_space<semaphore_mem>>
      %dma_start3A_1600 = arith.constant 0 : i32
      %dma_start3A_1601 = arith.constant 0 : i32
      %dma_start3A_1602 = tpu.memref_slice %arg8[%run_scoped3A_1109, %dma_start3A_1600, %dma_start3A_1601] : memref<2x128x128xf32, #tpu.memory_space<vmem>> -> memref<1x128x128xf32, #tpu.memory_space<vmem>>
      %dma_start3A_1603 = tpu.memref_squeeze %dma_start3A_1602 : memref<1x128x128xf32, #tpu.memory_space<vmem>> -> memref<128x128xf32, #tpu.memory_space<vmem>>
      %dma_start3A_1604 = arith.constant 0 : i32
      %dma_start3A_1605 = tpu.memref_slice %arg7[%run_scoped3A_1110, %run_scoped3A_1111, %dma_start3A_1604] : memref<2x16x128xi32, #tpu.memory_space<vmem>> -> memref<1x1x128xi32, #tpu.memory_space<vmem>>
      %dma_start3A_1606 = tpu.memref_squeeze %dma_start3A_1605 : memref<1x1x128xi32, #tpu.memory_space<vmem>> -> memref<128xi32, #tpu.memory_space<vmem>>
      %dma_start3A_1607 = arith.constant 0 : i32
      %dma_start3A_1608 = arith.constant 0 : i32
      %dma_start3A_1609 = tpu.memref_slice %arg10[%dma_start3A_1607, %dma_start3A_1608] : memref<10112x128xf32, #tpu.memory_space<vmem_shared>> -> memref<10112x128xf32, #tpu.memory_space<vmem_shared>>
      tpu.enqueue_indirect_dma source(%dma_start3A_1603 : memref<128x128xf32, #tpu.memory_space<vmem>>) target(%dma_start3A_1609 : memref<10112x128xf32, #tpu.memory_space<vmem_shared>>) offsets(%dma_start3A_1606 : memref<128xi32, #tpu.memory_space<vmem>>) semaphore(%run_scoped3A_1599 : memref<!tpu.dma_semaphore, #tpu.memory_space<semaphore_mem>>) {add = true}
      %dma_wait3A_1610 = arith.constant 0 : i32
      %dma_wait3A_1611 = arith.constant 0 : i32
      %dma_wait3A_1612 = tpu.memref_slice %arg8[%run_scoped3A_1109, %dma_wait3A_1610, %dma_wait3A_1611] : memref<2x128x128xf32, #tpu.memory_space<vmem>> -> memref<1x128x128xf32, #tpu.memory_space<vmem>>
      %dma_wait3A_1613 = tpu.memref_squeeze %dma_wait3A_1612 : memref<1x128x128xf32, #tpu.memory_space<vmem>> -> memref<128x128xf32, #tpu.memory_space<vmem>>
      %dma_wait3A_1614 = arith.constant 0 : i32
      %dma_wait3A_1615 = tpu.memref_slice %arg7[%run_scoped3A_1110, %run_scoped3A_1111, %dma_wait3A_1614] : memref<2x16x128xi32, #tpu.memory_space<vmem>> -> memref<1x1x128xi32, #tpu.memory_space<vmem>>
      %dma_wait3A_1616 = tpu.memref_squeeze %dma_wait3A_1615 : memref<1x1x128xi32, #tpu.memory_space<vmem>> -> memref<128xi32, #tpu.memory_space<vmem>>
      %dma_wait3A_1617 = arith.constant 0 : i32
      %dma_wait3A_1618 = arith.constant 0 : i32
      %dma_wait3A_1619 = tpu.memref_slice %arg10[%dma_wait3A_1617, %dma_wait3A_1618] : memref<10112x128xf32, #tpu.memory_space<vmem_shared>> -> memref<10112x128xf32, #tpu.memory_space<vmem_shared>>
      tpu.wait_indirect_dma semaphore(%run_scoped3A_1599 : memref<!tpu.dma_semaphore, #tpu.memory_space<semaphore_mem>>) src(%dma_wait3A_1613 : memref<128x128xf32, #tpu.memory_space<vmem>>) dst(%dma_wait3A_1619 : memref<10112x128xf32, #tpu.memory_space<vmem_shared>>)
      tpu.yield
    }) : () -> ()
    %dma_wait3A_1112 = arith.constant 0 : i32
    %dma_wait3A_1113 = arith.constant 15 : i32
    %dma_wait3A_1114 = arith.constant 1 : i32
    %dma_wait3A_1115 = arith.constant 0 : i32
    %dma_wait3A_1116 = arith.constant 0 : i32
    %dma_wait3A_1117 = tpu.memref_slice %arg8[%dma_wait3A_1114, %dma_wait3A_1115, %dma_wait3A_1116] : memref<2x128x128xf32, #tpu.memory_space<vmem>> -> memref<1x128x128xf32, #tpu.memory_space<vmem>>
    %dma_wait3A_1118 = tpu.memref_squeeze %dma_wait3A_1117 : memref<1x128x128xf32, #tpu.memory_space<vmem>> -> memref<128x128xf32, #tpu.memory_space<vmem>>
    %dma_wait3A_1119 = arith.constant 0 : i32
    %dma_wait3A_1120 = tpu.memref_slice %arg6[%dma_wait3A_1112, %dma_wait3A_1113, %dma_wait3A_1119] : memref<2x16x128xi32, #tpu.memory_space<vmem>> -> memref<1x1x128xi32, #tpu.memory_space<vmem>>
    %dma_wait3A_1121 = tpu.memref_squeeze %dma_wait3A_1120 : memref<1x1x128xi32, #tpu.memory_space<vmem>> -> memref<128xi32, #tpu.memory_space<vmem>>
    %dma_wait3A_1122 = arith.constant 0 : i32
    %dma_wait3A_1123 = arith.constant 0 : i32
    %dma_wait3A_1124 = tpu.memref_slice %arg2[%dma_wait3A_1122, %dma_wait3A_1123] : memref<10000x128xf32, #tpu.memory_space<hbm>> -> memref<10000x128xf32, #tpu.memory_space<hbm>>
    tpu.wait_indirect_dma semaphore(%arg12 : memref<!tpu.dma_semaphore, #tpu.memory_space<semaphore_mem>>) src(%dma_wait3A_1124 : memref<10000x128xf32, #tpu.memory_space<hbm>>) dst(%dma_wait3A_1118 : memref<128x128xf32, #tpu.memory_space<vmem>>)
    %run_scoped3A_1125 = arith.constant 1 : i32
    %run_scoped3A_1126 = arith.constant 0 : i32
    %run_scoped3A_1127 = arith.constant 15 : i32
    "tpu.region"() ({
      %run_scoped3A_1599 = tpu.sem_alloc : memref<!tpu.dma_semaphore, #tpu.memory_space<semaphore_mem>>
      %dma_start3A_1600 = arith.constant 0 : i32
      %dma_start3A_1601 = arith.constant 0 : i32
      %dma_start3A_1602 = tpu.memref_slice %arg8[%run_scoped3A_1125, %dma_start3A_1600, %dma_start3A_1601] : memref<2x128x128xf32, #tpu.memory_space<vmem>> -> memref<1x128x128xf32, #tpu.memory_space<vmem>>
      %dma_start3A_1603 = tpu.memref_squeeze %dma_start3A_1602 : memref<1x128x128xf32, #tpu.memory_space<vmem>> -> memref<128x128xf32, #tpu.memory_space<vmem>>
      %dma_start3A_1604 = arith.constant 0 : i32
      %dma_start3A_1605 = tpu.memref_slice %arg7[%run_scoped3A_1126, %run_scoped3A_1127, %dma_start3A_1604] : memref<2x16x128xi32, #tpu.memory_space<vmem>> -> memref<1x1x128xi32, #tpu.memory_space<vmem>>
      %dma_start3A_1606 = tpu.memref_squeeze %dma_start3A_1605 : memref<1x1x128xi32, #tpu.memory_space<vmem>> -> memref<128xi32, #tpu.memory_space<vmem>>
      %dma_start3A_1607 = arith.constant 0 : i32
      %dma_start3A_1608 = arith.constant 0 : i32
      %dma_start3A_1609 = tpu.memref_slice %arg10[%dma_start3A_1607, %dma_start3A_1608] : memref<10112x128xf32, #tpu.memory_space<vmem_shared>> -> memref<10112x128xf32, #tpu.memory_space<vmem_shared>>
      tpu.enqueue_indirect_dma source(%dma_start3A_1603 : memref<128x128xf32, #tpu.memory_space<vmem>>) target(%dma_start3A_1609 : memref<10112x128xf32, #tpu.memory_space<vmem_shared>>) offsets(%dma_start3A_1606 : memref<128xi32, #tpu.memory_space<vmem>>) semaphore(%run_scoped3A_1599 : memref<!tpu.dma_semaphore, #tpu.memory_space<semaphore_mem>>) {add = true}
      %dma_wait3A_1610 = arith.constant 0 : i32
      %dma_wait3A_1611 = arith.constant 0 : i32
      %dma_wait3A_1612 = tpu.memref_slice %arg8[%run_scoped3A_1125, %dma_wait3A_1610, %dma_wait3A_1611] : memref<2x128x128xf32, #tpu.memory_space<vmem>> -> memref<1x128x128xf32, #tpu.memory_space<vmem>>
      %dma_wait3A_1613 = tpu.memref_squeeze %dma_wait3A_1612 : memref<1x128x128xf32, #tpu.memory_space<vmem>> -> memref<128x128xf32, #tpu.memory_space<vmem>>
      %dma_wait3A_1614 = arith.constant 0 : i32
      %dma_wait3A_1615 = tpu.memref_slice %arg7[%run_scoped3A_1126, %run_scoped3A_1127, %dma_wait3A_1614] : memref<2x16x128xi32, #tpu.memory_space<vmem>> -> memref<1x1x128xi32, #tpu.memory_space<vmem>>
      %dma_wait3A_1616 = tpu.memref_squeeze %dma_wait3A_1615 : memref<1x1x128xi32, #tpu.memory_space<vmem>> -> memref<128xi32, #tpu.memory_space<vmem>>
      %dma_wait3A_1617 = arith.constant 0 : i32
      %dma_wait3A_1618 = arith.constant 0 : i32
      %dma_wait3A_1619 = tpu.memref_slice %arg10[%dma_wait3A_1617, %dma_wait3A_1618] : memref<10112x128xf32, #tpu.memory_space<vmem_shared>> -> memref<10112x128xf32, #tpu.memory_space<vmem_shared>>
      tpu.wait_indirect_dma semaphore(%run_scoped3A_1599 : memref<!tpu.dma_semaphore, #tpu.memory_space<semaphore_mem>>) src(%dma_wait3A_1613 : memref<128x128xf32, #tpu.memory_space<vmem>>) dst(%dma_wait3A_1619 : memref<10112x128xf32, #tpu.memory_space<vmem_shared>>)
      tpu.yield
    }) : () -> ()
    %add3A_1128 = arith.constant 16 : i32
    %add3A_1129 = arith.addi %mul3A_2, %add3A_1128 : i32
    %dma_wait3A_1130 = arith.constant 1 : i32
    %dma_wait3A_1131 = arith.constant 0 : i32
    %dma_wait3A_1132 = arith.constant 0 : i32
    %dma_wait3A_1133 = tpu.memref_slice %arg6[%dma_wait3A_1130, %dma_wait3A_1131, %dma_wait3A_1132] : memref<2x16x128xi32, #tpu.memory_space<vmem>> -> memref<1x16x128xi32, #tpu.memory_space<vmem>>
    %dma_wait3A_1134 = tpu.memref_squeeze %dma_wait3A_1133 : memref<1x16x128xi32, #tpu.memory_space<vmem>> -> memref<16x128xi32, #tpu.memory_space<vmem>>
    %dma_wait3A_1135 = arith.constant 0 : i32
    %dma_wait3A_1136 = tpu.memref_slice %arg3[%add3A_1129, %dma_wait3A_1135] : memref<2560x128xi32, #tpu.memory_space<hbm>> -> memref<16x128xi32, #tpu.memory_space<hbm>>
    %dma_wait3A_1137 = arith.constant 0 : i32
    %dma_wait3A_1138 = arith.constant 0 : i32
    %dma_wait3A_1139 = tpu.memref_slice %arg6[%dma_wait3A_1130, %dma_wait3A_1137, %dma_wait3A_1138] : memref<2x16x128xi32, #tpu.memory_space<vmem>> -> memref<1x16x128xi32, #tpu.memory_space<vmem>>
    %dma_wait3A_1140 = tpu.memref_squeeze %dma_wait3A_1139 : memref<1x16x128xi32, #tpu.memory_space<vmem>> -> memref<16x128xi32, #tpu.memory_space<vmem>>
    %dma_wait3A_1141 = arith.constant 0 : i32
    %dma_wait3A_1142 = tpu.memref_slice %arg3[%add3A_1129, %dma_wait3A_1141] : memref<2560x128xi32, #tpu.memory_space<hbm>> -> memref<16x128xi32, #tpu.memory_space<hbm>>
    tpu.wait_dma2 semaphore(%arg13 : memref<!tpu.dma_semaphore, #tpu.memory_space<semaphore_mem>>) src(%dma_wait3A_1142 : memref<16x128xi32, #tpu.memory_space<hbm>>) dst(%dma_wait3A_1140 : memref<16x128xi32, #tpu.memory_space<vmem>>)
    %add3A_1143 = arith.constant 16 : i32
    %add3A_1144 = arith.addi %mul3A_2, %add3A_1143 : i32
    %dma_wait3A_1145 = arith.constant 1 : i32
    %dma_wait3A_1146 = arith.constant 0 : i32
    %dma_wait3A_1147 = arith.constant 0 : i32
    %dma_wait3A_1148 = tpu.memref_slice %arg7[%dma_wait3A_1145, %dma_wait3A_1146, %dma_wait3A_1147] : memref<2x16x128xi32, #tpu.memory_space<vmem>> -> memref<1x16x128xi32, #tpu.memory_space<vmem>>
    %dma_wait3A_1149 = tpu.memref_squeeze %dma_wait3A_1148 : memref<1x16x128xi32, #tpu.memory_space<vmem>> -> memref<16x128xi32, #tpu.memory_space<vmem>>
    %dma_wait3A_1150 = arith.constant 0 : i32
    %dma_wait3A_1151 = tpu.memref_slice %arg4[%add3A_1144, %dma_wait3A_1150] : memref<2560x128xi32, #tpu.memory_space<hbm>> -> memref<16x128xi32, #tpu.memory_space<hbm>>
    %dma_wait3A_1152 = arith.constant 0 : i32
    %dma_wait3A_1153 = arith.constant 0 : i32
    %dma_wait3A_1154 = tpu.memref_slice %arg7[%dma_wait3A_1145, %dma_wait3A_1152, %dma_wait3A_1153] : memref<2x16x128xi32, #tpu.memory_space<vmem>> -> memref<1x16x128xi32, #tpu.memory_space<vmem>>
    %dma_wait3A_1155 = tpu.memref_squeeze %dma_wait3A_1154 : memref<1x16x128xi32, #tpu.memory_space<vmem>> -> memref<16x128xi32, #tpu.memory_space<vmem>>
    %dma_wait3A_1156 = arith.constant 0 : i32
    %dma_wait3A_1157 = tpu.memref_slice %arg4[%add3A_1144, %dma_wait3A_1156] : memref<2560x128xi32, #tpu.memory_space<hbm>> -> memref<16x128xi32, #tpu.memory_space<hbm>>
    tpu.wait_dma2 semaphore(%arg13 : memref<!tpu.dma_semaphore, #tpu.memory_space<semaphore_mem>>) src(%dma_wait3A_1157 : memref<16x128xi32, #tpu.memory_space<hbm>>) dst(%dma_wait3A_1155 : memref<16x128xi32, #tpu.memory_space<vmem>>)
    %add3A_1158 = arith.constant 32 : i32
    %add3A_1159 = arith.addi %mul3A_2, %add3A_1158 : i32
    %dma_start3A_1160 = arith.constant 0 : i32
    %dma_start3A_1161 = arith.constant 0 : i32
    %dma_start3A_1162 = arith.constant 0 : i32
    %dma_start3A_1163 = tpu.memref_slice %arg6[%dma_start3A_1160, %dma_start3A_1161, %dma_start3A_1162] : memref<2x16x128xi32, #tpu.memory_space<vmem>> -> memref<1x16x128xi32, #tpu.memory_space<vmem>>
    %dma_start3A_1164 = tpu.memref_squeeze %dma_start3A_1163 : memref<1x16x128xi32, #tpu.memory_space<vmem>> -> memref<16x128xi32, #tpu.memory_space<vmem>>
    %dma_start3A_1165 = arith.constant 0 : i32
    %dma_start3A_1166 = tpu.memref_slice %arg3[%add3A_1159, %dma_start3A_1165] : memref<2560x128xi32, #tpu.memory_space<hbm>> -> memref<16x128xi32, #tpu.memory_space<hbm>>
    %dma_start3A_1167 = arith.constant 0 : i32
    %dma_start3A_1168 = arith.constant 0 : i32
    %dma_start3A_1169 = tpu.memref_slice %arg6[%dma_start3A_1160, %dma_start3A_1167, %dma_start3A_1168] : memref<2x16x128xi32, #tpu.memory_space<vmem>> -> memref<1x16x128xi32, #tpu.memory_space<vmem>>
    %dma_start3A_1170 = tpu.memref_squeeze %dma_start3A_1169 : memref<1x16x128xi32, #tpu.memory_space<vmem>> -> memref<16x128xi32, #tpu.memory_space<vmem>>
    %dma_start3A_1171 = arith.constant 0 : i32
    %dma_start3A_1172 = tpu.memref_slice %arg3[%add3A_1159, %dma_start3A_1171] : memref<2560x128xi32, #tpu.memory_space<hbm>> -> memref<16x128xi32, #tpu.memory_space<hbm>>
    tpu.enqueue_dma source(%dma_start3A_1172 : memref<16x128xi32, #tpu.memory_space<hbm>>) target(%dma_start3A_1170 : memref<16x128xi32, #tpu.memory_space<vmem>>) target_semaphore(%arg13 : memref<!tpu.dma_semaphore, #tpu.memory_space<semaphore_mem>>)
    %add3A_1173 = arith.constant 32 : i32
    %add3A_1174 = arith.addi %mul3A_2, %add3A_1173 : i32
    %dma_start3A_1175 = arith.constant 0 : i32
    %dma_start3A_1176 = arith.constant 0 : i32
    %dma_start3A_1177 = arith.constant 0 : i32
    %dma_start3A_1178 = tpu.memref_slice %arg7[%dma_start3A_1175, %dma_start3A_1176, %dma_start3A_1177] : memref<2x16x128xi32, #tpu.memory_space<vmem>> -> memref<1x16x128xi32, #tpu.memory_space<vmem>>
    %dma_start3A_1179 = tpu.memref_squeeze %dma_start3A_1178 : memref<1x16x128xi32, #tpu.memory_space<vmem>> -> memref<16x128xi32, #tpu.memory_space<vmem>>
    %dma_start3A_1180 = arith.constant 0 : i32
    %dma_start3A_1181 = tpu.memref_slice %arg4[%add3A_1174, %dma_start3A_1180] : memref<2560x128xi32, #tpu.memory_space<hbm>> -> memref<16x128xi32, #tpu.memory_space<hbm>>
    %dma_start3A_1182 = arith.constant 0 : i32
    %dma_start3A_1183 = arith.constant 0 : i32
    %dma_start3A_1184 = tpu.memref_slice %arg7[%dma_start3A_1175, %dma_start3A_1182, %dma_start3A_1183] : memref<2x16x128xi32, #tpu.memory_space<vmem>> -> memref<1x16x128xi32, #tpu.memory_space<vmem>>
    %dma_start3A_1185 = tpu.memref_squeeze %dma_start3A_1184 : memref<1x16x128xi32, #tpu.memory_space<vmem>> -> memref<16x128xi32, #tpu.memory_space<vmem>>
    %dma_start3A_1186 = arith.constant 0 : i32
    %dma_start3A_1187 = tpu.memref_slice %arg4[%add3A_1174, %dma_start3A_1186] : memref<2560x128xi32, #tpu.memory_space<hbm>> -> memref<16x128xi32, #tpu.memory_space<hbm>>
    tpu.enqueue_dma source(%dma_start3A_1187 : memref<16x128xi32, #tpu.memory_space<hbm>>) target(%dma_start3A_1185 : memref<16x128xi32, #tpu.memory_space<vmem>>) target_semaphore(%arg13 : memref<!tpu.dma_semaphore, #tpu.memory_space<semaphore_mem>>)
    %dma_start3A_1188 = arith.constant 1 : i32
    %dma_start3A_1189 = arith.constant 0 : i32
    %dma_start3A_1190 = arith.constant 0 : i32
    %dma_start3A_1191 = arith.constant 0 : i32
    %dma_start3A_1192 = arith.constant 0 : i32
    %dma_start3A_1193 = tpu.memref_slice %arg8[%dma_start3A_1190, %dma_start3A_1191, %dma_start3A_1192] : memref<2x128x128xf32, #tpu.memory_space<vmem>> -> memref<1x128x128xf32, #tpu.memory_space<vmem>>
    %dma_start3A_1194 = tpu.memref_squeeze %dma_start3A_1193 : memref<1x128x128xf32, #tpu.memory_space<vmem>> -> memref<128x128xf32, #tpu.memory_space<vmem>>
    %dma_start3A_1195 = arith.constant 0 : i32
    %dma_start3A_1196 = tpu.memref_slice %arg6[%dma_start3A_1188, %dma_start3A_1189, %dma_start3A_1195] : memref<2x16x128xi32, #tpu.memory_space<vmem>> -> memref<1x1x128xi32, #tpu.memory_space<vmem>>
    %dma_start3A_1197 = tpu.memref_squeeze %dma_start3A_1196 : memref<1x1x128xi32, #tpu.memory_space<vmem>> -> memref<128xi32, #tpu.memory_space<vmem>>
    %dma_start3A_1198 = arith.constant 0 : i32
    %dma_start3A_1199 = arith.constant 0 : i32
    %dma_start3A_1200 = tpu.memref_slice %arg2[%dma_start3A_1198, %dma_start3A_1199] : memref<10000x128xf32, #tpu.memory_space<hbm>> -> memref<10000x128xf32, #tpu.memory_space<hbm>>
    tpu.enqueue_indirect_dma source(%dma_start3A_1200 : memref<10000x128xf32, #tpu.memory_space<hbm>>) target(%dma_start3A_1194 : memref<128x128xf32, #tpu.memory_space<vmem>>) offsets(%dma_start3A_1197 : memref<128xi32, #tpu.memory_space<vmem>>) semaphore(%arg11 : memref<!tpu.dma_semaphore, #tpu.memory_space<semaphore_mem>>)
    %scan3A_1201 = arith.constant 0 : i32
    %scan3A_1202 = arith.constant 0 : i32
    %scan3A_1203 = arith.constant 7 : i32
    %scan3A_1204 = arith.addi %scan3A_1202, %scan3A_1203 : i32
    %scan3A_1205 = arith.constant 1 : i32
    scf.for %scan3A_1599 = %scan3A_1202 to %scan3A_1204 step %scan3A_1205  : i32 {
      %mul3A_1600 = arith.constant 2 : i32
      %mul3A_1601 = arith.muli %mul3A_1600, %scan3A_1599 : i32
      %add3A_1602 = arith.constant 1 : i32
      %add3A_1603 = arith.addi %mul3A_1601, %add3A_1602 : i32
      %dma_start3A_1604 = arith.constant 1 : i32
      %dma_start3A_1605 = arith.constant 1 : i32
      %dma_start3A_1606 = arith.constant 0 : i32
      %dma_start3A_1607 = arith.constant 0 : i32
      %dma_start3A_1608 = tpu.memref_slice %arg8[%dma_start3A_1605, %dma_start3A_1606, %dma_start3A_1607] : memref<2x128x128xf32, #tpu.memory_space<vmem>> -> memref<1x128x128xf32, #tpu.memory_space<vmem>>
      %dma_start3A_1609 = tpu.memref_squeeze %dma_start3A_1608 : memref<1x128x128xf32, #tpu.memory_space<vmem>> -> memref<128x128xf32, #tpu.memory_space<vmem>>
      %dma_start3A_1610 = arith.constant 0 : i32
      %dma_start3A_1611 = tpu.memref_slice %arg6[%dma_start3A_1604, %add3A_1603, %dma_start3A_1610] : memref<2x16x128xi32, #tpu.memory_space<vmem>> -> memref<1x1x128xi32, #tpu.memory_space<vmem>>
      %dma_start3A_1612 = tpu.memref_squeeze %dma_start3A_1611 : memref<1x1x128xi32, #tpu.memory_space<vmem>> -> memref<128xi32, #tpu.memory_space<vmem>>
      %dma_start3A_1613 = arith.constant 0 : i32
      %dma_start3A_1614 = arith.constant 0 : i32
      %dma_start3A_1615 = tpu.memref_slice %arg2[%dma_start3A_1613, %dma_start3A_1614] : memref<10000x128xf32, #tpu.memory_space<hbm>> -> memref<10000x128xf32, #tpu.memory_space<hbm>>
      tpu.enqueue_indirect_dma source(%dma_start3A_1615 : memref<10000x128xf32, #tpu.memory_space<hbm>>) target(%dma_start3A_1609 : memref<128x128xf32, #tpu.memory_space<vmem>>) offsets(%dma_start3A_1612 : memref<128xi32, #tpu.memory_space<vmem>>) semaphore(%arg12 : memref<!tpu.dma_semaphore, #tpu.memory_space<semaphore_mem>>)
      %dma_wait3A_1616 = arith.constant 1 : i32
      %dma_wait3A_1617 = arith.constant 0 : i32
      %dma_wait3A_1618 = arith.constant 0 : i32
      %dma_wait3A_1619 = arith.constant 0 : i32
      %dma_wait3A_1620 = tpu.memref_slice %arg8[%dma_wait3A_1617, %dma_wait3A_1618, %dma_wait3A_1619] : memref<2x128x128xf32, #tpu.memory_space<vmem>> -> memref<1x128x128xf32, #tpu.memory_space<vmem>>
      %dma_wait3A_1621 = tpu.memref_squeeze %dma_wait3A_1620 : memref<1x128x128xf32, #tpu.memory_space<vmem>> -> memref<128x128xf32, #tpu.memory_space<vmem>>
      %dma_wait3A_1622 = arith.constant 0 : i32
      %dma_wait3A_1623 = tpu.memref_slice %arg6[%dma_wait3A_1616, %mul3A_1601, %dma_wait3A_1622] : memref<2x16x128xi32, #tpu.memory_space<vmem>> -> memref<1x1x128xi32, #tpu.memory_space<vmem>>
      %dma_wait3A_1624 = tpu.memref_squeeze %dma_wait3A_1623 : memref<1x1x128xi32, #tpu.memory_space<vmem>> -> memref<128xi32, #tpu.memory_space<vmem>>
      %dma_wait3A_1625 = arith.constant 0 : i32
      %dma_wait3A_1626 = arith.constant 0 : i32
      %dma_wait3A_1627 = tpu.memref_slice %arg2[%dma_wait3A_1625, %dma_wait3A_1626] : memref<10000x128xf32, #tpu.memory_space<hbm>> -> memref<10000x128xf32, #tpu.memory_space<hbm>>
      tpu.wait_indirect_dma semaphore(%arg11 : memref<!tpu.dma_semaphore, #tpu.memory_space<semaphore_mem>>) src(%dma_wait3A_1627 : memref<10000x128xf32, #tpu.memory_space<hbm>>) dst(%dma_wait3A_1621 : memref<128x128xf32, #tpu.memory_space<vmem>>)
      %run_scoped3A_1628 = arith.constant 0 : i32
      %run_scoped3A_1629 = arith.constant 1 : i32
      "tpu.region"() ({
        %run_scoped3A_1660 = tpu.sem_alloc : memref<!tpu.dma_semaphore, #tpu.memory_space<semaphore_mem>>
        %dma_start3A_1661 = arith.constant 0 : i32
        %dma_start3A_1662 = arith.constant 0 : i32
        %dma_start3A_1663 = tpu.memref_slice %arg8[%run_scoped3A_1628, %dma_start3A_1661, %dma_start3A_1662] : memref<2x128x128xf32, #tpu.memory_space<vmem>> -> memref<1x128x128xf32, #tpu.memory_space<vmem>>
        %dma_start3A_1664 = tpu.memref_squeeze %dma_start3A_1663 : memref<1x128x128xf32, #tpu.memory_space<vmem>> -> memref<128x128xf32, #tpu.memory_space<vmem>>
        %dma_start3A_1665 = arith.constant 0 : i32
        %dma_start3A_1666 = tpu.memref_slice %arg7[%run_scoped3A_1629, %mul3A_1601, %dma_start3A_1665] : memref<2x16x128xi32, #tpu.memory_space<vmem>> -> memref<1x1x128xi32, #tpu.memory_space<vmem>>
        %dma_start3A_1667 = tpu.memref_squeeze %dma_start3A_1666 : memref<1x1x128xi32, #tpu.memory_space<vmem>> -> memref<128xi32, #tpu.memory_space<vmem>>
        %dma_start3A_1668 = arith.constant 0 : i32
        %dma_start3A_1669 = arith.constant 0 : i32
        %dma_start3A_1670 = tpu.memref_slice %arg10[%dma_start3A_1668, %dma_start3A_1669] : memref<10112x128xf32, #tpu.memory_space<vmem_shared>> -> memref<10112x128xf32, #tpu.memory_space<vmem_shared>>
        tpu.enqueue_indirect_dma source(%dma_start3A_1664 : memref<128x128xf32, #tpu.memory_space<vmem>>) target(%dma_start3A_1670 : memref<10112x128xf32, #tpu.memory_space<vmem_shared>>) offsets(%dma_start3A_1667 : memref<128xi32, #tpu.memory_space<vmem>>) semaphore(%run_scoped3A_1660 : memref<!tpu.dma_semaphore, #tpu.memory_space<semaphore_mem>>) {add = true}
        %dma_wait3A_1671 = arith.constant 0 : i32
        %dma_wait3A_1672 = arith.constant 0 : i32
        %dma_wait3A_1673 = tpu.memref_slice %arg8[%run_scoped3A_1628, %dma_wait3A_1671, %dma_wait3A_1672] : memref<2x128x128xf32, #tpu.memory_space<vmem>> -> memref<1x128x128xf32, #tpu.memory_space<vmem>>
        %dma_wait3A_1674 = tpu.memref_squeeze %dma_wait3A_1673 : memref<1x128x128xf32, #tpu.memory_space<vmem>> -> memref<128x128xf32, #tpu.memory_space<vmem>>
        %dma_wait3A_1675 = arith.constant 0 : i32
        %dma_wait3A_1676 = tpu.memref_slice %arg7[%run_scoped3A_1629, %mul3A_1601, %dma_wait3A_1675] : memref<2x16x128xi32, #tpu.memory_space<vmem>> -> memref<1x1x128xi32, #tpu.memory_space<vmem>>
        %dma_wait3A_1677 = tpu.memref_squeeze %dma_wait3A_1676 : memref<1x1x128xi32, #tpu.memory_space<vmem>> -> memref<128xi32, #tpu.memory_space<vmem>>
        %dma_wait3A_1678 = arith.constant 0 : i32
        %dma_wait3A_1679 = arith.constant 0 : i32
        %dma_wait3A_1680 = tpu.memref_slice %arg10[%dma_wait3A_1678, %dma_wait3A_1679] : memref<10112x128xf32, #tpu.memory_space<vmem_shared>> -> memref<10112x128xf32, #tpu.memory_space<vmem_shared>>
        tpu.wait_indirect_dma semaphore(%run_scoped3A_1660 : memref<!tpu.dma_semaphore, #tpu.memory_space<semaphore_mem>>) src(%dma_wait3A_1674 : memref<128x128xf32, #tpu.memory_space<vmem>>) dst(%dma_wait3A_1680 : memref<10112x128xf32, #tpu.memory_space<vmem_shared>>)
        tpu.yield
      }) : () -> ()
      %add3A_1630 = arith.constant 2 : i32
      %add3A_1631 = arith.addi %mul3A_1601, %add3A_1630 : i32
      %dma_start3A_1632 = arith.constant 1 : i32
      %dma_start3A_1633 = arith.constant 0 : i32
      %dma_start3A_1634 = arith.constant 0 : i32
      %dma_start3A_1635 = arith.constant 0 : i32
      %dma_start3A_1636 = tpu.memref_slice %arg8[%dma_start3A_1633, %dma_start3A_1634, %dma_start3A_1635] : memref<2x128x128xf32, #tpu.memory_space<vmem>> -> memref<1x128x128xf32, #tpu.memory_space<vmem>>
      %dma_start3A_1637 = tpu.memref_squeeze %dma_start3A_1636 : memref<1x128x128xf32, #tpu.memory_space<vmem>> -> memref<128x128xf32, #tpu.memory_space<vmem>>
      %dma_start3A_1638 = arith.constant 0 : i32
      %dma_start3A_1639 = tpu.memref_slice %arg6[%dma_start3A_1632, %add3A_1631, %dma_start3A_1638] : memref<2x16x128xi32, #tpu.memory_space<vmem>> -> memref<1x1x128xi32, #tpu.memory_space<vmem>>
      %dma_start3A_1640 = tpu.memref_squeeze %dma_start3A_1639 : memref<1x1x128xi32, #tpu.memory_space<vmem>> -> memref<128xi32, #tpu.memory_space<vmem>>
      %dma_start3A_1641 = arith.constant 0 : i32
      %dma_start3A_1642 = arith.constant 0 : i32
      %dma_start3A_1643 = tpu.memref_slice %arg2[%dma_start3A_1641, %dma_start3A_1642] : memref<10000x128xf32, #tpu.memory_space<hbm>> -> memref<10000x128xf32, #tpu.memory_space<hbm>>
      tpu.enqueue_indirect_dma source(%dma_start3A_1643 : memref<10000x128xf32, #tpu.memory_space<hbm>>) target(%dma_start3A_1637 : memref<128x128xf32, #tpu.memory_space<vmem>>) offsets(%dma_start3A_1640 : memref<128xi32, #tpu.memory_space<vmem>>) semaphore(%arg11 : memref<!tpu.dma_semaphore, #tpu.memory_space<semaphore_mem>>)
      %add3A_1644 = arith.constant 1 : i32
      %add3A_1645 = arith.addi %mul3A_1601, %add3A_1644 : i32
      %dma_wait3A_1646 = arith.constant 1 : i32
      %dma_wait3A_1647 = arith.constant 1 : i32
      %dma_wait3A_1648 = arith.constant 0 : i32
      %dma_wait3A_1649 = arith.constant 0 : i32
      %dma_wait3A_1650 = tpu.memref_slice %arg8[%dma_wait3A_1647, %dma_wait3A_1648, %dma_wait3A_1649] : memref<2x128x128xf32, #tpu.memory_space<vmem>> -> memref<1x128x128xf32, #tpu.memory_space<vmem>>
      %dma_wait3A_1651 = tpu.memref_squeeze %dma_wait3A_1650 : memref<1x128x128xf32, #tpu.memory_space<vmem>> -> memref<128x128xf32, #tpu.memory_space<vmem>>
      %dma_wait3A_1652 = arith.constant 0 : i32
      %dma_wait3A_1653 = tpu.memref_slice %arg6[%dma_wait3A_1646, %add3A_1645, %dma_wait3A_1652] : memref<2x16x128xi32, #tpu.memory_space<vmem>> -> memref<1x1x128xi32, #tpu.memory_space<vmem>>
      %dma_wait3A_1654 = tpu.memref_squeeze %dma_wait3A_1653 : memref<1x1x128xi32, #tpu.memory_space<vmem>> -> memref<128xi32, #tpu.memory_space<vmem>>
      %dma_wait3A_1655 = arith.constant 0 : i32
      %dma_wait3A_1656 = arith.constant 0 : i32
      %dma_wait3A_1657 = tpu.memref_slice %arg2[%dma_wait3A_1655, %dma_wait3A_1656] : memref<10000x128xf32, #tpu.memory_space<hbm>> -> memref<10000x128xf32, #tpu.memory_space<hbm>>
      tpu.wait_indirect_dma semaphore(%arg12 : memref<!tpu.dma_semaphore, #tpu.memory_space<semaphore_mem>>) src(%dma_wait3A_1657 : memref<10000x128xf32, #tpu.memory_space<hbm>>) dst(%dma_wait3A_1651 : memref<128x128xf32, #tpu.memory_space<vmem>>)
      %run_scoped3A_1658 = arith.constant 1 : i32
      %run_scoped3A_1659 = arith.constant 1 : i32
      "tpu.region"() ({
        %run_scoped3A_1660 = tpu.sem_alloc : memref<!tpu.dma_semaphore, #tpu.memory_space<semaphore_mem>>
        %dma_start3A_1661 = arith.constant 0 : i32
        %dma_start3A_1662 = arith.constant 0 : i32
        %dma_start3A_1663 = tpu.memref_slice %arg8[%run_scoped3A_1658, %dma_start3A_1661, %dma_start3A_1662] : memref<2x128x128xf32, #tpu.memory_space<vmem>> -> memref<1x128x128xf32, #tpu.memory_space<vmem>>
        %dma_start3A_1664 = tpu.memref_squeeze %dma_start3A_1663 : memref<1x128x128xf32, #tpu.memory_space<vmem>> -> memref<128x128xf32, #tpu.memory_space<vmem>>
        %dma_start3A_1665 = arith.constant 0 : i32
        %dma_start3A_1666 = tpu.memref_slice %arg7[%run_scoped3A_1659, %add3A_1645, %dma_start3A_1665] : memref<2x16x128xi32, #tpu.memory_space<vmem>> -> memref<1x1x128xi32, #tpu.memory_space<vmem>>
        %dma_start3A_1667 = tpu.memref_squeeze %dma_start3A_1666 : memref<1x1x128xi32, #tpu.memory_space<vmem>> -> memref<128xi32, #tpu.memory_space<vmem>>
        %dma_start3A_1668 = arith.constant 0 : i32
        %dma_start3A_1669 = arith.constant 0 : i32
        %dma_start3A_1670 = tpu.memref_slice %arg10[%dma_start3A_1668, %dma_start3A_1669] : memref<10112x128xf32, #tpu.memory_space<vmem_shared>> -> memref<10112x128xf32, #tpu.memory_space<vmem_shared>>
        tpu.enqueue_indirect_dma source(%dma_start3A_1664 : memref<128x128xf32, #tpu.memory_space<vmem>>) target(%dma_start3A_1670 : memref<10112x128xf32, #tpu.memory_space<vmem_shared>>) offsets(%dma_start3A_1667 : memref<128xi32, #tpu.memory_space<vmem>>) semaphore(%run_scoped3A_1660 : memref<!tpu.dma_semaphore, #tpu.memory_space<semaphore_mem>>) {add = true}
        %dma_wait3A_1671 = arith.constant 0 : i32
        %dma_wait3A_1672 = arith.constant 0 : i32
        %dma_wait3A_1673 = tpu.memref_slice %arg8[%run_scoped3A_1658, %dma_wait3A_1671, %dma_wait3A_1672] : memref<2x128x128xf32, #tpu.memory_space<vmem>> -> memref<1x128x128xf32, #tpu.memory_space<vmem>>
        %dma_wait3A_1674 = tpu.memref_squeeze %dma_wait3A_1673 : memref<1x128x128xf32, #tpu.memory_space<vmem>> -> memref<128x128xf32, #tpu.memory_space<vmem>>
        %dma_wait3A_1675 = arith.constant 0 : i32
        %dma_wait3A_1676 = tpu.memref_slice %arg7[%run_scoped3A_1659, %add3A_1645, %dma_wait3A_1675] : memref<2x16x128xi32, #tpu.memory_space<vmem>> -> memref<1x1x128xi32, #tpu.memory_space<vmem>>
        %dma_wait3A_1677 = tpu.memref_squeeze %dma_wait3A_1676 : memref<1x1x128xi32, #tpu.memory_space<vmem>> -> memref<128xi32, #tpu.memory_space<vmem>>
        %dma_wait3A_1678 = arith.constant 0 : i32
        %dma_wait3A_1679 = arith.constant 0 : i32
        %dma_wait3A_1680 = tpu.memref_slice %arg10[%dma_wait3A_1678, %dma_wait3A_1679] : memref<10112x128xf32, #tpu.memory_space<vmem_shared>> -> memref<10112x128xf32, #tpu.memory_space<vmem_shared>>
        tpu.wait_indirect_dma semaphore(%run_scoped3A_1660 : memref<!tpu.dma_semaphore, #tpu.memory_space<semaphore_mem>>) src(%dma_wait3A_1674 : memref<128x128xf32, #tpu.memory_space<vmem>>) dst(%dma_wait3A_1680 : memref<10112x128xf32, #tpu.memory_space<vmem_shared>>)
        tpu.yield
      }) : () -> ()
    }
    %scan3A_1206 = arith.constant 7 : i32
    %dma_start3A_1207 = arith.constant 1 : i32
    %dma_start3A_1208 = arith.constant 15 : i32
    %dma_start3A_1209 = arith.constant 1 : i32
    %dma_start3A_1210 = arith.constant 0 : i32
    %dma_start3A_1211 = arith.constant 0 : i32
    %dma_start3A_1212 = tpu.memref_slice %arg8[%dma_start3A_1209, %dma_start3A_1210, %dma_start3A_1211] : memref<2x128x128xf32, #tpu.memory_space<vmem>> -> memref<1x128x128xf32, #tpu.memory_space<vmem>>
    %dma_start3A_1213 = tpu.memref_squeeze %dma_start3A_1212 : memref<1x128x128xf32, #tpu.memory_space<vmem>> -> memref<128x128xf32, #tpu.memory_space<vmem>>
    %dma_start3A_1214 = arith.constant 0 : i32
    %dma_start3A_1215 = tpu.memref_slice %arg6[%dma_start3A_1207, %dma_start3A_1208, %dma_start3A_1214] : memref<2x16x128xi32, #tpu.memory_space<vmem>> -> memref<1x1x128xi32, #tpu.memory_space<vmem>>
    %dma_start3A_1216 = tpu.memref_squeeze %dma_start3A_1215 : memref<1x1x128xi32, #tpu.memory_space<vmem>> -> memref<128xi32, #tpu.memory_space<vmem>>
    %dma_start3A_1217 = arith.constant 0 : i32
    %dma_start3A_1218 = arith.constant 0 : i32
    %dma_start3A_1219 = tpu.memref_slice %arg2[%dma_start3A_1217, %dma_start3A_1218] : memref<10000x128xf32, #tpu.memory_space<hbm>> -> memref<10000x128xf32, #tpu.memory_space<hbm>>
    tpu.enqueue_indirect_dma source(%dma_start3A_1219 : memref<10000x128xf32, #tpu.memory_space<hbm>>) target(%dma_start3A_1213 : memref<128x128xf32, #tpu.memory_space<vmem>>) offsets(%dma_start3A_1216 : memref<128xi32, #tpu.memory_space<vmem>>) semaphore(%arg12 : memref<!tpu.dma_semaphore, #tpu.memory_space<semaphore_mem>>)
    %dma_wait3A_1220 = arith.constant 1 : i32
    %dma_wait3A_1221 = arith.constant 14 : i32
    %dma_wait3A_1222 = arith.constant 0 : i32
    %dma_wait3A_1223 = arith.constant 0 : i32
    %dma_wait3A_1224 = arith.constant 0 : i32
    %dma_wait3A_1225 = tpu.memref_slice %arg8[%dma_wait3A_1222, %dma_wait3A_1223, %dma_wait3A_1224] : memref<2x128x128xf32, #tpu.memory_space<vmem>> -> memref<1x128x128xf32, #tpu.memory_space<vmem>>
    %dma_wait3A_1226 = tpu.memref_squeeze %dma_wait3A_1225 : memref<1x128x128xf32, #tpu.memory_space<vmem>> -> memref<128x128xf32, #tpu.memory_space<vmem>>
    %dma_wait3A_1227 = arith.constant 0 : i32
    %dma_wait3A_1228 = tpu.memref_slice %arg6[%dma_wait3A_1220, %dma_wait3A_1221, %dma_wait3A_1227] : memref<2x16x128xi32, #tpu.memory_space<vmem>> -> memref<1x1x128xi32, #tpu.memory_space<vmem>>
    %dma_wait3A_1229 = tpu.memref_squeeze %dma_wait3A_1228 : memref<1x1x128xi32, #tpu.memory_space<vmem>> -> memref<128xi32, #tpu.memory_space<vmem>>
    %dma_wait3A_1230 = arith.constant 0 : i32
    %dma_wait3A_1231 = arith.constant 0 : i32
    %dma_wait3A_1232 = tpu.memref_slice %arg2[%dma_wait3A_1230, %dma_wait3A_1231] : memref<10000x128xf32, #tpu.memory_space<hbm>> -> memref<10000x128xf32, #tpu.memory_space<hbm>>
    tpu.wait_indirect_dma semaphore(%arg11 : memref<!tpu.dma_semaphore, #tpu.memory_space<semaphore_mem>>) src(%dma_wait3A_1232 : memref<10000x128xf32, #tpu.memory_space<hbm>>) dst(%dma_wait3A_1226 : memref<128x128xf32, #tpu.memory_space<vmem>>)
    %run_scoped3A_1233 = arith.constant 0 : i32
    %run_scoped3A_1234 = arith.constant 1 : i32
    %run_scoped3A_1235 = arith.constant 14 : i32
    "tpu.region"() ({
      %run_scoped3A_1599 = tpu.sem_alloc : memref<!tpu.dma_semaphore, #tpu.memory_space<semaphore_mem>>
      %dma_start3A_1600 = arith.constant 0 : i32
      %dma_start3A_1601 = arith.constant 0 : i32
      %dma_start3A_1602 = tpu.memref_slice %arg8[%run_scoped3A_1233, %dma_start3A_1600, %dma_start3A_1601] : memref<2x128x128xf32, #tpu.memory_space<vmem>> -> memref<1x128x128xf32, #tpu.memory_space<vmem>>
      %dma_start3A_1603 = tpu.memref_squeeze %dma_start3A_1602 : memref<1x128x128xf32, #tpu.memory_space<vmem>> -> memref<128x128xf32, #tpu.memory_space<vmem>>
      %dma_start3A_1604 = arith.constant 0 : i32
      %dma_start3A_1605 = tpu.memref_slice %arg7[%run_scoped3A_1234, %run_scoped3A_1235, %dma_start3A_1604] : memref<2x16x128xi32, #tpu.memory_space<vmem>> -> memref<1x1x128xi32, #tpu.memory_space<vmem>>
      %dma_start3A_1606 = tpu.memref_squeeze %dma_start3A_1605 : memref<1x1x128xi32, #tpu.memory_space<vmem>> -> memref<128xi32, #tpu.memory_space<vmem>>
      %dma_start3A_1607 = arith.constant 0 : i32
      %dma_start3A_1608 = arith.constant 0 : i32
      %dma_start3A_1609 = tpu.memref_slice %arg10[%dma_start3A_1607, %dma_start3A_1608] : memref<10112x128xf32, #tpu.memory_space<vmem_shared>> -> memref<10112x128xf32, #tpu.memory_space<vmem_shared>>
      tpu.enqueue_indirect_dma source(%dma_start3A_1603 : memref<128x128xf32, #tpu.memory_space<vmem>>) target(%dma_start3A_1609 : memref<10112x128xf32, #tpu.memory_space<vmem_shared>>) offsets(%dma_start3A_1606 : memref<128xi32, #tpu.memory_space<vmem>>) semaphore(%run_scoped3A_1599 : memref<!tpu.dma_semaphore, #tpu.memory_space<semaphore_mem>>) {add = true}
      %dma_wait3A_1610 = arith.constant 0 : i32
      %dma_wait3A_1611 = arith.constant 0 : i32
      %dma_wait3A_1612 = tpu.memref_slice %arg8[%run_scoped3A_1233, %dma_wait3A_1610, %dma_wait3A_1611] : memref<2x128x128xf32, #tpu.memory_space<vmem>> -> memref<1x128x128xf32, #tpu.memory_space<vmem>>
      %dma_wait3A_1613 = tpu.memref_squeeze %dma_wait3A_1612 : memref<1x128x128xf32, #tpu.memory_space<vmem>> -> memref<128x128xf32, #tpu.memory_space<vmem>>
      %dma_wait3A_1614 = arith.constant 0 : i32
      %dma_wait3A_1615 = tpu.memref_slice %arg7[%run_scoped3A_1234, %run_scoped3A_1235, %dma_wait3A_1614] : memref<2x16x128xi32, #tpu.memory_space<vmem>> -> memref<1x1x128xi32, #tpu.memory_space<vmem>>
      %dma_wait3A_1616 = tpu.memref_squeeze %dma_wait3A_1615 : memref<1x1x128xi32, #tpu.memory_space<vmem>> -> memref<128xi32, #tpu.memory_space<vmem>>
      %dma_wait3A_1617 = arith.constant 0 : i32
      %dma_wait3A_1618 = arith.constant 0 : i32
      %dma_wait3A_1619 = tpu.memref_slice %arg10[%dma_wait3A_1617, %dma_wait3A_1618] : memref<10112x128xf32, #tpu.memory_space<vmem_shared>> -> memref<10112x128xf32, #tpu.memory_space<vmem_shared>>
      tpu.wait_indirect_dma semaphore(%run_scoped3A_1599 : memref<!tpu.dma_semaphore, #tpu.memory_space<semaphore_mem>>) src(%dma_wait3A_1613 : memref<128x128xf32, #tpu.memory_space<vmem>>) dst(%dma_wait3A_1619 : memref<10112x128xf32, #tpu.memory_space<vmem_shared>>)
      tpu.yield
    }) : () -> ()
    %dma_wait3A_1236 = arith.constant 1 : i32
    %dma_wait3A_1237 = arith.constant 15 : i32
    %dma_wait3A_1238 = arith.constant 1 : i32
    %dma_wait3A_1239 = arith.constant 0 : i32
    %dma_wait3A_1240 = arith.constant 0 : i32
    %dma_wait3A_1241 = tpu.memref_slice %arg8[%dma_wait3A_1238, %dma_wait3A_1239, %dma_wait3A_1240] : memref<2x128x128xf32, #tpu.memory_space<vmem>> -> memref<1x128x128xf32, #tpu.memory_space<vmem>>
    %dma_wait3A_1242 = tpu.memref_squeeze %dma_wait3A_1241 : memref<1x128x128xf32, #tpu.memory_space<vmem>> -> memref<128x128xf32, #tpu.memory_space<vmem>>
    %dma_wait3A_1243 = arith.constant 0 : i32
    %dma_wait3A_1244 = tpu.memref_slice %arg6[%dma_wait3A_1236, %dma_wait3A_1237, %dma_wait3A_1243] : memref<2x16x128xi32, #tpu.memory_space<vmem>> -> memref<1x1x128xi32, #tpu.memory_space<vmem>>
    %dma_wait3A_1245 = tpu.memref_squeeze %dma_wait3A_1244 : memref<1x1x128xi32, #tpu.memory_space<vmem>> -> memref<128xi32, #tpu.memory_space<vmem>>
    %dma_wait3A_1246 = arith.constant 0 : i32
    %dma_wait3A_1247 = arith.constant 0 : i32
    %dma_wait3A_1248 = tpu.memref_slice %arg2[%dma_wait3A_1246, %dma_wait3A_1247] : memref<10000x128xf32, #tpu.memory_space<hbm>> -> memref<10000x128xf32, #tpu.memory_space<hbm>>
    tpu.wait_indirect_dma semaphore(%arg12 : memref<!tpu.dma_semaphore, #tpu.memory_space<semaphore_mem>>) src(%dma_wait3A_1248 : memref<10000x128xf32, #tpu.memory_space<hbm>>) dst(%dma_wait3A_1242 : memref<128x128xf32, #tpu.memory_space<vmem>>)
    %run_scoped3A_1249 = arith.constant 1 : i32
    %run_scoped3A_1250 = arith.constant 1 : i32
    %run_scoped3A_1251 = arith.constant 15 : i32
    "tpu.region"() ({
      %run_scoped3A_1599 = tpu.sem_alloc : memref<!tpu.dma_semaphore, #tpu.memory_space<semaphore_mem>>
      %dma_start3A_1600 = arith.constant 0 : i32
      %dma_start3A_1601 = arith.constant 0 : i32
      %dma_start3A_1602 = tpu.memref_slice %arg8[%run_scoped3A_1249, %dma_start3A_1600, %dma_start3A_1601] : memref<2x128x128xf32, #tpu.memory_space<vmem>> -> memref<1x128x128xf32, #tpu.memory_space<vmem>>
      %dma_start3A_1603 = tpu.memref_squeeze %dma_start3A_1602 : memref<1x128x128xf32, #tpu.memory_space<vmem>> -> memref<128x128xf32, #tpu.memory_space<vmem>>
      %dma_start3A_1604 = arith.constant 0 : i32
      %dma_start3A_1605 = tpu.memref_slice %arg7[%run_scoped3A_1250, %run_scoped3A_1251, %dma_start3A_1604] : memref<2x16x128xi32, #tpu.memory_space<vmem>> -> memref<1x1x128xi32, #tpu.memory_space<vmem>>
      %dma_start3A_1606 = tpu.memref_squeeze %dma_start3A_1605 : memref<1x1x128xi32, #tpu.memory_space<vmem>> -> memref<128xi32, #tpu.memory_space<vmem>>
      %dma_start3A_1607 = arith.constant 0 : i32
      %dma_start3A_1608 = arith.constant 0 : i32
      %dma_start3A_1609 = tpu.memref_slice %arg10[%dma_start3A_1607, %dma_start3A_1608] : memref<10112x128xf32, #tpu.memory_space<vmem_shared>> -> memref<10112x128xf32, #tpu.memory_space<vmem_shared>>
      tpu.enqueue_indirect_dma source(%dma_start3A_1603 : memref<128x128xf32, #tpu.memory_space<vmem>>) target(%dma_start3A_1609 : memref<10112x128xf32, #tpu.memory_space<vmem_shared>>) offsets(%dma_start3A_1606 : memref<128xi32, #tpu.memory_space<vmem>>) semaphore(%run_scoped3A_1599 : memref<!tpu.dma_semaphore, #tpu.memory_space<semaphore_mem>>) {add = true}
      %dma_wait3A_1610 = arith.constant 0 : i32
      %dma_wait3A_1611 = arith.constant 0 : i32
      %dma_wait3A_1612 = tpu.memref_slice %arg8[%run_scoped3A_1249, %dma_wait3A_1610, %dma_wait3A_1611] : memref<2x128x128xf32, #tpu.memory_space<vmem>> -> memref<1x128x128xf32, #tpu.memory_space<vmem>>
      %dma_wait3A_1613 = tpu.memref_squeeze %dma_wait3A_1612 : memref<1x128x128xf32, #tpu.memory_space<vmem>> -> memref<128x128xf32, #tpu.memory_space<vmem>>
      %dma_wait3A_1614 = arith.constant 0 : i32
      %dma_wait3A_1615 = tpu.memref_slice %arg7[%run_scoped3A_1250, %run_scoped3A_1251, %dma_wait3A_1614] : memref<2x16x128xi32, #tpu.memory_space<vmem>> -> memref<1x1x128xi32, #tpu.memory_space<vmem>>
      %dma_wait3A_1616 = tpu.memref_squeeze %dma_wait3A_1615 : memref<1x1x128xi32, #tpu.memory_space<vmem>> -> memref<128xi32, #tpu.memory_space<vmem>>
      %dma_wait3A_1617 = arith.constant 0 : i32
      %dma_wait3A_1618 = arith.constant 0 : i32
      %dma_wait3A_1619 = tpu.memref_slice %arg10[%dma_wait3A_1617, %dma_wait3A_1618] : memref<10112x128xf32, #tpu.memory_space<vmem_shared>> -> memref<10112x128xf32, #tpu.memory_space<vmem_shared>>
      tpu.wait_indirect_dma semaphore(%run_scoped3A_1599 : memref<!tpu.dma_semaphore, #tpu.memory_space<semaphore_mem>>) src(%dma_wait3A_1613 : memref<128x128xf32, #tpu.memory_space<vmem>>) dst(%dma_wait3A_1619 : memref<10112x128xf32, #tpu.memory_space<vmem_shared>>)
      tpu.yield
    }) : () -> ()
    %add3A_1252 = arith.constant 32 : i32
    %add3A_1253 = arith.addi %mul3A_2, %add3A_1252 : i32
    %dma_wait3A_1254 = arith.constant 0 : i32
    %dma_wait3A_1255 = arith.constant 0 : i32
    %dma_wait3A_1256 = arith.constant 0 : i32
    %dma_wait3A_1257 = tpu.memref_slice %arg6[%dma_wait3A_1254, %dma_wait3A_1255, %dma_wait3A_1256] : memref<2x16x128xi32, #tpu.memory_space<vmem>> -> memref<1x16x128xi32, #tpu.memory_space<vmem>>
    %dma_wait3A_1258 = tpu.memref_squeeze %dma_wait3A_1257 : memref<1x16x128xi32, #tpu.memory_space<vmem>> -> memref<16x128xi32, #tpu.memory_space<vmem>>
    %dma_wait3A_1259 = arith.constant 0 : i32
    %dma_wait3A_1260 = tpu.memref_slice %arg3[%add3A_1253, %dma_wait3A_1259] : memref<2560x128xi32, #tpu.memory_space<hbm>> -> memref<16x128xi32, #tpu.memory_space<hbm>>
    %dma_wait3A_1261 = arith.constant 0 : i32
    %dma_wait3A_1262 = arith.constant 0 : i32
    %dma_wait3A_1263 = tpu.memref_slice %arg6[%dma_wait3A_1254, %dma_wait3A_1261, %dma_wait3A_1262] : memref<2x16x128xi32, #tpu.memory_space<vmem>> -> memref<1x16x128xi32, #tpu.memory_space<vmem>>
    %dma_wait3A_1264 = tpu.memref_squeeze %dma_wait3A_1263 : memref<1x16x128xi32, #tpu.memory_space<vmem>> -> memref<16x128xi32, #tpu.memory_space<vmem>>
    %dma_wait3A_1265 = arith.constant 0 : i32
    %dma_wait3A_1266 = tpu.memref_slice %arg3[%add3A_1253, %dma_wait3A_1265] : memref<2560x128xi32, #tpu.memory_space<hbm>> -> memref<16x128xi32, #tpu.memory_space<hbm>>
    tpu.wait_dma2 semaphore(%arg13 : memref<!tpu.dma_semaphore, #tpu.memory_space<semaphore_mem>>) src(%dma_wait3A_1266 : memref<16x128xi32, #tpu.memory_space<hbm>>) dst(%dma_wait3A_1264 : memref<16x128xi32, #tpu.memory_space<vmem>>)
    %add3A_1267 = arith.constant 32 : i32
    %add3A_1268 = arith.addi %mul3A_2, %add3A_1267 : i32
    %dma_wait3A_1269 = arith.constant 0 : i32
    %dma_wait3A_1270 = arith.constant 0 : i32
    %dma_wait3A_1271 = arith.constant 0 : i32
    %dma_wait3A_1272 = tpu.memref_slice %arg7[%dma_wait3A_1269, %dma_wait3A_1270, %dma_wait3A_1271] : memref<2x16x128xi32, #tpu.memory_space<vmem>> -> memref<1x16x128xi32, #tpu.memory_space<vmem>>
    %dma_wait3A_1273 = tpu.memref_squeeze %dma_wait3A_1272 : memref<1x16x128xi32, #tpu.memory_space<vmem>> -> memref<16x128xi32, #tpu.memory_space<vmem>>
    %dma_wait3A_1274 = arith.constant 0 : i32
    %dma_wait3A_1275 = tpu.memref_slice %arg4[%add3A_1268, %dma_wait3A_1274] : memref<2560x128xi32, #tpu.memory_space<hbm>> -> memref<16x128xi32, #tpu.memory_space<hbm>>
    %dma_wait3A_1276 = arith.constant 0 : i32
    %dma_wait3A_1277 = arith.constant 0 : i32
    %dma_wait3A_1278 = tpu.memref_slice %arg7[%dma_wait3A_1269, %dma_wait3A_1276, %dma_wait3A_1277] : memref<2x16x128xi32, #tpu.memory_space<vmem>> -> memref<1x16x128xi32, #tpu.memory_space<vmem>>
    %dma_wait3A_1279 = tpu.memref_squeeze %dma_wait3A_1278 : memref<1x16x128xi32, #tpu.memory_space<vmem>> -> memref<16x128xi32, #tpu.memory_space<vmem>>
    %dma_wait3A_1280 = arith.constant 0 : i32
    %dma_wait3A_1281 = tpu.memref_slice %arg4[%add3A_1268, %dma_wait3A_1280] : memref<2560x128xi32, #tpu.memory_space<hbm>> -> memref<16x128xi32, #tpu.memory_space<hbm>>
    tpu.wait_dma2 semaphore(%arg13 : memref<!tpu.dma_semaphore, #tpu.memory_space<semaphore_mem>>) src(%dma_wait3A_1281 : memref<16x128xi32, #tpu.memory_space<hbm>>) dst(%dma_wait3A_1279 : memref<16x128xi32, #tpu.memory_space<vmem>>)
    %add3A_1282 = arith.constant 48 : i32
    %add3A_1283 = arith.addi %mul3A_2, %add3A_1282 : i32
    %dma_start3A_1284 = arith.constant 1 : i32
    %dma_start3A_1285 = arith.constant 0 : i32
    %dma_start3A_1286 = arith.constant 0 : i32
    %dma_start3A_1287 = tpu.memref_slice %arg6[%dma_start3A_1284, %dma_start3A_1285, %dma_start3A_1286] : memref<2x16x128xi32, #tpu.memory_space<vmem>> -> memref<1x16x128xi32, #tpu.memory_space<vmem>>
    %dma_start3A_1288 = tpu.memref_squeeze %dma_start3A_1287 : memref<1x16x128xi32, #tpu.memory_space<vmem>> -> memref<16x128xi32, #tpu.memory_space<vmem>>
    %dma_start3A_1289 = arith.constant 0 : i32
    %dma_start3A_1290 = tpu.memref_slice %arg3[%add3A_1283, %dma_start3A_1289] : memref<2560x128xi32, #tpu.memory_space<hbm>> -> memref<16x128xi32, #tpu.memory_space<hbm>>
    %dma_start3A_1291 = arith.constant 0 : i32
    %dma_start3A_1292 = arith.constant 0 : i32
    %dma_start3A_1293 = tpu.memref_slice %arg6[%dma_start3A_1284, %dma_start3A_1291, %dma_start3A_1292] : memref<2x16x128xi32, #tpu.memory_space<vmem>> -> memref<1x16x128xi32, #tpu.memory_space<vmem>>
    %dma_start3A_1294 = tpu.memref_squeeze %dma_start3A_1293 : memref<1x16x128xi32, #tpu.memory_space<vmem>> -> memref<16x128xi32, #tpu.memory_space<vmem>>
    %dma_start3A_1295 = arith.constant 0 : i32
    %dma_start3A_1296 = tpu.memref_slice %arg3[%add3A_1283, %dma_start3A_1295] : memref<2560x128xi32, #tpu.memory_space<hbm>> -> memref<16x128xi32, #tpu.memory_space<hbm>>
    tpu.enqueue_dma source(%dma_start3A_1296 : memref<16x128xi32, #tpu.memory_space<hbm>>) target(%dma_start3A_1294 : memref<16x128xi32, #tpu.memory_space<vmem>>) target_semaphore(%arg13 : memref<!tpu.dma_semaphore, #tpu.memory_space<semaphore_mem>>)
    %add3A_1297 = arith.constant 48 : i32
    %add3A_1298 = arith.addi %mul3A_2, %add3A_1297 : i32
    %dma_start3A_1299 = arith.constant 1 : i32
    %dma_start3A_1300 = arith.constant 0 : i32
    %dma_start3A_1301 = arith.constant 0 : i32
    %dma_start3A_1302 = tpu.memref_slice %arg7[%dma_start3A_1299, %dma_start3A_1300, %dma_start3A_1301] : memref<2x16x128xi32, #tpu.memory_space<vmem>> -> memref<1x16x128xi32, #tpu.memory_space<vmem>>
    %dma_start3A_1303 = tpu.memref_squeeze %dma_start3A_1302 : memref<1x16x128xi32, #tpu.memory_space<vmem>> -> memref<16x128xi32, #tpu.memory_space<vmem>>
    %dma_start3A_1304 = arith.constant 0 : i32
    %dma_start3A_1305 = tpu.memref_slice %arg4[%add3A_1298, %dma_start3A_1304] : memref<2560x128xi32, #tpu.memory_space<hbm>> -> memref<16x128xi32, #tpu.memory_space<hbm>>
    %dma_start3A_1306 = arith.constant 0 : i32
    %dma_start3A_1307 = arith.constant 0 : i32
    %dma_start3A_1308 = tpu.memref_slice %arg7[%dma_start3A_1299, %dma_start3A_1306, %dma_start3A_1307] : memref<2x16x128xi32, #tpu.memory_space<vmem>> -> memref<1x16x128xi32, #tpu.memory_space<vmem>>
    %dma_start3A_1309 = tpu.memref_squeeze %dma_start3A_1308 : memref<1x16x128xi32, #tpu.memory_space<vmem>> -> memref<16x128xi32, #tpu.memory_space<vmem>>
    %dma_start3A_1310 = arith.constant 0 : i32
    %dma_start3A_1311 = tpu.memref_slice %arg4[%add3A_1298, %dma_start3A_1310] : memref<2560x128xi32, #tpu.memory_space<hbm>> -> memref<16x128xi32, #tpu.memory_space<hbm>>
    tpu.enqueue_dma source(%dma_start3A_1311 : memref<16x128xi32, #tpu.memory_space<hbm>>) target(%dma_start3A_1309 : memref<16x128xi32, #tpu.memory_space<vmem>>) target_semaphore(%arg13 : memref<!tpu.dma_semaphore, #tpu.memory_space<semaphore_mem>>)
    %dma_start3A_1312 = arith.constant 0 : i32
    %dma_start3A_1313 = arith.constant 0 : i32
    %dma_start3A_1314 = arith.constant 0 : i32
    %dma_start3A_1315 = arith.constant 0 : i32
    %dma_start3A_1316 = arith.constant 0 : i32
    %dma_start3A_1317 = tpu.memref_slice %arg8[%dma_start3A_1314, %dma_start3A_1315, %dma_start3A_1316] : memref<2x128x128xf32, #tpu.memory_space<vmem>> -> memref<1x128x128xf32, #tpu.memory_space<vmem>>
    %dma_start3A_1318 = tpu.memref_squeeze %dma_start3A_1317 : memref<1x128x128xf32, #tpu.memory_space<vmem>> -> memref<128x128xf32, #tpu.memory_space<vmem>>
    %dma_start3A_1319 = arith.constant 0 : i32
    %dma_start3A_1320 = tpu.memref_slice %arg6[%dma_start3A_1312, %dma_start3A_1313, %dma_start3A_1319] : memref<2x16x128xi32, #tpu.memory_space<vmem>> -> memref<1x1x128xi32, #tpu.memory_space<vmem>>
    %dma_start3A_1321 = tpu.memref_squeeze %dma_start3A_1320 : memref<1x1x128xi32, #tpu.memory_space<vmem>> -> memref<128xi32, #tpu.memory_space<vmem>>
    %dma_start3A_1322 = arith.constant 0 : i32
    %dma_start3A_1323 = arith.constant 0 : i32
    %dma_start3A_1324 = tpu.memref_slice %arg2[%dma_start3A_1322, %dma_start3A_1323] : memref<10000x128xf32, #tpu.memory_space<hbm>> -> memref<10000x128xf32, #tpu.memory_space<hbm>>
    tpu.enqueue_indirect_dma source(%dma_start3A_1324 : memref<10000x128xf32, #tpu.memory_space<hbm>>) target(%dma_start3A_1318 : memref<128x128xf32, #tpu.memory_space<vmem>>) offsets(%dma_start3A_1321 : memref<128xi32, #tpu.memory_space<vmem>>) semaphore(%arg11 : memref<!tpu.dma_semaphore, #tpu.memory_space<semaphore_mem>>)
    %scan3A_1325 = arith.constant 0 : i32
    %scan3A_1326 = arith.constant 0 : i32
    %scan3A_1327 = arith.constant 7 : i32
    %scan3A_1328 = arith.addi %scan3A_1326, %scan3A_1327 : i32
    %scan3A_1329 = arith.constant 1 : i32
    scf.for %scan3A_1599 = %scan3A_1326 to %scan3A_1328 step %scan3A_1329  : i32 {
      %mul3A_1600 = arith.constant 2 : i32
      %mul3A_1601 = arith.muli %mul3A_1600, %scan3A_1599 : i32
      %add3A_1602 = arith.constant 1 : i32
      %add3A_1603 = arith.addi %mul3A_1601, %add3A_1602 : i32
      %dma_start3A_1604 = arith.constant 0 : i32
      %dma_start3A_1605 = arith.constant 1 : i32
      %dma_start3A_1606 = arith.constant 0 : i32
      %dma_start3A_1607 = arith.constant 0 : i32
      %dma_start3A_1608 = tpu.memref_slice %arg8[%dma_start3A_1605, %dma_start3A_1606, %dma_start3A_1607] : memref<2x128x128xf32, #tpu.memory_space<vmem>> -> memref<1x128x128xf32, #tpu.memory_space<vmem>>
      %dma_start3A_1609 = tpu.memref_squeeze %dma_start3A_1608 : memref<1x128x128xf32, #tpu.memory_space<vmem>> -> memref<128x128xf32, #tpu.memory_space<vmem>>
      %dma_start3A_1610 = arith.constant 0 : i32
      %dma_start3A_1611 = tpu.memref_slice %arg6[%dma_start3A_1604, %add3A_1603, %dma_start3A_1610] : memref<2x16x128xi32, #tpu.memory_space<vmem>> -> memref<1x1x128xi32, #tpu.memory_space<vmem>>
      %dma_start3A_1612 = tpu.memref_squeeze %dma_start3A_1611 : memref<1x1x128xi32, #tpu.memory_space<vmem>> -> memref<128xi32, #tpu.memory_space<vmem>>
      %dma_start3A_1613 = arith.constant 0 : i32
      %dma_start3A_1614 = arith.constant 0 : i32
      %dma_start3A_1615 = tpu.memref_slice %arg2[%dma_start3A_1613, %dma_start3A_1614] : memref<10000x128xf32, #tpu.memory_space<hbm>> -> memref<10000x128xf32, #tpu.memory_space<hbm>>
      tpu.enqueue_indirect_dma source(%dma_start3A_1615 : memref<10000x128xf32, #tpu.memory_space<hbm>>) target(%dma_start3A_1609 : memref<128x128xf32, #tpu.memory_space<vmem>>) offsets(%dma_start3A_1612 : memref<128xi32, #tpu.memory_space<vmem>>) semaphore(%arg12 : memref<!tpu.dma_semaphore, #tpu.memory_space<semaphore_mem>>)
      %dma_wait3A_1616 = arith.constant 0 : i32
      %dma_wait3A_1617 = arith.constant 0 : i32
      %dma_wait3A_1618 = arith.constant 0 : i32
      %dma_wait3A_1619 = arith.constant 0 : i32
      %dma_wait3A_1620 = tpu.memref_slice %arg8[%dma_wait3A_1617, %dma_wait3A_1618, %dma_wait3A_1619] : memref<2x128x128xf32, #tpu.memory_space<vmem>> -> memref<1x128x128xf32, #tpu.memory_space<vmem>>
      %dma_wait3A_1621 = tpu.memref_squeeze %dma_wait3A_1620 : memref<1x128x128xf32, #tpu.memory_space<vmem>> -> memref<128x128xf32, #tpu.memory_space<vmem>>
      %dma_wait3A_1622 = arith.constant 0 : i32
      %dma_wait3A_1623 = tpu.memref_slice %arg6[%dma_wait3A_1616, %mul3A_1601, %dma_wait3A_1622] : memref<2x16x128xi32, #tpu.memory_space<vmem>> -> memref<1x1x128xi32, #tpu.memory_space<vmem>>
      %dma_wait3A_1624 = tpu.memref_squeeze %dma_wait3A_1623 : memref<1x1x128xi32, #tpu.memory_space<vmem>> -> memref<128xi32, #tpu.memory_space<vmem>>
      %dma_wait3A_1625 = arith.constant 0 : i32
      %dma_wait3A_1626 = arith.constant 0 : i32
      %dma_wait3A_1627 = tpu.memref_slice %arg2[%dma_wait3A_1625, %dma_wait3A_1626] : memref<10000x128xf32, #tpu.memory_space<hbm>> -> memref<10000x128xf32, #tpu.memory_space<hbm>>
      tpu.wait_indirect_dma semaphore(%arg11 : memref<!tpu.dma_semaphore, #tpu.memory_space<semaphore_mem>>) src(%dma_wait3A_1627 : memref<10000x128xf32, #tpu.memory_space<hbm>>) dst(%dma_wait3A_1621 : memref<128x128xf32, #tpu.memory_space<vmem>>)
      %run_scoped3A_1628 = arith.constant 0 : i32
      %run_scoped3A_1629 = arith.constant 0 : i32
      "tpu.region"() ({
        %run_scoped3A_1660 = tpu.sem_alloc : memref<!tpu.dma_semaphore, #tpu.memory_space<semaphore_mem>>
        %dma_start3A_1661 = arith.constant 0 : i32
        %dma_start3A_1662 = arith.constant 0 : i32
        %dma_start3A_1663 = tpu.memref_slice %arg8[%run_scoped3A_1628, %dma_start3A_1661, %dma_start3A_1662] : memref<2x128x128xf32, #tpu.memory_space<vmem>> -> memref<1x128x128xf32, #tpu.memory_space<vmem>>
        %dma_start3A_1664 = tpu.memref_squeeze %dma_start3A_1663 : memref<1x128x128xf32, #tpu.memory_space<vmem>> -> memref<128x128xf32, #tpu.memory_space<vmem>>
        %dma_start3A_1665 = arith.constant 0 : i32
        %dma_start3A_1666 = tpu.memref_slice %arg7[%run_scoped3A_1629, %mul3A_1601, %dma_start3A_1665] : memref<2x16x128xi32, #tpu.memory_space<vmem>> -> memref<1x1x128xi32, #tpu.memory_space<vmem>>
        %dma_start3A_1667 = tpu.memref_squeeze %dma_start3A_1666 : memref<1x1x128xi32, #tpu.memory_space<vmem>> -> memref<128xi32, #tpu.memory_space<vmem>>
        %dma_start3A_1668 = arith.constant 0 : i32
        %dma_start3A_1669 = arith.constant 0 : i32
        %dma_start3A_1670 = tpu.memref_slice %arg10[%dma_start3A_1668, %dma_start3A_1669] : memref<10112x128xf32, #tpu.memory_space<vmem_shared>> -> memref<10112x128xf32, #tpu.memory_space<vmem_shared>>
        tpu.enqueue_indirect_dma source(%dma_start3A_1664 : memref<128x128xf32, #tpu.memory_space<vmem>>) target(%dma_start3A_1670 : memref<10112x128xf32, #tpu.memory_space<vmem_shared>>) offsets(%dma_start3A_1667 : memref<128xi32, #tpu.memory_space<vmem>>) semaphore(%run_scoped3A_1660 : memref<!tpu.dma_semaphore, #tpu.memory_space<semaphore_mem>>) {add = true}
        %dma_wait3A_1671 = arith.constant 0 : i32
        %dma_wait3A_1672 = arith.constant 0 : i32
        %dma_wait3A_1673 = tpu.memref_slice %arg8[%run_scoped3A_1628, %dma_wait3A_1671, %dma_wait3A_1672] : memref<2x128x128xf32, #tpu.memory_space<vmem>> -> memref<1x128x128xf32, #tpu.memory_space<vmem>>
        %dma_wait3A_1674 = tpu.memref_squeeze %dma_wait3A_1673 : memref<1x128x128xf32, #tpu.memory_space<vmem>> -> memref<128x128xf32, #tpu.memory_space<vmem>>
        %dma_wait3A_1675 = arith.constant 0 : i32
        %dma_wait3A_1676 = tpu.memref_slice %arg7[%run_scoped3A_1629, %mul3A_1601, %dma_wait3A_1675] : memref<2x16x128xi32, #tpu.memory_space<vmem>> -> memref<1x1x128xi32, #tpu.memory_space<vmem>>
        %dma_wait3A_1677 = tpu.memref_squeeze %dma_wait3A_1676 : memref<1x1x128xi32, #tpu.memory_space<vmem>> -> memref<128xi32, #tpu.memory_space<vmem>>
        %dma_wait3A_1678 = arith.constant 0 : i32
        %dma_wait3A_1679 = arith.constant 0 : i32
        %dma_wait3A_1680 = tpu.memref_slice %arg10[%dma_wait3A_1678, %dma_wait3A_1679] : memref<10112x128xf32, #tpu.memory_space<vmem_shared>> -> memref<10112x128xf32, #tpu.memory_space<vmem_shared>>
        tpu.wait_indirect_dma semaphore(%run_scoped3A_1660 : memref<!tpu.dma_semaphore, #tpu.memory_space<semaphore_mem>>) src(%dma_wait3A_1674 : memref<128x128xf32, #tpu.memory_space<vmem>>) dst(%dma_wait3A_1680 : memref<10112x128xf32, #tpu.memory_space<vmem_shared>>)
        tpu.yield
      }) : () -> ()
      %add3A_1630 = arith.constant 2 : i32
      %add3A_1631 = arith.addi %mul3A_1601, %add3A_1630 : i32
      %dma_start3A_1632 = arith.constant 0 : i32
      %dma_start3A_1633 = arith.constant 0 : i32
      %dma_start3A_1634 = arith.constant 0 : i32
      %dma_start3A_1635 = arith.constant 0 : i32
      %dma_start3A_1636 = tpu.memref_slice %arg8[%dma_start3A_1633, %dma_start3A_1634, %dma_start3A_1635] : memref<2x128x128xf32, #tpu.memory_space<vmem>> -> memref<1x128x128xf32, #tpu.memory_space<vmem>>
      %dma_start3A_1637 = tpu.memref_squeeze %dma_start3A_1636 : memref<1x128x128xf32, #tpu.memory_space<vmem>> -> memref<128x128xf32, #tpu.memory_space<vmem>>
      %dma_start3A_1638 = arith.constant 0 : i32
      %dma_start3A_1639 = tpu.memref_slice %arg6[%dma_start3A_1632, %add3A_1631, %dma_start3A_1638] : memref<2x16x128xi32, #tpu.memory_space<vmem>> -> memref<1x1x128xi32, #tpu.memory_space<vmem>>
      %dma_start3A_1640 = tpu.memref_squeeze %dma_start3A_1639 : memref<1x1x128xi32, #tpu.memory_space<vmem>> -> memref<128xi32, #tpu.memory_space<vmem>>
      %dma_start3A_1641 = arith.constant 0 : i32
      %dma_start3A_1642 = arith.constant 0 : i32
      %dma_start3A_1643 = tpu.memref_slice %arg2[%dma_start3A_1641, %dma_start3A_1642] : memref<10000x128xf32, #tpu.memory_space<hbm>> -> memref<10000x128xf32, #tpu.memory_space<hbm>>
      tpu.enqueue_indirect_dma source(%dma_start3A_1643 : memref<10000x128xf32, #tpu.memory_space<hbm>>) target(%dma_start3A_1637 : memref<128x128xf32, #tpu.memory_space<vmem>>) offsets(%dma_start3A_1640 : memref<128xi32, #tpu.memory_space<vmem>>) semaphore(%arg11 : memref<!tpu.dma_semaphore, #tpu.memory_space<semaphore_mem>>)
      %add3A_1644 = arith.constant 1 : i32
      %add3A_1645 = arith.addi %mul3A_1601, %add3A_1644 : i32
      %dma_wait3A_1646 = arith.constant 0 : i32
      %dma_wait3A_1647 = arith.constant 1 : i32
      %dma_wait3A_1648 = arith.constant 0 : i32
      %dma_wait3A_1649 = arith.constant 0 : i32
      %dma_wait3A_1650 = tpu.memref_slice %arg8[%dma_wait3A_1647, %dma_wait3A_1648, %dma_wait3A_1649] : memref<2x128x128xf32, #tpu.memory_space<vmem>> -> memref<1x128x128xf32, #tpu.memory_space<vmem>>
      %dma_wait3A_1651 = tpu.memref_squeeze %dma_wait3A_1650 : memref<1x128x128xf32, #tpu.memory_space<vmem>> -> memref<128x128xf32, #tpu.memory_space<vmem>>
      %dma_wait3A_1652 = arith.constant 0 : i32
      %dma_wait3A_1653 = tpu.memref_slice %arg6[%dma_wait3A_1646, %add3A_1645, %dma_wait3A_1652] : memref<2x16x128xi32, #tpu.memory_space<vmem>> -> memref<1x1x128xi32, #tpu.memory_space<vmem>>
      %dma_wait3A_1654 = tpu.memref_squeeze %dma_wait3A_1653 : memref<1x1x128xi32, #tpu.memory_space<vmem>> -> memref<128xi32, #tpu.memory_space<vmem>>
      %dma_wait3A_1655 = arith.constant 0 : i32
      %dma_wait3A_1656 = arith.constant 0 : i32
      %dma_wait3A_1657 = tpu.memref_slice %arg2[%dma_wait3A_1655, %dma_wait3A_1656] : memref<10000x128xf32, #tpu.memory_space<hbm>> -> memref<10000x128xf32, #tpu.memory_space<hbm>>
      tpu.wait_indirect_dma semaphore(%arg12 : memref<!tpu.dma_semaphore, #tpu.memory_space<semaphore_mem>>) src(%dma_wait3A_1657 : memref<10000x128xf32, #tpu.memory_space<hbm>>) dst(%dma_wait3A_1651 : memref<128x128xf32, #tpu.memory_space<vmem>>)
      %run_scoped3A_1658 = arith.constant 1 : i32
      %run_scoped3A_1659 = arith.constant 0 : i32
      "tpu.region"() ({
        %run_scoped3A_1660 = tpu.sem_alloc : memref<!tpu.dma_semaphore, #tpu.memory_space<semaphore_mem>>
        %dma_start3A_1661 = arith.constant 0 : i32
        %dma_start3A_1662 = arith.constant 0 : i32
        %dma_start3A_1663 = tpu.memref_slice %arg8[%run_scoped3A_1658, %dma_start3A_1661, %dma_start3A_1662] : memref<2x128x128xf32, #tpu.memory_space<vmem>> -> memref<1x128x128xf32, #tpu.memory_space<vmem>>
        %dma_start3A_1664 = tpu.memref_squeeze %dma_start3A_1663 : memref<1x128x128xf32, #tpu.memory_space<vmem>> -> memref<128x128xf32, #tpu.memory_space<vmem>>
        %dma_start3A_1665 = arith.constant 0 : i32
        %dma_start3A_1666 = tpu.memref_slice %arg7[%run_scoped3A_1659, %add3A_1645, %dma_start3A_1665] : memref<2x16x128xi32, #tpu.memory_space<vmem>> -> memref<1x1x128xi32, #tpu.memory_space<vmem>>
        %dma_start3A_1667 = tpu.memref_squeeze %dma_start3A_1666 : memref<1x1x128xi32, #tpu.memory_space<vmem>> -> memref<128xi32, #tpu.memory_space<vmem>>
        %dma_start3A_1668 = arith.constant 0 : i32
        %dma_start3A_1669 = arith.constant 0 : i32
        %dma_start3A_1670 = tpu.memref_slice %arg10[%dma_start3A_1668, %dma_start3A_1669] : memref<10112x128xf32, #tpu.memory_space<vmem_shared>> -> memref<10112x128xf32, #tpu.memory_space<vmem_shared>>
        tpu.enqueue_indirect_dma source(%dma_start3A_1664 : memref<128x128xf32, #tpu.memory_space<vmem>>) target(%dma_start3A_1670 : memref<10112x128xf32, #tpu.memory_space<vmem_shared>>) offsets(%dma_start3A_1667 : memref<128xi32, #tpu.memory_space<vmem>>) semaphore(%run_scoped3A_1660 : memref<!tpu.dma_semaphore, #tpu.memory_space<semaphore_mem>>) {add = true}
        %dma_wait3A_1671 = arith.constant 0 : i32
        %dma_wait3A_1672 = arith.constant 0 : i32
        %dma_wait3A_1673 = tpu.memref_slice %arg8[%run_scoped3A_1658, %dma_wait3A_1671, %dma_wait3A_1672] : memref<2x128x128xf32, #tpu.memory_space<vmem>> -> memref<1x128x128xf32, #tpu.memory_space<vmem>>
        %dma_wait3A_1674 = tpu.memref_squeeze %dma_wait3A_1673 : memref<1x128x128xf32, #tpu.memory_space<vmem>> -> memref<128x128xf32, #tpu.memory_space<vmem>>
        %dma_wait3A_1675 = arith.constant 0 : i32
        %dma_wait3A_1676 = tpu.memref_slice %arg7[%run_scoped3A_1659, %add3A_1645, %dma_wait3A_1675] : memref<2x16x128xi32, #tpu.memory_space<vmem>> -> memref<1x1x128xi32, #tpu.memory_space<vmem>>
        %dma_wait3A_1677 = tpu.memref_squeeze %dma_wait3A_1676 : memref<1x1x128xi32, #tpu.memory_space<vmem>> -> memref<128xi32, #tpu.memory_space<vmem>>
        %dma_wait3A_1678 = arith.constant 0 : i32
        %dma_wait3A_1679 = arith.constant 0 : i32
        %dma_wait3A_1680 = tpu.memref_slice %arg10[%dma_wait3A_1678, %dma_wait3A_1679] : memref<10112x128xf32, #tpu.memory_space<vmem_shared>> -> memref<10112x128xf32, #tpu.memory_space<vmem_shared>>
        tpu.wait_indirect_dma semaphore(%run_scoped3A_1660 : memref<!tpu.dma_semaphore, #tpu.memory_space<semaphore_mem>>) src(%dma_wait3A_1674 : memref<128x128xf32, #tpu.memory_space<vmem>>) dst(%dma_wait3A_1680 : memref<10112x128xf32, #tpu.memory_space<vmem_shared>>)
        tpu.yield
      }) : () -> ()
    }
    %scan3A_1330 = arith.constant 7 : i32
    %dma_start3A_1331 = arith.constant 0 : i32
    %dma_start3A_1332 = arith.constant 15 : i32
    %dma_start3A_1333 = arith.constant 1 : i32
    %dma_start3A_1334 = arith.constant 0 : i32
    %dma_start3A_1335 = arith.constant 0 : i32
    %dma_start3A_1336 = tpu.memref_slice %arg8[%dma_start3A_1333, %dma_start3A_1334, %dma_start3A_1335] : memref<2x128x128xf32, #tpu.memory_space<vmem>> -> memref<1x128x128xf32, #tpu.memory_space<vmem>>
    %dma_start3A_1337 = tpu.memref_squeeze %dma_start3A_1336 : memref<1x128x128xf32, #tpu.memory_space<vmem>> -> memref<128x128xf32, #tpu.memory_space<vmem>>
    %dma_start3A_1338 = arith.constant 0 : i32
    %dma_start3A_1339 = tpu.memref_slice %arg6[%dma_start3A_1331, %dma_start3A_1332, %dma_start3A_1338] : memref<2x16x128xi32, #tpu.memory_space<vmem>> -> memref<1x1x128xi32, #tpu.memory_space<vmem>>
    %dma_start3A_1340 = tpu.memref_squeeze %dma_start3A_1339 : memref<1x1x128xi32, #tpu.memory_space<vmem>> -> memref<128xi32, #tpu.memory_space<vmem>>
    %dma_start3A_1341 = arith.constant 0 : i32
    %dma_start3A_1342 = arith.constant 0 : i32
    %dma_start3A_1343 = tpu.memref_slice %arg2[%dma_start3A_1341, %dma_start3A_1342] : memref<10000x128xf32, #tpu.memory_space<hbm>> -> memref<10000x128xf32, #tpu.memory_space<hbm>>
    tpu.enqueue_indirect_dma source(%dma_start3A_1343 : memref<10000x128xf32, #tpu.memory_space<hbm>>) target(%dma_start3A_1337 : memref<128x128xf32, #tpu.memory_space<vmem>>) offsets(%dma_start3A_1340 : memref<128xi32, #tpu.memory_space<vmem>>) semaphore(%arg12 : memref<!tpu.dma_semaphore, #tpu.memory_space<semaphore_mem>>)
    %dma_wait3A_1344 = arith.constant 0 : i32
    %dma_wait3A_1345 = arith.constant 14 : i32
    %dma_wait3A_1346 = arith.constant 0 : i32
    %dma_wait3A_1347 = arith.constant 0 : i32
    %dma_wait3A_1348 = arith.constant 0 : i32
    %dma_wait3A_1349 = tpu.memref_slice %arg8[%dma_wait3A_1346, %dma_wait3A_1347, %dma_wait3A_1348] : memref<2x128x128xf32, #tpu.memory_space<vmem>> -> memref<1x128x128xf32, #tpu.memory_space<vmem>>
    %dma_wait3A_1350 = tpu.memref_squeeze %dma_wait3A_1349 : memref<1x128x128xf32, #tpu.memory_space<vmem>> -> memref<128x128xf32, #tpu.memory_space<vmem>>
    %dma_wait3A_1351 = arith.constant 0 : i32
    %dma_wait3A_1352 = tpu.memref_slice %arg6[%dma_wait3A_1344, %dma_wait3A_1345, %dma_wait3A_1351] : memref<2x16x128xi32, #tpu.memory_space<vmem>> -> memref<1x1x128xi32, #tpu.memory_space<vmem>>
    %dma_wait3A_1353 = tpu.memref_squeeze %dma_wait3A_1352 : memref<1x1x128xi32, #tpu.memory_space<vmem>> -> memref<128xi32, #tpu.memory_space<vmem>>
    %dma_wait3A_1354 = arith.constant 0 : i32
    %dma_wait3A_1355 = arith.constant 0 : i32
    %dma_wait3A_1356 = tpu.memref_slice %arg2[%dma_wait3A_1354, %dma_wait3A_1355] : memref<10000x128xf32, #tpu.memory_space<hbm>> -> memref<10000x128xf32, #tpu.memory_space<hbm>>
    tpu.wait_indirect_dma semaphore(%arg11 : memref<!tpu.dma_semaphore, #tpu.memory_space<semaphore_mem>>) src(%dma_wait3A_1356 : memref<10000x128xf32, #tpu.memory_space<hbm>>) dst(%dma_wait3A_1350 : memref<128x128xf32, #tpu.memory_space<vmem>>)
    %run_scoped3A_1357 = arith.constant 0 : i32
    %run_scoped3A_1358 = arith.constant 0 : i32
    %run_scoped3A_1359 = arith.constant 14 : i32
    "tpu.region"() ({
      %run_scoped3A_1599 = tpu.sem_alloc : memref<!tpu.dma_semaphore, #tpu.memory_space<semaphore_mem>>
      %dma_start3A_1600 = arith.constant 0 : i32
      %dma_start3A_1601 = arith.constant 0 : i32
      %dma_start3A_1602 = tpu.memref_slice %arg8[%run_scoped3A_1357, %dma_start3A_1600, %dma_start3A_1601] : memref<2x128x128xf32, #tpu.memory_space<vmem>> -> memref<1x128x128xf32, #tpu.memory_space<vmem>>
      %dma_start3A_1603 = tpu.memref_squeeze %dma_start3A_1602 : memref<1x128x128xf32, #tpu.memory_space<vmem>> -> memref<128x128xf32, #tpu.memory_space<vmem>>
      %dma_start3A_1604 = arith.constant 0 : i32
      %dma_start3A_1605 = tpu.memref_slice %arg7[%run_scoped3A_1358, %run_scoped3A_1359, %dma_start3A_1604] : memref<2x16x128xi32, #tpu.memory_space<vmem>> -> memref<1x1x128xi32, #tpu.memory_space<vmem>>
      %dma_start3A_1606 = tpu.memref_squeeze %dma_start3A_1605 : memref<1x1x128xi32, #tpu.memory_space<vmem>> -> memref<128xi32, #tpu.memory_space<vmem>>
      %dma_start3A_1607 = arith.constant 0 : i32
      %dma_start3A_1608 = arith.constant 0 : i32
      %dma_start3A_1609 = tpu.memref_slice %arg10[%dma_start3A_1607, %dma_start3A_1608] : memref<10112x128xf32, #tpu.memory_space<vmem_shared>> -> memref<10112x128xf32, #tpu.memory_space<vmem_shared>>
      tpu.enqueue_indirect_dma source(%dma_start3A_1603 : memref<128x128xf32, #tpu.memory_space<vmem>>) target(%dma_start3A_1609 : memref<10112x128xf32, #tpu.memory_space<vmem_shared>>) offsets(%dma_start3A_1606 : memref<128xi32, #tpu.memory_space<vmem>>) semaphore(%run_scoped3A_1599 : memref<!tpu.dma_semaphore, #tpu.memory_space<semaphore_mem>>) {add = true}
      %dma_wait3A_1610 = arith.constant 0 : i32
      %dma_wait3A_1611 = arith.constant 0 : i32
      %dma_wait3A_1612 = tpu.memref_slice %arg8[%run_scoped3A_1357, %dma_wait3A_1610, %dma_wait3A_1611] : memref<2x128x128xf32, #tpu.memory_space<vmem>> -> memref<1x128x128xf32, #tpu.memory_space<vmem>>
      %dma_wait3A_1613 = tpu.memref_squeeze %dma_wait3A_1612 : memref<1x128x128xf32, #tpu.memory_space<vmem>> -> memref<128x128xf32, #tpu.memory_space<vmem>>
      %dma_wait3A_1614 = arith.constant 0 : i32
      %dma_wait3A_1615 = tpu.memref_slice %arg7[%run_scoped3A_1358, %run_scoped3A_1359, %dma_wait3A_1614] : memref<2x16x128xi32, #tpu.memory_space<vmem>> -> memref<1x1x128xi32, #tpu.memory_space<vmem>>
      %dma_wait3A_1616 = tpu.memref_squeeze %dma_wait3A_1615 : memref<1x1x128xi32, #tpu.memory_space<vmem>> -> memref<128xi32, #tpu.memory_space<vmem>>
      %dma_wait3A_1617 = arith.constant 0 : i32
      %dma_wait3A_1618 = arith.constant 0 : i32
      %dma_wait3A_1619 = tpu.memref_slice %arg10[%dma_wait3A_1617, %dma_wait3A_1618] : memref<10112x128xf32, #tpu.memory_space<vmem_shared>> -> memref<10112x128xf32, #tpu.memory_space<vmem_shared>>
      tpu.wait_indirect_dma semaphore(%run_scoped3A_1599 : memref<!tpu.dma_semaphore, #tpu.memory_space<semaphore_mem>>) src(%dma_wait3A_1613 : memref<128x128xf32, #tpu.memory_space<vmem>>) dst(%dma_wait3A_1619 : memref<10112x128xf32, #tpu.memory_space<vmem_shared>>)
      tpu.yield
    }) : () -> ()
    %dma_wait3A_1360 = arith.constant 0 : i32
    %dma_wait3A_1361 = arith.constant 15 : i32
    %dma_wait3A_1362 = arith.constant 1 : i32
    %dma_wait3A_1363 = arith.constant 0 : i32
    %dma_wait3A_1364 = arith.constant 0 : i32
    %dma_wait3A_1365 = tpu.memref_slice %arg8[%dma_wait3A_1362, %dma_wait3A_1363, %dma_wait3A_1364] : memref<2x128x128xf32, #tpu.memory_space<vmem>> -> memref<1x128x128xf32, #tpu.memory_space<vmem>>
    %dma_wait3A_1366 = tpu.memref_squeeze %dma_wait3A_1365 : memref<1x128x128xf32, #tpu.memory_space<vmem>> -> memref<128x128xf32, #tpu.memory_space<vmem>>
    %dma_wait3A_1367 = arith.constant 0 : i32
    %dma_wait3A_1368 = tpu.memref_slice %arg6[%dma_wait3A_1360, %dma_wait3A_1361, %dma_wait3A_1367] : memref<2x16x128xi32, #tpu.memory_space<vmem>> -> memref<1x1x128xi32, #tpu.memory_space<vmem>>
    %dma_wait3A_1369 = tpu.memref_squeeze %dma_wait3A_1368 : memref<1x1x128xi32, #tpu.memory_space<vmem>> -> memref<128xi32, #tpu.memory_space<vmem>>
    %dma_wait3A_1370 = arith.constant 0 : i32
    %dma_wait3A_1371 = arith.constant 0 : i32
    %dma_wait3A_1372 = tpu.memref_slice %arg2[%dma_wait3A_1370, %dma_wait3A_1371] : memref<10000x128xf32, #tpu.memory_space<hbm>> -> memref<10000x128xf32, #tpu.memory_space<hbm>>
    tpu.wait_indirect_dma semaphore(%arg12 : memref<!tpu.dma_semaphore, #tpu.memory_space<semaphore_mem>>) src(%dma_wait3A_1372 : memref<10000x128xf32, #tpu.memory_space<hbm>>) dst(%dma_wait3A_1366 : memref<128x128xf32, #tpu.memory_space<vmem>>)
    %run_scoped3A_1373 = arith.constant 1 : i32
    %run_scoped3A_1374 = arith.constant 0 : i32
    %run_scoped3A_1375 = arith.constant 15 : i32
    "tpu.region"() ({
      %run_scoped3A_1599 = tpu.sem_alloc : memref<!tpu.dma_semaphore, #tpu.memory_space<semaphore_mem>>
      %dma_start3A_1600 = arith.constant 0 : i32
      %dma_start3A_1601 = arith.constant 0 : i32
      %dma_start3A_1602 = tpu.memref_slice %arg8[%run_scoped3A_1373, %dma_start3A_1600, %dma_start3A_1601] : memref<2x128x128xf32, #tpu.memory_space<vmem>> -> memref<1x128x128xf32, #tpu.memory_space<vmem>>
      %dma_start3A_1603 = tpu.memref_squeeze %dma_start3A_1602 : memref<1x128x128xf32, #tpu.memory_space<vmem>> -> memref<128x128xf32, #tpu.memory_space<vmem>>
      %dma_start3A_1604 = arith.constant 0 : i32
      %dma_start3A_1605 = tpu.memref_slice %arg7[%run_scoped3A_1374, %run_scoped3A_1375, %dma_start3A_1604] : memref<2x16x128xi32, #tpu.memory_space<vmem>> -> memref<1x1x128xi32, #tpu.memory_space<vmem>>
      %dma_start3A_1606 = tpu.memref_squeeze %dma_start3A_1605 : memref<1x1x128xi32, #tpu.memory_space<vmem>> -> memref<128xi32, #tpu.memory_space<vmem>>
      %dma_start3A_1607 = arith.constant 0 : i32
      %dma_start3A_1608 = arith.constant 0 : i32
      %dma_start3A_1609 = tpu.memref_slice %arg10[%dma_start3A_1607, %dma_start3A_1608] : memref<10112x128xf32, #tpu.memory_space<vmem_shared>> -> memref<10112x128xf32, #tpu.memory_space<vmem_shared>>
      tpu.enqueue_indirect_dma source(%dma_start3A_1603 : memref<128x128xf32, #tpu.memory_space<vmem>>) target(%dma_start3A_1609 : memref<10112x128xf32, #tpu.memory_space<vmem_shared>>) offsets(%dma_start3A_1606 : memref<128xi32, #tpu.memory_space<vmem>>) semaphore(%run_scoped3A_1599 : memref<!tpu.dma_semaphore, #tpu.memory_space<semaphore_mem>>) {add = true}
      %dma_wait3A_1610 = arith.constant 0 : i32
      %dma_wait3A_1611 = arith.constant 0 : i32
      %dma_wait3A_1612 = tpu.memref_slice %arg8[%run_scoped3A_1373, %dma_wait3A_1610, %dma_wait3A_1611] : memref<2x128x128xf32, #tpu.memory_space<vmem>> -> memref<1x128x128xf32, #tpu.memory_space<vmem>>
      %dma_wait3A_1613 = tpu.memref_squeeze %dma_wait3A_1612 : memref<1x128x128xf32, #tpu.memory_space<vmem>> -> memref<128x128xf32, #tpu.memory_space<vmem>>
      %dma_wait3A_1614 = arith.constant 0 : i32
      %dma_wait3A_1615 = tpu.memref_slice %arg7[%run_scoped3A_1374, %run_scoped3A_1375, %dma_wait3A_1614] : memref<2x16x128xi32, #tpu.memory_space<vmem>> -> memref<1x1x128xi32, #tpu.memory_space<vmem>>
      %dma_wait3A_1616 = tpu.memref_squeeze %dma_wait3A_1615 : memref<1x1x128xi32, #tpu.memory_space<vmem>> -> memref<128xi32, #tpu.memory_space<vmem>>
      %dma_wait3A_1617 = arith.constant 0 : i32
      %dma_wait3A_1618 = arith.constant 0 : i32
      %dma_wait3A_1619 = tpu.memref_slice %arg10[%dma_wait3A_1617, %dma_wait3A_1618] : memref<10112x128xf32, #tpu.memory_space<vmem_shared>> -> memref<10112x128xf32, #tpu.memory_space<vmem_shared>>
      tpu.wait_indirect_dma semaphore(%run_scoped3A_1599 : memref<!tpu.dma_semaphore, #tpu.memory_space<semaphore_mem>>) src(%dma_wait3A_1613 : memref<128x128xf32, #tpu.memory_space<vmem>>) dst(%dma_wait3A_1619 : memref<10112x128xf32, #tpu.memory_space<vmem_shared>>)
      tpu.yield
    }) : () -> ()
    %add3A_1376 = arith.constant 48 : i32
    %add3A_1377 = arith.addi %mul3A_2, %add3A_1376 : i32
    %dma_wait3A_1378 = arith.constant 1 : i32
    %dma_wait3A_1379 = arith.constant 0 : i32
    %dma_wait3A_1380 = arith.constant 0 : i32
    %dma_wait3A_1381 = tpu.memref_slice %arg6[%dma_wait3A_1378, %dma_wait3A_1379, %dma_wait3A_1380] : memref<2x16x128xi32, #tpu.memory_space<vmem>> -> memref<1x16x128xi32, #tpu.memory_space<vmem>>
    %dma_wait3A_1382 = tpu.memref_squeeze %dma_wait3A_1381 : memref<1x16x128xi32, #tpu.memory_space<vmem>> -> memref<16x128xi32, #tpu.memory_space<vmem>>
    %dma_wait3A_1383 = arith.constant 0 : i32
    %dma_wait3A_1384 = tpu.memref_slice %arg3[%add3A_1377, %dma_wait3A_1383] : memref<2560x128xi32, #tpu.memory_space<hbm>> -> memref<16x128xi32, #tpu.memory_space<hbm>>
    %dma_wait3A_1385 = arith.constant 0 : i32
    %dma_wait3A_1386 = arith.constant 0 : i32
    %dma_wait3A_1387 = tpu.memref_slice %arg6[%dma_wait3A_1378, %dma_wait3A_1385, %dma_wait3A_1386] : memref<2x16x128xi32, #tpu.memory_space<vmem>> -> memref<1x16x128xi32, #tpu.memory_space<vmem>>
    %dma_wait3A_1388 = tpu.memref_squeeze %dma_wait3A_1387 : memref<1x16x128xi32, #tpu.memory_space<vmem>> -> memref<16x128xi32, #tpu.memory_space<vmem>>
    %dma_wait3A_1389 = arith.constant 0 : i32
    %dma_wait3A_1390 = tpu.memref_slice %arg3[%add3A_1377, %dma_wait3A_1389] : memref<2560x128xi32, #tpu.memory_space<hbm>> -> memref<16x128xi32, #tpu.memory_space<hbm>>
    tpu.wait_dma2 semaphore(%arg13 : memref<!tpu.dma_semaphore, #tpu.memory_space<semaphore_mem>>) src(%dma_wait3A_1390 : memref<16x128xi32, #tpu.memory_space<hbm>>) dst(%dma_wait3A_1388 : memref<16x128xi32, #tpu.memory_space<vmem>>)
    %add3A_1391 = arith.constant 48 : i32
    %add3A_1392 = arith.addi %mul3A_2, %add3A_1391 : i32
    %dma_wait3A_1393 = arith.constant 1 : i32
    %dma_wait3A_1394 = arith.constant 0 : i32
    %dma_wait3A_1395 = arith.constant 0 : i32
    %dma_wait3A_1396 = tpu.memref_slice %arg7[%dma_wait3A_1393, %dma_wait3A_1394, %dma_wait3A_1395] : memref<2x16x128xi32, #tpu.memory_space<vmem>> -> memref<1x16x128xi32, #tpu.memory_space<vmem>>
    %dma_wait3A_1397 = tpu.memref_squeeze %dma_wait3A_1396 : memref<1x16x128xi32, #tpu.memory_space<vmem>> -> memref<16x128xi32, #tpu.memory_space<vmem>>
    %dma_wait3A_1398 = arith.constant 0 : i32
    %dma_wait3A_1399 = tpu.memref_slice %arg4[%add3A_1392, %dma_wait3A_1398] : memref<2560x128xi32, #tpu.memory_space<hbm>> -> memref<16x128xi32, #tpu.memory_space<hbm>>
    %dma_wait3A_1400 = arith.constant 0 : i32
    %dma_wait3A_1401 = arith.constant 0 : i32
    %dma_wait3A_1402 = tpu.memref_slice %arg7[%dma_wait3A_1393, %dma_wait3A_1400, %dma_wait3A_1401] : memref<2x16x128xi32, #tpu.memory_space<vmem>> -> memref<1x16x128xi32, #tpu.memory_space<vmem>>
    %dma_wait3A_1403 = tpu.memref_squeeze %dma_wait3A_1402 : memref<1x16x128xi32, #tpu.memory_space<vmem>> -> memref<16x128xi32, #tpu.memory_space<vmem>>
    %dma_wait3A_1404 = arith.constant 0 : i32
    %dma_wait3A_1405 = tpu.memref_slice %arg4[%add3A_1392, %dma_wait3A_1404] : memref<2560x128xi32, #tpu.memory_space<hbm>> -> memref<16x128xi32, #tpu.memory_space<hbm>>
    tpu.wait_dma2 semaphore(%arg13 : memref<!tpu.dma_semaphore, #tpu.memory_space<semaphore_mem>>) src(%dma_wait3A_1405 : memref<16x128xi32, #tpu.memory_space<hbm>>) dst(%dma_wait3A_1403 : memref<16x128xi32, #tpu.memory_space<vmem>>)
    %add3A_1406 = arith.constant 64 : i32
    %add3A_1407 = arith.addi %mul3A_2, %add3A_1406 : i32
    %dma_start3A_1408 = arith.constant 0 : i32
    %dma_start3A_1409 = arith.constant 0 : i32
    %dma_start3A_1410 = arith.constant 0 : i32
    %dma_start3A_1411 = tpu.memref_slice %arg6[%dma_start3A_1408, %dma_start3A_1409, %dma_start3A_1410] : memref<2x16x128xi32, #tpu.memory_space<vmem>> -> memref<1x16x128xi32, #tpu.memory_space<vmem>>
    %dma_start3A_1412 = tpu.memref_squeeze %dma_start3A_1411 : memref<1x16x128xi32, #tpu.memory_space<vmem>> -> memref<16x128xi32, #tpu.memory_space<vmem>>
    %dma_start3A_1413 = arith.constant 0 : i32
    %dma_start3A_1414 = tpu.memref_slice %arg3[%add3A_1407, %dma_start3A_1413] : memref<2560x128xi32, #tpu.memory_space<hbm>> -> memref<16x128xi32, #tpu.memory_space<hbm>>
    %dma_start3A_1415 = arith.constant 0 : i32
    %dma_start3A_1416 = arith.constant 0 : i32
    %dma_start3A_1417 = tpu.memref_slice %arg6[%dma_start3A_1408, %dma_start3A_1415, %dma_start3A_1416] : memref<2x16x128xi32, #tpu.memory_space<vmem>> -> memref<1x16x128xi32, #tpu.memory_space<vmem>>
    %dma_start3A_1418 = tpu.memref_squeeze %dma_start3A_1417 : memref<1x16x128xi32, #tpu.memory_space<vmem>> -> memref<16x128xi32, #tpu.memory_space<vmem>>
    %dma_start3A_1419 = arith.constant 0 : i32
    %dma_start3A_1420 = tpu.memref_slice %arg3[%add3A_1407, %dma_start3A_1419] : memref<2560x128xi32, #tpu.memory_space<hbm>> -> memref<16x128xi32, #tpu.memory_space<hbm>>
    tpu.enqueue_dma source(%dma_start3A_1420 : memref<16x128xi32, #tpu.memory_space<hbm>>) target(%dma_start3A_1418 : memref<16x128xi32, #tpu.memory_space<vmem>>) target_semaphore(%arg13 : memref<!tpu.dma_semaphore, #tpu.memory_space<semaphore_mem>>)
    %add3A_1421 = arith.constant 64 : i32
    %add3A_1422 = arith.addi %mul3A_2, %add3A_1421 : i32
    %dma_start3A_1423 = arith.constant 0 : i32
    %dma_start3A_1424 = arith.constant 0 : i32
    %dma_start3A_1425 = arith.constant 0 : i32
    %dma_start3A_1426 = tpu.memref_slice %arg7[%dma_start3A_1423, %dma_start3A_1424, %dma_start3A_1425] : memref<2x16x128xi32, #tpu.memory_space<vmem>> -> memref<1x16x128xi32, #tpu.memory_space<vmem>>
    %dma_start3A_1427 = tpu.memref_squeeze %dma_start3A_1426 : memref<1x16x128xi32, #tpu.memory_space<vmem>> -> memref<16x128xi32, #tpu.memory_space<vmem>>
    %dma_start3A_1428 = arith.constant 0 : i32
    %dma_start3A_1429 = tpu.memref_slice %arg4[%add3A_1422, %dma_start3A_1428] : memref<2560x128xi32, #tpu.memory_space<hbm>> -> memref<16x128xi32, #tpu.memory_space<hbm>>
    %dma_start3A_1430 = arith.constant 0 : i32
    %dma_start3A_1431 = arith.constant 0 : i32
    %dma_start3A_1432 = tpu.memref_slice %arg7[%dma_start3A_1423, %dma_start3A_1430, %dma_start3A_1431] : memref<2x16x128xi32, #tpu.memory_space<vmem>> -> memref<1x16x128xi32, #tpu.memory_space<vmem>>
    %dma_start3A_1433 = tpu.memref_squeeze %dma_start3A_1432 : memref<1x16x128xi32, #tpu.memory_space<vmem>> -> memref<16x128xi32, #tpu.memory_space<vmem>>
    %dma_start3A_1434 = arith.constant 0 : i32
    %dma_start3A_1435 = tpu.memref_slice %arg4[%add3A_1422, %dma_start3A_1434] : memref<2560x128xi32, #tpu.memory_space<hbm>> -> memref<16x128xi32, #tpu.memory_space<hbm>>
    tpu.enqueue_dma source(%dma_start3A_1435 : memref<16x128xi32, #tpu.memory_space<hbm>>) target(%dma_start3A_1433 : memref<16x128xi32, #tpu.memory_space<vmem>>) target_semaphore(%arg13 : memref<!tpu.dma_semaphore, #tpu.memory_space<semaphore_mem>>)
    %dma_start3A_1436 = arith.constant 1 : i32
    %dma_start3A_1437 = arith.constant 0 : i32
    %dma_start3A_1438 = arith.constant 0 : i32
    %dma_start3A_1439 = arith.constant 0 : i32
    %dma_start3A_1440 = arith.constant 0 : i32
    %dma_start3A_1441 = tpu.memref_slice %arg8[%dma_start3A_1438, %dma_start3A_1439, %dma_start3A_1440] : memref<2x128x128xf32, #tpu.memory_space<vmem>> -> memref<1x128x128xf32, #tpu.memory_space<vmem>>
    %dma_start3A_1442 = tpu.memref_squeeze %dma_start3A_1441 : memref<1x128x128xf32, #tpu.memory_space<vmem>> -> memref<128x128xf32, #tpu.memory_space<vmem>>
    %dma_start3A_1443 = arith.constant 0 : i32
    %dma_start3A_1444 = tpu.memref_slice %arg6[%dma_start3A_1436, %dma_start3A_1437, %dma_start3A_1443] : memref<2x16x128xi32, #tpu.memory_space<vmem>> -> memref<1x1x128xi32, #tpu.memory_space<vmem>>
    %dma_start3A_1445 = tpu.memref_squeeze %dma_start3A_1444 : memref<1x1x128xi32, #tpu.memory_space<vmem>> -> memref<128xi32, #tpu.memory_space<vmem>>
    %dma_start3A_1446 = arith.constant 0 : i32
    %dma_start3A_1447 = arith.constant 0 : i32
    %dma_start3A_1448 = tpu.memref_slice %arg2[%dma_start3A_1446, %dma_start3A_1447] : memref<10000x128xf32, #tpu.memory_space<hbm>> -> memref<10000x128xf32, #tpu.memory_space<hbm>>
    tpu.enqueue_indirect_dma source(%dma_start3A_1448 : memref<10000x128xf32, #tpu.memory_space<hbm>>) target(%dma_start3A_1442 : memref<128x128xf32, #tpu.memory_space<vmem>>) offsets(%dma_start3A_1445 : memref<128xi32, #tpu.memory_space<vmem>>) semaphore(%arg11 : memref<!tpu.dma_semaphore, #tpu.memory_space<semaphore_mem>>)
    %scan3A_1449 = arith.constant 0 : i32
    %scan3A_1450 = arith.constant 0 : i32
    %scan3A_1451 = arith.constant 7 : i32
    %scan3A_1452 = arith.addi %scan3A_1450, %scan3A_1451 : i32
    %scan3A_1453 = arith.constant 1 : i32
    scf.for %scan3A_1599 = %scan3A_1450 to %scan3A_1452 step %scan3A_1453  : i32 {
      %mul3A_1600 = arith.constant 2 : i32
      %mul3A_1601 = arith.muli %mul3A_1600, %scan3A_1599 : i32
      %add3A_1602 = arith.constant 1 : i32
      %add3A_1603 = arith.addi %mul3A_1601, %add3A_1602 : i32
      %dma_start3A_1604 = arith.constant 1 : i32
      %dma_start3A_1605 = arith.constant 1 : i32
      %dma_start3A_1606 = arith.constant 0 : i32
      %dma_start3A_1607 = arith.constant 0 : i32
      %dma_start3A_1608 = tpu.memref_slice %arg8[%dma_start3A_1605, %dma_start3A_1606, %dma_start3A_1607] : memref<2x128x128xf32, #tpu.memory_space<vmem>> -> memref<1x128x128xf32, #tpu.memory_space<vmem>>
      %dma_start3A_1609 = tpu.memref_squeeze %dma_start3A_1608 : memref<1x128x128xf32, #tpu.memory_space<vmem>> -> memref<128x128xf32, #tpu.memory_space<vmem>>
      %dma_start3A_1610 = arith.constant 0 : i32
      %dma_start3A_1611 = tpu.memref_slice %arg6[%dma_start3A_1604, %add3A_1603, %dma_start3A_1610] : memref<2x16x128xi32, #tpu.memory_space<vmem>> -> memref<1x1x128xi32, #tpu.memory_space<vmem>>
      %dma_start3A_1612 = tpu.memref_squeeze %dma_start3A_1611 : memref<1x1x128xi32, #tpu.memory_space<vmem>> -> memref<128xi32, #tpu.memory_space<vmem>>
      %dma_start3A_1613 = arith.constant 0 : i32
      %dma_start3A_1614 = arith.constant 0 : i32
      %dma_start3A_1615 = tpu.memref_slice %arg2[%dma_start3A_1613, %dma_start3A_1614] : memref<10000x128xf32, #tpu.memory_space<hbm>> -> memref<10000x128xf32, #tpu.memory_space<hbm>>
      tpu.enqueue_indirect_dma source(%dma_start3A_1615 : memref<10000x128xf32, #tpu.memory_space<hbm>>) target(%dma_start3A_1609 : memref<128x128xf32, #tpu.memory_space<vmem>>) offsets(%dma_start3A_1612 : memref<128xi32, #tpu.memory_space<vmem>>) semaphore(%arg12 : memref<!tpu.dma_semaphore, #tpu.memory_space<semaphore_mem>>)
      %dma_wait3A_1616 = arith.constant 1 : i32
      %dma_wait3A_1617 = arith.constant 0 : i32
      %dma_wait3A_1618 = arith.constant 0 : i32
      %dma_wait3A_1619 = arith.constant 0 : i32
      %dma_wait3A_1620 = tpu.memref_slice %arg8[%dma_wait3A_1617, %dma_wait3A_1618, %dma_wait3A_1619] : memref<2x128x128xf32, #tpu.memory_space<vmem>> -> memref<1x128x128xf32, #tpu.memory_space<vmem>>
      %dma_wait3A_1621 = tpu.memref_squeeze %dma_wait3A_1620 : memref<1x128x128xf32, #tpu.memory_space<vmem>> -> memref<128x128xf32, #tpu.memory_space<vmem>>
      %dma_wait3A_1622 = arith.constant 0 : i32
      %dma_wait3A_1623 = tpu.memref_slice %arg6[%dma_wait3A_1616, %mul3A_1601, %dma_wait3A_1622] : memref<2x16x128xi32, #tpu.memory_space<vmem>> -> memref<1x1x128xi32, #tpu.memory_space<vmem>>
      %dma_wait3A_1624 = tpu.memref_squeeze %dma_wait3A_1623 : memref<1x1x128xi32, #tpu.memory_space<vmem>> -> memref<128xi32, #tpu.memory_space<vmem>>
      %dma_wait3A_1625 = arith.constant 0 : i32
      %dma_wait3A_1626 = arith.constant 0 : i32
      %dma_wait3A_1627 = tpu.memref_slice %arg2[%dma_wait3A_1625, %dma_wait3A_1626] : memref<10000x128xf32, #tpu.memory_space<hbm>> -> memref<10000x128xf32, #tpu.memory_space<hbm>>
      tpu.wait_indirect_dma semaphore(%arg11 : memref<!tpu.dma_semaphore, #tpu.memory_space<semaphore_mem>>) src(%dma_wait3A_1627 : memref<10000x128xf32, #tpu.memory_space<hbm>>) dst(%dma_wait3A_1621 : memref<128x128xf32, #tpu.memory_space<vmem>>)
      %run_scoped3A_1628 = arith.constant 0 : i32
      %run_scoped3A_1629 = arith.constant 1 : i32
      "tpu.region"() ({
        %run_scoped3A_1660 = tpu.sem_alloc : memref<!tpu.dma_semaphore, #tpu.memory_space<semaphore_mem>>
        %dma_start3A_1661 = arith.constant 0 : i32
        %dma_start3A_1662 = arith.constant 0 : i32
        %dma_start3A_1663 = tpu.memref_slice %arg8[%run_scoped3A_1628, %dma_start3A_1661, %dma_start3A_1662] : memref<2x128x128xf32, #tpu.memory_space<vmem>> -> memref<1x128x128xf32, #tpu.memory_space<vmem>>
        %dma_start3A_1664 = tpu.memref_squeeze %dma_start3A_1663 : memref<1x128x128xf32, #tpu.memory_space<vmem>> -> memref<128x128xf32, #tpu.memory_space<vmem>>
        %dma_start3A_1665 = arith.constant 0 : i32
        %dma_start3A_1666 = tpu.memref_slice %arg7[%run_scoped3A_1629, %mul3A_1601, %dma_start3A_1665] : memref<2x16x128xi32, #tpu.memory_space<vmem>> -> memref<1x1x128xi32, #tpu.memory_space<vmem>>
        %dma_start3A_1667 = tpu.memref_squeeze %dma_start3A_1666 : memref<1x1x128xi32, #tpu.memory_space<vmem>> -> memref<128xi32, #tpu.memory_space<vmem>>
        %dma_start3A_1668 = arith.constant 0 : i32
        %dma_start3A_1669 = arith.constant 0 : i32
        %dma_start3A_1670 = tpu.memref_slice %arg10[%dma_start3A_1668, %dma_start3A_1669] : memref<10112x128xf32, #tpu.memory_space<vmem_shared>> -> memref<10112x128xf32, #tpu.memory_space<vmem_shared>>
        tpu.enqueue_indirect_dma source(%dma_start3A_1664 : memref<128x128xf32, #tpu.memory_space<vmem>>) target(%dma_start3A_1670 : memref<10112x128xf32, #tpu.memory_space<vmem_shared>>) offsets(%dma_start3A_1667 : memref<128xi32, #tpu.memory_space<vmem>>) semaphore(%run_scoped3A_1660 : memref<!tpu.dma_semaphore, #tpu.memory_space<semaphore_mem>>) {add = true}
        %dma_wait3A_1671 = arith.constant 0 : i32
        %dma_wait3A_1672 = arith.constant 0 : i32
        %dma_wait3A_1673 = tpu.memref_slice %arg8[%run_scoped3A_1628, %dma_wait3A_1671, %dma_wait3A_1672] : memref<2x128x128xf32, #tpu.memory_space<vmem>> -> memref<1x128x128xf32, #tpu.memory_space<vmem>>
        %dma_wait3A_1674 = tpu.memref_squeeze %dma_wait3A_1673 : memref<1x128x128xf32, #tpu.memory_space<vmem>> -> memref<128x128xf32, #tpu.memory_space<vmem>>
        %dma_wait3A_1675 = arith.constant 0 : i32
        %dma_wait3A_1676 = tpu.memref_slice %arg7[%run_scoped3A_1629, %mul3A_1601, %dma_wait3A_1675] : memref<2x16x128xi32, #tpu.memory_space<vmem>> -> memref<1x1x128xi32, #tpu.memory_space<vmem>>
        %dma_wait3A_1677 = tpu.memref_squeeze %dma_wait3A_1676 : memref<1x1x128xi32, #tpu.memory_space<vmem>> -> memref<128xi32, #tpu.memory_space<vmem>>
        %dma_wait3A_1678 = arith.constant 0 : i32
        %dma_wait3A_1679 = arith.constant 0 : i32
        %dma_wait3A_1680 = tpu.memref_slice %arg10[%dma_wait3A_1678, %dma_wait3A_1679] : memref<10112x128xf32, #tpu.memory_space<vmem_shared>> -> memref<10112x128xf32, #tpu.memory_space<vmem_shared>>
        tpu.wait_indirect_dma semaphore(%run_scoped3A_1660 : memref<!tpu.dma_semaphore, #tpu.memory_space<semaphore_mem>>) src(%dma_wait3A_1674 : memref<128x128xf32, #tpu.memory_space<vmem>>) dst(%dma_wait3A_1680 : memref<10112x128xf32, #tpu.memory_space<vmem_shared>>)
        tpu.yield
      }) : () -> ()
      %add3A_1630 = arith.constant 2 : i32
      %add3A_1631 = arith.addi %mul3A_1601, %add3A_1630 : i32
      %dma_start3A_1632 = arith.constant 1 : i32
      %dma_start3A_1633 = arith.constant 0 : i32
      %dma_start3A_1634 = arith.constant 0 : i32
      %dma_start3A_1635 = arith.constant 0 : i32
      %dma_start3A_1636 = tpu.memref_slice %arg8[%dma_start3A_1633, %dma_start3A_1634, %dma_start3A_1635] : memref<2x128x128xf32, #tpu.memory_space<vmem>> -> memref<1x128x128xf32, #tpu.memory_space<vmem>>
      %dma_start3A_1637 = tpu.memref_squeeze %dma_start3A_1636 : memref<1x128x128xf32, #tpu.memory_space<vmem>> -> memref<128x128xf32, #tpu.memory_space<vmem>>
      %dma_start3A_1638 = arith.constant 0 : i32
      %dma_start3A_1639 = tpu.memref_slice %arg6[%dma_start3A_1632, %add3A_1631, %dma_start3A_1638] : memref<2x16x128xi32, #tpu.memory_space<vmem>> -> memref<1x1x128xi32, #tpu.memory_space<vmem>>
      %dma_start3A_1640 = tpu.memref_squeeze %dma_start3A_1639 : memref<1x1x128xi32, #tpu.memory_space<vmem>> -> memref<128xi32, #tpu.memory_space<vmem>>
      %dma_start3A_1641 = arith.constant 0 : i32
      %dma_start3A_1642 = arith.constant 0 : i32
      %dma_start3A_1643 = tpu.memref_slice %arg2[%dma_start3A_1641, %dma_start3A_1642] : memref<10000x128xf32, #tpu.memory_space<hbm>> -> memref<10000x128xf32, #tpu.memory_space<hbm>>
      tpu.enqueue_indirect_dma source(%dma_start3A_1643 : memref<10000x128xf32, #tpu.memory_space<hbm>>) target(%dma_start3A_1637 : memref<128x128xf32, #tpu.memory_space<vmem>>) offsets(%dma_start3A_1640 : memref<128xi32, #tpu.memory_space<vmem>>) semaphore(%arg11 : memref<!tpu.dma_semaphore, #tpu.memory_space<semaphore_mem>>)
      %add3A_1644 = arith.constant 1 : i32
      %add3A_1645 = arith.addi %mul3A_1601, %add3A_1644 : i32
      %dma_wait3A_1646 = arith.constant 1 : i32
      %dma_wait3A_1647 = arith.constant 1 : i32
      %dma_wait3A_1648 = arith.constant 0 : i32
      %dma_wait3A_1649 = arith.constant 0 : i32
      %dma_wait3A_1650 = tpu.memref_slice %arg8[%dma_wait3A_1647, %dma_wait3A_1648, %dma_wait3A_1649] : memref<2x128x128xf32, #tpu.memory_space<vmem>> -> memref<1x128x128xf32, #tpu.memory_space<vmem>>
      %dma_wait3A_1651 = tpu.memref_squeeze %dma_wait3A_1650 : memref<1x128x128xf32, #tpu.memory_space<vmem>> -> memref<128x128xf32, #tpu.memory_space<vmem>>
      %dma_wait3A_1652 = arith.constant 0 : i32
      %dma_wait3A_1653 = tpu.memref_slice %arg6[%dma_wait3A_1646, %add3A_1645, %dma_wait3A_1652] : memref<2x16x128xi32, #tpu.memory_space<vmem>> -> memref<1x1x128xi32, #tpu.memory_space<vmem>>
      %dma_wait3A_1654 = tpu.memref_squeeze %dma_wait3A_1653 : memref<1x1x128xi32, #tpu.memory_space<vmem>> -> memref<128xi32, #tpu.memory_space<vmem>>
      %dma_wait3A_1655 = arith.constant 0 : i32
      %dma_wait3A_1656 = arith.constant 0 : i32
      %dma_wait3A_1657 = tpu.memref_slice %arg2[%dma_wait3A_1655, %dma_wait3A_1656] : memref<10000x128xf32, #tpu.memory_space<hbm>> -> memref<10000x128xf32, #tpu.memory_space<hbm>>
      tpu.wait_indirect_dma semaphore(%arg12 : memref<!tpu.dma_semaphore, #tpu.memory_space<semaphore_mem>>) src(%dma_wait3A_1657 : memref<10000x128xf32, #tpu.memory_space<hbm>>) dst(%dma_wait3A_1651 : memref<128x128xf32, #tpu.memory_space<vmem>>)
      %run_scoped3A_1658 = arith.constant 1 : i32
      %run_scoped3A_1659 = arith.constant 1 : i32
      "tpu.region"() ({
        %run_scoped3A_1660 = tpu.sem_alloc : memref<!tpu.dma_semaphore, #tpu.memory_space<semaphore_mem>>
        %dma_start3A_1661 = arith.constant 0 : i32
        %dma_start3A_1662 = arith.constant 0 : i32
        %dma_start3A_1663 = tpu.memref_slice %arg8[%run_scoped3A_1658, %dma_start3A_1661, %dma_start3A_1662] : memref<2x128x128xf32, #tpu.memory_space<vmem>> -> memref<1x128x128xf32, #tpu.memory_space<vmem>>
        %dma_start3A_1664 = tpu.memref_squeeze %dma_start3A_1663 : memref<1x128x128xf32, #tpu.memory_space<vmem>> -> memref<128x128xf32, #tpu.memory_space<vmem>>
        %dma_start3A_1665 = arith.constant 0 : i32
        %dma_start3A_1666 = tpu.memref_slice %arg7[%run_scoped3A_1659, %add3A_1645, %dma_start3A_1665] : memref<2x16x128xi32, #tpu.memory_space<vmem>> -> memref<1x1x128xi32, #tpu.memory_space<vmem>>
        %dma_start3A_1667 = tpu.memref_squeeze %dma_start3A_1666 : memref<1x1x128xi32, #tpu.memory_space<vmem>> -> memref<128xi32, #tpu.memory_space<vmem>>
        %dma_start3A_1668 = arith.constant 0 : i32
        %dma_start3A_1669 = arith.constant 0 : i32
        %dma_start3A_1670 = tpu.memref_slice %arg10[%dma_start3A_1668, %dma_start3A_1669] : memref<10112x128xf32, #tpu.memory_space<vmem_shared>> -> memref<10112x128xf32, #tpu.memory_space<vmem_shared>>
        tpu.enqueue_indirect_dma source(%dma_start3A_1664 : memref<128x128xf32, #tpu.memory_space<vmem>>) target(%dma_start3A_1670 : memref<10112x128xf32, #tpu.memory_space<vmem_shared>>) offsets(%dma_start3A_1667 : memref<128xi32, #tpu.memory_space<vmem>>) semaphore(%run_scoped3A_1660 : memref<!tpu.dma_semaphore, #tpu.memory_space<semaphore_mem>>) {add = true}
        %dma_wait3A_1671 = arith.constant 0 : i32
        %dma_wait3A_1672 = arith.constant 0 : i32
        %dma_wait3A_1673 = tpu.memref_slice %arg8[%run_scoped3A_1658, %dma_wait3A_1671, %dma_wait3A_1672] : memref<2x128x128xf32, #tpu.memory_space<vmem>> -> memref<1x128x128xf32, #tpu.memory_space<vmem>>
        %dma_wait3A_1674 = tpu.memref_squeeze %dma_wait3A_1673 : memref<1x128x128xf32, #tpu.memory_space<vmem>> -> memref<128x128xf32, #tpu.memory_space<vmem>>
        %dma_wait3A_1675 = arith.constant 0 : i32
        %dma_wait3A_1676 = tpu.memref_slice %arg7[%run_scoped3A_1659, %add3A_1645, %dma_wait3A_1675] : memref<2x16x128xi32, #tpu.memory_space<vmem>> -> memref<1x1x128xi32, #tpu.memory_space<vmem>>
        %dma_wait3A_1677 = tpu.memref_squeeze %dma_wait3A_1676 : memref<1x1x128xi32, #tpu.memory_space<vmem>> -> memref<128xi32, #tpu.memory_space<vmem>>
        %dma_wait3A_1678 = arith.constant 0 : i32
        %dma_wait3A_1679 = arith.constant 0 : i32
        %dma_wait3A_1680 = tpu.memref_slice %arg10[%dma_wait3A_1678, %dma_wait3A_1679] : memref<10112x128xf32, #tpu.memory_space<vmem_shared>> -> memref<10112x128xf32, #tpu.memory_space<vmem_shared>>
        tpu.wait_indirect_dma semaphore(%run_scoped3A_1660 : memref<!tpu.dma_semaphore, #tpu.memory_space<semaphore_mem>>) src(%dma_wait3A_1674 : memref<128x128xf32, #tpu.memory_space<vmem>>) dst(%dma_wait3A_1680 : memref<10112x128xf32, #tpu.memory_space<vmem_shared>>)
        tpu.yield
      }) : () -> ()
    }
    %scan3A_1454 = arith.constant 7 : i32
    %dma_start3A_1455 = arith.constant 1 : i32
    %dma_start3A_1456 = arith.constant 15 : i32
    %dma_start3A_1457 = arith.constant 1 : i32
    %dma_start3A_1458 = arith.constant 0 : i32
    %dma_start3A_1459 = arith.constant 0 : i32
    %dma_start3A_1460 = tpu.memref_slice %arg8[%dma_start3A_1457, %dma_start3A_1458, %dma_start3A_1459] : memref<2x128x128xf32, #tpu.memory_space<vmem>> -> memref<1x128x128xf32, #tpu.memory_space<vmem>>
    %dma_start3A_1461 = tpu.memref_squeeze %dma_start3A_1460 : memref<1x128x128xf32, #tpu.memory_space<vmem>> -> memref<128x128xf32, #tpu.memory_space<vmem>>
    %dma_start3A_1462 = arith.constant 0 : i32
    %dma_start3A_1463 = tpu.memref_slice %arg6[%dma_start3A_1455, %dma_start3A_1456, %dma_start3A_1462] : memref<2x16x128xi32, #tpu.memory_space<vmem>> -> memref<1x1x128xi32, #tpu.memory_space<vmem>>
    %dma_start3A_1464 = tpu.memref_squeeze %dma_start3A_1463 : memref<1x1x128xi32, #tpu.memory_space<vmem>> -> memref<128xi32, #tpu.memory_space<vmem>>
    %dma_start3A_1465 = arith.constant 0 : i32
    %dma_start3A_1466 = arith.constant 0 : i32
    %dma_start3A_1467 = tpu.memref_slice %arg2[%dma_start3A_1465, %dma_start3A_1466] : memref<10000x128xf32, #tpu.memory_space<hbm>> -> memref<10000x128xf32, #tpu.memory_space<hbm>>
    tpu.enqueue_indirect_dma source(%dma_start3A_1467 : memref<10000x128xf32, #tpu.memory_space<hbm>>) target(%dma_start3A_1461 : memref<128x128xf32, #tpu.memory_space<vmem>>) offsets(%dma_start3A_1464 : memref<128xi32, #tpu.memory_space<vmem>>) semaphore(%arg12 : memref<!tpu.dma_semaphore, #tpu.memory_space<semaphore_mem>>)
    %dma_wait3A_1468 = arith.constant 1 : i32
    %dma_wait3A_1469 = arith.constant 14 : i32
    %dma_wait3A_1470 = arith.constant 0 : i32
    %dma_wait3A_1471 = arith.constant 0 : i32
    %dma_wait3A_1472 = arith.constant 0 : i32
    %dma_wait3A_1473 = tpu.memref_slice %arg8[%dma_wait3A_1470, %dma_wait3A_1471, %dma_wait3A_1472] : memref<2x128x128xf32, #tpu.memory_space<vmem>> -> memref<1x128x128xf32, #tpu.memory_space<vmem>>
    %dma_wait3A_1474 = tpu.memref_squeeze %dma_wait3A_1473 : memref<1x128x128xf32, #tpu.memory_space<vmem>> -> memref<128x128xf32, #tpu.memory_space<vmem>>
    %dma_wait3A_1475 = arith.constant 0 : i32
    %dma_wait3A_1476 = tpu.memref_slice %arg6[%dma_wait3A_1468, %dma_wait3A_1469, %dma_wait3A_1475] : memref<2x16x128xi32, #tpu.memory_space<vmem>> -> memref<1x1x128xi32, #tpu.memory_space<vmem>>
    %dma_wait3A_1477 = tpu.memref_squeeze %dma_wait3A_1476 : memref<1x1x128xi32, #tpu.memory_space<vmem>> -> memref<128xi32, #tpu.memory_space<vmem>>
    %dma_wait3A_1478 = arith.constant 0 : i32
    %dma_wait3A_1479 = arith.constant 0 : i32
    %dma_wait3A_1480 = tpu.memref_slice %arg2[%dma_wait3A_1478, %dma_wait3A_1479] : memref<10000x128xf32, #tpu.memory_space<hbm>> -> memref<10000x128xf32, #tpu.memory_space<hbm>>
    tpu.wait_indirect_dma semaphore(%arg11 : memref<!tpu.dma_semaphore, #tpu.memory_space<semaphore_mem>>) src(%dma_wait3A_1480 : memref<10000x128xf32, #tpu.memory_space<hbm>>) dst(%dma_wait3A_1474 : memref<128x128xf32, #tpu.memory_space<vmem>>)
    %run_scoped3A_1481 = arith.constant 0 : i32
    %run_scoped3A_1482 = arith.constant 1 : i32
    %run_scoped3A_1483 = arith.constant 14 : i32
    "tpu.region"() ({
      %run_scoped3A_1599 = tpu.sem_alloc : memref<!tpu.dma_semaphore, #tpu.memory_space<semaphore_mem>>
      %dma_start3A_1600 = arith.constant 0 : i32
      %dma_start3A_1601 = arith.constant 0 : i32
      %dma_start3A_1602 = tpu.memref_slice %arg8[%run_scoped3A_1481, %dma_start3A_1600, %dma_start3A_1601] : memref<2x128x128xf32, #tpu.memory_space<vmem>> -> memref<1x128x128xf32, #tpu.memory_space<vmem>>
      %dma_start3A_1603 = tpu.memref_squeeze %dma_start3A_1602 : memref<1x128x128xf32, #tpu.memory_space<vmem>> -> memref<128x128xf32, #tpu.memory_space<vmem>>
      %dma_start3A_1604 = arith.constant 0 : i32
      %dma_start3A_1605 = tpu.memref_slice %arg7[%run_scoped3A_1482, %run_scoped3A_1483, %dma_start3A_1604] : memref<2x16x128xi32, #tpu.memory_space<vmem>> -> memref<1x1x128xi32, #tpu.memory_space<vmem>>
      %dma_start3A_1606 = tpu.memref_squeeze %dma_start3A_1605 : memref<1x1x128xi32, #tpu.memory_space<vmem>> -> memref<128xi32, #tpu.memory_space<vmem>>
      %dma_start3A_1607 = arith.constant 0 : i32
      %dma_start3A_1608 = arith.constant 0 : i32
      %dma_start3A_1609 = tpu.memref_slice %arg10[%dma_start3A_1607, %dma_start3A_1608] : memref<10112x128xf32, #tpu.memory_space<vmem_shared>> -> memref<10112x128xf32, #tpu.memory_space<vmem_shared>>
      tpu.enqueue_indirect_dma source(%dma_start3A_1603 : memref<128x128xf32, #tpu.memory_space<vmem>>) target(%dma_start3A_1609 : memref<10112x128xf32, #tpu.memory_space<vmem_shared>>) offsets(%dma_start3A_1606 : memref<128xi32, #tpu.memory_space<vmem>>) semaphore(%run_scoped3A_1599 : memref<!tpu.dma_semaphore, #tpu.memory_space<semaphore_mem>>) {add = true}
      %dma_wait3A_1610 = arith.constant 0 : i32
      %dma_wait3A_1611 = arith.constant 0 : i32
      %dma_wait3A_1612 = tpu.memref_slice %arg8[%run_scoped3A_1481, %dma_wait3A_1610, %dma_wait3A_1611] : memref<2x128x128xf32, #tpu.memory_space<vmem>> -> memref<1x128x128xf32, #tpu.memory_space<vmem>>
      %dma_wait3A_1613 = tpu.memref_squeeze %dma_wait3A_1612 : memref<1x128x128xf32, #tpu.memory_space<vmem>> -> memref<128x128xf32, #tpu.memory_space<vmem>>
      %dma_wait3A_1614 = arith.constant 0 : i32
      %dma_wait3A_1615 = tpu.memref_slice %arg7[%run_scoped3A_1482, %run_scoped3A_1483, %dma_wait3A_1614] : memref<2x16x128xi32, #tpu.memory_space<vmem>> -> memref<1x1x128xi32, #tpu.memory_space<vmem>>
      %dma_wait3A_1616 = tpu.memref_squeeze %dma_wait3A_1615 : memref<1x1x128xi32, #tpu.memory_space<vmem>> -> memref<128xi32, #tpu.memory_space<vmem>>
      %dma_wait3A_1617 = arith.constant 0 : i32
      %dma_wait3A_1618 = arith.constant 0 : i32
      %dma_wait3A_1619 = tpu.memref_slice %arg10[%dma_wait3A_1617, %dma_wait3A_1618] : memref<10112x128xf32, #tpu.memory_space<vmem_shared>> -> memref<10112x128xf32, #tpu.memory_space<vmem_shared>>
      tpu.wait_indirect_dma semaphore(%run_scoped3A_1599 : memref<!tpu.dma_semaphore, #tpu.memory_space<semaphore_mem>>) src(%dma_wait3A_1613 : memref<128x128xf32, #tpu.memory_space<vmem>>) dst(%dma_wait3A_1619 : memref<10112x128xf32, #tpu.memory_space<vmem_shared>>)
      tpu.yield
    }) : () -> ()
    %dma_wait3A_1484 = arith.constant 1 : i32
    %dma_wait3A_1485 = arith.constant 15 : i32
    %dma_wait3A_1486 = arith.constant 1 : i32
    %dma_wait3A_1487 = arith.constant 0 : i32
    %dma_wait3A_1488 = arith.constant 0 : i32
    %dma_wait3A_1489 = tpu.memref_slice %arg8[%dma_wait3A_1486, %dma_wait3A_1487, %dma_wait3A_1488] : memref<2x128x128xf32, #tpu.memory_space<vmem>> -> memref<1x128x128xf32, #tpu.memory_space<vmem>>
    %dma_wait3A_1490 = tpu.memref_squeeze %dma_wait3A_1489 : memref<1x128x128xf32, #tpu.memory_space<vmem>> -> memref<128x128xf32, #tpu.memory_space<vmem>>
    %dma_wait3A_1491 = arith.constant 0 : i32
    %dma_wait3A_1492 = tpu.memref_slice %arg6[%dma_wait3A_1484, %dma_wait3A_1485, %dma_wait3A_1491] : memref<2x16x128xi32, #tpu.memory_space<vmem>> -> memref<1x1x128xi32, #tpu.memory_space<vmem>>
    %dma_wait3A_1493 = tpu.memref_squeeze %dma_wait3A_1492 : memref<1x1x128xi32, #tpu.memory_space<vmem>> -> memref<128xi32, #tpu.memory_space<vmem>>
    %dma_wait3A_1494 = arith.constant 0 : i32
    %dma_wait3A_1495 = arith.constant 0 : i32
    %dma_wait3A_1496 = tpu.memref_slice %arg2[%dma_wait3A_1494, %dma_wait3A_1495] : memref<10000x128xf32, #tpu.memory_space<hbm>> -> memref<10000x128xf32, #tpu.memory_space<hbm>>
    tpu.wait_indirect_dma semaphore(%arg12 : memref<!tpu.dma_semaphore, #tpu.memory_space<semaphore_mem>>) src(%dma_wait3A_1496 : memref<10000x128xf32, #tpu.memory_space<hbm>>) dst(%dma_wait3A_1490 : memref<128x128xf32, #tpu.memory_space<vmem>>)
    %run_scoped3A_1497 = arith.constant 1 : i32
    %run_scoped3A_1498 = arith.constant 1 : i32
    %run_scoped3A_1499 = arith.constant 15 : i32
    "tpu.region"() ({
      %run_scoped3A_1599 = tpu.sem_alloc : memref<!tpu.dma_semaphore, #tpu.memory_space<semaphore_mem>>
      %dma_start3A_1600 = arith.constant 0 : i32
      %dma_start3A_1601 = arith.constant 0 : i32
      %dma_start3A_1602 = tpu.memref_slice %arg8[%run_scoped3A_1497, %dma_start3A_1600, %dma_start3A_1601] : memref<2x128x128xf32, #tpu.memory_space<vmem>> -> memref<1x128x128xf32, #tpu.memory_space<vmem>>
      %dma_start3A_1603 = tpu.memref_squeeze %dma_start3A_1602 : memref<1x128x128xf32, #tpu.memory_space<vmem>> -> memref<128x128xf32, #tpu.memory_space<vmem>>
      %dma_start3A_1604 = arith.constant 0 : i32
      %dma_start3A_1605 = tpu.memref_slice %arg7[%run_scoped3A_1498, %run_scoped3A_1499, %dma_start3A_1604] : memref<2x16x128xi32, #tpu.memory_space<vmem>> -> memref<1x1x128xi32, #tpu.memory_space<vmem>>
      %dma_start3A_1606 = tpu.memref_squeeze %dma_start3A_1605 : memref<1x1x128xi32, #tpu.memory_space<vmem>> -> memref<128xi32, #tpu.memory_space<vmem>>
      %dma_start3A_1607 = arith.constant 0 : i32
      %dma_start3A_1608 = arith.constant 0 : i32
      %dma_start3A_1609 = tpu.memref_slice %arg10[%dma_start3A_1607, %dma_start3A_1608] : memref<10112x128xf32, #tpu.memory_space<vmem_shared>> -> memref<10112x128xf32, #tpu.memory_space<vmem_shared>>
      tpu.enqueue_indirect_dma source(%dma_start3A_1603 : memref<128x128xf32, #tpu.memory_space<vmem>>) target(%dma_start3A_1609 : memref<10112x128xf32, #tpu.memory_space<vmem_shared>>) offsets(%dma_start3A_1606 : memref<128xi32, #tpu.memory_space<vmem>>) semaphore(%run_scoped3A_1599 : memref<!tpu.dma_semaphore, #tpu.memory_space<semaphore_mem>>) {add = true}
      %dma_wait3A_1610 = arith.constant 0 : i32
      %dma_wait3A_1611 = arith.constant 0 : i32
      %dma_wait3A_1612 = tpu.memref_slice %arg8[%run_scoped3A_1497, %dma_wait3A_1610, %dma_wait3A_1611] : memref<2x128x128xf32, #tpu.memory_space<vmem>> -> memref<1x128x128xf32, #tpu.memory_space<vmem>>
      %dma_wait3A_1613 = tpu.memref_squeeze %dma_wait3A_1612 : memref<1x128x128xf32, #tpu.memory_space<vmem>> -> memref<128x128xf32, #tpu.memory_space<vmem>>
      %dma_wait3A_1614 = arith.constant 0 : i32
      %dma_wait3A_1615 = tpu.memref_slice %arg7[%run_scoped3A_1498, %run_scoped3A_1499, %dma_wait3A_1614] : memref<2x16x128xi32, #tpu.memory_space<vmem>> -> memref<1x1x128xi32, #tpu.memory_space<vmem>>
      %dma_wait3A_1616 = tpu.memref_squeeze %dma_wait3A_1615 : memref<1x1x128xi32, #tpu.memory_space<vmem>> -> memref<128xi32, #tpu.memory_space<vmem>>
      %dma_wait3A_1617 = arith.constant 0 : i32
      %dma_wait3A_1618 = arith.constant 0 : i32
      %dma_wait3A_1619 = tpu.memref_slice %arg10[%dma_wait3A_1617, %dma_wait3A_1618] : memref<10112x128xf32, #tpu.memory_space<vmem_shared>> -> memref<10112x128xf32, #tpu.memory_space<vmem_shared>>
      tpu.wait_indirect_dma semaphore(%run_scoped3A_1599 : memref<!tpu.dma_semaphore, #tpu.memory_space<semaphore_mem>>) src(%dma_wait3A_1613 : memref<128x128xf32, #tpu.memory_space<vmem>>) dst(%dma_wait3A_1619 : memref<10112x128xf32, #tpu.memory_space<vmem_shared>>)
      tpu.yield
    }) : () -> ()
    %add3A_1500 = arith.constant 64 : i32
    %add3A_1501 = arith.addi %mul3A_2, %add3A_1500 : i32
    %dma_wait3A_1502 = arith.constant 0 : i32
    %dma_wait3A_1503 = arith.constant 0 : i32
    %dma_wait3A_1504 = arith.constant 0 : i32
    %dma_wait3A_1505 = tpu.memref_slice %arg6[%dma_wait3A_1502, %dma_wait3A_1503, %dma_wait3A_1504] : memref<2x16x128xi32, #tpu.memory_space<vmem>> -> memref<1x16x128xi32, #tpu.memory_space<vmem>>
    %dma_wait3A_1506 = tpu.memref_squeeze %dma_wait3A_1505 : memref<1x16x128xi32, #tpu.memory_space<vmem>> -> memref<16x128xi32, #tpu.memory_space<vmem>>
    %dma_wait3A_1507 = arith.constant 0 : i32
    %dma_wait3A_1508 = tpu.memref_slice %arg3[%add3A_1501, %dma_wait3A_1507] : memref<2560x128xi32, #tpu.memory_space<hbm>> -> memref<16x128xi32, #tpu.memory_space<hbm>>
    %dma_wait3A_1509 = arith.constant 0 : i32
    %dma_wait3A_1510 = arith.constant 0 : i32
    %dma_wait3A_1511 = tpu.memref_slice %arg6[%dma_wait3A_1502, %dma_wait3A_1509, %dma_wait3A_1510] : memref<2x16x128xi32, #tpu.memory_space<vmem>> -> memref<1x16x128xi32, #tpu.memory_space<vmem>>
    %dma_wait3A_1512 = tpu.memref_squeeze %dma_wait3A_1511 : memref<1x16x128xi32, #tpu.memory_space<vmem>> -> memref<16x128xi32, #tpu.memory_space<vmem>>
    %dma_wait3A_1513 = arith.constant 0 : i32
    %dma_wait3A_1514 = tpu.memref_slice %arg3[%add3A_1501, %dma_wait3A_1513] : memref<2560x128xi32, #tpu.memory_space<hbm>> -> memref<16x128xi32, #tpu.memory_space<hbm>>
    tpu.wait_dma2 semaphore(%arg13 : memref<!tpu.dma_semaphore, #tpu.memory_space<semaphore_mem>>) src(%dma_wait3A_1514 : memref<16x128xi32, #tpu.memory_space<hbm>>) dst(%dma_wait3A_1512 : memref<16x128xi32, #tpu.memory_space<vmem>>)
    %add3A_1515 = arith.constant 64 : i32
    %add3A_1516 = arith.addi %mul3A_2, %add3A_1515 : i32
    %dma_wait3A_1517 = arith.constant 0 : i32
    %dma_wait3A_1518 = arith.constant 0 : i32
    %dma_wait3A_1519 = arith.constant 0 : i32
    %dma_wait3A_1520 = tpu.memref_slice %arg7[%dma_wait3A_1517, %dma_wait3A_1518, %dma_wait3A_1519] : memref<2x16x128xi32, #tpu.memory_space<vmem>> -> memref<1x16x128xi32, #tpu.memory_space<vmem>>
    %dma_wait3A_1521 = tpu.memref_squeeze %dma_wait3A_1520 : memref<1x16x128xi32, #tpu.memory_space<vmem>> -> memref<16x128xi32, #tpu.memory_space<vmem>>
    %dma_wait3A_1522 = arith.constant 0 : i32
    %dma_wait3A_1523 = tpu.memref_slice %arg4[%add3A_1516, %dma_wait3A_1522] : memref<2560x128xi32, #tpu.memory_space<hbm>> -> memref<16x128xi32, #tpu.memory_space<hbm>>
    %dma_wait3A_1524 = arith.constant 0 : i32
    %dma_wait3A_1525 = arith.constant 0 : i32
    %dma_wait3A_1526 = tpu.memref_slice %arg7[%dma_wait3A_1517, %dma_wait3A_1524, %dma_wait3A_1525] : memref<2x16x128xi32, #tpu.memory_space<vmem>> -> memref<1x16x128xi32, #tpu.memory_space<vmem>>
    %dma_wait3A_1527 = tpu.memref_squeeze %dma_wait3A_1526 : memref<1x16x128xi32, #tpu.memory_space<vmem>> -> memref<16x128xi32, #tpu.memory_space<vmem>>
    %dma_wait3A_1528 = arith.constant 0 : i32
    %dma_wait3A_1529 = tpu.memref_slice %arg4[%add3A_1516, %dma_wait3A_1528] : memref<2560x128xi32, #tpu.memory_space<hbm>> -> memref<16x128xi32, #tpu.memory_space<hbm>>
    tpu.wait_dma2 semaphore(%arg13 : memref<!tpu.dma_semaphore, #tpu.memory_space<semaphore_mem>>) src(%dma_wait3A_1529 : memref<16x128xi32, #tpu.memory_space<hbm>>) dst(%dma_wait3A_1527 : memref<16x128xi32, #tpu.memory_space<vmem>>)
    %dma_start3A_1530 = arith.constant 0 : i32
    %dma_start3A_1531 = arith.constant 0 : i32
    %dma_start3A_1532 = arith.constant 0 : i32
    %dma_start3A_1533 = arith.constant 0 : i32
    %dma_start3A_1534 = arith.constant 0 : i32
    %dma_start3A_1535 = tpu.memref_slice %arg8[%dma_start3A_1532, %dma_start3A_1533, %dma_start3A_1534] : memref<2x128x128xf32, #tpu.memory_space<vmem>> -> memref<1x128x128xf32, #tpu.memory_space<vmem>>
    %dma_start3A_1536 = tpu.memref_squeeze %dma_start3A_1535 : memref<1x128x128xf32, #tpu.memory_space<vmem>> -> memref<128x128xf32, #tpu.memory_space<vmem>>
    %dma_start3A_1537 = arith.constant 0 : i32
    %dma_start3A_1538 = tpu.memref_slice %arg6[%dma_start3A_1530, %dma_start3A_1531, %dma_start3A_1537] : memref<2x16x128xi32, #tpu.memory_space<vmem>> -> memref<1x1x128xi32, #tpu.memory_space<vmem>>
    %dma_start3A_1539 = tpu.memref_squeeze %dma_start3A_1538 : memref<1x1x128xi32, #tpu.memory_space<vmem>> -> memref<128xi32, #tpu.memory_space<vmem>>
    %dma_start3A_1540 = arith.constant 0 : i32
    %dma_start3A_1541 = arith.constant 0 : i32
    %dma_start3A_1542 = tpu.memref_slice %arg2[%dma_start3A_1540, %dma_start3A_1541] : memref<10000x128xf32, #tpu.memory_space<hbm>> -> memref<10000x128xf32, #tpu.memory_space<hbm>>
    tpu.enqueue_indirect_dma source(%dma_start3A_1542 : memref<10000x128xf32, #tpu.memory_space<hbm>>) target(%dma_start3A_1536 : memref<128x128xf32, #tpu.memory_space<vmem>>) offsets(%dma_start3A_1539 : memref<128xi32, #tpu.memory_space<vmem>>) semaphore(%arg11 : memref<!tpu.dma_semaphore, #tpu.memory_space<semaphore_mem>>)
    %scan3A_1543 = arith.constant 0 : i32
    %scan3A_1544 = arith.constant 0 : i32
    %scan3A_1545 = arith.constant 7 : i32
    %scan3A_1546 = arith.addi %scan3A_1544, %scan3A_1545 : i32
    %scan3A_1547 = arith.constant 1 : i32
    scf.for %scan3A_1599 = %scan3A_1544 to %scan3A_1546 step %scan3A_1547  : i32 {
      %mul3A_1600 = arith.constant 2 : i32
      %mul3A_1601 = arith.muli %mul3A_1600, %scan3A_1599 : i32
      %add3A_1602 = arith.constant 1 : i32
      %add3A_1603 = arith.addi %mul3A_1601, %add3A_1602 : i32
      %dma_start3A_1604 = arith.constant 0 : i32
      %dma_start3A_1605 = arith.constant 1 : i32
      %dma_start3A_1606 = arith.constant 0 : i32
      %dma_start3A_1607 = arith.constant 0 : i32
      %dma_start3A_1608 = tpu.memref_slice %arg8[%dma_start3A_1605, %dma_start3A_1606, %dma_start3A_1607] : memref<2x128x128xf32, #tpu.memory_space<vmem>> -> memref<1x128x128xf32, #tpu.memory_space<vmem>>
      %dma_start3A_1609 = tpu.memref_squeeze %dma_start3A_1608 : memref<1x128x128xf32, #tpu.memory_space<vmem>> -> memref<128x128xf32, #tpu.memory_space<vmem>>
      %dma_start3A_1610 = arith.constant 0 : i32
      %dma_start3A_1611 = tpu.memref_slice %arg6[%dma_start3A_1604, %add3A_1603, %dma_start3A_1610] : memref<2x16x128xi32, #tpu.memory_space<vmem>> -> memref<1x1x128xi32, #tpu.memory_space<vmem>>
      %dma_start3A_1612 = tpu.memref_squeeze %dma_start3A_1611 : memref<1x1x128xi32, #tpu.memory_space<vmem>> -> memref<128xi32, #tpu.memory_space<vmem>>
      %dma_start3A_1613 = arith.constant 0 : i32
      %dma_start3A_1614 = arith.constant 0 : i32
      %dma_start3A_1615 = tpu.memref_slice %arg2[%dma_start3A_1613, %dma_start3A_1614] : memref<10000x128xf32, #tpu.memory_space<hbm>> -> memref<10000x128xf32, #tpu.memory_space<hbm>>
      tpu.enqueue_indirect_dma source(%dma_start3A_1615 : memref<10000x128xf32, #tpu.memory_space<hbm>>) target(%dma_start3A_1609 : memref<128x128xf32, #tpu.memory_space<vmem>>) offsets(%dma_start3A_1612 : memref<128xi32, #tpu.memory_space<vmem>>) semaphore(%arg12 : memref<!tpu.dma_semaphore, #tpu.memory_space<semaphore_mem>>)
      %dma_wait3A_1616 = arith.constant 0 : i32
      %dma_wait3A_1617 = arith.constant 0 : i32
      %dma_wait3A_1618 = arith.constant 0 : i32
      %dma_wait3A_1619 = arith.constant 0 : i32
      %dma_wait3A_1620 = tpu.memref_slice %arg8[%dma_wait3A_1617, %dma_wait3A_1618, %dma_wait3A_1619] : memref<2x128x128xf32, #tpu.memory_space<vmem>> -> memref<1x128x128xf32, #tpu.memory_space<vmem>>
      %dma_wait3A_1621 = tpu.memref_squeeze %dma_wait3A_1620 : memref<1x128x128xf32, #tpu.memory_space<vmem>> -> memref<128x128xf32, #tpu.memory_space<vmem>>
      %dma_wait3A_1622 = arith.constant 0 : i32
      %dma_wait3A_1623 = tpu.memref_slice %arg6[%dma_wait3A_1616, %mul3A_1601, %dma_wait3A_1622] : memref<2x16x128xi32, #tpu.memory_space<vmem>> -> memref<1x1x128xi32, #tpu.memory_space<vmem>>
      %dma_wait3A_1624 = tpu.memref_squeeze %dma_wait3A_1623 : memref<1x1x128xi32, #tpu.memory_space<vmem>> -> memref<128xi32, #tpu.memory_space<vmem>>
      %dma_wait3A_1625 = arith.constant 0 : i32
      %dma_wait3A_1626 = arith.constant 0 : i32
      %dma_wait3A_1627 = tpu.memref_slice %arg2[%dma_wait3A_1625, %dma_wait3A_1626] : memref<10000x128xf32, #tpu.memory_space<hbm>> -> memref<10000x128xf32, #tpu.memory_space<hbm>>
      tpu.wait_indirect_dma semaphore(%arg11 : memref<!tpu.dma_semaphore, #tpu.memory_space<semaphore_mem>>) src(%dma_wait3A_1627 : memref<10000x128xf32, #tpu.memory_space<hbm>>) dst(%dma_wait3A_1621 : memref<128x128xf32, #tpu.memory_space<vmem>>)
      %run_scoped3A_1628 = arith.constant 0 : i32
      %run_scoped3A_1629 = arith.constant 0 : i32
      "tpu.region"() ({
        %run_scoped3A_1660 = tpu.sem_alloc : memref<!tpu.dma_semaphore, #tpu.memory_space<semaphore_mem>>
        %dma_start3A_1661 = arith.constant 0 : i32
        %dma_start3A_1662 = arith.constant 0 : i32
        %dma_start3A_1663 = tpu.memref_slice %arg8[%run_scoped3A_1628, %dma_start3A_1661, %dma_start3A_1662] : memref<2x128x128xf32, #tpu.memory_space<vmem>> -> memref<1x128x128xf32, #tpu.memory_space<vmem>>
        %dma_start3A_1664 = tpu.memref_squeeze %dma_start3A_1663 : memref<1x128x128xf32, #tpu.memory_space<vmem>> -> memref<128x128xf32, #tpu.memory_space<vmem>>
        %dma_start3A_1665 = arith.constant 0 : i32
        %dma_start3A_1666 = tpu.memref_slice %arg7[%run_scoped3A_1629, %mul3A_1601, %dma_start3A_1665] : memref<2x16x128xi32, #tpu.memory_space<vmem>> -> memref<1x1x128xi32, #tpu.memory_space<vmem>>
        %dma_start3A_1667 = tpu.memref_squeeze %dma_start3A_1666 : memref<1x1x128xi32, #tpu.memory_space<vmem>> -> memref<128xi32, #tpu.memory_space<vmem>>
        %dma_start3A_1668 = arith.constant 0 : i32
        %dma_start3A_1669 = arith.constant 0 : i32
        %dma_start3A_1670 = tpu.memref_slice %arg10[%dma_start3A_1668, %dma_start3A_1669] : memref<10112x128xf32, #tpu.memory_space<vmem_shared>> -> memref<10112x128xf32, #tpu.memory_space<vmem_shared>>
        tpu.enqueue_indirect_dma source(%dma_start3A_1664 : memref<128x128xf32, #tpu.memory_space<vmem>>) target(%dma_start3A_1670 : memref<10112x128xf32, #tpu.memory_space<vmem_shared>>) offsets(%dma_start3A_1667 : memref<128xi32, #tpu.memory_space<vmem>>) semaphore(%run_scoped3A_1660 : memref<!tpu.dma_semaphore, #tpu.memory_space<semaphore_mem>>) {add = true}
        %dma_wait3A_1671 = arith.constant 0 : i32
        %dma_wait3A_1672 = arith.constant 0 : i32
        %dma_wait3A_1673 = tpu.memref_slice %arg8[%run_scoped3A_1628, %dma_wait3A_1671, %dma_wait3A_1672] : memref<2x128x128xf32, #tpu.memory_space<vmem>> -> memref<1x128x128xf32, #tpu.memory_space<vmem>>
        %dma_wait3A_1674 = tpu.memref_squeeze %dma_wait3A_1673 : memref<1x128x128xf32, #tpu.memory_space<vmem>> -> memref<128x128xf32, #tpu.memory_space<vmem>>
        %dma_wait3A_1675 = arith.constant 0 : i32
        %dma_wait3A_1676 = tpu.memref_slice %arg7[%run_scoped3A_1629, %mul3A_1601, %dma_wait3A_1675] : memref<2x16x128xi32, #tpu.memory_space<vmem>> -> memref<1x1x128xi32, #tpu.memory_space<vmem>>
        %dma_wait3A_1677 = tpu.memref_squeeze %dma_wait3A_1676 : memref<1x1x128xi32, #tpu.memory_space<vmem>> -> memref<128xi32, #tpu.memory_space<vmem>>
        %dma_wait3A_1678 = arith.constant 0 : i32
        %dma_wait3A_1679 = arith.constant 0 : i32
        %dma_wait3A_1680 = tpu.memref_slice %arg10[%dma_wait3A_1678, %dma_wait3A_1679] : memref<10112x128xf32, #tpu.memory_space<vmem_shared>> -> memref<10112x128xf32, #tpu.memory_space<vmem_shared>>
        tpu.wait_indirect_dma semaphore(%run_scoped3A_1660 : memref<!tpu.dma_semaphore, #tpu.memory_space<semaphore_mem>>) src(%dma_wait3A_1674 : memref<128x128xf32, #tpu.memory_space<vmem>>) dst(%dma_wait3A_1680 : memref<10112x128xf32, #tpu.memory_space<vmem_shared>>)
        tpu.yield
      }) : () -> ()
      %add3A_1630 = arith.constant 2 : i32
      %add3A_1631 = arith.addi %mul3A_1601, %add3A_1630 : i32
      %dma_start3A_1632 = arith.constant 0 : i32
      %dma_start3A_1633 = arith.constant 0 : i32
      %dma_start3A_1634 = arith.constant 0 : i32
      %dma_start3A_1635 = arith.constant 0 : i32
      %dma_start3A_1636 = tpu.memref_slice %arg8[%dma_start3A_1633, %dma_start3A_1634, %dma_start3A_1635] : memref<2x128x128xf32, #tpu.memory_space<vmem>> -> memref<1x128x128xf32, #tpu.memory_space<vmem>>
      %dma_start3A_1637 = tpu.memref_squeeze %dma_start3A_1636 : memref<1x128x128xf32, #tpu.memory_space<vmem>> -> memref<128x128xf32, #tpu.memory_space<vmem>>
      %dma_start3A_1638 = arith.constant 0 : i32
      %dma_start3A_1639 = tpu.memref_slice %arg6[%dma_start3A_1632, %add3A_1631, %dma_start3A_1638] : memref<2x16x128xi32, #tpu.memory_space<vmem>> -> memref<1x1x128xi32, #tpu.memory_space<vmem>>
      %dma_start3A_1640 = tpu.memref_squeeze %dma_start3A_1639 : memref<1x1x128xi32, #tpu.memory_space<vmem>> -> memref<128xi32, #tpu.memory_space<vmem>>
      %dma_start3A_1641 = arith.constant 0 : i32
      %dma_start3A_1642 = arith.constant 0 : i32
      %dma_start3A_1643 = tpu.memref_slice %arg2[%dma_start3A_1641, %dma_start3A_1642] : memref<10000x128xf32, #tpu.memory_space<hbm>> -> memref<10000x128xf32, #tpu.memory_space<hbm>>
      tpu.enqueue_indirect_dma source(%dma_start3A_1643 : memref<10000x128xf32, #tpu.memory_space<hbm>>) target(%dma_start3A_1637 : memref<128x128xf32, #tpu.memory_space<vmem>>) offsets(%dma_start3A_1640 : memref<128xi32, #tpu.memory_space<vmem>>) semaphore(%arg11 : memref<!tpu.dma_semaphore, #tpu.memory_space<semaphore_mem>>)
      %add3A_1644 = arith.constant 1 : i32
      %add3A_1645 = arith.addi %mul3A_1601, %add3A_1644 : i32
      %dma_wait3A_1646 = arith.constant 0 : i32
      %dma_wait3A_1647 = arith.constant 1 : i32
      %dma_wait3A_1648 = arith.constant 0 : i32
      %dma_wait3A_1649 = arith.constant 0 : i32
      %dma_wait3A_1650 = tpu.memref_slice %arg8[%dma_wait3A_1647, %dma_wait3A_1648, %dma_wait3A_1649] : memref<2x128x128xf32, #tpu.memory_space<vmem>> -> memref<1x128x128xf32, #tpu.memory_space<vmem>>
      %dma_wait3A_1651 = tpu.memref_squeeze %dma_wait3A_1650 : memref<1x128x128xf32, #tpu.memory_space<vmem>> -> memref<128x128xf32, #tpu.memory_space<vmem>>
      %dma_wait3A_1652 = arith.constant 0 : i32
      %dma_wait3A_1653 = tpu.memref_slice %arg6[%dma_wait3A_1646, %add3A_1645, %dma_wait3A_1652] : memref<2x16x128xi32, #tpu.memory_space<vmem>> -> memref<1x1x128xi32, #tpu.memory_space<vmem>>
      %dma_wait3A_1654 = tpu.memref_squeeze %dma_wait3A_1653 : memref<1x1x128xi32, #tpu.memory_space<vmem>> -> memref<128xi32, #tpu.memory_space<vmem>>
      %dma_wait3A_1655 = arith.constant 0 : i32
      %dma_wait3A_1656 = arith.constant 0 : i32
      %dma_wait3A_1657 = tpu.memref_slice %arg2[%dma_wait3A_1655, %dma_wait3A_1656] : memref<10000x128xf32, #tpu.memory_space<hbm>> -> memref<10000x128xf32, #tpu.memory_space<hbm>>
      tpu.wait_indirect_dma semaphore(%arg12 : memref<!tpu.dma_semaphore, #tpu.memory_space<semaphore_mem>>) src(%dma_wait3A_1657 : memref<10000x128xf32, #tpu.memory_space<hbm>>) dst(%dma_wait3A_1651 : memref<128x128xf32, #tpu.memory_space<vmem>>)
      %run_scoped3A_1658 = arith.constant 1 : i32
      %run_scoped3A_1659 = arith.constant 0 : i32
      "tpu.region"() ({
        %run_scoped3A_1660 = tpu.sem_alloc : memref<!tpu.dma_semaphore, #tpu.memory_space<semaphore_mem>>
        %dma_start3A_1661 = arith.constant 0 : i32
        %dma_start3A_1662 = arith.constant 0 : i32
        %dma_start3A_1663 = tpu.memref_slice %arg8[%run_scoped3A_1658, %dma_start3A_1661, %dma_start3A_1662] : memref<2x128x128xf32, #tpu.memory_space<vmem>> -> memref<1x128x128xf32, #tpu.memory_space<vmem>>
        %dma_start3A_1664 = tpu.memref_squeeze %dma_start3A_1663 : memref<1x128x128xf32, #tpu.memory_space<vmem>> -> memref<128x128xf32, #tpu.memory_space<vmem>>
        %dma_start3A_1665 = arith.constant 0 : i32
        %dma_start3A_1666 = tpu.memref_slice %arg7[%run_scoped3A_1659, %add3A_1645, %dma_start3A_1665] : memref<2x16x128xi32, #tpu.memory_space<vmem>> -> memref<1x1x128xi32, #tpu.memory_space<vmem>>
        %dma_start3A_1667 = tpu.memref_squeeze %dma_start3A_1666 : memref<1x1x128xi32, #tpu.memory_space<vmem>> -> memref<128xi32, #tpu.memory_space<vmem>>
        %dma_start3A_1668 = arith.constant 0 : i32
        %dma_start3A_1669 = arith.constant 0 : i32
        %dma_start3A_1670 = tpu.memref_slice %arg10[%dma_start3A_1668, %dma_start3A_1669] : memref<10112x128xf32, #tpu.memory_space<vmem_shared>> -> memref<10112x128xf32, #tpu.memory_space<vmem_shared>>
        tpu.enqueue_indirect_dma source(%dma_start3A_1664 : memref<128x128xf32, #tpu.memory_space<vmem>>) target(%dma_start3A_1670 : memref<10112x128xf32, #tpu.memory_space<vmem_shared>>) offsets(%dma_start3A_1667 : memref<128xi32, #tpu.memory_space<vmem>>) semaphore(%run_scoped3A_1660 : memref<!tpu.dma_semaphore, #tpu.memory_space<semaphore_mem>>) {add = true}
        %dma_wait3A_1671 = arith.constant 0 : i32
        %dma_wait3A_1672 = arith.constant 0 : i32
        %dma_wait3A_1673 = tpu.memref_slice %arg8[%run_scoped3A_1658, %dma_wait3A_1671, %dma_wait3A_1672] : memref<2x128x128xf32, #tpu.memory_space<vmem>> -> memref<1x128x128xf32, #tpu.memory_space<vmem>>
        %dma_wait3A_1674 = tpu.memref_squeeze %dma_wait3A_1673 : memref<1x128x128xf32, #tpu.memory_space<vmem>> -> memref<128x128xf32, #tpu.memory_space<vmem>>
        %dma_wait3A_1675 = arith.constant 0 : i32
        %dma_wait3A_1676 = tpu.memref_slice %arg7[%run_scoped3A_1659, %add3A_1645, %dma_wait3A_1675] : memref<2x16x128xi32, #tpu.memory_space<vmem>> -> memref<1x1x128xi32, #tpu.memory_space<vmem>>
        %dma_wait3A_1677 = tpu.memref_squeeze %dma_wait3A_1676 : memref<1x1x128xi32, #tpu.memory_space<vmem>> -> memref<128xi32, #tpu.memory_space<vmem>>
        %dma_wait3A_1678 = arith.constant 0 : i32
        %dma_wait3A_1679 = arith.constant 0 : i32
        %dma_wait3A_1680 = tpu.memref_slice %arg10[%dma_wait3A_1678, %dma_wait3A_1679] : memref<10112x128xf32, #tpu.memory_space<vmem_shared>> -> memref<10112x128xf32, #tpu.memory_space<vmem_shared>>
        tpu.wait_indirect_dma semaphore(%run_scoped3A_1660 : memref<!tpu.dma_semaphore, #tpu.memory_space<semaphore_mem>>) src(%dma_wait3A_1674 : memref<128x128xf32, #tpu.memory_space<vmem>>) dst(%dma_wait3A_1680 : memref<10112x128xf32, #tpu.memory_space<vmem_shared>>)
        tpu.yield
      }) : () -> ()
    }
    %scan3A_1548 = arith.constant 7 : i32
    %dma_start3A_1549 = arith.constant 0 : i32
    %dma_start3A_1550 = arith.constant 15 : i32
    %dma_start3A_1551 = arith.constant 1 : i32
    %dma_start3A_1552 = arith.constant 0 : i32
    %dma_start3A_1553 = arith.constant 0 : i32
    %dma_start3A_1554 = tpu.memref_slice %arg8[%dma_start3A_1551, %dma_start3A_1552, %dma_start3A_1553] : memref<2x128x128xf32, #tpu.memory_space<vmem>> -> memref<1x128x128xf32, #tpu.memory_space<vmem>>
    %dma_start3A_1555 = tpu.memref_squeeze %dma_start3A_1554 : memref<1x128x128xf32, #tpu.memory_space<vmem>> -> memref<128x128xf32, #tpu.memory_space<vmem>>
    %dma_start3A_1556 = arith.constant 0 : i32
    %dma_start3A_1557 = tpu.memref_slice %arg6[%dma_start3A_1549, %dma_start3A_1550, %dma_start3A_1556] : memref<2x16x128xi32, #tpu.memory_space<vmem>> -> memref<1x1x128xi32, #tpu.memory_space<vmem>>
    %dma_start3A_1558 = tpu.memref_squeeze %dma_start3A_1557 : memref<1x1x128xi32, #tpu.memory_space<vmem>> -> memref<128xi32, #tpu.memory_space<vmem>>
    %dma_start3A_1559 = arith.constant 0 : i32
    %dma_start3A_1560 = arith.constant 0 : i32
    %dma_start3A_1561 = tpu.memref_slice %arg2[%dma_start3A_1559, %dma_start3A_1560] : memref<10000x128xf32, #tpu.memory_space<hbm>> -> memref<10000x128xf32, #tpu.memory_space<hbm>>
    tpu.enqueue_indirect_dma source(%dma_start3A_1561 : memref<10000x128xf32, #tpu.memory_space<hbm>>) target(%dma_start3A_1555 : memref<128x128xf32, #tpu.memory_space<vmem>>) offsets(%dma_start3A_1558 : memref<128xi32, #tpu.memory_space<vmem>>) semaphore(%arg12 : memref<!tpu.dma_semaphore, #tpu.memory_space<semaphore_mem>>)
    %dma_wait3A_1562 = arith.constant 0 : i32
    %dma_wait3A_1563 = arith.constant 14 : i32
    %dma_wait3A_1564 = arith.constant 0 : i32
    %dma_wait3A_1565 = arith.constant 0 : i32
    %dma_wait3A_1566 = arith.constant 0 : i32
    %dma_wait3A_1567 = tpu.memref_slice %arg8[%dma_wait3A_1564, %dma_wait3A_1565, %dma_wait3A_1566] : memref<2x128x128xf32, #tpu.memory_space<vmem>> -> memref<1x128x128xf32, #tpu.memory_space<vmem>>
    %dma_wait3A_1568 = tpu.memref_squeeze %dma_wait3A_1567 : memref<1x128x128xf32, #tpu.memory_space<vmem>> -> memref<128x128xf32, #tpu.memory_space<vmem>>
    %dma_wait3A_1569 = arith.constant 0 : i32
    %dma_wait3A_1570 = tpu.memref_slice %arg6[%dma_wait3A_1562, %dma_wait3A_1563, %dma_wait3A_1569] : memref<2x16x128xi32, #tpu.memory_space<vmem>> -> memref<1x1x128xi32, #tpu.memory_space<vmem>>
    %dma_wait3A_1571 = tpu.memref_squeeze %dma_wait3A_1570 : memref<1x1x128xi32, #tpu.memory_space<vmem>> -> memref<128xi32, #tpu.memory_space<vmem>>
    %dma_wait3A_1572 = arith.constant 0 : i32
    %dma_wait3A_1573 = arith.constant 0 : i32
    %dma_wait3A_1574 = tpu.memref_slice %arg2[%dma_wait3A_1572, %dma_wait3A_1573] : memref<10000x128xf32, #tpu.memory_space<hbm>> -> memref<10000x128xf32, #tpu.memory_space<hbm>>
    tpu.wait_indirect_dma semaphore(%arg11 : memref<!tpu.dma_semaphore, #tpu.memory_space<semaphore_mem>>) src(%dma_wait3A_1574 : memref<10000x128xf32, #tpu.memory_space<hbm>>) dst(%dma_wait3A_1568 : memref<128x128xf32, #tpu.memory_space<vmem>>)
    %run_scoped3A_1575 = arith.constant 0 : i32
    %run_scoped3A_1576 = arith.constant 0 : i32
    %run_scoped3A_1577 = arith.constant 14 : i32
    "tpu.region"() ({
      %run_scoped3A_1599 = tpu.sem_alloc : memref<!tpu.dma_semaphore, #tpu.memory_space<semaphore_mem>>
      %dma_start3A_1600 = arith.constant 0 : i32
      %dma_start3A_1601 = arith.constant 0 : i32
      %dma_start3A_1602 = tpu.memref_slice %arg8[%run_scoped3A_1575, %dma_start3A_1600, %dma_start3A_1601] : memref<2x128x128xf32, #tpu.memory_space<vmem>> -> memref<1x128x128xf32, #tpu.memory_space<vmem>>
      %dma_start3A_1603 = tpu.memref_squeeze %dma_start3A_1602 : memref<1x128x128xf32, #tpu.memory_space<vmem>> -> memref<128x128xf32, #tpu.memory_space<vmem>>
      %dma_start3A_1604 = arith.constant 0 : i32
      %dma_start3A_1605 = tpu.memref_slice %arg7[%run_scoped3A_1576, %run_scoped3A_1577, %dma_start3A_1604] : memref<2x16x128xi32, #tpu.memory_space<vmem>> -> memref<1x1x128xi32, #tpu.memory_space<vmem>>
      %dma_start3A_1606 = tpu.memref_squeeze %dma_start3A_1605 : memref<1x1x128xi32, #tpu.memory_space<vmem>> -> memref<128xi32, #tpu.memory_space<vmem>>
      %dma_start3A_1607 = arith.constant 0 : i32
      %dma_start3A_1608 = arith.constant 0 : i32
      %dma_start3A_1609 = tpu.memref_slice %arg10[%dma_start3A_1607, %dma_start3A_1608] : memref<10112x128xf32, #tpu.memory_space<vmem_shared>> -> memref<10112x128xf32, #tpu.memory_space<vmem_shared>>
      tpu.enqueue_indirect_dma source(%dma_start3A_1603 : memref<128x128xf32, #tpu.memory_space<vmem>>) target(%dma_start3A_1609 : memref<10112x128xf32, #tpu.memory_space<vmem_shared>>) offsets(%dma_start3A_1606 : memref<128xi32, #tpu.memory_space<vmem>>) semaphore(%run_scoped3A_1599 : memref<!tpu.dma_semaphore, #tpu.memory_space<semaphore_mem>>) {add = true}
      %dma_wait3A_1610 = arith.constant 0 : i32
      %dma_wait3A_1611 = arith.constant 0 : i32
      %dma_wait3A_1612 = tpu.memref_slice %arg8[%run_scoped3A_1575, %dma_wait3A_1610, %dma_wait3A_1611] : memref<2x128x128xf32, #tpu.memory_space<vmem>> -> memref<1x128x128xf32, #tpu.memory_space<vmem>>
      %dma_wait3A_1613 = tpu.memref_squeeze %dma_wait3A_1612 : memref<1x128x128xf32, #tpu.memory_space<vmem>> -> memref<128x128xf32, #tpu.memory_space<vmem>>
      %dma_wait3A_1614 = arith.constant 0 : i32
      %dma_wait3A_1615 = tpu.memref_slice %arg7[%run_scoped3A_1576, %run_scoped3A_1577, %dma_wait3A_1614] : memref<2x16x128xi32, #tpu.memory_space<vmem>> -> memref<1x1x128xi32, #tpu.memory_space<vmem>>
      %dma_wait3A_1616 = tpu.memref_squeeze %dma_wait3A_1615 : memref<1x1x128xi32, #tpu.memory_space<vmem>> -> memref<128xi32, #tpu.memory_space<vmem>>
      %dma_wait3A_1617 = arith.constant 0 : i32
      %dma_wait3A_1618 = arith.constant 0 : i32
      %dma_wait3A_1619 = tpu.memref_slice %arg10[%dma_wait3A_1617, %dma_wait3A_1618] : memref<10112x128xf32, #tpu.memory_space<vmem_shared>> -> memref<10112x128xf32, #tpu.memory_space<vmem_shared>>
      tpu.wait_indirect_dma semaphore(%run_scoped3A_1599 : memref<!tpu.dma_semaphore, #tpu.memory_space<semaphore_mem>>) src(%dma_wait3A_1613 : memref<128x128xf32, #tpu.memory_space<vmem>>) dst(%dma_wait3A_1619 : memref<10112x128xf32, #tpu.memory_space<vmem_shared>>)
      tpu.yield
    }) : () -> ()
    %dma_wait3A_1578 = arith.constant 0 : i32
    %dma_wait3A_1579 = arith.constant 15 : i32
    %dma_wait3A_1580 = arith.constant 1 : i32
    %dma_wait3A_1581 = arith.constant 0 : i32
    %dma_wait3A_1582 = arith.constant 0 : i32
    %dma_wait3A_1583 = tpu.memref_slice %arg8[%dma_wait3A_1580, %dma_wait3A_1581, %dma_wait3A_1582] : memref<2x128x128xf32, #tpu.memory_space<vmem>> -> memref<1x128x128xf32, #tpu.memory_space<vmem>>
    %dma_wait3A_1584 = tpu.memref_squeeze %dma_wait3A_1583 : memref<1x128x128xf32, #tpu.memory_space<vmem>> -> memref<128x128xf32, #tpu.memory_space<vmem>>
    %dma_wait3A_1585 = arith.constant 0 : i32
    %dma_wait3A_1586 = tpu.memref_slice %arg6[%dma_wait3A_1578, %dma_wait3A_1579, %dma_wait3A_1585] : memref<2x16x128xi32, #tpu.memory_space<vmem>> -> memref<1x1x128xi32, #tpu.memory_space<vmem>>
    %dma_wait3A_1587 = tpu.memref_squeeze %dma_wait3A_1586 : memref<1x1x128xi32, #tpu.memory_space<vmem>> -> memref<128xi32, #tpu.memory_space<vmem>>
    %dma_wait3A_1588 = arith.constant 0 : i32
    %dma_wait3A_1589 = arith.constant 0 : i32
    %dma_wait3A_1590 = tpu.memref_slice %arg2[%dma_wait3A_1588, %dma_wait3A_1589] : memref<10000x128xf32, #tpu.memory_space<hbm>> -> memref<10000x128xf32, #tpu.memory_space<hbm>>
    tpu.wait_indirect_dma semaphore(%arg12 : memref<!tpu.dma_semaphore, #tpu.memory_space<semaphore_mem>>) src(%dma_wait3A_1590 : memref<10000x128xf32, #tpu.memory_space<hbm>>) dst(%dma_wait3A_1584 : memref<128x128xf32, #tpu.memory_space<vmem>>)
    %run_scoped3A_1591 = arith.constant 1 : i32
    %run_scoped3A_1592 = arith.constant 0 : i32
    %run_scoped3A_1593 = arith.constant 15 : i32
    "tpu.region"() ({
      %run_scoped3A_1599 = tpu.sem_alloc : memref<!tpu.dma_semaphore, #tpu.memory_space<semaphore_mem>>
      %dma_start3A_1600 = arith.constant 0 : i32
      %dma_start3A_1601 = arith.constant 0 : i32
      %dma_start3A_1602 = tpu.memref_slice %arg8[%run_scoped3A_1591, %dma_start3A_1600, %dma_start3A_1601] : memref<2x128x128xf32, #tpu.memory_space<vmem>> -> memref<1x128x128xf32, #tpu.memory_space<vmem>>
      %dma_start3A_1603 = tpu.memref_squeeze %dma_start3A_1602 : memref<1x128x128xf32, #tpu.memory_space<vmem>> -> memref<128x128xf32, #tpu.memory_space<vmem>>
      %dma_start3A_1604 = arith.constant 0 : i32
      %dma_start3A_1605 = tpu.memref_slice %arg7[%run_scoped3A_1592, %run_scoped3A_1593, %dma_start3A_1604] : memref<2x16x128xi32, #tpu.memory_space<vmem>> -> memref<1x1x128xi32, #tpu.memory_space<vmem>>
      %dma_start3A_1606 = tpu.memref_squeeze %dma_start3A_1605 : memref<1x1x128xi32, #tpu.memory_space<vmem>> -> memref<128xi32, #tpu.memory_space<vmem>>
      %dma_start3A_1607 = arith.constant 0 : i32
      %dma_start3A_1608 = arith.constant 0 : i32
      %dma_start3A_1609 = tpu.memref_slice %arg10[%dma_start3A_1607, %dma_start3A_1608] : memref<10112x128xf32, #tpu.memory_space<vmem_shared>> -> memref<10112x128xf32, #tpu.memory_space<vmem_shared>>
      tpu.enqueue_indirect_dma source(%dma_start3A_1603 : memref<128x128xf32, #tpu.memory_space<vmem>>) target(%dma_start3A_1609 : memref<10112x128xf32, #tpu.memory_space<vmem_shared>>) offsets(%dma_start3A_1606 : memref<128xi32, #tpu.memory_space<vmem>>) semaphore(%run_scoped3A_1599 : memref<!tpu.dma_semaphore, #tpu.memory_space<semaphore_mem>>) {add = true}
      %dma_wait3A_1610 = arith.constant 0 : i32
      %dma_wait3A_1611 = arith.constant 0 : i32
      %dma_wait3A_1612 = tpu.memref_slice %arg8[%run_scoped3A_1591, %dma_wait3A_1610, %dma_wait3A_1611] : memref<2x128x128xf32, #tpu.memory_space<vmem>> -> memref<1x128x128xf32, #tpu.memory_space<vmem>>
      %dma_wait3A_1613 = tpu.memref_squeeze %dma_wait3A_1612 : memref<1x128x128xf32, #tpu.memory_space<vmem>> -> memref<128x128xf32, #tpu.memory_space<vmem>>
      %dma_wait3A_1614 = arith.constant 0 : i32
      %dma_wait3A_1615 = tpu.memref_slice %arg7[%run_scoped3A_1592, %run_scoped3A_1593, %dma_wait3A_1614] : memref<2x16x128xi32, #tpu.memory_space<vmem>> -> memref<1x1x128xi32, #tpu.memory_space<vmem>>
      %dma_wait3A_1616 = tpu.memref_squeeze %dma_wait3A_1615 : memref<1x1x128xi32, #tpu.memory_space<vmem>> -> memref<128xi32, #tpu.memory_space<vmem>>
      %dma_wait3A_1617 = arith.constant 0 : i32
      %dma_wait3A_1618 = arith.constant 0 : i32
      %dma_wait3A_1619 = tpu.memref_slice %arg10[%dma_wait3A_1617, %dma_wait3A_1618] : memref<10112x128xf32, #tpu.memory_space<vmem_shared>> -> memref<10112x128xf32, #tpu.memory_space<vmem_shared>>
      tpu.wait_indirect_dma semaphore(%run_scoped3A_1599 : memref<!tpu.dma_semaphore, #tpu.memory_space<semaphore_mem>>) src(%dma_wait3A_1613 : memref<128x128xf32, #tpu.memory_space<vmem>>) dst(%dma_wait3A_1619 : memref<10112x128xf32, #tpu.memory_space<vmem_shared>>)
      tpu.yield
    }) : () -> ()
    %barrier3A_1594 = arith.constant 0 : index
    tpu.barrier barrier_id(%barrier3A_1594)
    %mul3A_1595 = arith.constant 632 : i32
    %mul3A_1596 = arith.muli %arg1, %mul3A_1595 : i32
    %mul3A_1597 = arith.constant 632 : i32
    %mul3A_1598 = arith.muli %arg1, %mul3A_1597 : i32
    "tpu.region"() ({
      %run_scoped3A_1599 = tpu.sem_alloc : memref<!tpu.dma_semaphore, #tpu.memory_space<semaphore_mem>>
      %dma_start3A_1600 = arith.constant 0 : i32
      %dma_start3A_1601 = tpu.memref_slice %arg5[%arg0, %mul3A_1598, %dma_start3A_1600] : memref<2x10112x128xf32, #tpu.memory_space<hbm>> -> memref<1x632x128xf32, #tpu.memory_space<hbm>>
      %dma_start3A_1602 = tpu.memref_squeeze %dma_start3A_1601 : memref<1x632x128xf32, #tpu.memory_space<hbm>> -> memref<632x128xf32, #tpu.memory_space<hbm>>
      %dma_start3A_1603 = arith.constant 0 : i32
      %dma_start3A_1604 = tpu.memref_slice %arg10[%mul3A_1596, %dma_start3A_1603] : memref<10112x128xf32, #tpu.memory_space<vmem_shared>> -> memref<632x128xf32, #tpu.memory_space<vmem_shared>>
      tpu.enqueue_dma source(%dma_start3A_1604 : memref<632x128xf32, #tpu.memory_space<vmem_shared>>) target(%dma_start3A_1602 : memref<632x128xf32, #tpu.memory_space<hbm>>) target_semaphore(%run_scoped3A_1599 : memref<!tpu.dma_semaphore, #tpu.memory_space<semaphore_mem>>)
      %dma_wait3A_1605 = arith.constant 0 : i32
      %dma_wait3A_1606 = tpu.memref_slice %arg5[%arg0, %mul3A_1598, %dma_wait3A_1605] : memref<2x10112x128xf32, #tpu.memory_space<hbm>> -> memref<1x632x128xf32, #tpu.memory_space<hbm>>
      %dma_wait3A_1607 = tpu.memref_squeeze %dma_wait3A_1606 : memref<1x632x128xf32, #tpu.memory_space<hbm>> -> memref<632x128xf32, #tpu.memory_space<hbm>>
      %dma_wait3A_1608 = arith.constant 0 : i32
      %dma_wait3A_1609 = tpu.memref_slice %arg10[%mul3A_1596, %dma_wait3A_1608] : memref<10112x128xf32, #tpu.memory_space<vmem_shared>> -> memref<632x128xf32, #tpu.memory_space<vmem_shared>>
      tpu.wait_dma2 semaphore(%run_scoped3A_1599 : memref<!tpu.dma_semaphore, #tpu.memory_space<semaphore_mem>>) src(%dma_wait3A_1609 : memref<632x128xf32, #tpu.memory_space<vmem_shared>>) dst(%dma_wait3A_1607 : memref<632x128xf32, #tpu.memory_space<hbm>>)
      tpu.yield
    }) : () -> ()
    return
  }
}

module attributes {stable_mosaic.version = 14 : i64} {
  func.func @_xa_body(%arg0: i32, %arg1: memref<2000x128xf32, #tpu.memory_space<vmem>>, %arg2: memref<128x128xf32, #tpu.memory_space<vmem>>, %arg3: memref<1x128xf32, #tpu.memory_space<vmem>>, %arg4: memref<2000x128xf32, #tpu.memory_space<vmem>>) attributes {dimension_semantics = [#tpu.dimension_semantics<arbitrary>], iteration_bounds = array<i64: 5>, scalar_prefetch = 0 : i64, scratch_operands = 0 : i64, tpu.core_type = #tpu.core_type<tc>, window_params = [{transform_indices = @transform_0, window_bounds = array<i64: 2000, 128>}, {pipeline_mode = #tpu.pipeline_mode<synchronous>, transform_indices = @transform_1, window_bounds = array<i64: 128, 128>}, {pipeline_mode = #tpu.pipeline_mode<synchronous>, transform_indices = @transform_2, window_bounds = array<i64: 1, 128>}, {transform_indices = @transform_3, window_bounds = array<i64: 2000, 128>}]} {
    %get3A = arith.constant 0 : index
    %get3A_0 = arith.constant 0 : index
    %get3A_1 = vector.load %arg1[%get3A, %get3A_0] : memref<2000x128xf32, #tpu.memory_space<vmem>>, vector<2000x128xf32>
    %get3A_2 = arith.constant 0 : index
    %get3A_3 = arith.constant 0 : index
    %get3A_4 = vector.load %arg2[%get3A_2, %get3A_3] : memref<128x128xf32, #tpu.memory_space<vmem>>, vector<128x128xf32>
    %dot_general3A = arith.constant dense<0.000000e+00> : vector<2000x128xf32>
    %dot_general3A_5 = tpu.matmul %get3A_1, %get3A_4, %dot_general3A {dimension_numbers = #tpu.dot_dimension_numbers<[1], [0], [0], [1], [0, 0, 1, 1], [], []>, transpose_lhs_hint = false} : vector<2000x128xf32>, vector<128x128xf32>, vector<2000x128xf32> -> vector<2000x128xf32>
    %get3A_6 = arith.constant 0 : index
    %get3A_7 = arith.constant 0 : index
    %get3A_8 = vector.load %arg3[%get3A_6, %get3A_7] : memref<1x128xf32, #tpu.memory_space<vmem>>, vector<1x128xf32>
    %add3A = vector.broadcast %get3A_8 : vector<1x128xf32> to vector<2000x128xf32>
    %add3A_9 = arith.addf %dot_general3A_5, %add3A : vector<2000x128xf32>
    %swap3A = arith.constant 0 : index
    %swap3A_10 = arith.constant 0 : index
    %swap3A_11 = vector.load %arg4[%swap3A, %swap3A_10] : memref<2000x128xf32, #tpu.memory_space<vmem>>, vector<2000x128xf32>
    tpu.vector_store %arg4[%swap3A, %swap3A_10], %add3A_9 {strides = array<i32>} : memref<2000x128xf32, #tpu.memory_space<vmem>>, vector<2000x128xf32>,
    return
  }
  func.func @transform_0(%arg0: i32) -> (i32, i32) {
    %c0_i32 = arith.constant 0 : i32
    %c0_i32_0 = arith.constant 0 : i32
    return %arg0, %c0_i32 : i32, i32
  }
  func.func @transform_1(%arg0: i32) -> (i32, i32) {
    %c0_i32 = arith.constant 0 : i32
    %c0_i32_0 = arith.constant 0 : i32
    %c0_i32_1 = arith.constant 0 : i32
    return %c0_i32, %c0_i32_0 : i32, i32
  }
  func.func @transform_2(%arg0: i32) -> (i32, i32) {
    %c0_i32 = arith.constant 0 : i32
    %c0_i32_0 = arith.constant 0 : i32
    %c0_i32_1 = arith.constant 0 : i32
    return %c0_i32, %c0_i32_0 : i32, i32
  }
  func.func @transform_3(%arg0: i32) -> (i32, i32) {
    %c0_i32 = arith.constant 0 : i32
    %c0_i32_0 = arith.constant 0 : i32
    return %arg0, %c0_i32 : i32, i32
  }
}

module attributes {stable_mosaic.version = 14 : i64} {
  func.func @_mlp_body(%arg0: i32, %arg1: memref<2000x128xf32, #tpu.memory_space<vmem>>, %arg2: memref<2000x128xf32, #tpu.memory_space<vmem>>, %arg3: memref<1x2000x128xf32, #tpu.memory_space<vmem>>, %arg4: memref<1x2000x128xf32, #tpu.memory_space<vmem>>, %arg5: memref<128x128xf32, #tpu.memory_space<vmem>>, %arg6: memref<128x128xf32, #tpu.memory_space<vmem>>, %arg7: memref<1x128xf32, #tpu.memory_space<vmem>>, %arg8: memref<1x128xf32, #tpu.memory_space<vmem>>, %arg9: memref<1x128xf32, #tpu.memory_space<vmem>>, %arg10: memref<2000x128xf32, #tpu.memory_space<vmem>>) attributes {dimension_semantics = [#tpu.dimension_semantics<arbitrary>], iteration_bounds = array<i64: 5>, scalar_prefetch = 0 : i64, scratch_operands = 0 : i64, tpu.core_type = #tpu.core_type<tc>, window_params = [{transform_indices = @transform_0, window_bounds = array<i64: 2000, 128>}, {transform_indices = @transform_1, window_bounds = array<i64: 2000, 128>}, {transform_indices = @transform_2, window_bounds = array<i64: 1, 2000, 128>}, {transform_indices = @transform_3, window_bounds = array<i64: 1, 2000, 128>}, {pipeline_mode = #tpu.pipeline_mode<synchronous>, transform_indices = @transform_4, window_bounds = array<i64: 128, 128>}, {pipeline_mode = #tpu.pipeline_mode<synchronous>, transform_indices = @transform_5, window_bounds = array<i64: 128, 128>}, {pipeline_mode = #tpu.pipeline_mode<synchronous>, transform_indices = @transform_6, window_bounds = array<i64: 1, 128>}, {pipeline_mode = #tpu.pipeline_mode<synchronous>, transform_indices = @transform_7, window_bounds = array<i64: 1, 128>}, {pipeline_mode = #tpu.pipeline_mode<synchronous>, transform_indices = @transform_8, window_bounds = array<i64: 1, 128>}, {transform_indices = @transform_9, window_bounds = array<i64: 2000, 128>}]} {
    %get3A = arith.constant 0 : index
    %get3A_0 = arith.constant 0 : index
    %get3A_1 = vector.load %arg1[%get3A, %get3A_0] : memref<2000x128xf32, #tpu.memory_space<vmem>>, vector<2000x128xf32>
    %get3A_2 = arith.constant 0 : index
    %get3A_3 = arith.constant 0 : index
    %get3A_4 = arith.constant 0 : index
    %get3A_5 = vector.load %arg3[%get3A_2, %get3A_3, %get3A_4] : memref<1x2000x128xf32, #tpu.memory_space<vmem>>, vector<1x2000x128xf32>
    %get3A_6 = vector.shape_cast %get3A_5 : vector<1x2000x128xf32> to vector<2000x128xf32>
    %get3A_7 = arith.constant 0 : index
    %get3A_8 = arith.constant 0 : index
    %get3A_9 = arith.constant 0 : index
    %get3A_10 = vector.load %arg4[%get3A_7, %get3A_8, %get3A_9] : memref<1x2000x128xf32, #tpu.memory_space<vmem>>, vector<1x2000x128xf32>
    %get3A_11 = vector.shape_cast %get3A_10 : vector<1x2000x128xf32> to vector<2000x128xf32>
    %add3A = arith.addf %get3A_6, %get3A_11 : vector<2000x128xf32>
    %get3A_12 = arith.constant 0 : index
    %get3A_13 = arith.constant 0 : index
    %get3A_14 = vector.load %arg2[%get3A_12, %get3A_13] : memref<2000x128xf32, #tpu.memory_space<vmem>>, vector<2000x128xf32>
    %get3A_15 = arith.constant 0 : index
    %get3A_16 = arith.constant 0 : index
    %get3A_17 = vector.load %arg5[%get3A_15, %get3A_16] : memref<128x128xf32, #tpu.memory_space<vmem>>, vector<128x128xf32>
    %dot_general3A = arith.constant dense<0.000000e+00> : vector<2000x128xf32>
    %dot_general3A_18 = tpu.matmul %add3A, %get3A_17, %dot_general3A {dimension_numbers = #tpu.dot_dimension_numbers<[1], [0], [0], [1], [0, 0, 1, 1], [], []>, transpose_lhs_hint = false} : vector<2000x128xf32>, vector<128x128xf32>, vector<2000x128xf32> -> vector<2000x128xf32>
    %add3A_19 = arith.addf %get3A_14, %dot_general3A_18 : vector<2000x128xf32>
    %max3A = arith.constant 0.000000e+00 : f32
    %max3A_20 = vector.broadcast %max3A : f32 to vector<2000x128xf32>
    %max3A_21 = arith.maximumf %add3A_19, %max3A_20 : vector<2000x128xf32>
    %get3A_22 = arith.constant 0 : index
    %get3A_23 = arith.constant 0 : index
    %get3A_24 = vector.load %arg6[%get3A_22, %get3A_23] : memref<128x128xf32, #tpu.memory_space<vmem>>, vector<128x128xf32>
    %dot_general3A_25 = arith.constant dense<0.000000e+00> : vector<2000x128xf32>
    %dot_general3A_26 = tpu.matmul %max3A_21, %get3A_24, %dot_general3A_25 {dimension_numbers = #tpu.dot_dimension_numbers<[1], [0], [0], [1], [0, 0, 1, 1], [], []>, transpose_lhs_hint = false} : vector<2000x128xf32>, vector<128x128xf32>, vector<2000x128xf32> -> vector<2000x128xf32>
    %get3A_27 = arith.constant 0 : index
    %get3A_28 = arith.constant 0 : index
    %get3A_29 = vector.load %arg7[%get3A_27, %get3A_28] : memref<1x128xf32, #tpu.memory_space<vmem>>, vector<1x128xf32>
    %add3A_30 = vector.broadcast %get3A_29 : vector<1x128xf32> to vector<2000x128xf32>
    %add3A_31 = arith.addf %dot_general3A_26, %add3A_30 : vector<2000x128xf32>
    %reduce_sum3A = arith.constant dense<0.000000e+00> : vector<2000xf32>
    %reduce_sum3A_32 = vector.multi_reduction <add>, %add3A_31, %reduce_sum3A [1] : vector<2000x128xf32> to vector<2000xf32>
    %broadcast_in_dim3A = vector.shape_cast %reduce_sum3A_32 : vector<2000xf32> to vector<2000x1xf32>
    %div3A = arith.constant 1.280000e+02 : f32
    %div3A_33 = vector.broadcast %div3A : f32 to vector<2000x1xf32>
    %div3A_34 = arith.divf %broadcast_in_dim3A, %div3A_33 : vector<2000x1xf32>
    %sub3A = vector.broadcast %div3A_34 : vector<2000x1xf32> to vector<2000x128xf32>
    %sub3A_35 = arith.subf %add3A_31, %sub3A : vector<2000x128xf32>
    %integer_pow3A = arith.mulf %sub3A_35, %sub3A_35 : vector<2000x128xf32>
    %reduce_sum3A_36 = arith.constant dense<0.000000e+00> : vector<2000xf32>
    %reduce_sum3A_37 = vector.multi_reduction <add>, %integer_pow3A, %reduce_sum3A_36 [1] : vector<2000x128xf32> to vector<2000xf32>
    %broadcast_in_dim3A_38 = vector.shape_cast %reduce_sum3A_37 : vector<2000xf32> to vector<2000x1xf32>
    %div3A_39 = arith.constant 1.280000e+02 : f32
    %div3A_40 = vector.broadcast %div3A_39 : f32 to vector<2000x1xf32>
    %div3A_41 = arith.divf %broadcast_in_dim3A_38, %div3A_40 : vector<2000x1xf32>
    %sub3A_42 = vector.broadcast %div3A_34 : vector<2000x1xf32> to vector<2000x128xf32>
    %sub3A_43 = arith.subf %add3A_31, %sub3A_42 : vector<2000x128xf32>
    %add3A_44 = arith.constant 9.99999974E-6 : f32
    %add3A_45 = vector.broadcast %add3A_44 : f32 to vector<2000x1xf32>
    %add3A_46 = arith.addf %div3A_41, %add3A_45 : vector<2000x1xf32>
    %rsqrt3A = math.rsqrt %add3A_46 : vector<2000x1xf32>
    %mul3A = vector.broadcast %rsqrt3A : vector<2000x1xf32> to vector<2000x128xf32>
    %mul3A_47 = arith.mulf %sub3A_43, %mul3A : vector<2000x128xf32>
    %get3A_48 = arith.constant 0 : index
    %get3A_49 = arith.constant 0 : index
    %get3A_50 = vector.load %arg8[%get3A_48, %get3A_49] : memref<1x128xf32, #tpu.memory_space<vmem>>, vector<1x128xf32>
    %mul3A_51 = vector.broadcast %get3A_50 : vector<1x128xf32> to vector<2000x128xf32>
    %mul3A_52 = arith.mulf %mul3A_47, %mul3A_51 : vector<2000x128xf32>
    %add3A_53 = arith.addf %get3A_1, %mul3A_52 : vector<2000x128xf32>
    %get3A_54 = arith.constant 0 : index
    %get3A_55 = arith.constant 0 : index
    %get3A_56 = vector.load %arg9[%get3A_54, %get3A_55] : memref<1x128xf32, #tpu.memory_space<vmem>>, vector<1x128xf32>
    %add3A_57 = vector.broadcast %get3A_56 : vector<1x128xf32> to vector<2000x128xf32>
    %add3A_58 = arith.addf %add3A_53, %add3A_57 : vector<2000x128xf32>
    %swap3A = arith.constant 0 : index
    %swap3A_59 = arith.constant 0 : index
    %swap3A_60 = vector.load %arg10[%swap3A, %swap3A_59] : memref<2000x128xf32, #tpu.memory_space<vmem>>, vector<2000x128xf32>
    tpu.vector_store %arg10[%swap3A, %swap3A_59], %add3A_58 {strides = array<i32>} : memref<2000x128xf32, #tpu.memory_space<vmem>>, vector<2000x128xf32>,
    return
  }
  func.func @transform_0(%arg0: i32) -> (i32, i32) {
    %c0_i32 = arith.constant 0 : i32
    %c0_i32_0 = arith.constant 0 : i32
    return %arg0, %c0_i32 : i32, i32
  }
  func.func @transform_1(%arg0: i32) -> (i32, i32) {
    %c0_i32 = arith.constant 0 : i32
    %c0_i32_0 = arith.constant 0 : i32
    return %arg0, %c0_i32 : i32, i32
  }
  func.func @transform_2(%arg0: i32) -> (i32, i32, i32) {
    %c0_i32 = arith.constant 0 : i32
    %c0_i32_0 = arith.constant 0 : i32
    %c0_i32_1 = arith.constant 0 : i32
    return %c0_i32, %arg0, %c0_i32_0 : i32, i32, i32
  }
  func.func @transform_3(%arg0: i32) -> (i32, i32, i32) {
    %c1_i32 = arith.constant 1 : i32
    %c0_i32 = arith.constant 0 : i32
    %c0_i32_0 = arith.constant 0 : i32
    return %c1_i32, %arg0, %c0_i32 : i32, i32, i32
  }
  func.func @transform_4(%arg0: i32) -> (i32, i32) {
    %c0_i32 = arith.constant 0 : i32
    %c0_i32_0 = arith.constant 0 : i32
    %c0_i32_1 = arith.constant 0 : i32
    return %c0_i32, %c0_i32_0 : i32, i32
  }
  func.func @transform_5(%arg0: i32) -> (i32, i32) {
    %c0_i32 = arith.constant 0 : i32
    %c0_i32_0 = arith.constant 0 : i32
    %c0_i32_1 = arith.constant 0 : i32
    return %c0_i32, %c0_i32_0 : i32, i32
  }
  func.func @transform_6(%arg0: i32) -> (i32, i32) {
    %c0_i32 = arith.constant 0 : i32
    %c0_i32_0 = arith.constant 0 : i32
    %c0_i32_1 = arith.constant 0 : i32
    return %c0_i32, %c0_i32_0 : i32, i32
  }
  func.func @transform_7(%arg0: i32) -> (i32, i32) {
    %c0_i32 = arith.constant 0 : i32
    %c0_i32_0 = arith.constant 0 : i32
    %c0_i32_1 = arith.constant 0 : i32
    return %c0_i32, %c0_i32_0 : i32, i32
  }
  func.func @transform_8(%arg0: i32) -> (i32, i32) {
    %c0_i32 = arith.constant 0 : i32
    %c0_i32_0 = arith.constant 0 : i32
    %c0_i32_1 = arith.constant 0 : i32
    return %c0_i32, %c0_i32_0 : i32, i32
  }
  func.func @transform_9(%arg0: i32) -> (i32, i32) {
    %c0_i32 = arith.constant 0 : i32
    %c0_i32_0 = arith.constant 0 : i32
    return %arg0, %c0_i32 : i32, i32
  }
}

</mosaic_0001>

<sc_bundles>
// kernel: kernel.5.cloned.1.call-start
scs
__scs_entry_jumppad:
0x0: {  	(pc) =	sbr.rel $0x88, $3  }
0x1: {  	(tag) =	ssettag $0x0;
	lr =	simm.s32 $0x1  }
0x2: {  	[smem:$0x3F99] =	sst lr;
	_ =	strace $0xD0000000  }
0x3: {  	_ = 	snop  }
0x4: {  	_ = 	snop  }
0x5: {  	_ = 	snop  }
0x6: {  	_ = 	snop  }
0x7: {  	_ = 	snop  }
__scs_overlays_trampoline_lowered:
0x8: {  	[smem:$0x3FA8] =	sst s0  }
0x9: {  	[smem:$0x3FA9] =	sst s1  }
0xa: {  	[smem:$0x3FAA] =	sst s2  }
0xb: {  	[smem:$0x3FAB] =	sst s3  }
0xc: {  	[smem:$0x3FAC] =	sst s4  }
0xd: {  	[smem:$0x3FAD] =	sst s5  }
0xe: {  	[smem:$0x3FAE] =	sst s6  }
0xf: {  	[smem:$0x3FAF] =	sst s7  }
0x10: {  	[smem:$0x3FB0] =	sst s8  }
0x11: {  	[smem:$0x3FB1] =	sst s9;
	s0 =	simm.s32 @!p0 $0x0  }
0x12: {  	s1 =	sld [smem:$0x3F97];
	s0 =	simm.s32 @p0 $0x1  }
0x13: {  	[smem:$0x3FB2] =	sst s0;
	s0 =	simm.s32 @!p1 $0x0  }
0x14: {  	s2 =	sld [smem:$0x3F96];
	s0 =	simm.s32 @p1 $0x1  }
0x15: {  	[smem:$0x3FB3] =	sst s0;
	s0 =	simm.s32 @!p2 $0x0  }
0x16: {  	s3 =	sld [smem:$0x3FDB];
	s0 =	simm.s32 @p2 $0x1  }
0x17: {  	s4 =	simm.s32 $0x1BF5;
	[smem:$0x3FB5] =	sst s0  }
0x18: {  	s0 =	sld [smem:$0x3F98];
	_ =	swait.ge [sflag:s4], $0x0  }
0x19: {  	s7 =	sld [smem:$0x3F99]  }
0x1a: {  	s8 =	sadd.s32 $0xFFFFE003, lr  }
0x1b: {  	s9 =	sadd.s32 $0xFFFFFEF7, lr;
	s5 =	simm.s32 $0xFFFFFFFF;
	p2 =	slt.u32 s8, $0xFFFFF086  }
0x1c: {  	p1 =	slt.u32 s9, $0xF7A;
	s5 =	simm.s32 @!p2 $0x0  }
0x1d: {  	s5 =	simm.s32 @p1 $0x1;
	p0 =	seq.s32 s7, s2  }
0x1e: {  	s7 =	smul.u32 @!p0 $0xF7A, s2;
	p2 =	seq.s32 @!p0 s5, $0x0  }
0x1f: {  	s9 =	smul.u32 $0xF7A, s1;
	s8 =	simm.s32 @!p0 $0x1BF5;
	p2 =	por !p2, p0  }
0x20: {  	[sflag:s8] =	ssyncset.s32 @!p0 $0xFFFFF086;
	s6 =	sadd.s32 @!p0 s3, s7;
	s7 =	simm.s32 @!p0 $0x108  }
0x21: {  	s3 =	sadd.s32 s3, s9;
	s6 =	sadd.s32 @!p0 $0x88, s6;
	s7 =	simm.s32 @p2 $0x1082  }
0x22: {  	[simem:s7], [sflag:s8] =	dma.local @!p0 [hbm:s6], $0xF7A  }
0x23: {  	s9 =	sor.u32 $0xD0000000, s2;
	s6 =	simm.s32 $0x108;
	_ =	swait.ge @!p0 [sflag:s8], $0x0  }
0x24: {  	s3 =	sadd.s32 $0x88, s3;
	s6 =	simm.s32 @!p1 $0x1082;
	[sflag:s4] =	ssyncset.s32 $0xFFFFF086  }
0x25: {  	[simem:s6], [sflag:s4] =	dma.local [hbm:s3], $0xF7A  }
0x26: {  	[smem:$0x3F99] =	sst s1;
	(tag) =	ssettag s2;
	_ =	strace s9  }
0x27: {  	s1 =	sld [smem:$0x3FA9]  }
0x28: {  	s2 =	sld [smem:$0x3FAA]  }
0x29: {  	s4 =	sld [smem:$0x3FAC]  }
0x2a: {  	p0 =	seq.s32 s5, $0x0;
	s5 =	sld [smem:$0x3FAD]  }
0x2b: {  	s6 =	sld [smem:$0x3FAE]  }
0x2c: {  	s7 =	sld [smem:$0x3FAF]  }
0x2d: {  	s3 =	simm.s32 $0x108;
	s8 =	sld [smem:$0x3FB0]  }
0x2e: {  	s3 =	simm.s32 @!p0 $0x1082;
	s9 =	sld [smem:$0x3FB1]  }
0x2f: {  	lr =	sadd.s32 s0, s3;
	s0 =	sld [smem:$0x3FA8]  }
0x30: {  	s3 =	sld [smem:$0x3FAB]  }
0x31: {  	[smem:$0x3FB4] =	sst s10  }
0x32: {  	s10 =	sld [smem:$0x3FB2];
	_ =	sdelay $0x3  }
0x33: {  	p0 =	seq.s32 s10, $0x1;
	s10 =	sld [smem:$0x3FB4];
	_ =	sdelay $0x3  }
0x34: {  	[smem:$0x3FB4] =	sst s10  }
0x35: {  	s10 =	sld [smem:$0x3FB3];
	_ =	sdelay $0x3  }
0x36: {  	p1 =	seq.s32 s10, $0x1;
	s10 =	sld [smem:$0x3FB4];
	_ =	sdelay $0x3  }
0x37: {  	[smem:$0x3FB4] =	sst s10  }
0x38: {  	s10 =	sld [smem:$0x3FB5]  }
0x39: {  	_ = 	snop;
	(pc) =	sbr.ind lr, $3  }
0x3a: {  	_ = 	snop  }
0x3b: {  	_ = 	snop  }
0x3c: {  	p2 =	seq.s32 s10, $0x1;
	s10 =	sld [smem:$0x3FB4]  }
0x3d: {  	_ =	shalt  }
0x3e: {  	_ =	shalt  }
0x3f: {  	_ =	shalt  }
0x40: {  	_ =	shalt  }
0x41: {  	_ =	shalt  }
0x42: {  	_ =	shalt  }
0x43: {  	_ =	shalt  }
0x44: {  	_ =	shalt  }
0x45: {  	_ =	shalt  }
0x46: {  	_ =	shalt  }
0x47: {  	_ =	shalt  }
0x48: {  	_ =	shalt  }
0x49: {  	_ =	shalt  }
0x4a: {  	_ =	shalt  }
0x4b: {  	_ =	shalt  }
0x4c: {  	_ =	shalt  }
0x4d: {  	_ =	shalt  }
0x4e: {  	_ =	shalt  }
0x4f: {  	_ =	shalt  }
0x50: {  	_ =	shalt  }
0x51: {  	_ =	shalt  }
0x52: {  	_ =	shalt  }
0x53: {  	_ =	shalt  }
0x54: {  	_ =	shalt  }
0x55: {  	_ =	shalt  }
0x56: {  	_ =	shalt  }
0x57: {  	_ =	shalt  }
0x58: {  	_ =	shalt  }
0x59: {  	_ =	shalt  }
0x5a: {  	_ =	shalt  }
0x5b: {  	_ =	shalt  }
0x5c: {  	_ =	shalt  }
0x5d: {  	_ =	shalt  }
0x5e: {  	_ =	shalt  }
0x5f: {  	_ =	shalt  }
0x60: {  	_ =	shalt  }
0x61: {  	_ =	shalt  }
0x62: {  	_ =	shalt  }
0x63: {  	_ =	shalt  }
0x64: {  	_ =	shalt  }
0x65: {  	_ =	shalt  }
0x66: {  	_ =	shalt  }
0x67: {  	_ =	shalt  }
0x68: {  	_ =	shalt  }
0x69: {  	_ =	shalt  }
0x6a: {  	_ =	shalt  }
0x6b: {  	_ =	shalt  }
0x6c: {  	_ =	shalt  }
0x6d: {  	_ =	shalt  }
0x6e: {  	_ =	shalt  }
0x6f: {  	_ =	shalt  }
0x70: {  	_ =	shalt  }
0x71: {  	_ =	shalt  }
0x72: {  	_ =	shalt  }
0x73: {  	_ =	shalt  }
0x74: {  	_ =	shalt  }
0x75: {  	_ =	shalt  }
0x76: {  	_ =	shalt  }
0x77: {  	_ =	shalt  }
0x78: {  	_ =	shalt  }
0x79: {  	_ =	shalt  }
0x7a: {  	_ =	shalt  }
0x7b: {  	_ =	shalt  }
0x7c: {  	_ =	shalt  }
0x7d: {  	_ =	shalt  }
0x7e: {  	_ =	shalt  }
0x7f: {  	_ =	shalt  }
0x80: {  	_ =	shalt  }
0x81: {  	_ =	shalt  }
0x82: {  	_ =	shalt  }
0x83: {  	_ =	shalt  }
0x84: {  	_ =	shalt  }
0x85: {  	_ =	shalt  }
0x86: {  	_ =	shalt  }
0x87: {  	_ =	shalt  }
.Lfunc_end0:
.L_simem_size_0:
called_computation_lowered:
.L_overlay_start_0:
0x88: {  	s2 =	sld [smem:$0x3FD9]  }
0x89: {  	s3 =	sld [smem:$0x3FFE];
	_ =	sdelay $0x1  }
0x8a: {  	s1 =	srdreg.scid  }
0x8b: {  	s0 =	sand.u32 $0x1, s1  }
0x8c: {  	s17 =	sshll.u32 s0, $0xA;
	s2 =	sadd.s32 s3, s2  }
0x8d: {  	s2 =	sadd.s32 s2, s17  }
0x8e: {  	[smem:$0x3FC0] =	sst s2  }
0x8f: {  	_ = 	snop  }
0x90: {  	s2 =	sld [smem:$0x3FC9]  }
0x91: {  	s18 =	sld [smem:$0x3FD0];
	(tm) =	ssettm $0x1  }
0x92: {  	s4 =	sld [smem:$0x3FFB];
	_ =	sdelay $0x3  }
0x93: {  	_ =	strace s4  }
0x94: {  	s4 =	sld [smem:$0x3FFC];
	_ =	sdelay $0x3  }
0x95: {  	_ =	strace s4  }
0x96: {  	s4 =	sld [smem:$0x3FFD];
	_ =	sdelay $0x3  }
0x97: {  	_ =	strace s4  }
0x98: {  	_ =	strace $0x8FFFFFFF  }
0x99: {  	s19 =	sld [smem:$0x3FDB];
	_ =	sdelay $0x1  }
0x9a: {  	s5 =	simm.s32 $_scs_section_size  }
0x9b: {  	s6 =	simm.s32 $_size__tile_overlayer_lowered;
	s7 =	simm.s32 $_tile_overlayer_lowered  }
0x9c: {  	s22 =	simm.s32 $0x1BFF;
	s21 =	sshll.u32 s7, $0x1;
	s4 =	sadd.s32 s5, s19  }
0x9d: {  	s8 =	simm.s32 $0x0;
	s20 =	sshll.u32 s6, $0x1;
	s6 =	sadd.s32 s21, s4  }
0x9e: {  	[timem:s8], [sflag:s22] =	dma.local [hbm:s6], s20  }
0x9f: {  	_ =	swait.ge [sflag:s22], s20  }
0xa0: {  	s5 =	ssub.s32 $0x0, s20;
	[sflag:s22] =	ssyncset.done $0x0  }
0xa1: {  	[sflag:s22] =	ssyncadd.s32 s5;
	_ =	sdelay $0x1  }
0xa2: {  	s23 =	simm.s32 $0x1B8B  }
0xa3: {  	_ =	swait.ge [sflag:s23], $0x1  }
0xa4: {  	[sflag:s23] =	ssyncset.done $0x0  }
0xa5: {  	s25 =	simm.s32 $0x1B8E;
	s24 =	sld [smem:$0x3FFE];
	[sflag:s23] =	ssyncadd.s32 $0xFFFFFFFF  }
0xa6: {  	s26 =	simm.s32 $execute0_lowered;
	[smem:$0x3FD2] =	sst s25  }
0xa7: {  	s6 =	sshll.u32 s26, $0x1;
	_ =	strace $0x80000046;
	[dreg:$0x1] =	wrdreg $0xFFFFFFFF  }
0xa8: {  	s28 =	simm.s32 $_size_execute0_lowered;
	s4 =	sadd.s32 s4, s6;
	[dreg:$0x0] =	wrdreg $0x0  }
0xa9: {  	s6 =	sshll.u32 s28, $0x1;
	[dreg:$0x2] =	wrdreg s4  }
0xaa: {  	[dreg:$0x3] =	wrdreg s6  }
0xab: {  	[dreg:$0x4] =	wrdreg $0xC0  }
0xac: {  	_ =	task [dreg:s8], $0x5FFFF  }
0xad: {  	[dreg:$0x1] =	wrdreg $0xFFFFFFFF  }
0xae: {  	[dreg:$0x0] =	wrdreg $0x60  }
0xaf: {  	[dreg:$0x2] =	wrdreg s2  }
0xb0: {  	[dreg:$0x3] =	wrdreg s18  }
0xb1: {  	[dreg:$0x4] =	wrdreg s24  }
0xb2: {  	[dreg:$0x5] =	wrdreg $0xA8000  }
0xb3: {  	[dreg:$0x6] =	wrdreg $0x9  }
0xb4: {  	_ =	task.clear_ibuf [dreg:s8], $0x7FFFF;
	_ =	strace $0x90000046  }
0xb5: {  	s29 =	simm.s32 $0x9;
	_ =	strace $0x80000048  }
0xb6: {  	_ =	swait.ge [sflag:s29], $0x1  }
0xb7: {  	[sflag:s29] =	ssyncadd.s32 $0xFFFFFFFF  }
0xb8: {  	_ =	strace $0x90000048  }
0xb9: {  	_ =	sfence  }
0xba: {  	s30 =	sld [smem:$0x0];
	_ =	sdelay $0x2  }
0xbb: {  	s31 =	sshll.u32 s1, $0xD;
	s1 =	sshrl.u32 s1, $0x2  }
0xbc: {  	s3 =	sand.u32 $0x4000, s31;
	s1 =	sadd.s32 s1, s30  }
0xbd: {  	s0 =	sor.u32 s3, s0;
	s1 =	sshll.u32 s1, $0x11  }
0xbe: {  	s0 =	sor.u32 s1, s0  }
0xbf: {  	s0 =	sadd.s32 $0x8F2B, s0  }
0xc0: {  	[sflag:s0] =	ssyncadd.remote.s32 $0x1  }
0xc1: {  	_ =	sfence.sel $0xFFFF  }
0xc2: {  	[dreg:$0x0] =	wrdreg $0xFFFFFFFF;
	(pc) =	sbr.abs _section_cstart, $3  }
0xc3: {  	[dreg:$0x1] =	wrdreg $0xFFFFFFFF  }
0xc4: {  	_ =	task.clear_ibuf [dreg:s8], $0x2FFFF;
	_ =	strace $0x9FFFFFFF  }
0xc5: {  	(tm) =	ssettm $0x7FFFFFFF  }
tec
execute0_lowered:
.L_overlay_start_1:
0x0: {  	(tag) =	ssettag $0x1  }
0x1: {  	s0 =	rddreg [dreg:$0x0]  }
0x2: {  	s1 =	rddreg [dreg:$0x1]  }
0x3: {  	s2 =	rddreg [dreg:$0x2];
	s4 =	srdreg.scid  }
0x4: {  	s3 =	rddreg [dreg:$0x3];
	s10 =	stileid.u32;
	s28 =	simm.s32 $0x1  }
0x5: {  	s30 =	simm.s32 $0x2;
	s29 =	simm.s32 $0x1B00;
	s7 =	smul.u32 $0x13C00, s10  }
0x6: {  	s31 =	simm.s32 $0xC00;
	s5 =	sand.u32 $0x1, s4;
	s8 =	smul.u32 $0x4F000, s10  }
0x7: {  	s4 =	simm.s32 $0x0;
	s9 =	sadd.s32 $0x1800, s2;
	s6 =	smul.u32 $0x13C000, s5  }
0x8: {  	[smem:$0x7FF] =	sst s4;
	s26 =	sshll.u32 s5, $0x4;
	s11 =	ssub.s32 $0x2, s5  }
0x9: {  	_ =	strace $0x80000047;
	s10 =	sor.u32 s10, s26;
	s12 =	sshrl.u32 s8, $0x2  }
0xa: {  	s14 =	sshrl.u32 s11, $0x1;
	s6 =	sadd.s32 s7, s6;
	s13 =	smul.u32 $0x2800, s10  }
0xb: {  	s5 =	sadd.s32 s12, s3;
	s7 =	ssub.s32 s11, s14;
	s14 =	simm.s32 $0x3  }
0xc: {  	s11 =	simm.s32 $0x1980;
	s12 =	simm.s32 $0xA80;
	s6 =	sshrl.u32 s6, $0x3  }
0xd: {  	s15 =	sadd.s32 $0x13800, s5;
	s26 =	smax.u32 s7, $0x1;
	s7 =	simm.s32 $0x1880  }
0xe: {  	s2 =	sadd.s32 s6, s2;
	s6 =	smul.u32 $0x500, s10;
	[dreg:$0x5] =	wrdreg s15  }
0xf: {  	s8 =	sshrl.u32 s13, $0x3;
	[dreg:$0x11] =	wrdreg s26;
	s26 =	simm.s32 $0x6000  }
0x10: {  	s15 =	simm.s32 $0x0;
	s10 =	simm.s32 $0xA00;
	s25 =	sadd.s32 $0xB800, s2  }
0x11: {  	s13 =	simm.s32 $0x1A00;
	s16 =	sadd.s32 s1, s6;
	[dreg:$0x10] =	wrdreg s25  }
0x12: {  	s17 =	sadd.s32 $0x100, s8;
	s6 =	sadd.s32 s9, s6;
	[dreg:$0x6] =	wrdreg s16  }
0x13: {  	s19 =	sadd.s32 $0x200, s8;
	s18 =	sadd.s32 s1, s17;
	[dreg:$0x7] =	wrdreg s6  }
0x14: {  	s21 =	sadd.s32 $0x300, s8;
	s20 =	sadd.s32 s1, s19;
	[dreg:$0x8] =	wrdreg s18  }
0x15: {  	s23 =	sadd.s32 $0x400, s8;
	s22 =	sadd.s32 s1, s21;
	[dreg:$0xa] =	wrdreg s20  }
0x16: {  	s8 =	simm.s32 $0x980;
	s1 =	sadd.s32 s1, s23;
	[dreg:$0xc] =	wrdreg s22  }
0x17: {  	s24 =	sadd.s32 s9, s23;
	s25 =	simm.s32 $0x2000;
	[dreg:$0xe] =	wrdreg s1  }
0x18: {  	s23 =	simm.s32 $0x800;
	s6 =	sadd.s32 s9, s17;
	[dreg:$0xf] =	wrdreg s24  }
0x19: {  	s20 =	simm.s32 $0x4;
	s24 =	simm.s32 $0x80;
	s22 =	simm.s32 $0xB80  }
0x1a: {  	[dreg:$0x9] =	wrdreg s6;
	s6 =	sadd.s32 s9, s19;
	s19 =	simm.s32 $0xA000  }
0x1b: {  	[dreg:$0xb] =	wrdreg s6;
	s6 =	sadd.s32 s9, s21;
	s21 =	simm.s32 $0x1800  }
0x1c: {  	v0 =	vimm.f32 $0.0e+00;
	s9 =	simm.s32 $0x1900;
	[dreg:$0xd] =	wrdreg s6;
	s6 =	simm.s32 $0x900  }
.LBB2_1:
0x1d: {  	[tilespmem:$0xA000] =	vst v0  }
0x1e: {  	[tilespmem:$0xA010] =	vst v0  }
0x1f: {  	[tilespmem:$0xA020] =	vst v0  }
0x20: {  	[tilespmem:$0xA030] =	vst v0  }
0x21: {  	[tilespmem:$0xA040] =	vst v0  }
0x22: {  	[tilespmem:$0xA050] =	vst v0  }
0x23: {  	[tilespmem:$0xA060] =	vst v0  }
0x24: {  	[tilespmem:$0xA070] =	vst v0  }
0x25: {  	[tilespmem:$0xA080] =	vst v0  }
0x26: {  	[tilespmem:$0xA090] =	vst v0  }
0x27: {  	[tilespmem:$0xA0A0] =	vst v0  }
0x28: {  	[tilespmem:$0xA0B0] =	vst v0  }
0x29: {  	[tilespmem:$0xA0C0] =	vst v0  }
0x2a: {  	[tilespmem:$0xA0D0] =	vst v0  }
0x2b: {  	[tilespmem:$0xA0E0] =	vst v0  }
0x2c: {  	[tilespmem:$0xA0F0] =	vst v0  }
0x2d: {  	[tilespmem:$0xA100] =	vst v0  }
0x2e: {  	[tilespmem:$0xA110] =	vst v0  }
0x2f: {  	[tilespmem:$0xA120] =	vst v0  }
0x30: {  	[tilespmem:$0xA130] =	vst v0  }
0x31: {  	[tilespmem:$0xA140] =	vst v0  }
0x32: {  	[tilespmem:$0xA150] =	vst v0  }
0x33: {  	[tilespmem:$0xA160] =	vst v0  }
0x34: {  	[tilespmem:$0xA170] =	vst v0  }
0x35: {  	[tilespmem:$0xA180] =	vst v0  }
0x36: {  	[tilespmem:$0xA190] =	vst v0  }
0x37: {  	[tilespmem:$0xA1A0] =	vst v0  }
0x38: {  	[tilespmem:$0xA1B0] =	vst v0  }
0x39: {  	[tilespmem:$0xA1C0] =	vst v0  }
0x3a: {  	[tilespmem:$0xA1D0] =	vst v0  }
0x3b: {  	[tilespmem:$0xA1E0] =	vst v0  }
0x3c: {  	[tilespmem:$0xA1F0] =	vst v0  }
0x3d: {  	[tilespmem:$0xA200] =	vst v0  }
0x3e: {  	[tilespmem:$0xA210] =	vst v0  }
0x3f: {  	[tilespmem:$0xA220] =	vst v0  }
0x40: {  	[tilespmem:$0xA230] =	vst v0  }
0x41: {  	[tilespmem:$0xA240] =	vst v0  }
0x42: {  	[tilespmem:$0xA250] =	vst v0  }
0x43: {  	[tilespmem:$0xA260] =	vst v0  }
0x44: {  	[tilespmem:$0xA270] =	vst v0  }
0x45: {  	[tilespmem:$0xA280] =	vst v0  }
0x46: {  	[tilespmem:$0xA290] =	vst v0  }
0x47: {  	[tilespmem:$0xA2A0] =	vst v0  }
0x48: {  	[tilespmem:$0xA2B0] =	vst v0  }
0x49: {  	[tilespmem:$0xA2C0] =	vst v0  }
0x4a: {  	[tilespmem:$0xA2D0] =	vst v0  }
0x4b: {  	[tilespmem:$0xA2E0] =	vst v0  }
0x4c: {  	[tilespmem:$0xA2F0] =	vst v0  }
0x4d: {  	[tilespmem:$0xA300] =	vst v0  }
0x4e: {  	[tilespmem:$0xA310] =	vst v0  }
0x4f: {  	[tilespmem:$0xA320] =	vst v0  }
0x50: {  	[tilespmem:$0xA330] =	vst v0  }
0x51: {  	[tilespmem:$0xA340] =	vst v0  }
0x52: {  	[tilespmem:$0xA350] =	vst v0  }
0x53: {  	[tilespmem:$0xA360] =	vst v0  }
0x54: {  	[tilespmem:$0xA370] =	vst v0  }
0x55: {  	[tilespmem:$0xA380] =	vst v0  }
0x56: {  	[tilespmem:$0xA390] =	vst v0  }
0x57: {  	[tilespmem:$0xA3A0] =	vst v0  }
0x58: {  	[tilespmem:$0xA3B0] =	vst v0  }
0x59: {  	[tilespmem:$0xA3C0] =	vst v0  }
0x5a: {  	[tilespmem:$0xA3D0] =	vst v0  }
0x5b: {  	[tilespmem:$0xA3E0] =	vst v0  }
0x5c: {  	[tilespmem:$0xA3F0] =	vst v0  }
0x5d: {  	[tilespmem:$0xA400] =	vst v0  }
0x5e: {  	[tilespmem:$0xA410] =	vst v0  }
0x5f: {  	[tilespmem:$0xA420] =	vst v0  }
0x60: {  	[tilespmem:$0xA430] =	vst v0  }
0x61: {  	[tilespmem:$0xA440] =	vst v0  }
0x62: {  	[tilespmem:$0xA450] =	vst v0  }
0x63: {  	[tilespmem:$0xA460] =	vst v0  }
0x64: {  	[tilespmem:$0xA470] =	vst v0  }
0x65: {  	[tilespmem:$0xA480] =	vst v0  }
0x66: {  	[tilespmem:$0xA490] =	vst v0  }
0x67: {  	[tilespmem:$0xA4A0] =	vst v0  }
0x68: {  	[tilespmem:$0xA4B0] =	vst v0  }
0x69: {  	[tilespmem:$0xA4C0] =	vst v0  }
0x6a: {  	[tilespmem:$0xA4D0] =	vst v0  }
0x6b: {  	[tilespmem:$0xA4E0] =	vst v0  }
0x6c: {  	[tilespmem:$0xA4F0] =	vst v0  }
0x6d: {  	[tilespmem:$0xA500] =	vst v0  }
0x6e: {  	[tilespmem:$0xA510] =	vst v0  }
0x6f: {  	[tilespmem:$0xA520] =	vst v0  }
0x70: {  	[tilespmem:$0xA530] =	vst v0  }
0x71: {  	[tilespmem:$0xA540] =	vst v0  }
0x72: {  	[tilespmem:$0xA550] =	vst v0  }
0x73: {  	[tilespmem:$0xA560] =	vst v0  }
0x74: {  	[tilespmem:$0xA570] =	vst v0  }
0x75: {  	[tilespmem:$0xA580] =	vst v0  }
0x76: {  	[tilespmem:$0xA590] =	vst v0  }
0x77: {  	[tilespmem:$0xA5A0] =	vst v0  }
0x78: {  	[tilespmem:$0xA5B0] =	vst v0  }
0x79: {  	[tilespmem:$0xA5C0] =	vst v0  }
0x7a: {  	[tilespmem:$0xA5D0] =	vst v0  }
0x7b: {  	[tilespmem:$0xA5E0] =	vst v0  }
0x7c: {  	[tilespmem:$0xA5F0] =	vst v0  }
0x7d: {  	[tilespmem:$0xA600] =	vst v0  }
0x7e: {  	[tilespmem:$0xA610] =	vst v0  }
0x7f: {  	[tilespmem:$0xA620] =	vst v0  }
0x80: {  	[tilespmem:$0xA630] =	vst v0  }
0x81: {  	[tilespmem:$0xA640] =	vst v0  }
0x82: {  	[tilespmem:$0xA650] =	vst v0  }
0x83: {  	[tilespmem:$0xA660] =	vst v0  }
0x84: {  	[tilespmem:$0xA670] =	vst v0  }
0x85: {  	[tilespmem:$0xA680] =	vst v0  }
0x86: {  	[tilespmem:$0xA690] =	vst v0  }
0x87: {  	[tilespmem:$0xA6A0] =	vst v0  }
0x88: {  	[tilespmem:$0xA6B0] =	vst v0  }
0x89: {  	[tilespmem:$0xA6C0] =	vst v0  }
0x8a: {  	[tilespmem:$0xA6D0] =	vst v0  }
0x8b: {  	[tilespmem:$0xA6E0] =	vst v0  }
0x8c: {  	[tilespmem:$0xA6F0] =	vst v0  }
0x8d: {  	[tilespmem:$0xA700] =	vst v0  }
0x8e: {  	[tilespmem:$0xA710] =	vst v0  }
0x8f: {  	[tilespmem:$0xA720] =	vst v0  }
0x90: {  	[tilespmem:$0xA730] =	vst v0  }
0x91: {  	[tilespmem:$0xA740] =	vst v0  }
0x92: {  	[tilespmem:$0xA750] =	vst v0  }
0x93: {  	[tilespmem:$0xA760] =	vst v0  }
0x94: {  	[tilespmem:$0xA770] =	vst v0  }
0x95: {  	[tilespmem:$0xA780] =	vst v0  }
0x96: {  	[tilespmem:$0xA790] =	vst v0  }
0x97: {  	[tilespmem:$0xA7A0] =	vst v0  }
0x98: {  	[tilespmem:$0xA7B0] =	vst v0  }
0x99: {  	[tilespmem:$0xA7C0] =	vst v0  }
0x9a: {  	[tilespmem:$0xA7D0] =	vst v0  }
0x9b: {  	[tilespmem:$0xA7E0] =	vst v0  }
0x9c: {  	[tilespmem:$0xA7F0] =	vst v0;
	s16 =	sadd.s32 $0x0, s5  }
0x9d: {  	[spmem:s16] =	stream.linear.scatter [tilespmem:s19], [sflag:$0x4], $0x800, $0x38;
	[tilespmem:$0x1E400] =	vst v63  }
0x9e: {  	s16 =	simm.s32 $0x2000;
	_ =	swait.ge [sflag:s20], $0x800  }
.LBB2_2:
0x9f: {  	s17 =	sshra.s32 s16, $0x2;
	[sflag:s20] =	ssyncset.done $0x0;
	p0 =	sne.s32 s16, $0x4C000  }
.Ltmp0:
0xa0: {  	s17 =	sadd.s32 s17, s5;
	[sflag:s20] =	ssyncadd.s32 $0xFFFFF800;
	(pc) =	sbr.rel @p0 .LBB2_2-.Ltmp0, $3  }
0xa1: {  	[spmem:s17] =	stream.linear.scatter [tilespmem:s19], [sflag:$0x4], $0x800, $0x38;
	[tilespmem:$0x1E400] =	vst v63  }
0xa2: {  	s16 =	sadd.s32 $0x2000, s16;
	_ =	sdelay $0x1  }
0xa3: {  	_ =	swait.ge [sflag:s20], $0x800  }
0xa4: {  	[sflag:s20] =	ssyncset.done $0x0  }
0xa5: {  	s16 =	rddreg [dreg:$0x5];
	[sflag:s20] =	ssyncadd.s32 $0xFFFFF800  }
0xa6: {  	[spmem:s16] =	stream.linear.scatter [tilespmem:s19], [sflag:$0x4], $0x400, $0x38;
	[tilespmem:$0x1E400] =	vst v63  }
0xa7: {  	_ =	swait.ge [sflag:s20], $0x400  }
0xa8: {  	[sflag:s20] =	ssyncset.done $0x0  }
0xa9: {  	s2 =	rddreg [dreg:$0x6];
	[sflag:s20] =	ssyncadd.s32 $0xFFFFFC00  }
0xaa: {  	[tilespmem:s4], [sflag:$0x4] =	stream.linear.gather [hbm4b:s2+s4], $0x800, $0x38;
	[tilespmem:$0x1E400] =	vst v63  }
0xab: {  	_ =	swait.ge [sflag:s20], $0x800  }
0xac: {  	[sflag:s20] =	ssyncset.done $0x0  }
0xad: {  	s1 =	simm.s32 $0x1000;
	s17 =	rddreg [dreg:$0x7];
	[sflag:s20] =	ssyncadd.s32 $0xFFFFF800  }
0xae: {  	[tilespmem:s1], [sflag:$0x4] =	stream.linear.gather [hbm4b:s17+s4], $0x800, $0x38;
	[tilespmem:$0x1E400] =	vst v63  }
0xaf: {  	_ =	swait.ge [sflag:s20], $0x800  }
0xb0: {  	[sflag:s20] =	ssyncset.done $0x0  }
0xb1: {  	[sflag:s20] =	ssyncadd.s32 $0xFFFFF800  }
0xb2: {  	[bflag:$0x0] =	sbarrier.arrive $0xFFFF  }
0xb3: {  	s18 =	rddreg [dreg:$0x8]  }
0xb4: {  	[tilespmem:s23], [sflag:$0x3] =	stream.linear.gather [hbm4b:s18+s4], $0x800, $0x38;
	[tilespmem:$0x1E400] =	vst v63  }
0xb5: {  	s2 =	rddreg [dreg:$0x9]  }
0xb6: {  	[tilespmem:s21], [sflag:$0x3] =	stream.linear.gather [hbm4b:s2+s4], $0x800, $0x38;
	[tilespmem:$0x1E400] =	vst v63  }
0xb7: {  	_ = 	snop  }
0xb8: {  	[tilespmem:s25], [sflag:$0x1] =	stream.indirect.gather [hbm4b:s0+s24], $0x80, s4, s24, $0xb8;
	[tilespmem:$0x1E400] =	vst v63  }
0xb9: {  	_ = 	snop  }
0xba: {  	[tilespmem:s26], [sflag:$0x2] =	stream.indirect.gather [hbm4b:s0+s24], $0x80, s24, s24, $0xb8;
	[tilespmem:$0x1E400] =	vst v63  }
0xbb: {  	_ =	swait.ge [sflag:s28], $0x4000  }
0xbc: {  	[sflag:s28] =	ssyncset.done $0x0  }
0xbd: {  	[sflag:s28] =	ssyncadd.s32 $0xFFFFC000  }
0xbe: {  	[spmem:s3] =	stream.indirect.scatter.add.f32 [tilespmem:s25], [sflag:$0x4], $0x80, s1, s24, $0xb8;
	[tilespmem:$0x1E400] =	vst v63  }
0xbf: {  	_ =	swait.ge [sflag:s20], $0x4000  }
0xc0: {  	[sflag:s20] =	ssyncset.done $0x0  }
0xc1: {  	s2 =	simm.s32 $0x100;
	[sflag:s20] =	ssyncadd.s32 $0xFFFFC000  }
0xc2: {  	[tilespmem:s25], [sflag:$0x1] =	stream.indirect.gather [hbm4b:s0+s24], $0x80, s2, s24, $0xb8;
	[tilespmem:$0x1E400] =	vst v63  }
0xc3: {  	_ =	swait.ge [sflag:s30], $0x4000  }
0xc4: {  	[sflag:s30] =	ssyncset.done $0x0  }
0xc5: {  	s17 =	simm.s32 $0x1080;
	[sflag:s30] =	ssyncadd.s32 $0xFFFFC000  }
0xc6: {  	[spmem:s3] =	stream.indirect.scatter.add.f32 [tilespmem:s26], [sflag:$0x4], $0x80, s17, s24, $0xb8;
	[tilespmem:$0x1E400] =	vst v63  }
0xc7: {  	_ =	swait.ge [sflag:s20], $0x4000  }
0xc8: {  	[sflag:s20] =	ssyncset.done $0x0  }
0xc9: {  	s18 =	simm.s32 $0x180;
	[sflag:s20] =	ssyncadd.s32 $0xFFFFC000  }
0xca: {  	[tilespmem:s26], [sflag:$0x2] =	stream.indirect.gather [hbm4b:s0+s24], $0x80, s18, s24, $0xb8;
	[tilespmem:$0x1E400] =	vst v63  }
0xcb: {  	_ =	swait.ge [sflag:s28], $0x4000  }
0xcc: {  	[sflag:s28] =	ssyncset.done $0x0  }
0xcd: {  	s16 =	simm.s32 $0x1100;
	[sflag:s28] =	ssyncadd.s32 $0xFFFFC000  }
0xce: {  	[spmem:s3] =	stream.indirect.scatter.add.f32 [tilespmem:s25], [sflag:$0x4], $0x80, s16, s24, $0xb8;
	[tilespmem:$0x1E400] =	vst v63  }
0xcf: {  	_ =	swait.ge [sflag:s20], $0x4000  }
0xd0: {  	[sflag:s20] =	ssyncset.done $0x0  }
0xd1: {  	s17 =	simm.s32 $0x200;
	[sflag:s20] =	ssyncadd.s32 $0xFFFFC000  }
0xd2: {  	[tilespmem:s25], [sflag:$0x1] =	stream.indirect.gather [hbm4b:s0+s24], $0x80, s17, s24, $0xb8;
	[tilespmem:$0x1E400] =	vst v63  }
0xd3: {  	_ =	swait.ge [sflag:s30], $0x4000  }
0xd4: {  	[sflag:s30] =	ssyncset.done $0x0  }
0xd5: {  	s18 =	simm.s32 $0x1180;
	[sflag:s30] =	ssyncadd.s32 $0xFFFFC000  }
0xd6: {  	[spmem:s3] =	stream.indirect.scatter.add.f32 [tilespmem:s26], [sflag:$0x4], $0x80, s18, s24, $0xb8;
	[tilespmem:$0x1E400] =	vst v63  }
0xd7: {  	_ =	swait.ge [sflag:s20], $0x4000  }
0xd8: {  	[sflag:s20] =	ssyncset.done $0x0  }
0xd9: {  	s16 =	simm.s32 $0x280;
	[sflag:s20] =	ssyncadd.s32 $0xFFFFC000  }
0xda: {  	[tilespmem:s26], [sflag:$0x2] =	stream.indirect.gather [hbm4b:s0+s24], $0x80, s16, s24, $0xb8;
	[tilespmem:$0x1E400] =	vst v63  }
0xdb: {  	_ =	swait.ge [sflag:s28], $0x4000  }
0xdc: {  	[sflag:s28] =	ssyncset.done $0x0  }
0xdd: {  	s17 =	simm.s32 $0x1200;
	[sflag:s28] =	ssyncadd.s32 $0xFFFFC000  }
0xde: {  	[spmem:s3] =	stream.indirect.scatter.add.f32 [tilespmem:s25], [sflag:$0x4], $0x80, s17, s24, $0xb8;
	[tilespmem:$0x1E400] =	vst v63  }
0xdf: {  	_ =	swait.ge [sflag:s20], $0x4000  }
0xe0: {  	[sflag:s20] =	ssyncset.done $0x0  }
0xe1: {  	s18 =	simm.s32 $0x300;
	[sflag:s20] =	ssyncadd.s32 $0xFFFFC000  }
0xe2: {  	[tilespmem:s25], [sflag:$0x1] =	stream.indirect.gather [hbm4b:s0+s24], $0x80, s18, s24, $0xb8;
	[tilespmem:$0x1E400] =	vst v63  }
0xe3: {  	_ =	swait.ge [sflag:s30], $0x4000  }
0xe4: {  	[sflag:s30] =	ssyncset.done $0x0  }
0xe5: {  	s16 =	simm.s32 $0x1280;
	[sflag:s30] =	ssyncadd.s32 $0xFFFFC000  }
0xe6: {  	[spmem:s3] =	stream.indirect.scatter.add.f32 [tilespmem:s26], [sflag:$0x4], $0x80, s16, s24, $0xb8;
	[tilespmem:$0x1E400] =	vst v63  }
0xe7: {  	_ =	swait.ge [sflag:s20], $0x4000  }
0xe8: {  	[sflag:s20] =	ssyncset.done $0x0  }
0xe9: {  	s17 =	simm.s32 $0x380;
	[sflag:s20] =	ssyncadd.s32 $0xFFFFC000  }
0xea: {  	[tilespmem:s26], [sflag:$0x2] =	stream.indirect.gather [hbm4b:s0+s24], $0x80, s17, s24, $0xb8;
	[tilespmem:$0x1E400] =	vst v63  }
0xeb: {  	_ =	swait.ge [sflag:s28], $0x4000  }
0xec: {  	[sflag:s28] =	ssyncset.done $0x0  }
0xed: {  	s18 =	simm.s32 $0x1300;
	[sflag:s28] =	ssyncadd.s32 $0xFFFFC000  }
0xee: {  	[spmem:s3] =	stream.indirect.scatter.add.f32 [tilespmem:s25], [sflag:$0x4], $0x80, s18, s24, $0xb8;
	[tilespmem:$0x1E400] =	vst v63  }
0xef: {  	_ =	swait.ge [sflag:s20], $0x4000  }
0xf0: {  	[sflag:s20] =	ssyncset.done $0x0  }
0xf1: {  	s16 =	simm.s32 $0x400;
	[sflag:s20] =	ssyncadd.s32 $0xFFFFC000  }
0xf2: {  	[tilespmem:s25], [sflag:$0x1] =	stream.indirect.gather [hbm4b:s0+s24], $0x80, s16, s24, $0xb8;
	[tilespmem:$0x1E400] =	vst v63  }
0xf3: {  	_ =	swait.ge [sflag:s30], $0x4000  }
0xf4: {  	[sflag:s30] =	ssyncset.done $0x0  }
0xf5: {  	s17 =	simm.s32 $0x1380;
	[sflag:s30] =	ssyncadd.s32 $0xFFFFC000  }
0xf6: {  	[spmem:s3] =	stream.indirect.scatter.add.f32 [tilespmem:s26], [sflag:$0x4], $0x80, s17, s24, $0xb8;
	[tilespmem:$0x1E400] =	vst v63  }
0xf7: {  	_ =	swait.ge [sflag:s20], $0x4000  }
0xf8: {  	[sflag:s20] =	ssyncset.done $0x0  }
0xf9: {  	s18 =	simm.s32 $0x480;
	[sflag:s20] =	ssyncadd.s32 $0xFFFFC000  }
0xfa: {  	[tilespmem:s26], [sflag:$0x2] =	stream.indirect.gather [hbm4b:s0+s24], $0x80, s18, s24, $0xb8;
	[tilespmem:$0x1E400] =	vst v63  }
0xfb: {  	_ =	swait.ge [sflag:s28], $0x4000  }
0xfc: {  	[sflag:s28] =	ssyncset.done $0x0  }
0xfd: {  	s16 =	simm.s32 $0x1400;
	[sflag:s28] =	ssyncadd.s32 $0xFFFFC000  }
0xfe: {  	[spmem:s3] =	stream.indirect.scatter.add.f32 [tilespmem:s25], [sflag:$0x4], $0x80, s16, s24, $0xb8;
	[tilespmem:$0x1E400] =	vst v63  }
0xff: {  	_ =	swait.ge [sflag:s20], $0x4000  }
0x100: {  	[sflag:s20] =	ssyncset.done $0x0  }
0x101: {  	s17 =	simm.s32 $0x500;
	[sflag:s20] =	ssyncadd.s32 $0xFFFFC000  }
0x102: {  	[tilespmem:s25], [sflag:$0x1] =	stream.indirect.gather [hbm4b:s0+s24], $0x80, s17, s24, $0xb8;
	[tilespmem:$0x1E400] =	vst v63  }
0x103: {  	_ =	swait.ge [sflag:s30], $0x4000  }
0x104: {  	[sflag:s30] =	ssyncset.done $0x0  }
0x105: {  	s18 =	simm.s32 $0x1480;
	[sflag:s30] =	ssyncadd.s32 $0xFFFFC000  }
0x106: {  	[spmem:s3] =	stream.indirect.scatter.add.f32 [tilespmem:s26], [sflag:$0x4], $0x80, s18, s24, $0xb8;
	[tilespmem:$0x1E400] =	vst v63  }
0x107: {  	_ =	swait.ge [sflag:s20], $0x4000  }
0x108: {  	[sflag:s20] =	ssyncset.done $0x0  }
0x109: {  	s16 =	simm.s32 $0x580;
	[sflag:s20] =	ssyncadd.s32 $0xFFFFC000  }
0x10a: {  	[tilespmem:s26], [sflag:$0x2] =	stream.indirect.gather [hbm4b:s0+s24], $0x80, s16, s24, $0xb8;
	[tilespmem:$0x1E400] =	vst v63  }
0x10b: {  	_ =	swait.ge [sflag:s28], $0x4000  }
0x10c: {  	[sflag:s28] =	ssyncset.done $0x0  }
0x10d: {  	s17 =	simm.s32 $0x1500;
	[sflag:s28] =	ssyncadd.s32 $0xFFFFC000  }
0x10e: {  	[spmem:s3] =	stream.indirect.scatter.add.f32 [tilespmem:s25], [sflag:$0x4], $0x80, s17, s24, $0xb8;
	[tilespmem:$0x1E400] =	vst v63  }
0x10f: {  	_ =	swait.ge [sflag:s20], $0x4000  }
0x110: {  	[sflag:s20] =	ssyncset.done $0x0  }
0x111: {  	s18 =	simm.s32 $0x600;
	[sflag:s20] =	ssyncadd.s32 $0xFFFFC000  }
0x112: {  	[tilespmem:s25], [sflag:$0x1] =	stream.indirect.gather [hbm4b:s0+s24], $0x80, s18, s24, $0xb8;
	[tilespmem:$0x1E400] =	vst v63  }
0x113: {  	_ =	swait.ge [sflag:s30], $0x4000  }
0x114: {  	[sflag:s30] =	ssyncset.done $0x0  }
0x115: {  	s16 =	simm.s32 $0x1580;
	[sflag:s30] =	ssyncadd.s32 $0xFFFFC000  }
0x116: {  	[spmem:s3] =	stream.indirect.scatter.add.f32 [tilespmem:s26], [sflag:$0x4], $0x80, s16, s24, $0xb8;
	[tilespmem:$0x1E400] =	vst v63  }
0x117: {  	_ =	swait.ge [sflag:s20], $0x4000  }
0x118: {  	[sflag:s20] =	ssyncset.done $0x0  }
0x119: {  	s17 =	simm.s32 $0x680;
	[sflag:s20] =	ssyncadd.s32 $0xFFFFC000  }
0x11a: {  	[tilespmem:s26], [sflag:$0x2] =	stream.indirect.gather [hbm4b:s0+s24], $0x80, s17, s24, $0xb8;
	[tilespmem:$0x1E400] =	vst v63  }
0x11b: {  	_ =	swait.ge [sflag:s28], $0x4000  }
0x11c: {  	[sflag:s28] =	ssyncset.done $0x0  }
0x11d: {  	s18 =	simm.s32 $0x1600;
	[sflag:s28] =	ssyncadd.s32 $0xFFFFC000  }
0x11e: {  	[spmem:s3] =	stream.indirect.scatter.add.f32 [tilespmem:s25], [sflag:$0x4], $0x80, s18, s24, $0xb8;
	[tilespmem:$0x1E400] =	vst v63  }
0x11f: {  	_ =	swait.ge [sflag:s20], $0x4000  }
0x120: {  	[sflag:s20] =	ssyncset.done $0x0  }
0x121: {  	s16 =	simm.s32 $0x700;
	[sflag:s20] =	ssyncadd.s32 $0xFFFFC000  }
0x122: {  	[tilespmem:s25], [sflag:$0x1] =	stream.indirect.gather [hbm4b:s0+s24], $0x80, s16, s24, $0xb8;
	[tilespmem:$0x1E400] =	vst v63  }
0x123: {  	_ =	swait.ge [sflag:s30], $0x4000  }
0x124: {  	[sflag:s30] =	ssyncset.done $0x0  }
0x125: {  	s17 =	simm.s32 $0x1680;
	[sflag:s30] =	ssyncadd.s32 $0xFFFFC000  }
0x126: {  	[spmem:s3] =	stream.indirect.scatter.add.f32 [tilespmem:s26], [sflag:$0x4], $0x80, s17, s24, $0xb8;
	[tilespmem:$0x1E400] =	vst v63  }
0x127: {  	_ =	swait.ge [sflag:s20], $0x4000  }
0x128: {  	[sflag:s20] =	ssyncset.done $0x0  }
0x129: {  	s18 =	simm.s32 $0x780;
	[sflag:s20] =	ssyncadd.s32 $0xFFFFC000  }
0x12a: {  	[tilespmem:s26], [sflag:$0x2] =	stream.indirect.gather [hbm4b:s0+s24], $0x80, s18, s24, $0xb8;
	[tilespmem:$0x1E400] =	vst v63  }
0x12b: {  	_ =	swait.ge [sflag:s28], $0x4000  }
0x12c: {  	[sflag:s28] =	ssyncset.done $0x0  }
0x12d: {  	s16 =	simm.s32 $0x1700;
	[sflag:s28] =	ssyncadd.s32 $0xFFFFC000  }
0x12e: {  	[spmem:s3] =	stream.indirect.scatter.add.f32 [tilespmem:s25], [sflag:$0x4], $0x80, s16, s24, $0xb8;
	[tilespmem:$0x1E400] =	vst v63  }
0x12f: {  	_ =	swait.ge [sflag:s20], $0x4000  }
0x130: {  	[sflag:s20] =	ssyncset.done $0x0  }
0x131: {  	[sflag:s20] =	ssyncadd.s32 $0xFFFFC000  }
0x132: {  	_ =	swait.ge [sflag:s30], $0x4000  }
0x133: {  	[sflag:s30] =	ssyncset.done $0x0  }
0x134: {  	s17 =	simm.s32 $0x1780;
	[sflag:s30] =	ssyncadd.s32 $0xFFFFC000  }
0x135: {  	[spmem:s3] =	stream.indirect.scatter.add.f32 [tilespmem:s26], [sflag:$0x4], $0x80, s17, s24, $0xb8;
	[tilespmem:$0x1E400] =	vst v63  }
0x136: {  	_ =	swait.ge [sflag:s20], $0x4000  }
0x137: {  	[sflag:s20] =	ssyncset.done $0x0  }
0x138: {  	[sflag:s20] =	ssyncadd.s32 $0xFFFFC000  }
0x139: {  	_ =	swait.ge [sflag:s14], $0x800  }
0x13a: {  	[sflag:s14] =	ssyncset.done $0x0  }
0x13b: {  	[sflag:s14] =	ssyncadd.s32 $0xFFFFF800  }
0x13c: {  	_ =	swait.ge [sflag:s14], $0x800  }
0x13d: {  	[sflag:s14] =	ssyncset.done $0x0  }
0x13e: {  	s18 =	rddreg [dreg:$0xa];
	[sflag:s14] =	ssyncadd.s32 $0xFFFFF800  }
0x13f: {  	[tilespmem:s4], [sflag:$0x3] =	stream.linear.gather [hbm4b:s18+s4], $0x800, $0x38;
	[tilespmem:$0x1E400] =	vst v63  }
0x140: {  	s2 =	rddreg [dreg:$0xb]  }
0x141: {  	[tilespmem:s1], [sflag:$0x3] =	stream.linear.gather [hbm4b:s2+s4], $0x800, $0x38;
	[tilespmem:$0x1E400] =	vst v63  }
0x142: {  	_ = 	snop  }
0x143: {  	[tilespmem:s25], [sflag:$0x1] =	stream.indirect.gather [hbm4b:s0+s24], $0x80, s23, s24, $0xb8;
	[tilespmem:$0x1E400] =	vst v63  }
0x144: {  	s2 =	simm.s32 $0x880  }
0x145: {  	[tilespmem:s26], [sflag:$0x2] =	stream.indirect.gather [hbm4b:s0+s24], $0x80, s2, s24, $0xb8;
	[tilespmem:$0x1E400] =	vst v63  }
0x146: {  	_ =	swait.ge [sflag:s28], $0x4000  }
0x147: {  	[sflag:s28] =	ssyncset.done $0x0  }
0x148: {  	[sflag:s28] =	ssyncadd.s32 $0xFFFFC000  }
0x149: {  	[spmem:s3] =	stream.indirect.scatter.add.f32 [tilespmem:s25], [sflag:$0x4], $0x80, s21, s24, $0xb8;
	[tilespmem:$0x1E400] =	vst v63  }
0x14a: {  	_ =	swait.ge [sflag:s20], $0x4000  }
0x14b: {  	[sflag:s20] =	ssyncset.done $0x0  }
0x14c: {  	[sflag:s20] =	ssyncadd.s32 $0xFFFFC000  }
0x14d: {  	[tilespmem:s25], [sflag:$0x1] =	stream.indirect.gather [hbm4b:s0+s24], $0x80, s6, s24, $0xb8;
	[tilespmem:$0x1E400] =	vst v63  }
0x14e: {  	_ =	swait.ge [sflag:s30], $0x4000  }
0x14f: {  	[sflag:s30] =	ssyncset.done $0x0  }
0x150: {  	[sflag:s30] =	ssyncadd.s32 $0xFFFFC000  }
0x151: {  	[spmem:s3] =	stream.indirect.scatter.add.f32 [tilespmem:s26], [sflag:$0x4], $0x80, s7, s24, $0xb8;
	[tilespmem:$0x1E400] =	vst v63  }
0x152: {  	_ =	swait.ge [sflag:s20], $0x4000  }
0x153: {  	[sflag:s20] =	ssyncset.done $0x0  }
0x154: {  	[sflag:s20] =	ssyncadd.s32 $0xFFFFC000  }
0x155: {  	[tilespmem:s26], [sflag:$0x2] =	stream.indirect.gather [hbm4b:s0+s24], $0x80, s8, s24, $0xb8;
	[tilespmem:$0x1E400] =	vst v63  }
0x156: {  	_ =	swait.ge [sflag:s28], $0x4000  }
0x157: {  	[sflag:s28] =	ssyncset.done $0x0  }
0x158: {  	[sflag:s28] =	ssyncadd.s32 $0xFFFFC000  }
0x159: {  	[spmem:s3] =	stream.indirect.scatter.add.f32 [tilespmem:s25], [sflag:$0x4], $0x80, s9, s24, $0xb8;
	[tilespmem:$0x1E400] =	vst v63  }
0x15a: {  	_ =	swait.ge [sflag:s20], $0x4000  }
0x15b: {  	[sflag:s20] =	ssyncset.done $0x0  }
0x15c: {  	[sflag:s20] =	ssyncadd.s32 $0xFFFFC000  }
0x15d: {  	[tilespmem:s25], [sflag:$0x1] =	stream.indirect.gather [hbm4b:s0+s24], $0x80, s10, s24, $0xb8;
	[tilespmem:$0x1E400] =	vst v63  }
0x15e: {  	_ =	swait.ge [sflag:s30], $0x4000  }
0x15f: {  	[sflag:s30] =	ssyncset.done $0x0  }
0x160: {  	[sflag:s30] =	ssyncadd.s32 $0xFFFFC000  }
0x161: {  	[spmem:s3] =	stream.indirect.scatter.add.f32 [tilespmem:s26], [sflag:$0x4], $0x80, s11, s24, $0xb8;
	[tilespmem:$0x1E400] =	vst v63  }
0x162: {  	_ =	swait.ge [sflag:s20], $0x4000  }
0x163: {  	[sflag:s20] =	ssyncset.done $0x0  }
0x164: {  	[sflag:s20] =	ssyncadd.s32 $0xFFFFC000  }
0x165: {  	[tilespmem:s26], [sflag:$0x2] =	stream.indirect.gather [hbm4b:s0+s24], $0x80, s12, s24, $0xb8;
	[tilespmem:$0x1E400] =	vst v63  }
0x166: {  	_ =	swait.ge [sflag:s28], $0x4000  }
0x167: {  	[sflag:s28] =	ssyncset.done $0x0  }
0x168: {  	[sflag:s28] =	ssyncadd.s32 $0xFFFFC000  }
0x169: {  	[spmem:s3] =	stream.indirect.scatter.add.f32 [tilespmem:s25], [sflag:$0x4], $0x80, s13, s24, $0xb8;
	[tilespmem:$0x1E400] =	vst v63  }
0x16a: {  	_ =	swait.ge [sflag:s20], $0x4000  }
0x16b: {  	[sflag:s20] =	ssyncset.done $0x0  }
0x16c: {  	s17 =	simm.s32 $0xB00;
	[sflag:s20] =	ssyncadd.s32 $0xFFFFC000  }
0x16d: {  	[tilespmem:s25], [sflag:$0x1] =	stream.indirect.gather [hbm4b:s0+s24], $0x80, s17, s24, $0xb8;
	[tilespmem:$0x1E400] =	vst v63  }
0x16e: {  	_ =	swait.ge [sflag:s30], $0x4000  }
0x16f: {  	[sflag:s30] =	ssyncset.done $0x0  }
0x170: {  	s18 =	simm.s32 $0x1A80;
	[sflag:s30] =	ssyncadd.s32 $0xFFFFC000  }
0x171: {  	[spmem:s3] =	stream.indirect.scatter.add.f32 [tilespmem:s26], [sflag:$0x4], $0x80, s18, s24, $0xb8;
	[tilespmem:$0x1E400] =	vst v63  }
0x172: {  	_ =	swait.ge [sflag:s20], $0x4000  }
0x173: {  	[sflag:s20] =	ssyncset.done $0x0  }
0x174: {  	[sflag:s20] =	ssyncadd.s32 $0xFFFFC000  }
0x175: {  	[tilespmem:s26], [sflag:$0x2] =	stream.indirect.gather [hbm4b:s0+s24], $0x80, s22, s24, $0xb8;
	[tilespmem:$0x1E400] =	vst v63  }
0x176: {  	_ =	swait.ge [sflag:s28], $0x4000  }
0x177: {  	[sflag:s28] =	ssyncset.done $0x0  }
0x178: {  	[sflag:s28] =	ssyncadd.s32 $0xFFFFC000  }
0x179: {  	[spmem:s3] =	stream.indirect.scatter.add.f32 [tilespmem:s25], [sflag:$0x4], $0x80, s29, s24, $0xb8;
	[tilespmem:$0x1E400] =	vst v63  }
0x17a: {  	_ =	swait.ge [sflag:s20], $0x4000  }
0x17b: {  	[sflag:s20] =	ssyncset.done $0x0  }
0x17c: {  	[sflag:s20] =	ssyncadd.s32 $0xFFFFC000  }
0x17d: {  	[tilespmem:s25], [sflag:$0x1] =	stream.indirect.gather [hbm4b:s0+s24], $0x80, s31, s24, $0xb8;
	[tilespmem:$0x1E400] =	vst v63  }
0x17e: {  	_ =	swait.ge [sflag:s30], $0x4000  }
0x17f: {  	[sflag:s30] =	ssyncset.done $0x0  }
0x180: {  	s16 =	simm.s32 $0x1B80;
	[sflag:s30] =	ssyncadd.s32 $0xFFFFC000  }
0x181: {  	[spmem:s3] =	stream.indirect.scatter.add.f32 [tilespmem:s26], [sflag:$0x4], $0x80, s16, s24, $0xb8;
	[tilespmem:$0x1E400] =	vst v63  }
0x182: {  	_ =	swait.ge [sflag:s20], $0x4000  }
0x183: {  	[sflag:s20] =	ssyncset.done $0x0  }
0x184: {  	s16 =	simm.s32 $0xC80;
	[sflag:s20] =	ssyncadd.s32 $0xFFFFC000  }
0x185: {  	[tilespmem:s26], [sflag:$0x2] =	stream.indirect.gather [hbm4b:s0+s24], $0x80, s16, s24, $0xb8;
	[tilespmem:$0x1E400] =	vst v63  }
0x186: {  	_ =	swait.ge [sflag:s28], $0x4000  }
0x187: {  	[sflag:s28] =	ssyncset.done $0x0  }
0x188: {  	s16 =	simm.s32 $0x1C00;
	[sflag:s28] =	ssyncadd.s32 $0xFFFFC000  }
0x189: {  	[spmem:s3] =	stream.indirect.scatter.add.f32 [tilespmem:s25], [sflag:$0x4], $0x80, s16, s24, $0xb8;
	[tilespmem:$0x1E400] =	vst v63  }
0x18a: {  	_ =	swait.ge [sflag:s20], $0x4000  }
0x18b: {  	[sflag:s20] =	ssyncset.done $0x0  }
0x18c: {  	s16 =	simm.s32 $0xD00;
	[sflag:s20] =	ssyncadd.s32 $0xFFFFC000  }
0x18d: {  	[tilespmem:s25], [sflag:$0x1] =	stream.indirect.gather [hbm4b:s0+s24], $0x80, s16, s24, $0xb8;
	[tilespmem:$0x1E400] =	vst v63  }
0x18e: {  	_ =	swait.ge [sflag:s30], $0x4000  }
0x18f: {  	[sflag:s30] =	ssyncset.done $0x0  }
0x190: {  	s16 =	simm.s32 $0x1C80;
	[sflag:s30] =	ssyncadd.s32 $0xFFFFC000  }
0x191: {  	[spmem:s3] =	stream.indirect.scatter.add.f32 [tilespmem:s26], [sflag:$0x4], $0x80, s16, s24, $0xb8;
	[tilespmem:$0x1E400] =	vst v63  }
0x192: {  	_ =	swait.ge [sflag:s20], $0x4000  }
0x193: {  	[sflag:s20] =	ssyncset.done $0x0  }
0x194: {  	s16 =	simm.s32 $0xD80;
	[sflag:s20] =	ssyncadd.s32 $0xFFFFC000  }
0x195: {  	[tilespmem:s26], [sflag:$0x2] =	stream.indirect.gather [hbm4b:s0+s24], $0x80, s16, s24, $0xb8;
	[tilespmem:$0x1E400] =	vst v63  }
0x196: {  	_ =	swait.ge [sflag:s28], $0x4000  }
0x197: {  	[sflag:s28] =	ssyncset.done $0x0  }
0x198: {  	s16 =	simm.s32 $0x1D00;
	[sflag:s28] =	ssyncadd.s32 $0xFFFFC000  }
0x199: {  	[spmem:s3] =	stream.indirect.scatter.add.f32 [tilespmem:s25], [sflag:$0x4], $0x80, s16, s24, $0xb8;
	[tilespmem:$0x1E400] =	vst v63  }
0x19a: {  	_ =	swait.ge [sflag:s20], $0x4000  }
0x19b: {  	[sflag:s20] =	ssyncset.done $0x0  }
0x19c: {  	s16 =	simm.s32 $0xE00;
	[sflag:s20] =	ssyncadd.s32 $0xFFFFC000  }
0x19d: {  	[tilespmem:s25], [sflag:$0x1] =	stream.indirect.gather [hbm4b:s0+s24], $0x80, s16, s24, $0xb8;
	[tilespmem:$0x1E400] =	vst v63  }
0x19e: {  	_ =	swait.ge [sflag:s30], $0x4000  }
0x19f: {  	[sflag:s30] =	ssyncset.done $0x0  }
0x1a0: {  	s16 =	simm.s32 $0x1D80;
	[sflag:s30] =	ssyncadd.s32 $0xFFFFC000  }
0x1a1: {  	[spmem:s3] =	stream.indirect.scatter.add.f32 [tilespmem:s26], [sflag:$0x4], $0x80, s16, s24, $0xb8;
	[tilespmem:$0x1E400] =	vst v63  }
0x1a2: {  	_ =	swait.ge [sflag:s20], $0x4000  }
0x1a3: {  	[sflag:s20] =	ssyncset.done $0x0  }
0x1a4: {  	s16 =	simm.s32 $0xE80;
	[sflag:s20] =	ssyncadd.s32 $0xFFFFC000  }
0x1a5: {  	[tilespmem:s26], [sflag:$0x2] =	stream.indirect.gather [hbm4b:s0+s24], $0x80, s16, s24, $0xb8;
	[tilespmem:$0x1E400] =	vst v63  }
0x1a6: {  	_ =	swait.ge [sflag:s28], $0x4000  }
0x1a7: {  	[sflag:s28] =	ssyncset.done $0x0  }
0x1a8: {  	s16 =	simm.s32 $0x1E00;
	[sflag:s28] =	ssyncadd.s32 $0xFFFFC000  }
0x1a9: {  	[spmem:s3] =	stream.indirect.scatter.add.f32 [tilespmem:s25], [sflag:$0x4], $0x80, s16, s24, $0xb8;
	[tilespmem:$0x1E400] =	vst v63  }
0x1aa: {  	_ =	swait.ge [sflag:s20], $0x4000  }
0x1ab: {  	[sflag:s20] =	ssyncset.done $0x0  }
0x1ac: {  	s16 =	simm.s32 $0xF00;
	[sflag:s20] =	ssyncadd.s32 $0xFFFFC000  }
0x1ad: {  	[tilespmem:s25], [sflag:$0x1] =	stream.indirect.gather [hbm4b:s0+s24], $0x80, s16, s24, $0xb8;
	[tilespmem:$0x1E400] =	vst v63  }
0x1ae: {  	_ =	swait.ge [sflag:s30], $0x4000  }
0x1af: {  	[sflag:s30] =	ssyncset.done $0x0  }
0x1b0: {  	s16 =	simm.s32 $0x1E80;
	[sflag:s30] =	ssyncadd.s32 $0xFFFFC000  }
0x1b1: {  	[spmem:s3] =	stream.indirect.scatter.add.f32 [tilespmem:s26], [sflag:$0x4], $0x80, s16, s24, $0xb8;
	[tilespmem:$0x1E400] =	vst v63  }
0x1b2: {  	_ =	swait.ge [sflag:s20], $0x4000  }
0x1b3: {  	[sflag:s20] =	ssyncset.done $0x0  }
0x1b4: {  	s16 =	simm.s32 $0xF80;
	[sflag:s20] =	ssyncadd.s32 $0xFFFFC000  }
0x1b5: {  	[tilespmem:s26], [sflag:$0x2] =	stream.indirect.gather [hbm4b:s0+s24], $0x80, s16, s24, $0xb8;
	[tilespmem:$0x1E400] =	vst v63  }
0x1b6: {  	_ =	swait.ge [sflag:s28], $0x4000  }
0x1b7: {  	[sflag:s28] =	ssyncset.done $0x0  }
0x1b8: {  	s16 =	simm.s32 $0x1F00;
	[sflag:s28] =	ssyncadd.s32 $0xFFFFC000  }
0x1b9: {  	[spmem:s3] =	stream.indirect.scatter.add.f32 [tilespmem:s25], [sflag:$0x4], $0x80, s16, s24, $0xb8;
	[tilespmem:$0x1E400] =	vst v63  }
0x1ba: {  	_ =	swait.ge [sflag:s20], $0x4000  }
0x1bb: {  	[sflag:s20] =	ssyncset.done $0x0  }
0x1bc: {  	[sflag:s20] =	ssyncadd.s32 $0xFFFFC000  }
0x1bd: {  	_ =	swait.ge [sflag:s30], $0x4000  }
0x1be: {  	[sflag:s30] =	ssyncset.done $0x0  }
0x1bf: {  	s16 =	simm.s32 $0x1F80;
	[sflag:s30] =	ssyncadd.s32 $0xFFFFC000  }
0x1c0: {  	[spmem:s3] =	stream.indirect.scatter.add.f32 [tilespmem:s26], [sflag:$0x4], $0x80, s16, s24, $0xb8;
	[tilespmem:$0x1E400] =	vst v63  }
0x1c1: {  	_ =	swait.ge [sflag:s20], $0x4000  }
0x1c2: {  	[sflag:s20] =	ssyncset.done $0x0  }
0x1c3: {  	[sflag:s20] =	ssyncadd.s32 $0xFFFFC000  }
0x1c4: {  	_ =	swait.ge [sflag:s14], $0x800  }
0x1c5: {  	[sflag:s14] =	ssyncset.done $0x0  }
0x1c6: {  	[sflag:s14] =	ssyncadd.s32 $0xFFFFF800  }
0x1c7: {  	_ =	swait.ge [sflag:s14], $0x800  }
0x1c8: {  	[sflag:s14] =	ssyncset.done $0x0  }
0x1c9: {  	s16 =	rddreg [dreg:$0xc];
	[sflag:s14] =	ssyncadd.s32 $0xFFFFF800  }
0x1ca: {  	[tilespmem:s23], [sflag:$0x3] =	stream.linear.gather [hbm4b:s16+s4], $0x800, $0x38;
	[tilespmem:$0x1E400] =	vst v63  }
0x1cb: {  	s16 =	rddreg [dreg:$0xd]  }
0x1cc: {  	[tilespmem:s21], [sflag:$0x3] =	stream.linear.gather [hbm4b:s16+s4], $0x800, $0x38;
	[tilespmem:$0x1E400] =	vst v63  }
0x1cd: {  	_ = 	snop  }
0x1ce: {  	[tilespmem:s25], [sflag:$0x1] =	stream.indirect.gather [hbm4b:s0+s24], $0x80, s4, s24, $0xb8;
	[tilespmem:$0x1E400] =	vst v63  }
0x1cf: {  	_ = 	snop  }
0x1d0: {  	[tilespmem:s26], [sflag:$0x2] =	stream.indirect.gather [hbm4b:s0+s24], $0x80, s24, s24, $0xb8;
	[tilespmem:$0x1E400] =	vst v63  }
0x1d1: {  	_ =	swait.ge [sflag:s28], $0x4000  }
0x1d2: {  	[sflag:s28] =	ssyncset.done $0x0  }
0x1d3: {  	[sflag:s28] =	ssyncadd.s32 $0xFFFFC000  }
0x1d4: {  	[spmem:s3] =	stream.indirect.scatter.add.f32 [tilespmem:s25], [sflag:$0x4], $0x80, s1, s24, $0xb8;
	[tilespmem:$0x1E400] =	vst v63  }
0x1d5: {  	_ =	swait.ge [sflag:s20], $0x4000  }
0x1d6: {  	[sflag:s20] =	ssyncset.done $0x0  }
0x1d7: {  	s16 =	simm.s32 $0x100;
	[sflag:s20] =	ssyncadd.s32 $0xFFFFC000  }
0x1d8: {  	[tilespmem:s25], [sflag:$0x1] =	stream.indirect.gather [hbm4b:s0+s24], $0x80, s16, s24, $0xb8;
	[tilespmem:$0x1E400] =	vst v63  }
0x1d9: {  	_ =	swait.ge [sflag:s30], $0x4000  }
0x1da: {  	[sflag:s30] =	ssyncset.done $0x0  }
0x1db: {  	s16 =	simm.s32 $0x1080;
	[sflag:s30] =	ssyncadd.s32 $0xFFFFC000  }
0x1dc: {  	[spmem:s3] =	stream.indirect.scatter.add.f32 [tilespmem:s26], [sflag:$0x4], $0x80, s16, s24, $0xb8;
	[tilespmem:$0x1E400] =	vst v63  }
0x1dd: {  	_ =	swait.ge [sflag:s20], $0x4000  }
0x1de: {  	[sflag:s20] =	ssyncset.done $0x0  }
0x1df: {  	s16 =	simm.s32 $0x180;
	[sflag:s20] =	ssyncadd.s32 $0xFFFFC000  }
0x1e0: {  	[tilespmem:s26], [sflag:$0x2] =	stream.indirect.gather [hbm4b:s0+s24], $0x80, s16, s24, $0xb8;
	[tilespmem:$0x1E400] =	vst v63  }
0x1e1: {  	_ =	swait.ge [sflag:s28], $0x4000  }
0x1e2: {  	[sflag:s28] =	ssyncset.done $0x0  }
0x1e3: {  	s16 =	simm.s32 $0x1100;
	[sflag:s28] =	ssyncadd.s32 $0xFFFFC000  }
0x1e4: {  	[spmem:s3] =	stream.indirect.scatter.add.f32 [tilespmem:s25], [sflag:$0x4], $0x80, s16, s24, $0xb8;
	[tilespmem:$0x1E400] =	vst v63  }
0x1e5: {  	_ =	swait.ge [sflag:s20], $0x4000  }
0x1e6: {  	[sflag:s20] =	ssyncset.done $0x0  }
0x1e7: {  	s16 =	simm.s32 $0x200;
	[sflag:s20] =	ssyncadd.s32 $0xFFFFC000  }
0x1e8: {  	[tilespmem:s25], [sflag:$0x1] =	stream.indirect.gather [hbm4b:s0+s24], $0x80, s16, s24, $0xb8;
	[tilespmem:$0x1E400] =	vst v63  }
0x1e9: {  	_ =	swait.ge [sflag:s30], $0x4000  }
0x1ea: {  	[sflag:s30] =	ssyncset.done $0x0  }
0x1eb: {  	s16 =	simm.s32 $0x1180;
	[sflag:s30] =	ssyncadd.s32 $0xFFFFC000  }
0x1ec: {  	[spmem:s3] =	stream.indirect.scatter.add.f32 [tilespmem:s26], [sflag:$0x4], $0x80, s16, s24, $0xb8;
	[tilespmem:$0x1E400] =	vst v63  }
0x1ed: {  	_ =	swait.ge [sflag:s20], $0x4000  }
0x1ee: {  	[sflag:s20] =	ssyncset.done $0x0  }
0x1ef: {  	s16 =	simm.s32 $0x280;
	[sflag:s20] =	ssyncadd.s32 $0xFFFFC000  }
0x1f0: {  	[tilespmem:s26], [sflag:$0x2] =	stream.indirect.gather [hbm4b:s0+s24], $0x80, s16, s24, $0xb8;
	[tilespmem:$0x1E400] =	vst v63  }
0x1f1: {  	_ =	swait.ge [sflag:s28], $0x4000  }
0x1f2: {  	[sflag:s28] =	ssyncset.done $0x0  }
0x1f3: {  	s16 =	simm.s32 $0x1200;
	[sflag:s28] =	ssyncadd.s32 $0xFFFFC000  }
0x1f4: {  	[spmem:s3] =	stream.indirect.scatter.add.f32 [tilespmem:s25], [sflag:$0x4], $0x80, s16, s24, $0xb8;
	[tilespmem:$0x1E400] =	vst v63  }
0x1f5: {  	_ =	swait.ge [sflag:s20], $0x4000  }
0x1f6: {  	[sflag:s20] =	ssyncset.done $0x0  }
0x1f7: {  	s16 =	simm.s32 $0x300;
	[sflag:s20] =	ssyncadd.s32 $0xFFFFC000  }
0x1f8: {  	[tilespmem:s25], [sflag:$0x1] =	stream.indirect.gather [hbm4b:s0+s24], $0x80, s16, s24, $0xb8;
	[tilespmem:$0x1E400] =	vst v63  }
0x1f9: {  	_ =	swait.ge [sflag:s30], $0x4000  }
0x1fa: {  	[sflag:s30] =	ssyncset.done $0x0  }
0x1fb: {  	s16 =	simm.s32 $0x1280;
	[sflag:s30] =	ssyncadd.s32 $0xFFFFC000  }
0x1fc: {  	[spmem:s3] =	stream.indirect.scatter.add.f32 [tilespmem:s26], [sflag:$0x4], $0x80, s16, s24, $0xb8;
	[tilespmem:$0x1E400] =	vst v63  }
0x1fd: {  	_ =	swait.ge [sflag:s20], $0x4000  }
0x1fe: {  	[sflag:s20] =	ssyncset.done $0x0  }
0x1ff: {  	s16 =	simm.s32 $0x380;
	[sflag:s20] =	ssyncadd.s32 $0xFFFFC000  }
0x200: {  	[tilespmem:s26], [sflag:$0x2] =	stream.indirect.gather [hbm4b:s0+s24], $0x80, s16, s24, $0xb8;
	[tilespmem:$0x1E400] =	vst v63  }
0x201: {  	_ =	swait.ge [sflag:s28], $0x4000  }
0x202: {  	[sflag:s28] =	ssyncset.done $0x0  }
0x203: {  	s16 =	simm.s32 $0x1300;
	[sflag:s28] =	ssyncadd.s32 $0xFFFFC000  }
0x204: {  	[spmem:s3] =	stream.indirect.scatter.add.f32 [tilespmem:s25], [sflag:$0x4], $0x80, s16, s24, $0xb8;
	[tilespmem:$0x1E400] =	vst v63  }
0x205: {  	_ =	swait.ge [sflag:s20], $0x4000  }
0x206: {  	[sflag:s20] =	ssyncset.done $0x0  }
0x207: {  	s16 =	simm.s32 $0x400;
	[sflag:s20] =	ssyncadd.s32 $0xFFFFC000  }
0x208: {  	[tilespmem:s25], [sflag:$0x1] =	stream.indirect.gather [hbm4b:s0+s24], $0x80, s16, s24, $0xb8;
	[tilespmem:$0x1E400] =	vst v63  }
0x209: {  	_ =	swait.ge [sflag:s30], $0x4000  }
0x20a: {  	[sflag:s30] =	ssyncset.done $0x0  }
0x20b: {  	s16 =	simm.s32 $0x1380;
	[sflag:s30] =	ssyncadd.s32 $0xFFFFC000  }
0x20c: {  	[spmem:s3] =	stream.indirect.scatter.add.f32 [tilespmem:s26], [sflag:$0x4], $0x80, s16, s24, $0xb8;
	[tilespmem:$0x1E400] =	vst v63  }
0x20d: {  	_ =	swait.ge [sflag:s20], $0x4000  }
0x20e: {  	[sflag:s20] =	ssyncset.done $0x0  }
0x20f: {  	s16 =	simm.s32 $0x480;
	[sflag:s20] =	ssyncadd.s32 $0xFFFFC000  }
0x210: {  	[tilespmem:s26], [sflag:$0x2] =	stream.indirect.gather [hbm4b:s0+s24], $0x80, s16, s24, $0xb8;
	[tilespmem:$0x1E400] =	vst v63  }
0x211: {  	_ =	swait.ge [sflag:s28], $0x4000  }
0x212: {  	[sflag:s28] =	ssyncset.done $0x0  }
0x213: {  	s16 =	simm.s32 $0x1400;
	[sflag:s28] =	ssyncadd.s32 $0xFFFFC000  }
0x214: {  	[spmem:s3] =	stream.indirect.scatter.add.f32 [tilespmem:s25], [sflag:$0x4], $0x80, s16, s24, $0xb8;
	[tilespmem:$0x1E400] =	vst v63  }
0x215: {  	_ =	swait.ge [sflag:s20], $0x4000  }
0x216: {  	[sflag:s20] =	ssyncset.done $0x0  }
0x217: {  	s16 =	simm.s32 $0x500;
	[sflag:s20] =	ssyncadd.s32 $0xFFFFC000  }
0x218: {  	[tilespmem:s25], [sflag:$0x1] =	stream.indirect.gather [hbm4b:s0+s24], $0x80, s16, s24, $0xb8;
	[tilespmem:$0x1E400] =	vst v63  }
0x219: {  	_ =	swait.ge [sflag:s30], $0x4000  }
0x21a: {  	[sflag:s30] =	ssyncset.done $0x0  }
0x21b: {  	s16 =	simm.s32 $0x1480;
	[sflag:s30] =	ssyncadd.s32 $0xFFFFC000  }
0x21c: {  	[spmem:s3] =	stream.indirect.scatter.add.f32 [tilespmem:s26], [sflag:$0x4], $0x80, s16, s24, $0xb8;
	[tilespmem:$0x1E400] =	vst v63  }
0x21d: {  	_ =	swait.ge [sflag:s20], $0x4000  }
0x21e: {  	[sflag:s20] =	ssyncset.done $0x0  }
0x21f: {  	s16 =	simm.s32 $0x580;
	[sflag:s20] =	ssyncadd.s32 $0xFFFFC000  }
0x220: {  	[tilespmem:s26], [sflag:$0x2] =	stream.indirect.gather [hbm4b:s0+s24], $0x80, s16, s24, $0xb8;
	[tilespmem:$0x1E400] =	vst v63  }
0x221: {  	_ =	swait.ge [sflag:s28], $0x4000  }
0x222: {  	[sflag:s28] =	ssyncset.done $0x0  }
0x223: {  	s16 =	simm.s32 $0x1500;
	[sflag:s28] =	ssyncadd.s32 $0xFFFFC000  }
0x224: {  	[spmem:s3] =	stream.indirect.scatter.add.f32 [tilespmem:s25], [sflag:$0x4], $0x80, s16, s24, $0xb8;
	[tilespmem:$0x1E400] =	vst v63  }
0x225: {  	_ =	swait.ge [sflag:s20], $0x4000  }
0x226: {  	[sflag:s20] =	ssyncset.done $0x0  }
0x227: {  	s16 =	simm.s32 $0x600;
	[sflag:s20] =	ssyncadd.s32 $0xFFFFC000  }
0x228: {  	[tilespmem:s25], [sflag:$0x1] =	stream.indirect.gather [hbm4b:s0+s24], $0x80, s16, s24, $0xb8;
	[tilespmem:$0x1E400] =	vst v63  }
0x229: {  	_ =	swait.ge [sflag:s30], $0x4000  }
0x22a: {  	[sflag:s30] =	ssyncset.done $0x0  }
0x22b: {  	s16 =	simm.s32 $0x1580;
	[sflag:s30] =	ssyncadd.s32 $0xFFFFC000  }
0x22c: {  	[spmem:s3] =	stream.indirect.scatter.add.f32 [tilespmem:s26], [sflag:$0x4], $0x80, s16, s24, $0xb8;
	[tilespmem:$0x1E400] =	vst v63  }
0x22d: {  	_ =	swait.ge [sflag:s20], $0x4000  }
0x22e: {  	[sflag:s20] =	ssyncset.done $0x0  }
0x22f: {  	s16 =	simm.s32 $0x680;
	[sflag:s20] =	ssyncadd.s32 $0xFFFFC000  }
0x230: {  	[tilespmem:s26], [sflag:$0x2] =	stream.indirect.gather [hbm4b:s0+s24], $0x80, s16, s24, $0xb8;
	[tilespmem:$0x1E400] =	vst v63  }
0x231: {  	_ =	swait.ge [sflag:s28], $0x4000  }
0x232: {  	[sflag:s28] =	ssyncset.done $0x0  }
0x233: {  	s16 =	simm.s32 $0x1600;
	[sflag:s28] =	ssyncadd.s32 $0xFFFFC000  }
0x234: {  	[spmem:s3] =	stream.indirect.scatter.add.f32 [tilespmem:s25], [sflag:$0x4], $0x80, s16, s24, $0xb8;
	[tilespmem:$0x1E400] =	vst v63  }
0x235: {  	_ =	swait.ge [sflag:s20], $0x4000  }
0x236: {  	[sflag:s20] =	ssyncset.done $0x0  }
0x237: {  	s16 =	simm.s32 $0x700;
	[sflag:s20] =	ssyncadd.s32 $0xFFFFC000  }
0x238: {  	[tilespmem:s25], [sflag:$0x1] =	stream.indirect.gather [hbm4b:s0+s24], $0x80, s16, s24, $0xb8;
	[tilespmem:$0x1E400] =	vst v63  }
0x239: {  	_ =	swait.ge [sflag:s30], $0x4000  }
0x23a: {  	[sflag:s30] =	ssyncset.done $0x0  }
0x23b: {  	s16 =	simm.s32 $0x1680;
	[sflag:s30] =	ssyncadd.s32 $0xFFFFC000  }
0x23c: {  	[spmem:s3] =	stream.indirect.scatter.add.f32 [tilespmem:s26], [sflag:$0x4], $0x80, s16, s24, $0xb8;
	[tilespmem:$0x1E400] =	vst v63  }
0x23d: {  	_ =	swait.ge [sflag:s20], $0x4000  }
0x23e: {  	[sflag:s20] =	ssyncset.done $0x0  }
0x23f: {  	s16 =	simm.s32 $0x780;
	[sflag:s20] =	ssyncadd.s32 $0xFFFFC000  }
0x240: {  	[tilespmem:s26], [sflag:$0x2] =	stream.indirect.gather [hbm4b:s0+s24], $0x80, s16, s24, $0xb8;
	[tilespmem:$0x1E400] =	vst v63  }
0x241: {  	_ =	swait.ge [sflag:s28], $0x4000  }
0x242: {  	[sflag:s28] =	ssyncset.done $0x0  }
0x243: {  	s16 =	simm.s32 $0x1700;
	[sflag:s28] =	ssyncadd.s32 $0xFFFFC000  }
0x244: {  	[spmem:s3] =	stream.indirect.scatter.add.f32 [tilespmem:s25], [sflag:$0x4], $0x80, s16, s24, $0xb8;
	[tilespmem:$0x1E400] =	vst v63  }
0x245: {  	_ =	swait.ge [sflag:s20], $0x4000  }
0x246: {  	[sflag:s20] =	ssyncset.done $0x0  }
0x247: {  	[sflag:s20] =	ssyncadd.s32 $0xFFFFC000  }
0x248: {  	_ =	swait.ge [sflag:s30], $0x4000  }
0x249: {  	[sflag:s30] =	ssyncset.done $0x0  }
0x24a: {  	s16 =	simm.s32 $0x1780;
	[sflag:s30] =	ssyncadd.s32 $0xFFFFC000  }
0x24b: {  	[spmem:s3] =	stream.indirect.scatter.add.f32 [tilespmem:s26], [sflag:$0x4], $0x80, s16, s24, $0xb8;
	[tilespmem:$0x1E400] =	vst v63  }
0x24c: {  	_ =	swait.ge [sflag:s20], $0x4000  }
0x24d: {  	[sflag:s20] =	ssyncset.done $0x0  }
0x24e: {  	[sflag:s20] =	ssyncadd.s32 $0xFFFFC000  }
0x24f: {  	_ =	swait.ge [sflag:s14], $0x800  }
0x250: {  	[sflag:s14] =	ssyncset.done $0x0  }
0x251: {  	[sflag:s14] =	ssyncadd.s32 $0xFFFFF800  }
0x252: {  	_ =	swait.ge [sflag:s14], $0x800  }
0x253: {  	[sflag:s14] =	ssyncset.done $0x0  }
0x254: {  	s16 =	rddreg [dreg:$0xe];
	[sflag:s14] =	ssyncadd.s32 $0xFFFFF800  }
0x255: {  	[tilespmem:s4], [sflag:$0x3] =	stream.linear.gather [hbm4b:s16+s4], $0x800, $0x38;
	[tilespmem:$0x1E400] =	vst v63  }
0x256: {  	s16 =	rddreg [dreg:$0xf]  }
0x257: {  	[tilespmem:s1], [sflag:$0x3] =	stream.linear.gather [hbm4b:s16+s4], $0x800, $0x38;
	[tilespmem:$0x1E400] =	vst v63  }
0x258: {  	_ = 	snop  }
0x259: {  	[tilespmem:s25], [sflag:$0x1] =	stream.indirect.gather [hbm4b:s0+s24], $0x80, s23, s24, $0xb8;
	[tilespmem:$0x1E400] =	vst v63  }
0x25a: {  	_ = 	snop  }
0x25b: {  	[tilespmem:s26], [sflag:$0x2] =	stream.indirect.gather [hbm4b:s0+s24], $0x80, s2, s24, $0xb8;
	[tilespmem:$0x1E400] =	vst v63  }
0x25c: {  	_ =	swait.ge [sflag:s28], $0x4000  }
0x25d: {  	[sflag:s28] =	ssyncset.done $0x0  }
0x25e: {  	[sflag:s28] =	ssyncadd.s32 $0xFFFFC000  }
0x25f: {  	[spmem:s3] =	stream.indirect.scatter.add.f32 [tilespmem:s25], [sflag:$0x4], $0x80, s21, s24, $0xb8;
	[tilespmem:$0x1E400] =	vst v63  }
0x260: {  	_ =	swait.ge [sflag:s20], $0x4000  }
0x261: {  	[sflag:s20] =	ssyncset.done $0x0  }
0x262: {  	[sflag:s20] =	ssyncadd.s32 $0xFFFFC000  }
0x263: {  	[tilespmem:s25], [sflag:$0x1] =	stream.indirect.gather [hbm4b:s0+s24], $0x80, s6, s24, $0xb8;
	[tilespmem:$0x1E400] =	vst v63  }
0x264: {  	_ =	swait.ge [sflag:s30], $0x4000  }
0x265: {  	[sflag:s30] =	ssyncset.done $0x0  }
0x266: {  	[sflag:s30] =	ssyncadd.s32 $0xFFFFC000  }
0x267: {  	[spmem:s3] =	stream.indirect.scatter.add.f32 [tilespmem:s26], [sflag:$0x4], $0x80, s7, s24, $0xb8;
	[tilespmem:$0x1E400] =	vst v63  }
0x268: {  	_ =	swait.ge [sflag:s20], $0x4000  }
0x269: {  	[sflag:s20] =	ssyncset.done $0x0  }
0x26a: {  	[sflag:s20] =	ssyncadd.s32 $0xFFFFC000  }
0x26b: {  	[tilespmem:s26], [sflag:$0x2] =	stream.indirect.gather [hbm4b:s0+s24], $0x80, s8, s24, $0xb8;
	[tilespmem:$0x1E400] =	vst v63  }
0x26c: {  	_ =	swait.ge [sflag:s28], $0x4000  }
0x26d: {  	[sflag:s28] =	ssyncset.done $0x0  }
0x26e: {  	[sflag:s28] =	ssyncadd.s32 $0xFFFFC000  }
0x26f: {  	[spmem:s3] =	stream.indirect.scatter.add.f32 [tilespmem:s25], [sflag:$0x4], $0x80, s9, s24, $0xb8;
	[tilespmem:$0x1E400] =	vst v63  }
0x270: {  	_ =	swait.ge [sflag:s20], $0x4000  }
0x271: {  	[sflag:s20] =	ssyncset.done $0x0  }
0x272: {  	[sflag:s20] =	ssyncadd.s32 $0xFFFFC000  }
0x273: {  	[tilespmem:s25], [sflag:$0x1] =	stream.indirect.gather [hbm4b:s0+s24], $0x80, s10, s24, $0xb8;
	[tilespmem:$0x1E400] =	vst v63  }
0x274: {  	_ =	swait.ge [sflag:s30], $0x4000  }
0x275: {  	[sflag:s30] =	ssyncset.done $0x0  }
0x276: {  	[sflag:s30] =	ssyncadd.s32 $0xFFFFC000  }
0x277: {  	[spmem:s3] =	stream.indirect.scatter.add.f32 [tilespmem:s26], [sflag:$0x4], $0x80, s11, s24, $0xb8;
	[tilespmem:$0x1E400] =	vst v63  }
0x278: {  	_ =	swait.ge [sflag:s20], $0x4000  }
0x279: {  	[sflag:s20] =	ssyncset.done $0x0  }
0x27a: {  	[sflag:s20] =	ssyncadd.s32 $0xFFFFC000  }
0x27b: {  	[tilespmem:s26], [sflag:$0x2] =	stream.indirect.gather [hbm4b:s0+s24], $0x80, s12, s24, $0xb8;
	[tilespmem:$0x1E400] =	vst v63  }
0x27c: {  	_ =	swait.ge [sflag:s28], $0x4000  }
0x27d: {  	[sflag:s28] =	ssyncset.done $0x0  }
0x27e: {  	[sflag:s28] =	ssyncadd.s32 $0xFFFFC000  }
0x27f: {  	[spmem:s3] =	stream.indirect.scatter.add.f32 [tilespmem:s25], [sflag:$0x4], $0x80, s13, s24, $0xb8;
	[tilespmem:$0x1E400] =	vst v63  }
0x280: {  	_ =	swait.ge [sflag:s20], $0x4000  }
0x281: {  	[sflag:s20] =	ssyncset.done $0x0  }
0x282: {  	[sflag:s20] =	ssyncadd.s32 $0xFFFFC000  }
0x283: {  	[tilespmem:s25], [sflag:$0x1] =	stream.indirect.gather [hbm4b:s0+s24], $0x80, s17, s24, $0xb8;
	[tilespmem:$0x1E400] =	vst v63  }
0x284: {  	_ =	swait.ge [sflag:s30], $0x4000  }
0x285: {  	[sflag:s30] =	ssyncset.done $0x0  }
0x286: {  	[sflag:s30] =	ssyncadd.s32 $0xFFFFC000  }
0x287: {  	[spmem:s3] =	stream.indirect.scatter.add.f32 [tilespmem:s26], [sflag:$0x4], $0x80, s18, s24, $0xb8;
	[tilespmem:$0x1E400] =	vst v63  }
0x288: {  	_ =	swait.ge [sflag:s20], $0x4000  }
0x289: {  	[sflag:s20] =	ssyncset.done $0x0  }
0x28a: {  	[sflag:s20] =	ssyncadd.s32 $0xFFFFC000  }
0x28b: {  	[tilespmem:s26], [sflag:$0x2] =	stream.indirect.gather [hbm4b:s0+s24], $0x80, s22, s24, $0xb8;
	[tilespmem:$0x1E400] =	vst v63  }
0x28c: {  	_ =	swait.ge [sflag:s28], $0x4000  }
0x28d: {  	[sflag:s28] =	ssyncset.done $0x0  }
0x28e: {  	[sflag:s28] =	ssyncadd.s32 $0xFFFFC000  }
0x28f: {  	[spmem:s3] =	stream.indirect.scatter.add.f32 [tilespmem:s25], [sflag:$0x4], $0x80, s29, s24, $0xb8;
	[tilespmem:$0x1E400] =	vst v63  }
0x290: {  	_ =	swait.ge [sflag:s20], $0x4000  }
0x291: {  	[sflag:s20] =	ssyncset.done $0x0  }
0x292: {  	[sflag:s20] =	ssyncadd.s32 $0xFFFFC000  }
0x293: {  	[tilespmem:s25], [sflag:$0x1] =	stream.indirect.gather [hbm4b:s0+s24], $0x80, s31, s24, $0xb8;
	[tilespmem:$0x1E400] =	vst v63  }
0x294: {  	_ =	swait.ge [sflag:s30], $0x4000  }
0x295: {  	[sflag:s30] =	ssyncset.done $0x0  }
0x296: {  	s16 =	simm.s32 $0x1B80;
	[sflag:s30] =	ssyncadd.s32 $0xFFFFC000  }
0x297: {  	[spmem:s3] =	stream.indirect.scatter.add.f32 [tilespmem:s26], [sflag:$0x4], $0x80, s16, s24, $0xb8;
	[tilespmem:$0x1E400] =	vst v63  }
0x298: {  	_ =	swait.ge [sflag:s20], $0x4000  }
0x299: {  	[sflag:s20] =	ssyncset.done $0x0  }
0x29a: {  	s17 =	simm.s32 $0xC80;
	[sflag:s20] =	ssyncadd.s32 $0xFFFFC000  }
0x29b: {  	[tilespmem:s26], [sflag:$0x2] =	stream.indirect.gather [hbm4b:s0+s24], $0x80, s17, s24, $0xb8;
	[tilespmem:$0x1E400] =	vst v63  }
0x29c: {  	_ =	swait.ge [sflag:s28], $0x4000  }
0x29d: {  	[sflag:s28] =	ssyncset.done $0x0  }
0x29e: {  	s18 =	simm.s32 $0x1C00;
	[sflag:s28] =	ssyncadd.s32 $0xFFFFC000  }
0x29f: {  	[spmem:s3] =	stream.indirect.scatter.add.f32 [tilespmem:s25], [sflag:$0x4], $0x80, s18, s24, $0xb8;
	[tilespmem:$0x1E400] =	vst v63  }
0x2a0: {  	_ =	swait.ge [sflag:s20], $0x4000  }
0x2a1: {  	[sflag:s20] =	ssyncset.done $0x0  }
0x2a2: {  	s16 =	simm.s32 $0xD00;
	[sflag:s20] =	ssyncadd.s32 $0xFFFFC000  }
0x2a3: {  	[tilespmem:s25], [sflag:$0x1] =	stream.indirect.gather [hbm4b:s0+s24], $0x80, s16, s24, $0xb8;
	[tilespmem:$0x1E400] =	vst v63  }
0x2a4: {  	_ =	swait.ge [sflag:s30], $0x4000  }
0x2a5: {  	[sflag:s30] =	ssyncset.done $0x0  }
0x2a6: {  	s17 =	simm.s32 $0x1C80;
	[sflag:s30] =	ssyncadd.s32 $0xFFFFC000  }
0x2a7: {  	[spmem:s3] =	stream.indirect.scatter.add.f32 [tilespmem:s26], [sflag:$0x4], $0x80, s17, s24, $0xb8;
	[tilespmem:$0x1E400] =	vst v63  }
0x2a8: {  	_ =	swait.ge [sflag:s20], $0x4000  }
0x2a9: {  	[sflag:s20] =	ssyncset.done $0x0  }
0x2aa: {  	s18 =	simm.s32 $0xD80;
	[sflag:s20] =	ssyncadd.s32 $0xFFFFC000  }
0x2ab: {  	[tilespmem:s26], [sflag:$0x2] =	stream.indirect.gather [hbm4b:s0+s24], $0x80, s18, s24, $0xb8;
	[tilespmem:$0x1E400] =	vst v63  }
0x2ac: {  	_ =	swait.ge [sflag:s28], $0x4000  }
0x2ad: {  	[sflag:s28] =	ssyncset.done $0x0  }
0x2ae: {  	s16 =	simm.s32 $0x1D00;
	[sflag:s28] =	ssyncadd.s32 $0xFFFFC000  }
0x2af: {  	[spmem:s3] =	stream.indirect.scatter.add.f32 [tilespmem:s25], [sflag:$0x4], $0x80, s16, s24, $0xb8;
	[tilespmem:$0x1E400] =	vst v63  }
0x2b0: {  	_ =	swait.ge [sflag:s20], $0x4000  }
0x2b1: {  	[sflag:s20] =	ssyncset.done $0x0  }
0x2b2: {  	s17 =	simm.s32 $0xE00;
	[sflag:s20] =	ssyncadd.s32 $0xFFFFC000  }
0x2b3: {  	[tilespmem:s25], [sflag:$0x1] =	stream.indirect.gather [hbm4b:s0+s24], $0x80, s17, s24, $0xb8;
	[tilespmem:$0x1E400] =	vst v63  }
0x2b4: {  	_ =	swait.ge [sflag:s30], $0x4000  }
0x2b5: {  	[sflag:s30] =	ssyncset.done $0x0  }
0x2b6: {  	s18 =	simm.s32 $0x1D80;
	[sflag:s30] =	ssyncadd.s32 $0xFFFFC000  }
0x2b7: {  	[spmem:s3] =	stream.indirect.scatter.add.f32 [tilespmem:s26], [sflag:$0x4], $0x80, s18, s24, $0xb8;
	[tilespmem:$0x1E400] =	vst v63  }
0x2b8: {  	_ =	swait.ge [sflag:s20], $0x4000  }
0x2b9: {  	[sflag:s20] =	ssyncset.done $0x0  }
0x2ba: {  	s16 =	simm.s32 $0xE80;
	[sflag:s20] =	ssyncadd.s32 $0xFFFFC000  }
0x2bb: {  	[tilespmem:s26], [sflag:$0x2] =	stream.indirect.gather [hbm4b:s0+s24], $0x80, s16, s24, $0xb8;
	[tilespmem:$0x1E400] =	vst v63  }
0x2bc: {  	_ =	swait.ge [sflag:s28], $0x4000  }
0x2bd: {  	[sflag:s28] =	ssyncset.done $0x0  }
0x2be: {  	s17 =	simm.s32 $0x1E00;
	[sflag:s28] =	ssyncadd.s32 $0xFFFFC000  }
0x2bf: {  	[spmem:s3] =	stream.indirect.scatter.add.f32 [tilespmem:s25], [sflag:$0x4], $0x80, s17, s24, $0xb8;
	[tilespmem:$0x1E400] =	vst v63  }
0x2c0: {  	_ =	swait.ge [sflag:s20], $0x4000  }
0x2c1: {  	[sflag:s20] =	ssyncset.done $0x0  }
0x2c2: {  	s18 =	simm.s32 $0xF00;
	[sflag:s20] =	ssyncadd.s32 $0xFFFFC000  }
0x2c3: {  	[tilespmem:s25], [sflag:$0x1] =	stream.indirect.gather [hbm4b:s0+s24], $0x80, s18, s24, $0xb8;
	[tilespmem:$0x1E400] =	vst v63  }
0x2c4: {  	_ =	swait.ge [sflag:s30], $0x4000  }
0x2c5: {  	[sflag:s30] =	ssyncset.done $0x0  }
0x2c6: {  	s16 =	simm.s32 $0x1E80;
	[sflag:s30] =	ssyncadd.s32 $0xFFFFC000  }
0x2c7: {  	[spmem:s3] =	stream.indirect.scatter.add.f32 [tilespmem:s26], [sflag:$0x4], $0x80, s16, s24, $0xb8;
	[tilespmem:$0x1E400] =	vst v63  }
0x2c8: {  	_ =	swait.ge [sflag:s20], $0x4000  }
0x2c9: {  	[sflag:s20] =	ssyncset.done $0x0  }
0x2ca: {  	s17 =	simm.s32 $0xF80;
	[sflag:s20] =	ssyncadd.s32 $0xFFFFC000  }
0x2cb: {  	[tilespmem:s26], [sflag:$0x2] =	stream.indirect.gather [hbm4b:s0+s24], $0x80, s17, s24, $0xb8;
	[tilespmem:$0x1E400] =	vst v63  }
0x2cc: {  	_ =	swait.ge [sflag:s28], $0x4000  }
0x2cd: {  	[sflag:s28] =	ssyncset.done $0x0  }
0x2ce: {  	s18 =	simm.s32 $0x1F00;
	[sflag:s28] =	ssyncadd.s32 $0xFFFFC000  }
0x2cf: {  	[spmem:s3] =	stream.indirect.scatter.add.f32 [tilespmem:s25], [sflag:$0x4], $0x80, s18, s24, $0xb8;
	[tilespmem:$0x1E400] =	vst v63  }
0x2d0: {  	_ =	swait.ge [sflag:s20], $0x4000  }
0x2d1: {  	[sflag:s20] =	ssyncset.done $0x0  }
0x2d2: {  	[sflag:s20] =	ssyncadd.s32 $0xFFFFC000  }
0x2d3: {  	_ =	swait.ge [sflag:s30], $0x4000  }
0x2d4: {  	[sflag:s30] =	ssyncset.done $0x0  }
0x2d5: {  	s16 =	simm.s32 $0x1F80;
	[sflag:s30] =	ssyncadd.s32 $0xFFFFC000  }
0x2d6: {  	[spmem:s3] =	stream.indirect.scatter.add.f32 [tilespmem:s26], [sflag:$0x4], $0x80, s16, s24, $0xb8;
	[tilespmem:$0x1E400] =	vst v63  }
0x2d7: {  	_ =	swait.ge [sflag:s20], $0x4000  }
0x2d8: {  	[sflag:s20] =	ssyncset.done $0x0  }
0x2d9: {  	[sflag:s20] =	ssyncadd.s32 $0xFFFFC000  }
0x2da: {  	_ =	swait.ge [sflag:s14], $0x800  }
0x2db: {  	[sflag:s14] =	ssyncset.done $0x0  }
0x2dc: {  	[sflag:s14] =	ssyncadd.s32 $0xFFFFF800  }
0x2dd: {  	_ =	swait.ge [sflag:s14], $0x800  }
0x2de: {  	[sflag:s14] =	ssyncset.done $0x0  }
0x2df: {  	[sflag:s14] =	ssyncadd.s32 $0xFFFFF800  }
0x2e0: {  	[tilespmem:s25], [sflag:$0x1] =	stream.indirect.gather [hbm4b:s0+s24], $0x80, s4, s24, $0xb8;
	[tilespmem:$0x1E400] =	vst v63  }
0x2e1: {  	_ = 	snop  }
0x2e2: {  	[tilespmem:s26], [sflag:$0x2] =	stream.indirect.gather [hbm4b:s0+s24], $0x80, s24, s24, $0xb8;
	[tilespmem:$0x1E400] =	vst v63  }
0x2e3: {  	_ =	swait.ge [sflag:s28], $0x4000  }
0x2e4: {  	[sflag:s28] =	ssyncset.done $0x0  }
0x2e5: {  	[sflag:s28] =	ssyncadd.s32 $0xFFFFC000  }
0x2e6: {  	[spmem:s3] =	stream.indirect.scatter.add.f32 [tilespmem:s25], [sflag:$0x4], $0x80, s1, s24, $0xb8;
	[tilespmem:$0x1E400] =	vst v63  }
0x2e7: {  	_ =	swait.ge [sflag:s20], $0x4000  }
0x2e8: {  	[sflag:s20] =	ssyncset.done $0x0  }
0x2e9: {  	s17 =	simm.s32 $0x100;
	[sflag:s20] =	ssyncadd.s32 $0xFFFFC000  }
0x2ea: {  	[tilespmem:s25], [sflag:$0x1] =	stream.indirect.gather [hbm4b:s0+s24], $0x80, s17, s24, $0xb8;
	[tilespmem:$0x1E400] =	vst v63  }
0x2eb: {  	_ =	swait.ge [sflag:s30], $0x4000  }
0x2ec: {  	[sflag:s30] =	ssyncset.done $0x0  }
0x2ed: {  	s18 =	simm.s32 $0x1080;
	[sflag:s30] =	ssyncadd.s32 $0xFFFFC000  }
0x2ee: {  	[spmem:s3] =	stream.indirect.scatter.add.f32 [tilespmem:s26], [sflag:$0x4], $0x80, s18, s24, $0xb8;
	[tilespmem:$0x1E400] =	vst v63  }
0x2ef: {  	_ =	swait.ge [sflag:s20], $0x4000  }
0x2f0: {  	[sflag:s20] =	ssyncset.done $0x0  }
0x2f1: {  	s2 =	simm.s32 $0x180;
	[sflag:s20] =	ssyncadd.s32 $0xFFFFC000  }
0x2f2: {  	[tilespmem:s26], [sflag:$0x2] =	stream.indirect.gather [hbm4b:s0+s24], $0x80, s2, s24, $0xb8;
	[tilespmem:$0x1E400] =	vst v63  }
0x2f3: {  	_ =	swait.ge [sflag:s28], $0x4000  }
0x2f4: {  	[sflag:s28] =	ssyncset.done $0x0  }
0x2f5: {  	s16 =	simm.s32 $0x1100;
	[sflag:s28] =	ssyncadd.s32 $0xFFFFC000  }
0x2f6: {  	[spmem:s3] =	stream.indirect.scatter.add.f32 [tilespmem:s25], [sflag:$0x4], $0x80, s16, s24, $0xb8;
	[tilespmem:$0x1E400] =	vst v63  }
0x2f7: {  	_ =	swait.ge [sflag:s20], $0x4000  }
0x2f8: {  	[sflag:s20] =	ssyncset.done $0x0  }
0x2f9: {  	s17 =	simm.s32 $0x200;
	[sflag:s20] =	ssyncadd.s32 $0xFFFFC000  }
0x2fa: {  	[tilespmem:s25], [sflag:$0x1] =	stream.indirect.gather [hbm4b:s0+s24], $0x80, s17, s24, $0xb8;
	[tilespmem:$0x1E400] =	vst v63  }
0x2fb: {  	_ =	swait.ge [sflag:s30], $0x4000  }
0x2fc: {  	[sflag:s30] =	ssyncset.done $0x0  }
0x2fd: {  	s18 =	simm.s32 $0x1180;
	[sflag:s30] =	ssyncadd.s32 $0xFFFFC000  }
0x2fe: {  	[spmem:s3] =	stream.indirect.scatter.add.f32 [tilespmem:s26], [sflag:$0x4], $0x80, s18, s24, $0xb8;
	[tilespmem:$0x1E400] =	vst v63  }
0x2ff: {  	_ =	swait.ge [sflag:s20], $0x4000  }
0x300: {  	[sflag:s20] =	ssyncset.done $0x0  }
0x301: {  	s2 =	simm.s32 $0x280;
	[sflag:s20] =	ssyncadd.s32 $0xFFFFC000  }
0x302: {  	[tilespmem:s26], [sflag:$0x2] =	stream.indirect.gather [hbm4b:s0+s24], $0x80, s2, s24, $0xb8;
	[tilespmem:$0x1E400] =	vst v63  }
0x303: {  	_ =	swait.ge [sflag:s28], $0x4000  }
0x304: {  	[sflag:s28] =	ssyncset.done $0x0  }
0x305: {  	s16 =	simm.s32 $0x1200;
	[sflag:s28] =	ssyncadd.s32 $0xFFFFC000  }
0x306: {  	[spmem:s3] =	stream.indirect.scatter.add.f32 [tilespmem:s25], [sflag:$0x4], $0x80, s16, s24, $0xb8;
	[tilespmem:$0x1E400] =	vst v63  }
0x307: {  	_ =	swait.ge [sflag:s20], $0x4000  }
0x308: {  	[sflag:s20] =	ssyncset.done $0x0  }
0x309: {  	s17 =	simm.s32 $0x300;
	[sflag:s20] =	ssyncadd.s32 $0xFFFFC000  }
0x30a: {  	[tilespmem:s25], [sflag:$0x1] =	stream.indirect.gather [hbm4b:s0+s24], $0x80, s17, s24, $0xb8;
	[tilespmem:$0x1E400] =	vst v63  }
0x30b: {  	_ =	swait.ge [sflag:s30], $0x4000  }
0x30c: {  	[sflag:s30] =	ssyncset.done $0x0  }
0x30d: {  	s18 =	simm.s32 $0x1280;
	[sflag:s30] =	ssyncadd.s32 $0xFFFFC000  }
0x30e: {  	[spmem:s3] =	stream.indirect.scatter.add.f32 [tilespmem:s26], [sflag:$0x4], $0x80, s18, s24, $0xb8;
	[tilespmem:$0x1E400] =	vst v63  }
0x30f: {  	_ =	swait.ge [sflag:s20], $0x4000  }
0x310: {  	[sflag:s20] =	ssyncset.done $0x0  }
0x311: {  	s2 =	simm.s32 $0x380;
	[sflag:s20] =	ssyncadd.s32 $0xFFFFC000  }
0x312: {  	[tilespmem:s26], [sflag:$0x2] =	stream.indirect.gather [hbm4b:s0+s24], $0x80, s2, s24, $0xb8;
	[tilespmem:$0x1E400] =	vst v63  }
0x313: {  	_ =	swait.ge [sflag:s28], $0x4000  }
0x314: {  	[sflag:s28] =	ssyncset.done $0x0  }
0x315: {  	s16 =	simm.s32 $0x1300;
	[sflag:s28] =	ssyncadd.s32 $0xFFFFC000  }
0x316: {  	[spmem:s3] =	stream.indirect.scatter.add.f32 [tilespmem:s25], [sflag:$0x4], $0x80, s16, s24, $0xb8;
	[tilespmem:$0x1E400] =	vst v63  }
0x317: {  	_ =	swait.ge [sflag:s20], $0x4000  }
0x318: {  	[sflag:s20] =	ssyncset.done $0x0  }
0x319: {  	s17 =	simm.s32 $0x400;
	[sflag:s20] =	ssyncadd.s32 $0xFFFFC000  }
0x31a: {  	[tilespmem:s25], [sflag:$0x1] =	stream.indirect.gather [hbm4b:s0+s24], $0x80, s17, s24, $0xb8;
	[tilespmem:$0x1E400] =	vst v63  }
0x31b: {  	_ =	swait.ge [sflag:s30], $0x4000  }
0x31c: {  	[sflag:s30] =	ssyncset.done $0x0  }
0x31d: {  	s18 =	simm.s32 $0x1380;
	[sflag:s30] =	ssyncadd.s32 $0xFFFFC000  }
0x31e: {  	[spmem:s3] =	stream.indirect.scatter.add.f32 [tilespmem:s26], [sflag:$0x4], $0x80, s18, s24, $0xb8;
	[tilespmem:$0x1E400] =	vst v63  }
0x31f: {  	_ =	swait.ge [sflag:s20], $0x4000  }
0x320: {  	[sflag:s20] =	ssyncset.done $0x0  }
0x321: {  	s2 =	simm.s32 $0x480;
	[sflag:s20] =	ssyncadd.s32 $0xFFFFC000  }
0x322: {  	[tilespmem:s26], [sflag:$0x2] =	stream.indirect.gather [hbm4b:s0+s24], $0x80, s2, s24, $0xb8;
	[tilespmem:$0x1E400] =	vst v63  }
0x323: {  	_ =	swait.ge [sflag:s28], $0x4000  }
0x324: {  	[sflag:s28] =	ssyncset.done $0x0  }
0x325: {  	s16 =	simm.s32 $0x1400;
	[sflag:s28] =	ssyncadd.s32 $0xFFFFC000  }
0x326: {  	[spmem:s3] =	stream.indirect.scatter.add.f32 [tilespmem:s25], [sflag:$0x4], $0x80, s16, s24, $0xb8;
	[tilespmem:$0x1E400] =	vst v63  }
0x327: {  	_ =	swait.ge [sflag:s20], $0x4000  }
0x328: {  	[sflag:s20] =	ssyncset.done $0x0  }
0x329: {  	s17 =	simm.s32 $0x500;
	[sflag:s20] =	ssyncadd.s32 $0xFFFFC000  }
0x32a: {  	[tilespmem:s25], [sflag:$0x1] =	stream.indirect.gather [hbm4b:s0+s24], $0x80, s17, s24, $0xb8;
	[tilespmem:$0x1E400] =	vst v63  }
0x32b: {  	_ =	swait.ge [sflag:s30], $0x4000  }
0x32c: {  	[sflag:s30] =	ssyncset.done $0x0  }
0x32d: {  	s18 =	simm.s32 $0x1480;
	[sflag:s30] =	ssyncadd.s32 $0xFFFFC000  }
0x32e: {  	[spmem:s3] =	stream.indirect.scatter.add.f32 [tilespmem:s26], [sflag:$0x4], $0x80, s18, s24, $0xb8;
	[tilespmem:$0x1E400] =	vst v63  }
0x32f: {  	_ =	swait.ge [sflag:s20], $0x4000  }
0x330: {  	[sflag:s20] =	ssyncset.done $0x0  }
0x331: {  	s2 =	simm.s32 $0x580;
	[sflag:s20] =	ssyncadd.s32 $0xFFFFC000  }
0x332: {  	[tilespmem:s26], [sflag:$0x2] =	stream.indirect.gather [hbm4b:s0+s24], $0x80, s2, s24, $0xb8;
	[tilespmem:$0x1E400] =	vst v63  }
0x333: {  	_ =	swait.ge [sflag:s28], $0x4000  }
0x334: {  	[sflag:s28] =	ssyncset.done $0x0  }
0x335: {  	s16 =	simm.s32 $0x1500;
	[sflag:s28] =	ssyncadd.s32 $0xFFFFC000  }
0x336: {  	[spmem:s3] =	stream.indirect.scatter.add.f32 [tilespmem:s25], [sflag:$0x4], $0x80, s16, s24, $0xb8;
	[tilespmem:$0x1E400] =	vst v63  }
0x337: {  	_ =	swait.ge [sflag:s20], $0x4000  }
0x338: {  	[sflag:s20] =	ssyncset.done $0x0  }
0x339: {  	s17 =	simm.s32 $0x600;
	[sflag:s20] =	ssyncadd.s32 $0xFFFFC000  }
0x33a: {  	[tilespmem:s25], [sflag:$0x1] =	stream.indirect.gather [hbm4b:s0+s24], $0x80, s17, s24, $0xb8;
	[tilespmem:$0x1E400] =	vst v63  }
0x33b: {  	_ =	swait.ge [sflag:s30], $0x4000  }
0x33c: {  	[sflag:s30] =	ssyncset.done $0x0  }
0x33d: {  	s18 =	simm.s32 $0x1580;
	[sflag:s30] =	ssyncadd.s32 $0xFFFFC000  }
0x33e: {  	[spmem:s3] =	stream.indirect.scatter.add.f32 [tilespmem:s26], [sflag:$0x4], $0x80, s18, s24, $0xb8;
	[tilespmem:$0x1E400] =	vst v63  }
0x33f: {  	_ =	swait.ge [sflag:s20], $0x4000  }
0x340: {  	[sflag:s20] =	ssyncset.done $0x0  }
0x341: {  	s2 =	simm.s32 $0x680;
	[sflag:s20] =	ssyncadd.s32 $0xFFFFC000  }
0x342: {  	[tilespmem:s26], [sflag:$0x2] =	stream.indirect.gather [hbm4b:s0+s24], $0x80, s2, s24, $0xb8;
	[tilespmem:$0x1E400] =	vst v63  }
0x343: {  	_ =	swait.ge [sflag:s28], $0x4000  }
0x344: {  	[sflag:s28] =	ssyncset.done $0x0  }
0x345: {  	s16 =	simm.s32 $0x1600;
	[sflag:s28] =	ssyncadd.s32 $0xFFFFC000  }
0x346: {  	[spmem:s3] =	stream.indirect.scatter.add.f32 [tilespmem:s25], [sflag:$0x4], $0x80, s16, s24, $0xb8;
	[tilespmem:$0x1E400] =	vst v63  }
0x347: {  	_ =	swait.ge [sflag:s20], $0x4000  }
0x348: {  	[sflag:s20] =	ssyncset.done $0x0  }
0x349: {  	s17 =	simm.s32 $0x700;
	[sflag:s20] =	ssyncadd.s32 $0xFFFFC000  }
0x34a: {  	[tilespmem:s25], [sflag:$0x1] =	stream.indirect.gather [hbm4b:s0+s24], $0x80, s17, s24, $0xb8;
	[tilespmem:$0x1E400] =	vst v63  }
0x34b: {  	_ =	swait.ge [sflag:s30], $0x4000  }
0x34c: {  	[sflag:s30] =	ssyncset.done $0x0  }
0x34d: {  	s18 =	simm.s32 $0x1680;
	[sflag:s30] =	ssyncadd.s32 $0xFFFFC000  }
0x34e: {  	[spmem:s3] =	stream.indirect.scatter.add.f32 [tilespmem:s26], [sflag:$0x4], $0x80, s18, s24, $0xb8;
	[tilespmem:$0x1E400] =	vst v63  }
0x34f: {  	_ =	swait.ge [sflag:s20], $0x4000  }
0x350: {  	[sflag:s20] =	ssyncset.done $0x0  }
0x351: {  	s2 =	simm.s32 $0x780;
	[sflag:s20] =	ssyncadd.s32 $0xFFFFC000  }
0x352: {  	[tilespmem:s26], [sflag:$0x2] =	stream.indirect.gather [hbm4b:s0+s24], $0x80, s2, s24, $0xb8;
	[tilespmem:$0x1E400] =	vst v63  }
0x353: {  	_ =	swait.ge [sflag:s28], $0x4000  }
0x354: {  	[sflag:s28] =	ssyncset.done $0x0  }
0x355: {  	s16 =	simm.s32 $0x1700;
	[sflag:s28] =	ssyncadd.s32 $0xFFFFC000  }
0x356: {  	[spmem:s3] =	stream.indirect.scatter.add.f32 [tilespmem:s25], [sflag:$0x4], $0x80, s16, s24, $0xb8;
	[tilespmem:$0x1E400] =	vst v63  }
0x357: {  	_ =	swait.ge [sflag:s20], $0x4000  }
0x358: {  	[sflag:s20] =	ssyncset.done $0x0  }
0x359: {  	[sflag:s20] =	ssyncadd.s32 $0xFFFFC000  }
0x35a: {  	_ =	swait.ge [sflag:s30], $0x4000  }
0x35b: {  	[sflag:s30] =	ssyncset.done $0x0  }
0x35c: {  	s17 =	simm.s32 $0x1780;
	[sflag:s30] =	ssyncadd.s32 $0xFFFFC000  }
0x35d: {  	[spmem:s3] =	stream.indirect.scatter.add.f32 [tilespmem:s26], [sflag:$0x4], $0x80, s17, s24, $0xb8;
	[tilespmem:$0x1E400] =	vst v63  }
0x35e: {  	_ =	swait.ge [sflag:s20], $0x4000  }
0x35f: {  	[sflag:s20] =	ssyncset.done $0x0  }
0x360: {  	s18 =	stileid.u32;
	[sflag:s20] =	ssyncadd.s32 $0xFFFFC000  }
0x361: {  	s16 =	sshll.u32 s18, $0x6;
	[bflag:$0x0] =	sbarrier.arrive $0xFFFF  }
0x362: {  	s1 =	sshrl.u32 s5, $0x3;
	s16 =	sor.u32 $0x1C04, s16;
	s2 =	rddreg [dreg:$0x10]  }
0x363: {  	[hbm:s2], [sflag:s16] =	dma.local [spmem:s1], $0x2780  }
0x364: {  	_ =	swait.ge [sflag:s20], $0x2780  }
0x365: {  	s15 =	sadd.s32 $0x1, s15;
	s18 =	rddreg [dreg:$0x11]  }
0x366: {  	p0 =	sne.s32 s15, s18  }
.Ltmp1:
0x367: {  	_ = 	snop;
	(pc) =	sbr.rel @p0 .LBB2_1-.Ltmp1, $3  }
0x368: {  	_ =	sdelay $0x1  }
0x369: {  	[sflag:s20] =	ssyncset.done $0x0  }
0x36a: {  	[sflag:s20] =	ssyncadd.s32 $0xFFFFD880  }
0x36b: {  	_ =	sfence.sel $0x180000  }
0x36c: {  	[bflag:$0x0] =	sbarrier.arrive $0xFFFF  }
0x36d: {  	_ =	strace $0x90000047  }
0x36e: {  	s0 =	stileid.u32;
	[bflag:$0x2] =	sbarrier.arrive $0xFFFF  }
0x36f: {  	p0 =	sne.s32 s0, $0x0;
	s0 =	rddreg [dreg:$0x4]  }
0x370: {  	s0 =	sadd.s32 @!p0 $0x100000, s0  }
0x371: {  	[sflag:s0] =	ssyncadd.tile.s32 @!p0 $0x1;
	_ =	shalt  }
.Lfunc_end2:
_tile_overlayer_lowered:
.L_overlay_start_2:
0x372: {  	(tag) =	ssettag $0x2  }
0x373: {  	s0 =	rddreg [dreg:$0x0];
	s2 =	stileid.u32  }
0x374: {  	s1 =	rddreg [dreg:$0x1];
	p0 =	sne.s32 s2, $0x0  }
0x375: {  	s3 =	rddreg [dreg:$0x2];
	[bflag:$0x3] =	sbarrier.arrive $0xFFFF;
	s2 =	simm.s32 @!p0 $0x1C04  }
0x376: {  	[timem:s3], [sflag:s2] =	dma.local @!p0 [hbm:s0], s1  }
0x377: {  	s0 =	simm.s32 @!p0 $0x4  }
0x378: {  	_ =	swait.ge @!p0 [sflag:s0], s1  }
0x379: {  	s1 =	ssub.s32 @!p0 $0x0, s1;
	[sflag:s0] =	ssyncset.done @!p0 $0x0  }
0x37a: {  	[sflag:s0] =	ssyncadd.s32 @!p0 s1  }
0x37b: {  	[bflag:$0x3] =	sbarrier.arrive $0xFFFF  }
0x37c: {  	_ =	shalt  }

</sc_bundles>
